<compile_context>
chip_gen: v7x
topology: tpu7x:2x2x1
jax: 0.10.2.dev20260603
libtpu: 0.0.44.dev20260713+nightly
codegen_flags: <defaults>
</compile_context>

<pallas_src>
import jax
import jax.numpy as jnp
from jax import lax
from jax.experimental import pallas as pl
from jax.experimental.pallas import tpu as pltpu
from jax.experimental.pallas import tpu_sc as plsc

B, C, H, W, S = 4, 384, 224, 224, 2
HS, WS = H // S, W // S
NPLANE = HS * WS
NC, NS = 2, 16
NW = NC * NS
RPT = HS // (NW // B)
LANES = 16
NCHUNK = WS // LANES


NB = 2
NR2 = 112
NCH = B * NPLANE // NW // NR2
WROWS = 24


def _body(x_hbm, ih_hbm, iw_hbm, out_hbm,
          vb0, vb1, pix, tmp, g0, g1, o0, o1):
    cid = lax.axis_index("c")
    sid = lax.axis_index("s")
    wid = sid * NC + cid
    b = wid // (NW // B)
    row0 = (wid % (NW // B)) * RPT
    p0 = b * NPLANE + row0 * WS

    iota = lax.iota(jnp.int32, LANES)

    a0 = pl.multiple_of(
        jnp.minimum((row0 // 8) * 8, HS - WROWS), 8)
    doff = row0 - a0
    pltpu.sync_copy(ih_hbm.at[b, pl.ds(a0, WROWS), :], tmp.at[0])
    pltpu.sync_copy(iw_hbm.at[b, pl.ds(a0, WROWS), :], tmp.at[1])
    base_b = b * (H * W)

    for k in range(RPT):
        i2 = 2 * (row0 + k)
        for jc in range(NCHUNK):
            ihv = tmp[0, doff + k, pl.ds(jc * LANES, LANES)]
            iwv = tmp[1, doff + k, pl.ds(jc * LANES, LANES)]
            jv2 = 2 * (jc * LANES) + 2 * iota
            pix[k, pl.ds(jc * LANES, LANES)] = (
                base_b + (i2 + ihv) * W + jv2 + iwv)

    vbs = (vb0, vb1)
    gsems = (g0, g1)
    osems = (o0, o1)

    def idx_ref(c):
        return pix.at[c]

    def fire_gather(c):
        slot = c % NB
        pltpu.async_copy(x_hbm.at[idx_ref(c)], vbs[slot], gsems[slot])

    def store_descr(c):
        slot = c % NB
        return pltpu.make_async_copy(
            vbs[slot], out_hbm.at[pl.ds(p0 + c * NR2, NR2), :], osems[slot])

    for c in range(NB):
        fire_gather(c)
    for c in range(NCH):
        slot = c % NB
        pltpu.make_async_copy(
            x_hbm.at[idx_ref(c)], vbs[slot], gsems[slot]).wait()
        pltpu.async_copy(
            vbs[slot], out_hbm.at[pl.ds(p0 + c * NR2, NR2), :], osems[slot])
        if c >= NB - 1 and c + 1 < NCH:
            store_descr(c - (NB - 1)).wait()
            fire_gather(c + 1)
    for c in range(NCH - (NB - 1), NCH):
        store_descr(c).wait()


def kernel(x, idx_h, idx_w):
    xt = jnp.transpose(x, (0, 2, 3, 1)).reshape(B * H * W, C)
    mesh = plsc.VectorSubcoreMesh(
        core_axis_name="c", subcore_axis_name="s",
        num_cores=NC, num_subcores=NS)
    f = pl.kernel(
        _body,
        out_type=jax.ShapeDtypeStruct((B * NPLANE, C), jnp.float32),
        mesh=mesh,
        compiler_params=pltpu.CompilerParams(
            needs_layout_passes=False, use_tc_tiling_on_sc=True),
        scratch_types=[
            pltpu.VMEM((NR2, C), jnp.float32),
            pltpu.VMEM((NR2, C), jnp.float32),
            pltpu.VMEM((RPT, WS), jnp.int32),
            pltpu.VMEM((2, WROWS, WS), jnp.int32),
        ] + [pltpu.SemaphoreType.DMA] * 4,
    )
    ot = f(xt, idx_h, idx_w)
    return jnp.transpose(ot.reshape(B, HS, WS, C), (0, 3, 1, 2))

# --- scband reference (transcript-rebuilt; emitter-appended) ---
"""Pipeline reference for scband-random-subsampler-35777077576373 (READ-ONLY COPY).

The authoritative reference and input builder live on the scoring server;
editing this copy changes nothing except your own understanding.
"""

import jax, jax.numpy as jnp
import numpy as np

B, C, H, W, S = 4, 384, 224, 224, 2

def setup_inputs(seed: int = 0) -> dict:
    key = jax.random.key(seed)
    k1, k2, k3 = jax.random.split(key, 3)
    x = jax.random.normal(k1, (B, C, H, W), dtype=jnp.float32)
    # The torch module draws these with torch.randint inside forward; we
    # materialize them here so the reference is deterministic.
    idx_h = jax.random.randint(k2, (B, H // S, W // S), 0, S, dtype=jnp.int32)
    idx_w = jax.random.randint(k3, (B, H // S, W // S), 0, S, dtype=jnp.int32)
    return {"x": x, "idx_h": idx_h, "idx_w": idx_w}

def reference(x, idx_h, idx_w):
    b, c, h, w = x.shape
    s = S
    # view(B, C, H//s, s, W//s, s)
    xr = x.reshape(b, c, h // s, s, w // s, s)
    # permute(0, 2, 4, 1, 3, 5) -> (B, H//s, W//s, C, s, s)
    xp = jnp.transpose(xr, (0, 2, 4, 1, 3, 5))
    # select one of the s*s sub-pixels per (b, i, j) block, shared across channels
    xf = xp.reshape(b, h // s, w // s, c, s * s)
    comb = (idx_h * s + idx_w).astype(jnp.int32)[:, :, :, None, None]  # (B,Hs,Ws,1,1)
    gathered = jnp.take_along_axis(xf, comb, axis=4)  # (B,Hs,Ws,C,1)
    out = gathered[..., 0]  # (B, Hs, Ws, C)
    # final permute(0, 3, 1, 2) -> (B, C, H//s, W//s)
    return jnp.transpose(out, (0, 3, 1, 2))

if __name__ == "__main__":
    import jax
    _d = setup_inputs()
    print(jax.jit(kernel)(*tuple(_d.values())))

</pallas_src>

<mosaic_0001>
#map = affine_map<(d0, d1) -> (0, 0)>
#map1 = affine_map<(d0, d1) -> (0, 0, 0)>
module attributes {stable_mosaic.version = 14 : i64} {
  func.func @_body(%arg0: i32, %arg1: i32, %arg2: memref<200704x384xf32, #tpu.memory_space<hbm>>, %arg3: memref<4x112x112xi32, #tpu.memory_space<hbm>>, %arg4: memref<4x112x112xi32, #tpu.memory_space<hbm>>, %arg5: memref<50176x384xf32, #tpu.memory_space<hbm>>, %arg6: memref<112x384xf32, #tpu.memory_space<vmem>>, %arg7: memref<112x384xf32, #tpu.memory_space<vmem>>, %arg8: memref<14x112xi32, #tpu.memory_space<vmem>>, %arg9: memref<2x24x112xi32, #tpu.memory_space<vmem>>, %arg10: memref<!tpu.dma_semaphore, #tpu.memory_space<semaphore_mem>>, %arg11: memref<!tpu.dma_semaphore, #tpu.memory_space<semaphore_mem>>, %arg12: memref<!tpu.dma_semaphore, #tpu.memory_space<semaphore_mem>>, %arg13: memref<!tpu.dma_semaphore, #tpu.memory_space<semaphore_mem>>) attributes {dimension_semantics = [#tpu.dimension_semantics<core_parallel>, #tpu.dimension_semantics<subcore_parallel>], iteration_bounds = array<i64: 2, 16>, scalar_prefetch = 0 : i64, scratch_operands = 8 : i64, tpu.core_type = #tpu.core_type<sc_vector_subcore>, window_params = [{transform_indices = #map}, {transform_indices = #map1}, {transform_indices = #map1}, {transform_indices = #map}]} {
    %mul3A = arith.constant 2 : i32
    %mul3A_0 = arith.muli %arg1, %mul3A : i32
    %add3A = arith.addi %mul3A_0, %arg0 : i32
    %jit3A = arith.constant 8 : i32
    %div3A = arith.divsi %add3A, %jit3A : i32
    %sign3A = arith.constant 0 : i32
    %sign3A_1 = arith.cmpi sgt, %add3A, %sign3A : i32
    %sign3A_2 = arith.extui %sign3A_1 : i1 to i32
    %sign3A_3 = arith.constant 0 : i32
    %sign3A_4 = arith.cmpi slt, %add3A, %sign3A_3 : i32
    %sign3A_5 = arith.extui %sign3A_4 : i1 to i32
    %sign3A_6 = arith.subi %sign3A_2, %sign3A_5 : i32
    %sign3A_7 = arith.constant 0 : i32
    %sign3A_8 = arith.cmpi sgt, %jit3A, %sign3A_7 : i32
    %sign3A_9 = arith.extui %sign3A_8 : i1 to i32
    %sign3A_10 = arith.constant 0 : i32
    %sign3A_11 = arith.cmpi slt, %jit3A, %sign3A_10 : i32
    %sign3A_12 = arith.extui %sign3A_11 : i1 to i32
    %sign3A_13 = arith.subi %sign3A_9, %sign3A_12 : i32
    %ne3A = arith.cmpi ne, %sign3A_6, %sign3A_13 : i32
    %rem3A = arith.remsi %add3A, %jit3A : i32
    %ne3A_14 = arith.constant 0 : i32
    %ne3A_15 = arith.cmpi ne, %rem3A, %ne3A_14 : i32
    %and3A = arith.andi %ne3A, %ne3A_15 : i1
    %sub3A = arith.constant 1 : i32
    %sub3A_16 = arith.subi %div3A, %sub3A : i32
    %select_n3A = arith.select %and3A, %sub3A_16, %div3A : i32
    %jit3A_17 = arith.constant 8 : i32
    %eq3A = arith.constant 0 : i32
    %eq3A_18 = arith.cmpi eq, %jit3A_17, %eq3A : i32
    %jit3A_19 = arith.constant 1 : i32
    %select_n3A_20 = arith.select %eq3A_18, %jit3A_19, %jit3A_17 : i32
    %rem3A_21 = arith.remsi %add3A, %select_n3A_20 : i32
    %ne3A_22 = arith.constant 0 : i32
    %ne3A_23 = arith.cmpi ne, %rem3A_21, %ne3A_22 : i32
    %lt3A = arith.constant 0 : i32
    %lt3A_24 = arith.cmpi slt, %rem3A_21, %lt3A : i32
    %lt3A_25 = arith.constant 0 : i32
    %lt3A_26 = arith.cmpi slt, %select_n3A_20, %lt3A_25 : i32
    %ne3A_27 = arith.xori %lt3A_24, %lt3A_26 : i1
    %and3A_28 = arith.andi %ne3A_27, %ne3A_23 : i1
    %add3A_29 = arith.addi %rem3A_21, %select_n3A_20 : i32
    %select_n3A_30 = arith.select %and3A_28, %add3A_29, %rem3A_21 : i32
    %mul3A_31 = arith.constant 14 : i32
    %mul3A_32 = arith.muli %select_n3A_30, %mul3A_31 : i32
    %mul3A_33 = arith.constant 12544 : i32
    %mul3A_34 = arith.muli %select_n3A, %mul3A_33 : i32
    %mul3A_35 = arith.constant 112 : i32
    %mul3A_36 = arith.muli %mul3A_32, %mul3A_35 : i32
    %add3A_37 = arith.addi %mul3A_34, %mul3A_36 : i32
    %iota3A = tpu.iota {dimensions = array<i32: 0>} : vector<16xi32>
    %jit3A_38 = arith.constant 8 : i32
    %div3A_39 = arith.divsi %mul3A_32, %jit3A_38 : i32
    %sign3A_40 = arith.constant 0 : i32
    %sign3A_41 = arith.cmpi sgt, %mul3A_32, %sign3A_40 : i32
    %sign3A_42 = arith.extui %sign3A_41 : i1 to i32
    %sign3A_43 = arith.constant 0 : i32
    %sign3A_44 = arith.cmpi slt, %mul3A_32, %sign3A_43 : i32
    %sign3A_45 = arith.extui %sign3A_44 : i1 to i32
    %sign3A_46 = arith.subi %sign3A_42, %sign3A_45 : i32
    %sign3A_47 = arith.constant 0 : i32
    %sign3A_48 = arith.cmpi sgt, %jit3A_38, %sign3A_47 : i32
    %sign3A_49 = arith.extui %sign3A_48 : i1 to i32
    %sign3A_50 = arith.constant 0 : i32
    %sign3A_51 = arith.cmpi slt, %jit3A_38, %sign3A_50 : i32
    %sign3A_52 = arith.extui %sign3A_51 : i1 to i32
    %sign3A_53 = arith.subi %sign3A_49, %sign3A_52 : i32
    %ne3A_54 = arith.cmpi ne, %sign3A_46, %sign3A_53 : i32
    %rem3A_55 = arith.remsi %mul3A_32, %jit3A_38 : i32
    %ne3A_56 = arith.constant 0 : i32
    %ne3A_57 = arith.cmpi ne, %rem3A_55, %ne3A_56 : i32
    %and3A_58 = arith.andi %ne3A_54, %ne3A_57 : i1
    %sub3A_59 = arith.constant 1 : i32
    %sub3A_60 = arith.subi %div3A_39, %sub3A_59 : i32
    %select_n3A_61 = arith.select %and3A_58, %sub3A_60, %div3A_39 : i32
    %mul3A_62 = arith.constant 8 : i32
    %mul3A_63 = arith.muli %select_n3A_61, %mul3A_62 : i32
    %min3A = arith.constant 88 : i32
    %min3A_64 = arith.minsi %mul3A_63, %min3A : i32
    %multiple_of3A = tpu.assume_multiple %min3A_64, 8 : i32
    %sub3A_65 = arith.subi %mul3A_32, %multiple_of3A : i32
    %run_scoped3A = arith.constant 0 : i32
    "tpu.region"() ({
      %run_scoped3A_3713 = tpu.sem_alloc : memref<!tpu.dma_semaphore, #tpu.memory_space<semaphore_mem>>
      %dma_start3A_3714 = arith.constant 0 : i32
      %dma_start3A_3715 = arith.constant 0 : i32
      %dma_start3A_3716 = tpu.memref_slice %arg9[%run_scoped3A, %dma_start3A_3714, %dma_start3A_3715] : memref<2x24x112xi32, #tpu.memory_space<vmem>> -> memref<1x24x112xi32, #tpu.memory_space<vmem>>
      %dma_start3A_3717 = tpu.memref_squeeze %dma_start3A_3716 : memref<1x24x112xi32, #tpu.memory_space<vmem>> -> memref<24x112xi32, #tpu.memory_space<vmem>>
      %dma_start3A_3718 = arith.constant 0 : i32
      %dma_start3A_3719 = tpu.memref_slice %arg3[%select_n3A, %multiple_of3A, %dma_start3A_3718] : memref<4x112x112xi32, #tpu.memory_space<hbm>> -> memref<1x24x112xi32, #tpu.memory_space<hbm>>
      %dma_start3A_3720 = tpu.memref_squeeze %dma_start3A_3719 : memref<1x24x112xi32, #tpu.memory_space<hbm>> -> memref<24x112xi32, #tpu.memory_space<hbm>>
      %dma_start3A_3721 = arith.constant 0 : i32
      %dma_start3A_3722 = arith.constant 0 : i32
      %dma_start3A_3723 = tpu.memref_slice %arg9[%run_scoped3A, %dma_start3A_3721, %dma_start3A_3722] : memref<2x24x112xi32, #tpu.memory_space<vmem>> -> memref<1x24x112xi32, #tpu.memory_space<vmem>>
      %dma_start3A_3724 = tpu.memref_squeeze %dma_start3A_3723 : memref<1x24x112xi32, #tpu.memory_space<vmem>> -> memref<24x112xi32, #tpu.memory_space<vmem>>
      %dma_start3A_3725 = arith.constant 0 : i32
      %dma_start3A_3726 = tpu.memref_slice %arg3[%select_n3A, %multiple_of3A, %dma_start3A_3725] : memref<4x112x112xi32, #tpu.memory_space<hbm>> -> memref<1x24x112xi32, #tpu.memory_space<hbm>>
      %dma_start3A_3727 = tpu.memref_squeeze %dma_start3A_3726 : memref<1x24x112xi32, #tpu.memory_space<hbm>> -> memref<24x112xi32, #tpu.memory_space<hbm>>
      tpu.enqueue_dma source(%dma_start3A_3727 : memref<24x112xi32, #tpu.memory_space<hbm>>) target(%dma_start3A_3724 : memref<24x112xi32, #tpu.memory_space<vmem>>) target_semaphore(%run_scoped3A_3713 : memref<!tpu.dma_semaphore, #tpu.memory_space<semaphore_mem>>)
      %dma_wait3A_3728 = arith.constant 0 : i32
      %dma_wait3A_3729 = arith.constant 0 : i32
      %dma_wait3A_3730 = tpu.memref_slice %arg9[%run_scoped3A, %dma_wait3A_3728, %dma_wait3A_3729] : memref<2x24x112xi32, #tpu.memory_space<vmem>> -> memref<1x24x112xi32, #tpu.memory_space<vmem>>
      %dma_wait3A_3731 = tpu.memref_squeeze %dma_wait3A_3730 : memref<1x24x112xi32, #tpu.memory_space<vmem>> -> memref<24x112xi32, #tpu.memory_space<vmem>>
      %dma_wait3A_3732 = arith.constant 0 : i32
      %dma_wait3A_3733 = tpu.memref_slice %arg3[%select_n3A, %multiple_of3A, %dma_wait3A_3732] : memref<4x112x112xi32, #tpu.memory_space<hbm>> -> memref<1x24x112xi32, #tpu.memory_space<hbm>>
      %dma_wait3A_3734 = tpu.memref_squeeze %dma_wait3A_3733 : memref<1x24x112xi32, #tpu.memory_space<hbm>> -> memref<24x112xi32, #tpu.memory_space<hbm>>
      %dma_wait3A_3735 = arith.constant 0 : i32
      %dma_wait3A_3736 = arith.constant 0 : i32
      %dma_wait3A_3737 = tpu.memref_slice %arg9[%run_scoped3A, %dma_wait3A_3735, %dma_wait3A_3736] : memref<2x24x112xi32, #tpu.memory_space<vmem>> -> memref<1x24x112xi32, #tpu.memory_space<vmem>>
      %dma_wait3A_3738 = tpu.memref_squeeze %dma_wait3A_3737 : memref<1x24x112xi32, #tpu.memory_space<vmem>> -> memref<24x112xi32, #tpu.memory_space<vmem>>
      %dma_wait3A_3739 = arith.constant 0 : i32
      %dma_wait3A_3740 = tpu.memref_slice %arg3[%select_n3A, %multiple_of3A, %dma_wait3A_3739] : memref<4x112x112xi32, #tpu.memory_space<hbm>> -> memref<1x24x112xi32, #tpu.memory_space<hbm>>
      %dma_wait3A_3741 = tpu.memref_squeeze %dma_wait3A_3740 : memref<1x24x112xi32, #tpu.memory_space<hbm>> -> memref<24x112xi32, #tpu.memory_space<hbm>>
      tpu.wait_dma2 semaphore(%run_scoped3A_3713 : memref<!tpu.dma_semaphore, #tpu.memory_space<semaphore_mem>>) src(%dma_wait3A_3741 : memref<24x112xi32, #tpu.memory_space<hbm>>) dst(%dma_wait3A_3738 : memref<24x112xi32, #tpu.memory_space<vmem>>)
      tpu.yield
    }) : () -> ()
    %run_scoped3A_66 = arith.constant 1 : i32
    "tpu.region"() ({
      %run_scoped3A_3713 = tpu.sem_alloc : memref<!tpu.dma_semaphore, #tpu.memory_space<semaphore_mem>>
      %dma_start3A_3714 = arith.constant 0 : i32
      %dma_start3A_3715 = arith.constant 0 : i32
      %dma_start3A_3716 = tpu.memref_slice %arg9[%run_scoped3A_66, %dma_start3A_3714, %dma_start3A_3715] : memref<2x24x112xi32, #tpu.memory_space<vmem>> -> memref<1x24x112xi32, #tpu.memory_space<vmem>>
      %dma_start3A_3717 = tpu.memref_squeeze %dma_start3A_3716 : memref<1x24x112xi32, #tpu.memory_space<vmem>> -> memref<24x112xi32, #tpu.memory_space<vmem>>
      %dma_start3A_3718 = arith.constant 0 : i32
      %dma_start3A_3719 = tpu.memref_slice %arg4[%select_n3A, %multiple_of3A, %dma_start3A_3718] : memref<4x112x112xi32, #tpu.memory_space<hbm>> -> memref<1x24x112xi32, #tpu.memory_space<hbm>>
      %dma_start3A_3720 = tpu.memref_squeeze %dma_start3A_3719 : memref<1x24x112xi32, #tpu.memory_space<hbm>> -> memref<24x112xi32, #tpu.memory_space<hbm>>
      %dma_start3A_3721 = arith.constant 0 : i32
      %dma_start3A_3722 = arith.constant 0 : i32
      %dma_start3A_3723 = tpu.memref_slice %arg9[%run_scoped3A_66, %dma_start3A_3721, %dma_start3A_3722] : memref<2x24x112xi32, #tpu.memory_space<vmem>> -> memref<1x24x112xi32, #tpu.memory_space<vmem>>
      %dma_start3A_3724 = tpu.memref_squeeze %dma_start3A_3723 : memref<1x24x112xi32, #tpu.memory_space<vmem>> -> memref<24x112xi32, #tpu.memory_space<vmem>>
      %dma_start3A_3725 = arith.constant 0 : i32
      %dma_start3A_3726 = tpu.memref_slice %arg4[%select_n3A, %multiple_of3A, %dma_start3A_3725] : memref<4x112x112xi32, #tpu.memory_space<hbm>> -> memref<1x24x112xi32, #tpu.memory_space<hbm>>
      %dma_start3A_3727 = tpu.memref_squeeze %dma_start3A_3726 : memref<1x24x112xi32, #tpu.memory_space<hbm>> -> memref<24x112xi32, #tpu.memory_space<hbm>>
      tpu.enqueue_dma source(%dma_start3A_3727 : memref<24x112xi32, #tpu.memory_space<hbm>>) target(%dma_start3A_3724 : memref<24x112xi32, #tpu.memory_space<vmem>>) target_semaphore(%run_scoped3A_3713 : memref<!tpu.dma_semaphore, #tpu.memory_space<semaphore_mem>>)
      %dma_wait3A_3728 = arith.constant 0 : i32
      %dma_wait3A_3729 = arith.constant 0 : i32
      %dma_wait3A_3730 = tpu.memref_slice %arg9[%run_scoped3A_66, %dma_wait3A_3728, %dma_wait3A_3729] : memref<2x24x112xi32, #tpu.memory_space<vmem>> -> memref<1x24x112xi32, #tpu.memory_space<vmem>>
      %dma_wait3A_3731 = tpu.memref_squeeze %dma_wait3A_3730 : memref<1x24x112xi32, #tpu.memory_space<vmem>> -> memref<24x112xi32, #tpu.memory_space<vmem>>
      %dma_wait3A_3732 = arith.constant 0 : i32
      %dma_wait3A_3733 = tpu.memref_slice %arg4[%select_n3A, %multiple_of3A, %dma_wait3A_3732] : memref<4x112x112xi32, #tpu.memory_space<hbm>> -> memref<1x24x112xi32, #tpu.memory_space<hbm>>
      %dma_wait3A_3734 = tpu.memref_squeeze %dma_wait3A_3733 : memref<1x24x112xi32, #tpu.memory_space<hbm>> -> memref<24x112xi32, #tpu.memory_space<hbm>>
      %dma_wait3A_3735 = arith.constant 0 : i32
      %dma_wait3A_3736 = arith.constant 0 : i32
      %dma_wait3A_3737 = tpu.memref_slice %arg9[%run_scoped3A_66, %dma_wait3A_3735, %dma_wait3A_3736] : memref<2x24x112xi32, #tpu.memory_space<vmem>> -> memref<1x24x112xi32, #tpu.memory_space<vmem>>
      %dma_wait3A_3738 = tpu.memref_squeeze %dma_wait3A_3737 : memref<1x24x112xi32, #tpu.memory_space<vmem>> -> memref<24x112xi32, #tpu.memory_space<vmem>>
      %dma_wait3A_3739 = arith.constant 0 : i32
      %dma_wait3A_3740 = tpu.memref_slice %arg4[%select_n3A, %multiple_of3A, %dma_wait3A_3739] : memref<4x112x112xi32, #tpu.memory_space<hbm>> -> memref<1x24x112xi32, #tpu.memory_space<hbm>>
      %dma_wait3A_3741 = tpu.memref_squeeze %dma_wait3A_3740 : memref<1x24x112xi32, #tpu.memory_space<hbm>> -> memref<24x112xi32, #tpu.memory_space<hbm>>
      tpu.wait_dma2 semaphore(%run_scoped3A_3713 : memref<!tpu.dma_semaphore, #tpu.memory_space<semaphore_mem>>) src(%dma_wait3A_3741 : memref<24x112xi32, #tpu.memory_space<hbm>>) dst(%dma_wait3A_3738 : memref<24x112xi32, #tpu.memory_space<vmem>>)
      tpu.yield
    }) : () -> ()
    %mul3A_67 = arith.constant 50176 : i32
    %mul3A_68 = arith.muli %select_n3A, %mul3A_67 : i32
    %add3A_69 = arith.constant 0 : i32
    %add3A_70 = arith.addi %mul3A_32, %add3A_69 : i32
    %mul3A_71 = arith.constant 2 : i32
    %mul3A_72 = arith.muli %mul3A_71, %add3A_70 : i32
    %add3A_73 = arith.constant 0 : i32
    %add3A_74 = arith.addi %sub3A_65, %add3A_73 : i32
    %get3A = arith.constant 0 : i32
    %get3A_75 = arith.index_cast %get3A : i32 to index
    %get3A_76 = arith.index_cast %add3A_74 : i32 to index
    %get3A_77 = arith.constant 0 : index
    %get3A_78 = tpu.vector_load %arg9[%get3A_75, %get3A_76, %get3A_77] {strides = array<i32>} : memref<2x24x112xi32, #tpu.memory_space<vmem>>, vector<16xi32>,
    %add3A_79 = arith.constant 0 : i32
    %add3A_80 = arith.addi %sub3A_65, %add3A_79 : i32
    %get3A_81 = arith.constant 1 : i32
    %get3A_82 = arith.index_cast %get3A_81 : i32 to index
    %get3A_83 = arith.index_cast %add3A_80 : i32 to index
    %get3A_84 = arith.constant 0 : index
    %get3A_85 = tpu.vector_load %arg9[%get3A_82, %get3A_83, %get3A_84] {strides = array<i32>} : memref<2x24x112xi32, #tpu.memory_space<vmem>>, vector<16xi32>,
    %mul3A_86 = arith.constant 2 : i32
    %mul3A_87 = vector.broadcast %mul3A_86 : i32 to vector<16xi32>
    %mul3A_88 = arith.muli %mul3A_87, %iota3A : vector<16xi32>
    %add3A_89 = arith.constant 0 : i32
    %add3A_90 = vector.broadcast %add3A_89 : i32 to vector<16xi32>
    %add3A_91 = arith.addi %add3A_90, %mul3A_88 : vector<16xi32>
    %add3A_92 = vector.broadcast %mul3A_72 : i32 to vector<16xi32>
    %add3A_93 = arith.addi %add3A_92, %get3A_78 : vector<16xi32>
    %mul3A_94 = arith.constant 224 : i32
    %mul3A_95 = vector.broadcast %mul3A_94 : i32 to vector<16xi32>
    %mul3A_96 = arith.muli %add3A_93, %mul3A_95 : vector<16xi32>
    %add3A_97 = vector.broadcast %mul3A_68 : i32 to vector<16xi32>
    %add3A_98 = arith.addi %add3A_97, %mul3A_96 : vector<16xi32>
    %add3A_99 = arith.addi %add3A_98, %add3A_91 : vector<16xi32>
    %add3A_100 = arith.addi %add3A_99, %get3A_85 : vector<16xi32>
    %swap3A = arith.constant 0 : i32
    %swap3A_101 = arith.index_cast %swap3A : i32 to index
    %swap3A_102 = arith.constant 0 : index
    %swap3A_103 = tpu.vector_load %arg8[%swap3A_101, %swap3A_102] {strides = array<i32>} : memref<14x112xi32, #tpu.memory_space<vmem>>, vector<16xi32>,
    tpu.vector_store %arg8[%swap3A_101, %swap3A_102], %add3A_100 {strides = array<i32>} : memref<14x112xi32, #tpu.memory_space<vmem>>, vector<16xi32>,
    %add3A_104 = arith.constant 0 : i32
    %add3A_105 = arith.addi %sub3A_65, %add3A_104 : i32
    %get3A_106 = arith.constant 0 : i32
    %get3A_107 = arith.index_cast %get3A_106 : i32 to index
    %get3A_108 = arith.index_cast %add3A_105 : i32 to index
    %get3A_109 = arith.constant 16 : index
    %get3A_110 = tpu.vector_load %arg9[%get3A_107, %get3A_108, %get3A_109] {strides = array<i32>} : memref<2x24x112xi32, #tpu.memory_space<vmem>>, vector<16xi32>,
    %add3A_111 = arith.constant 0 : i32
    %add3A_112 = arith.addi %sub3A_65, %add3A_111 : i32
    %get3A_113 = arith.constant 1 : i32
    %get3A_114 = arith.index_cast %get3A_113 : i32 to index
    %get3A_115 = arith.index_cast %add3A_112 : i32 to index
    %get3A_116 = arith.constant 16 : index
    %get3A_117 = tpu.vector_load %arg9[%get3A_114, %get3A_115, %get3A_116] {strides = array<i32>} : memref<2x24x112xi32, #tpu.memory_space<vmem>>, vector<16xi32>,
    %mul3A_118 = arith.constant 2 : i32
    %mul3A_119 = vector.broadcast %mul3A_118 : i32 to vector<16xi32>
    %mul3A_120 = arith.muli %mul3A_119, %iota3A : vector<16xi32>
    %add3A_121 = arith.constant 32 : i32
    %add3A_122 = vector.broadcast %add3A_121 : i32 to vector<16xi32>
    %add3A_123 = arith.addi %add3A_122, %mul3A_120 : vector<16xi32>
    %add3A_124 = vector.broadcast %mul3A_72 : i32 to vector<16xi32>
    %add3A_125 = arith.addi %add3A_124, %get3A_110 : vector<16xi32>
    %mul3A_126 = arith.constant 224 : i32
    %mul3A_127 = vector.broadcast %mul3A_126 : i32 to vector<16xi32>
    %mul3A_128 = arith.muli %add3A_125, %mul3A_127 : vector<16xi32>
    %add3A_129 = vector.broadcast %mul3A_68 : i32 to vector<16xi32>
    %add3A_130 = arith.addi %add3A_129, %mul3A_128 : vector<16xi32>
    %add3A_131 = arith.addi %add3A_130, %add3A_123 : vector<16xi32>
    %add3A_132 = arith.addi %add3A_131, %get3A_117 : vector<16xi32>
    %swap3A_133 = arith.constant 0 : i32
    %swap3A_134 = arith.index_cast %swap3A_133 : i32 to index
    %swap3A_135 = arith.constant 16 : index
    %swap3A_136 = tpu.vector_load %arg8[%swap3A_134, %swap3A_135] {strides = array<i32>} : memref<14x112xi32, #tpu.memory_space<vmem>>, vector<16xi32>,
    tpu.vector_store %arg8[%swap3A_134, %swap3A_135], %add3A_132 {strides = array<i32>} : memref<14x112xi32, #tpu.memory_space<vmem>>, vector<16xi32>,
    %add3A_137 = arith.constant 0 : i32
    %add3A_138 = arith.addi %sub3A_65, %add3A_137 : i32
    %get3A_139 = arith.constant 0 : i32
    %get3A_140 = arith.index_cast %get3A_139 : i32 to index
    %get3A_141 = arith.index_cast %add3A_138 : i32 to index
    %get3A_142 = arith.constant 32 : index
    %get3A_143 = tpu.vector_load %arg9[%get3A_140, %get3A_141, %get3A_142] {strides = array<i32>} : memref<2x24x112xi32, #tpu.memory_space<vmem>>, vector<16xi32>,
    %add3A_144 = arith.constant 0 : i32
    %add3A_145 = arith.addi %sub3A_65, %add3A_144 : i32
    %get3A_146 = arith.constant 1 : i32
    %get3A_147 = arith.index_cast %get3A_146 : i32 to index
    %get3A_148 = arith.index_cast %add3A_145 : i32 to index
    %get3A_149 = arith.constant 32 : index
    %get3A_150 = tpu.vector_load %arg9[%get3A_147, %get3A_148, %get3A_149] {strides = array<i32>} : memref<2x24x112xi32, #tpu.memory_space<vmem>>, vector<16xi32>,
    %mul3A_151 = arith.constant 2 : i32
    %mul3A_152 = vector.broadcast %mul3A_151 : i32 to vector<16xi32>
    %mul3A_153 = arith.muli %mul3A_152, %iota3A : vector<16xi32>
    %add3A_154 = arith.constant 64 : i32
    %add3A_155 = vector.broadcast %add3A_154 : i32 to vector<16xi32>
    %add3A_156 = arith.addi %add3A_155, %mul3A_153 : vector<16xi32>
    %add3A_157 = vector.broadcast %mul3A_72 : i32 to vector<16xi32>
    %add3A_158 = arith.addi %add3A_157, %get3A_143 : vector<16xi32>
    %mul3A_159 = arith.constant 224 : i32
    %mul3A_160 = vector.broadcast %mul3A_159 : i32 to vector<16xi32>
    %mul3A_161 = arith.muli %add3A_158, %mul3A_160 : vector<16xi32>
    %add3A_162 = vector.broadcast %mul3A_68 : i32 to vector<16xi32>
    %add3A_163 = arith.addi %add3A_162, %mul3A_161 : vector<16xi32>
    %add3A_164 = arith.addi %add3A_163, %add3A_156 : vector<16xi32>
    %add3A_165 = arith.addi %add3A_164, %get3A_150 : vector<16xi32>
    %swap3A_166 = arith.constant 0 : i32
    %swap3A_167 = arith.index_cast %swap3A_166 : i32 to index
    %swap3A_168 = arith.constant 32 : index
    %swap3A_169 = tpu.vector_load %arg8[%swap3A_167, %swap3A_168] {strides = array<i32>} : memref<14x112xi32, #tpu.memory_space<vmem>>, vector<16xi32>,
    tpu.vector_store %arg8[%swap3A_167, %swap3A_168], %add3A_165 {strides = array<i32>} : memref<14x112xi32, #tpu.memory_space<vmem>>, vector<16xi32>,
    %add3A_170 = arith.constant 0 : i32
    %add3A_171 = arith.addi %sub3A_65, %add3A_170 : i32
    %get3A_172 = arith.constant 0 : i32
    %get3A_173 = arith.index_cast %get3A_172 : i32 to index
    %get3A_174 = arith.index_cast %add3A_171 : i32 to index
    %get3A_175 = arith.constant 48 : index
    %get3A_176 = tpu.vector_load %arg9[%get3A_173, %get3A_174, %get3A_175] {strides = array<i32>} : memref<2x24x112xi32, #tpu.memory_space<vmem>>, vector<16xi32>,
    %add3A_177 = arith.constant 0 : i32
    %add3A_178 = arith.addi %sub3A_65, %add3A_177 : i32
    %get3A_179 = arith.constant 1 : i32
    %get3A_180 = arith.index_cast %get3A_179 : i32 to index
    %get3A_181 = arith.index_cast %add3A_178 : i32 to index
    %get3A_182 = arith.constant 48 : index
    %get3A_183 = tpu.vector_load %arg9[%get3A_180, %get3A_181, %get3A_182] {strides = array<i32>} : memref<2x24x112xi32, #tpu.memory_space<vmem>>, vector<16xi32>,
    %mul3A_184 = arith.constant 2 : i32
    %mul3A_185 = vector.broadcast %mul3A_184 : i32 to vector<16xi32>
    %mul3A_186 = arith.muli %mul3A_185, %iota3A : vector<16xi32>
    %add3A_187 = arith.constant 96 : i32
    %add3A_188 = vector.broadcast %add3A_187 : i32 to vector<16xi32>
    %add3A_189 = arith.addi %add3A_188, %mul3A_186 : vector<16xi32>
    %add3A_190 = vector.broadcast %mul3A_72 : i32 to vector<16xi32>
    %add3A_191 = arith.addi %add3A_190, %get3A_176 : vector<16xi32>
    %mul3A_192 = arith.constant 224 : i32
    %mul3A_193 = vector.broadcast %mul3A_192 : i32 to vector<16xi32>
    %mul3A_194 = arith.muli %add3A_191, %mul3A_193 : vector<16xi32>
    %add3A_195 = vector.broadcast %mul3A_68 : i32 to vector<16xi32>
    %add3A_196 = arith.addi %add3A_195, %mul3A_194 : vector<16xi32>
    %add3A_197 = arith.addi %add3A_196, %add3A_189 : vector<16xi32>
    %add3A_198 = arith.addi %add3A_197, %get3A_183 : vector<16xi32>
    %swap3A_199 = arith.constant 0 : i32
    %swap3A_200 = arith.index_cast %swap3A_199 : i32 to index
    %swap3A_201 = arith.constant 48 : index
    %swap3A_202 = tpu.vector_load %arg8[%swap3A_200, %swap3A_201] {strides = array<i32>} : memref<14x112xi32, #tpu.memory_space<vmem>>, vector<16xi32>,
    tpu.vector_store %arg8[%swap3A_200, %swap3A_201], %add3A_198 {strides = array<i32>} : memref<14x112xi32, #tpu.memory_space<vmem>>, vector<16xi32>,
    %add3A_203 = arith.constant 0 : i32
    %add3A_204 = arith.addi %sub3A_65, %add3A_203 : i32
    %get3A_205 = arith.constant 0 : i32
    %get3A_206 = arith.index_cast %get3A_205 : i32 to index
    %get3A_207 = arith.index_cast %add3A_204 : i32 to index
    %get3A_208 = arith.constant 64 : index
    %get3A_209 = tpu.vector_load %arg9[%get3A_206, %get3A_207, %get3A_208] {strides = array<i32>} : memref<2x24x112xi32, #tpu.memory_space<vmem>>, vector<16xi32>,
    %add3A_210 = arith.constant 0 : i32
    %add3A_211 = arith.addi %sub3A_65, %add3A_210 : i32
    %get3A_212 = arith.constant 1 : i32
    %get3A_213 = arith.index_cast %get3A_212 : i32 to index
    %get3A_214 = arith.index_cast %add3A_211 : i32 to index
    %get3A_215 = arith.constant 64 : index
    %get3A_216 = tpu.vector_load %arg9[%get3A_213, %get3A_214, %get3A_215] {strides = array<i32>} : memref<2x24x112xi32, #tpu.memory_space<vmem>>, vector<16xi32>,
    %mul3A_217 = arith.constant 2 : i32
    %mul3A_218 = vector.broadcast %mul3A_217 : i32 to vector<16xi32>
    %mul3A_219 = arith.muli %mul3A_218, %iota3A : vector<16xi32>
    %add3A_220 = arith.constant 128 : i32
    %add3A_221 = vector.broadcast %add3A_220 : i32 to vector<16xi32>
    %add3A_222 = arith.addi %add3A_221, %mul3A_219 : vector<16xi32>
    %add3A_223 = vector.broadcast %mul3A_72 : i32 to vector<16xi32>
    %add3A_224 = arith.addi %add3A_223, %get3A_209 : vector<16xi32>
    %mul3A_225 = arith.constant 224 : i32
    %mul3A_226 = vector.broadcast %mul3A_225 : i32 to vector<16xi32>
    %mul3A_227 = arith.muli %add3A_224, %mul3A_226 : vector<16xi32>
    %add3A_228 = vector.broadcast %mul3A_68 : i32 to vector<16xi32>
    %add3A_229 = arith.addi %add3A_228, %mul3A_227 : vector<16xi32>
    %add3A_230 = arith.addi %add3A_229, %add3A_222 : vector<16xi32>
    %add3A_231 = arith.addi %add3A_230, %get3A_216 : vector<16xi32>
    %swap3A_232 = arith.constant 0 : i32
    %swap3A_233 = arith.index_cast %swap3A_232 : i32 to index
    %swap3A_234 = arith.constant 64 : index
    %swap3A_235 = tpu.vector_load %arg8[%swap3A_233, %swap3A_234] {strides = array<i32>} : memref<14x112xi32, #tpu.memory_space<vmem>>, vector<16xi32>,
    tpu.vector_store %arg8[%swap3A_233, %swap3A_234], %add3A_231 {strides = array<i32>} : memref<14x112xi32, #tpu.memory_space<vmem>>, vector<16xi32>,
    %add3A_236 = arith.constant 0 : i32
    %add3A_237 = arith.addi %sub3A_65, %add3A_236 : i32
    %get3A_238 = arith.constant 0 : i32
    %get3A_239 = arith.index_cast %get3A_238 : i32 to index
    %get3A_240 = arith.index_cast %add3A_237 : i32 to index
    %get3A_241 = arith.constant 80 : index
    %get3A_242 = tpu.vector_load %arg9[%get3A_239, %get3A_240, %get3A_241] {strides = array<i32>} : memref<2x24x112xi32, #tpu.memory_space<vmem>>, vector<16xi32>,
    %add3A_243 = arith.constant 0 : i32
    %add3A_244 = arith.addi %sub3A_65, %add3A_243 : i32
    %get3A_245 = arith.constant 1 : i32
    %get3A_246 = arith.index_cast %get3A_245 : i32 to index
    %get3A_247 = arith.index_cast %add3A_244 : i32 to index
    %get3A_248 = arith.constant 80 : index
    %get3A_249 = tpu.vector_load %arg9[%get3A_246, %get3A_247, %get3A_248] {strides = array<i32>} : memref<2x24x112xi32, #tpu.memory_space<vmem>>, vector<16xi32>,
    %mul3A_250 = arith.constant 2 : i32
    %mul3A_251 = vector.broadcast %mul3A_250 : i32 to vector<16xi32>
    %mul3A_252 = arith.muli %mul3A_251, %iota3A : vector<16xi32>
    %add3A_253 = arith.constant 160 : i32
    %add3A_254 = vector.broadcast %add3A_253 : i32 to vector<16xi32>
    %add3A_255 = arith.addi %add3A_254, %mul3A_252 : vector<16xi32>
    %add3A_256 = vector.broadcast %mul3A_72 : i32 to vector<16xi32>
    %add3A_257 = arith.addi %add3A_256, %get3A_242 : vector<16xi32>
    %mul3A_258 = arith.constant 224 : i32
    %mul3A_259 = vector.broadcast %mul3A_258 : i32 to vector<16xi32>
    %mul3A_260 = arith.muli %add3A_257, %mul3A_259 : vector<16xi32>
    %add3A_261 = vector.broadcast %mul3A_68 : i32 to vector<16xi32>
    %add3A_262 = arith.addi %add3A_261, %mul3A_260 : vector<16xi32>
    %add3A_263 = arith.addi %add3A_262, %add3A_255 : vector<16xi32>
    %add3A_264 = arith.addi %add3A_263, %get3A_249 : vector<16xi32>
    %swap3A_265 = arith.constant 0 : i32
    %swap3A_266 = arith.index_cast %swap3A_265 : i32 to index
    %swap3A_267 = arith.constant 80 : index
    %swap3A_268 = tpu.vector_load %arg8[%swap3A_266, %swap3A_267] {strides = array<i32>} : memref<14x112xi32, #tpu.memory_space<vmem>>, vector<16xi32>,
    tpu.vector_store %arg8[%swap3A_266, %swap3A_267], %add3A_264 {strides = array<i32>} : memref<14x112xi32, #tpu.memory_space<vmem>>, vector<16xi32>,
    %add3A_269 = arith.constant 0 : i32
    %add3A_270 = arith.addi %sub3A_65, %add3A_269 : i32
    %get3A_271 = arith.constant 0 : i32
    %get3A_272 = arith.index_cast %get3A_271 : i32 to index
    %get3A_273 = arith.index_cast %add3A_270 : i32 to index
    %get3A_274 = arith.constant 96 : index
    %get3A_275 = tpu.vector_load %arg9[%get3A_272, %get3A_273, %get3A_274] {strides = array<i32>} : memref<2x24x112xi32, #tpu.memory_space<vmem>>, vector<16xi32>,
    %add3A_276 = arith.constant 0 : i32
    %add3A_277 = arith.addi %sub3A_65, %add3A_276 : i32
    %get3A_278 = arith.constant 1 : i32
    %get3A_279 = arith.index_cast %get3A_278 : i32 to index
    %get3A_280 = arith.index_cast %add3A_277 : i32 to index
    %get3A_281 = arith.constant 96 : index
    %get3A_282 = tpu.vector_load %arg9[%get3A_279, %get3A_280, %get3A_281] {strides = array<i32>} : memref<2x24x112xi32, #tpu.memory_space<vmem>>, vector<16xi32>,
    %mul3A_283 = arith.constant 2 : i32
    %mul3A_284 = vector.broadcast %mul3A_283 : i32 to vector<16xi32>
    %mul3A_285 = arith.muli %mul3A_284, %iota3A : vector<16xi32>
    %add3A_286 = arith.constant 192 : i32
    %add3A_287 = vector.broadcast %add3A_286 : i32 to vector<16xi32>
    %add3A_288 = arith.addi %add3A_287, %mul3A_285 : vector<16xi32>
    %add3A_289 = vector.broadcast %mul3A_72 : i32 to vector<16xi32>
    %add3A_290 = arith.addi %add3A_289, %get3A_275 : vector<16xi32>
    %mul3A_291 = arith.constant 224 : i32
    %mul3A_292 = vector.broadcast %mul3A_291 : i32 to vector<16xi32>
    %mul3A_293 = arith.muli %add3A_290, %mul3A_292 : vector<16xi32>
    %add3A_294 = vector.broadcast %mul3A_68 : i32 to vector<16xi32>
    %add3A_295 = arith.addi %add3A_294, %mul3A_293 : vector<16xi32>
    %add3A_296 = arith.addi %add3A_295, %add3A_288 : vector<16xi32>
    %add3A_297 = arith.addi %add3A_296, %get3A_282 : vector<16xi32>
    %swap3A_298 = arith.constant 0 : i32
    %swap3A_299 = arith.index_cast %swap3A_298 : i32 to index
    %swap3A_300 = arith.constant 96 : index
    %swap3A_301 = tpu.vector_load %arg8[%swap3A_299, %swap3A_300] {strides = array<i32>} : memref<14x112xi32, #tpu.memory_space<vmem>>, vector<16xi32>,
    tpu.vector_store %arg8[%swap3A_299, %swap3A_300], %add3A_297 {strides = array<i32>} : memref<14x112xi32, #tpu.memory_space<vmem>>, vector<16xi32>,
    %add3A_302 = arith.constant 1 : i32
    %add3A_303 = arith.addi %mul3A_32, %add3A_302 : i32
    %mul3A_304 = arith.constant 2 : i32
    %mul3A_305 = arith.muli %mul3A_304, %add3A_303 : i32
    %add3A_306 = arith.constant 1 : i32
    %add3A_307 = arith.addi %sub3A_65, %add3A_306 : i32
    %get3A_308 = arith.constant 0 : i32
    %get3A_309 = arith.index_cast %get3A_308 : i32 to index
    %get3A_310 = arith.index_cast %add3A_307 : i32 to index
    %get3A_311 = arith.constant 0 : index
    %get3A_312 = tpu.vector_load %arg9[%get3A_309, %get3A_310, %get3A_311] {strides = array<i32>} : memref<2x24x112xi32, #tpu.memory_space<vmem>>, vector<16xi32>,
    %add3A_313 = arith.constant 1 : i32
    %add3A_314 = arith.addi %sub3A_65, %add3A_313 : i32
    %get3A_315 = arith.constant 1 : i32
    %get3A_316 = arith.index_cast %get3A_315 : i32 to index
    %get3A_317 = arith.index_cast %add3A_314 : i32 to index
    %get3A_318 = arith.constant 0 : index
    %get3A_319 = tpu.vector_load %arg9[%get3A_316, %get3A_317, %get3A_318] {strides = array<i32>} : memref<2x24x112xi32, #tpu.memory_space<vmem>>, vector<16xi32>,
    %mul3A_320 = arith.constant 2 : i32
    %mul3A_321 = vector.broadcast %mul3A_320 : i32 to vector<16xi32>
    %mul3A_322 = arith.muli %mul3A_321, %iota3A : vector<16xi32>
    %add3A_323 = arith.constant 0 : i32
    %add3A_324 = vector.broadcast %add3A_323 : i32 to vector<16xi32>
    %add3A_325 = arith.addi %add3A_324, %mul3A_322 : vector<16xi32>
    %add3A_326 = vector.broadcast %mul3A_305 : i32 to vector<16xi32>
    %add3A_327 = arith.addi %add3A_326, %get3A_312 : vector<16xi32>
    %mul3A_328 = arith.constant 224 : i32
    %mul3A_329 = vector.broadcast %mul3A_328 : i32 to vector<16xi32>
    %mul3A_330 = arith.muli %add3A_327, %mul3A_329 : vector<16xi32>
    %add3A_331 = vector.broadcast %mul3A_68 : i32 to vector<16xi32>
    %add3A_332 = arith.addi %add3A_331, %mul3A_330 : vector<16xi32>
    %add3A_333 = arith.addi %add3A_332, %add3A_325 : vector<16xi32>
    %add3A_334 = arith.addi %add3A_333, %get3A_319 : vector<16xi32>
    %swap3A_335 = arith.constant 1 : i32
    %swap3A_336 = arith.index_cast %swap3A_335 : i32 to index
    %swap3A_337 = arith.constant 0 : index
    %swap3A_338 = tpu.vector_load %arg8[%swap3A_336, %swap3A_337] {strides = array<i32>} : memref<14x112xi32, #tpu.memory_space<vmem>>, vector<16xi32>,
    tpu.vector_store %arg8[%swap3A_336, %swap3A_337], %add3A_334 {strides = array<i32>} : memref<14x112xi32, #tpu.memory_space<vmem>>, vector<16xi32>,
    %add3A_339 = arith.constant 1 : i32
    %add3A_340 = arith.addi %sub3A_65, %add3A_339 : i32
    %get3A_341 = arith.constant 0 : i32
    %get3A_342 = arith.index_cast %get3A_341 : i32 to index
    %get3A_343 = arith.index_cast %add3A_340 : i32 to index
    %get3A_344 = arith.constant 16 : index
    %get3A_345 = tpu.vector_load %arg9[%get3A_342, %get3A_343, %get3A_344] {strides = array<i32>} : memref<2x24x112xi32, #tpu.memory_space<vmem>>, vector<16xi32>,
    %add3A_346 = arith.constant 1 : i32
    %add3A_347 = arith.addi %sub3A_65, %add3A_346 : i32
    %get3A_348 = arith.constant 1 : i32
    %get3A_349 = arith.index_cast %get3A_348 : i32 to index
    %get3A_350 = arith.index_cast %add3A_347 : i32 to index
    %get3A_351 = arith.constant 16 : index
    %get3A_352 = tpu.vector_load %arg9[%get3A_349, %get3A_350, %get3A_351] {strides = array<i32>} : memref<2x24x112xi32, #tpu.memory_space<vmem>>, vector<16xi32>,
    %mul3A_353 = arith.constant 2 : i32
    %mul3A_354 = vector.broadcast %mul3A_353 : i32 to vector<16xi32>
    %mul3A_355 = arith.muli %mul3A_354, %iota3A : vector<16xi32>
    %add3A_356 = arith.constant 32 : i32
    %add3A_357 = vector.broadcast %add3A_356 : i32 to vector<16xi32>
    %add3A_358 = arith.addi %add3A_357, %mul3A_355 : vector<16xi32>
    %add3A_359 = vector.broadcast %mul3A_305 : i32 to vector<16xi32>
    %add3A_360 = arith.addi %add3A_359, %get3A_345 : vector<16xi32>
    %mul3A_361 = arith.constant 224 : i32
    %mul3A_362 = vector.broadcast %mul3A_361 : i32 to vector<16xi32>
    %mul3A_363 = arith.muli %add3A_360, %mul3A_362 : vector<16xi32>
    %add3A_364 = vector.broadcast %mul3A_68 : i32 to vector<16xi32>
    %add3A_365 = arith.addi %add3A_364, %mul3A_363 : vector<16xi32>
    %add3A_366 = arith.addi %add3A_365, %add3A_358 : vector<16xi32>
    %add3A_367 = arith.addi %add3A_366, %get3A_352 : vector<16xi32>
    %swap3A_368 = arith.constant 1 : i32
    %swap3A_369 = arith.index_cast %swap3A_368 : i32 to index
    %swap3A_370 = arith.constant 16 : index
    %swap3A_371 = tpu.vector_load %arg8[%swap3A_369, %swap3A_370] {strides = array<i32>} : memref<14x112xi32, #tpu.memory_space<vmem>>, vector<16xi32>,
    tpu.vector_store %arg8[%swap3A_369, %swap3A_370], %add3A_367 {strides = array<i32>} : memref<14x112xi32, #tpu.memory_space<vmem>>, vector<16xi32>,
    %add3A_372 = arith.constant 1 : i32
    %add3A_373 = arith.addi %sub3A_65, %add3A_372 : i32
    %get3A_374 = arith.constant 0 : i32
    %get3A_375 = arith.index_cast %get3A_374 : i32 to index
    %get3A_376 = arith.index_cast %add3A_373 : i32 to index
    %get3A_377 = arith.constant 32 : index
    %get3A_378 = tpu.vector_load %arg9[%get3A_375, %get3A_376, %get3A_377] {strides = array<i32>} : memref<2x24x112xi32, #tpu.memory_space<vmem>>, vector<16xi32>,
    %add3A_379 = arith.constant 1 : i32
    %add3A_380 = arith.addi %sub3A_65, %add3A_379 : i32
    %get3A_381 = arith.constant 1 : i32
    %get3A_382 = arith.index_cast %get3A_381 : i32 to index
    %get3A_383 = arith.index_cast %add3A_380 : i32 to index
    %get3A_384 = arith.constant 32 : index
    %get3A_385 = tpu.vector_load %arg9[%get3A_382, %get3A_383, %get3A_384] {strides = array<i32>} : memref<2x24x112xi32, #tpu.memory_space<vmem>>, vector<16xi32>,
    %mul3A_386 = arith.constant 2 : i32
    %mul3A_387 = vector.broadcast %mul3A_386 : i32 to vector<16xi32>
    %mul3A_388 = arith.muli %mul3A_387, %iota3A : vector<16xi32>
    %add3A_389 = arith.constant 64 : i32
    %add3A_390 = vector.broadcast %add3A_389 : i32 to vector<16xi32>
    %add3A_391 = arith.addi %add3A_390, %mul3A_388 : vector<16xi32>
    %add3A_392 = vector.broadcast %mul3A_305 : i32 to vector<16xi32>
    %add3A_393 = arith.addi %add3A_392, %get3A_378 : vector<16xi32>
    %mul3A_394 = arith.constant 224 : i32
    %mul3A_395 = vector.broadcast %mul3A_394 : i32 to vector<16xi32>
    %mul3A_396 = arith.muli %add3A_393, %mul3A_395 : vector<16xi32>
    %add3A_397 = vector.broadcast %mul3A_68 : i32 to vector<16xi32>
    %add3A_398 = arith.addi %add3A_397, %mul3A_396 : vector<16xi32>
    %add3A_399 = arith.addi %add3A_398, %add3A_391 : vector<16xi32>
    %add3A_400 = arith.addi %add3A_399, %get3A_385 : vector<16xi32>
    %swap3A_401 = arith.constant 1 : i32
    %swap3A_402 = arith.index_cast %swap3A_401 : i32 to index
    %swap3A_403 = arith.constant 32 : index
    %swap3A_404 = tpu.vector_load %arg8[%swap3A_402, %swap3A_403] {strides = array<i32>} : memref<14x112xi32, #tpu.memory_space<vmem>>, vector<16xi32>,
    tpu.vector_store %arg8[%swap3A_402, %swap3A_403], %add3A_400 {strides = array<i32>} : memref<14x112xi32, #tpu.memory_space<vmem>>, vector<16xi32>,
    %add3A_405 = arith.constant 1 : i32
    %add3A_406 = arith.addi %sub3A_65, %add3A_405 : i32
    %get3A_407 = arith.constant 0 : i32
    %get3A_408 = arith.index_cast %get3A_407 : i32 to index
    %get3A_409 = arith.index_cast %add3A_406 : i32 to index
    %get3A_410 = arith.constant 48 : index
    %get3A_411 = tpu.vector_load %arg9[%get3A_408, %get3A_409, %get3A_410] {strides = array<i32>} : memref<2x24x112xi32, #tpu.memory_space<vmem>>, vector<16xi32>,
    %add3A_412 = arith.constant 1 : i32
    %add3A_413 = arith.addi %sub3A_65, %add3A_412 : i32
    %get3A_414 = arith.constant 1 : i32
    %get3A_415 = arith.index_cast %get3A_414 : i32 to index
    %get3A_416 = arith.index_cast %add3A_413 : i32 to index
    %get3A_417 = arith.constant 48 : index
    %get3A_418 = tpu.vector_load %arg9[%get3A_415, %get3A_416, %get3A_417] {strides = array<i32>} : memref<2x24x112xi32, #tpu.memory_space<vmem>>, vector<16xi32>,
    %mul3A_419 = arith.constant 2 : i32
    %mul3A_420 = vector.broadcast %mul3A_419 : i32 to vector<16xi32>
    %mul3A_421 = arith.muli %mul3A_420, %iota3A : vector<16xi32>
    %add3A_422 = arith.constant 96 : i32
    %add3A_423 = vector.broadcast %add3A_422 : i32 to vector<16xi32>
    %add3A_424 = arith.addi %add3A_423, %mul3A_421 : vector<16xi32>
    %add3A_425 = vector.broadcast %mul3A_305 : i32 to vector<16xi32>
    %add3A_426 = arith.addi %add3A_425, %get3A_411 : vector<16xi32>
    %mul3A_427 = arith.constant 224 : i32
    %mul3A_428 = vector.broadcast %mul3A_427 : i32 to vector<16xi32>
    %mul3A_429 = arith.muli %add3A_426, %mul3A_428 : vector<16xi32>
    %add3A_430 = vector.broadcast %mul3A_68 : i32 to vector<16xi32>
    %add3A_431 = arith.addi %add3A_430, %mul3A_429 : vector<16xi32>
    %add3A_432 = arith.addi %add3A_431, %add3A_424 : vector<16xi32>
    %add3A_433 = arith.addi %add3A_432, %get3A_418 : vector<16xi32>
    %swap3A_434 = arith.constant 1 : i32
    %swap3A_435 = arith.index_cast %swap3A_434 : i32 to index
    %swap3A_436 = arith.constant 48 : index
    %swap3A_437 = tpu.vector_load %arg8[%swap3A_435, %swap3A_436] {strides = array<i32>} : memref<14x112xi32, #tpu.memory_space<vmem>>, vector<16xi32>,
    tpu.vector_store %arg8[%swap3A_435, %swap3A_436], %add3A_433 {strides = array<i32>} : memref<14x112xi32, #tpu.memory_space<vmem>>, vector<16xi32>,
    %add3A_438 = arith.constant 1 : i32
    %add3A_439 = arith.addi %sub3A_65, %add3A_438 : i32
    %get3A_440 = arith.constant 0 : i32
    %get3A_441 = arith.index_cast %get3A_440 : i32 to index
    %get3A_442 = arith.index_cast %add3A_439 : i32 to index
    %get3A_443 = arith.constant 64 : index
    %get3A_444 = tpu.vector_load %arg9[%get3A_441, %get3A_442, %get3A_443] {strides = array<i32>} : memref<2x24x112xi32, #tpu.memory_space<vmem>>, vector<16xi32>,
    %add3A_445 = arith.constant 1 : i32
    %add3A_446 = arith.addi %sub3A_65, %add3A_445 : i32
    %get3A_447 = arith.constant 1 : i32
    %get3A_448 = arith.index_cast %get3A_447 : i32 to index
    %get3A_449 = arith.index_cast %add3A_446 : i32 to index
    %get3A_450 = arith.constant 64 : index
    %get3A_451 = tpu.vector_load %arg9[%get3A_448, %get3A_449, %get3A_450] {strides = array<i32>} : memref<2x24x112xi32, #tpu.memory_space<vmem>>, vector<16xi32>,
    %mul3A_452 = arith.constant 2 : i32
    %mul3A_453 = vector.broadcast %mul3A_452 : i32 to vector<16xi32>
    %mul3A_454 = arith.muli %mul3A_453, %iota3A : vector<16xi32>
    %add3A_455 = arith.constant 128 : i32
    %add3A_456 = vector.broadcast %add3A_455 : i32 to vector<16xi32>
    %add3A_457 = arith.addi %add3A_456, %mul3A_454 : vector<16xi32>
    %add3A_458 = vector.broadcast %mul3A_305 : i32 to vector<16xi32>
    %add3A_459 = arith.addi %add3A_458, %get3A_444 : vector<16xi32>
    %mul3A_460 = arith.constant 224 : i32
    %mul3A_461 = vector.broadcast %mul3A_460 : i32 to vector<16xi32>
    %mul3A_462 = arith.muli %add3A_459, %mul3A_461 : vector<16xi32>
    %add3A_463 = vector.broadcast %mul3A_68 : i32 to vector<16xi32>
    %add3A_464 = arith.addi %add3A_463, %mul3A_462 : vector<16xi32>
    %add3A_465 = arith.addi %add3A_464, %add3A_457 : vector<16xi32>
    %add3A_466 = arith.addi %add3A_465, %get3A_451 : vector<16xi32>
    %swap3A_467 = arith.constant 1 : i32
    %swap3A_468 = arith.index_cast %swap3A_467 : i32 to index
    %swap3A_469 = arith.constant 64 : index
    %swap3A_470 = tpu.vector_load %arg8[%swap3A_468, %swap3A_469] {strides = array<i32>} : memref<14x112xi32, #tpu.memory_space<vmem>>, vector<16xi32>,
    tpu.vector_store %arg8[%swap3A_468, %swap3A_469], %add3A_466 {strides = array<i32>} : memref<14x112xi32, #tpu.memory_space<vmem>>, vector<16xi32>,
    %add3A_471 = arith.constant 1 : i32
    %add3A_472 = arith.addi %sub3A_65, %add3A_471 : i32
    %get3A_473 = arith.constant 0 : i32
    %get3A_474 = arith.index_cast %get3A_473 : i32 to index
    %get3A_475 = arith.index_cast %add3A_472 : i32 to index
    %get3A_476 = arith.constant 80 : index
    %get3A_477 = tpu.vector_load %arg9[%get3A_474, %get3A_475, %get3A_476] {strides = array<i32>} : memref<2x24x112xi32, #tpu.memory_space<vmem>>, vector<16xi32>,
    %add3A_478 = arith.constant 1 : i32
    %add3A_479 = arith.addi %sub3A_65, %add3A_478 : i32
    %get3A_480 = arith.constant 1 : i32
    %get3A_481 = arith.index_cast %get3A_480 : i32 to index
    %get3A_482 = arith.index_cast %add3A_479 : i32 to index
    %get3A_483 = arith.constant 80 : index
    %get3A_484 = tpu.vector_load %arg9[%get3A_481, %get3A_482, %get3A_483] {strides = array<i32>} : memref<2x24x112xi32, #tpu.memory_space<vmem>>, vector<16xi32>,
    %mul3A_485 = arith.constant 2 : i32
    %mul3A_486 = vector.broadcast %mul3A_485 : i32 to vector<16xi32>
    %mul3A_487 = arith.muli %mul3A_486, %iota3A : vector<16xi32>
    %add3A_488 = arith.constant 160 : i32
    %add3A_489 = vector.broadcast %add3A_488 : i32 to vector<16xi32>
    %add3A_490 = arith.addi %add3A_489, %mul3A_487 : vector<16xi32>
    %add3A_491 = vector.broadcast %mul3A_305 : i32 to vector<16xi32>
    %add3A_492 = arith.addi %add3A_491, %get3A_477 : vector<16xi32>
    %mul3A_493 = arith.constant 224 : i32
    %mul3A_494 = vector.broadcast %mul3A_493 : i32 to vector<16xi32>
    %mul3A_495 = arith.muli %add3A_492, %mul3A_494 : vector<16xi32>
    %add3A_496 = vector.broadcast %mul3A_68 : i32 to vector<16xi32>
    %add3A_497 = arith.addi %add3A_496, %mul3A_495 : vector<16xi32>
    %add3A_498 = arith.addi %add3A_497, %add3A_490 : vector<16xi32>
    %add3A_499 = arith.addi %add3A_498, %get3A_484 : vector<16xi32>
    %swap3A_500 = arith.constant 1 : i32
    %swap3A_501 = arith.index_cast %swap3A_500 : i32 to index
    %swap3A_502 = arith.constant 80 : index
    %swap3A_503 = tpu.vector_load %arg8[%swap3A_501, %swap3A_502] {strides = array<i32>} : memref<14x112xi32, #tpu.memory_space<vmem>>, vector<16xi32>,
    tpu.vector_store %arg8[%swap3A_501, %swap3A_502], %add3A_499 {strides = array<i32>} : memref<14x112xi32, #tpu.memory_space<vmem>>, vector<16xi32>,
    %add3A_504 = arith.constant 1 : i32
    %add3A_505 = arith.addi %sub3A_65, %add3A_504 : i32
    %get3A_506 = arith.constant 0 : i32
    %get3A_507 = arith.index_cast %get3A_506 : i32 to index
    %get3A_508 = arith.index_cast %add3A_505 : i32 to index
    %get3A_509 = arith.constant 96 : index
    %get3A_510 = tpu.vector_load %arg9[%get3A_507, %get3A_508, %get3A_509] {strides = array<i32>} : memref<2x24x112xi32, #tpu.memory_space<vmem>>, vector<16xi32>,
    %add3A_511 = arith.constant 1 : i32
    %add3A_512 = arith.addi %sub3A_65, %add3A_511 : i32
    %get3A_513 = arith.constant 1 : i32
    %get3A_514 = arith.index_cast %get3A_513 : i32 to index
    %get3A_515 = arith.index_cast %add3A_512 : i32 to index
    %get3A_516 = arith.constant 96 : index
    %get3A_517 = tpu.vector_load %arg9[%get3A_514, %get3A_515, %get3A_516] {strides = array<i32>} : memref<2x24x112xi32, #tpu.memory_space<vmem>>, vector<16xi32>,
    %mul3A_518 = arith.constant 2 : i32
    %mul3A_519 = vector.broadcast %mul3A_518 : i32 to vector<16xi32>
    %mul3A_520 = arith.muli %mul3A_519, %iota3A : vector<16xi32>
    %add3A_521 = arith.constant 192 : i32
    %add3A_522 = vector.broadcast %add3A_521 : i32 to vector<16xi32>
    %add3A_523 = arith.addi %add3A_522, %mul3A_520 : vector<16xi32>
    %add3A_524 = vector.broadcast %mul3A_305 : i32 to vector<16xi32>
    %add3A_525 = arith.addi %add3A_524, %get3A_510 : vector<16xi32>
    %mul3A_526 = arith.constant 224 : i32
    %mul3A_527 = vector.broadcast %mul3A_526 : i32 to vector<16xi32>
    %mul3A_528 = arith.muli %add3A_525, %mul3A_527 : vector<16xi32>
    %add3A_529 = vector.broadcast %mul3A_68 : i32 to vector<16xi32>
    %add3A_530 = arith.addi %add3A_529, %mul3A_528 : vector<16xi32>
    %add3A_531 = arith.addi %add3A_530, %add3A_523 : vector<16xi32>
    %add3A_532 = arith.addi %add3A_531, %get3A_517 : vector<16xi32>
    %swap3A_533 = arith.constant 1 : i32
    %swap3A_534 = arith.index_cast %swap3A_533 : i32 to index
    %swap3A_535 = arith.constant 96 : index
    %swap3A_536 = tpu.vector_load %arg8[%swap3A_534, %swap3A_535] {strides = array<i32>} : memref<14x112xi32, #tpu.memory_space<vmem>>, vector<16xi32>,
    tpu.vector_store %arg8[%swap3A_534, %swap3A_535], %add3A_532 {strides = array<i32>} : memref<14x112xi32, #tpu.memory_space<vmem>>, vector<16xi32>,
    %add3A_537 = arith.constant 2 : i32
    %add3A_538 = arith.addi %mul3A_32, %add3A_537 : i32
    %mul3A_539 = arith.constant 2 : i32
    %mul3A_540 = arith.muli %mul3A_539, %add3A_538 : i32
    %add3A_541 = arith.constant 2 : i32
    %add3A_542 = arith.addi %sub3A_65, %add3A_541 : i32
    %get3A_543 = arith.constant 0 : i32
    %get3A_544 = arith.index_cast %get3A_543 : i32 to index
    %get3A_545 = arith.index_cast %add3A_542 : i32 to index
    %get3A_546 = arith.constant 0 : index
    %get3A_547 = tpu.vector_load %arg9[%get3A_544, %get3A_545, %get3A_546] {strides = array<i32>} : memref<2x24x112xi32, #tpu.memory_space<vmem>>, vector<16xi32>,
    %add3A_548 = arith.constant 2 : i32
    %add3A_549 = arith.addi %sub3A_65, %add3A_548 : i32
    %get3A_550 = arith.constant 1 : i32
    %get3A_551 = arith.index_cast %get3A_550 : i32 to index
    %get3A_552 = arith.index_cast %add3A_549 : i32 to index
    %get3A_553 = arith.constant 0 : index
    %get3A_554 = tpu.vector_load %arg9[%get3A_551, %get3A_552, %get3A_553] {strides = array<i32>} : memref<2x24x112xi32, #tpu.memory_space<vmem>>, vector<16xi32>,
    %mul3A_555 = arith.constant 2 : i32
    %mul3A_556 = vector.broadcast %mul3A_555 : i32 to vector<16xi32>
    %mul3A_557 = arith.muli %mul3A_556, %iota3A : vector<16xi32>
    %add3A_558 = arith.constant 0 : i32
    %add3A_559 = vector.broadcast %add3A_558 : i32 to vector<16xi32>
    %add3A_560 = arith.addi %add3A_559, %mul3A_557 : vector<16xi32>
    %add3A_561 = vector.broadcast %mul3A_540 : i32 to vector<16xi32>
    %add3A_562 = arith.addi %add3A_561, %get3A_547 : vector<16xi32>
    %mul3A_563 = arith.constant 224 : i32
    %mul3A_564 = vector.broadcast %mul3A_563 : i32 to vector<16xi32>
    %mul3A_565 = arith.muli %add3A_562, %mul3A_564 : vector<16xi32>
    %add3A_566 = vector.broadcast %mul3A_68 : i32 to vector<16xi32>
    %add3A_567 = arith.addi %add3A_566, %mul3A_565 : vector<16xi32>
    %add3A_568 = arith.addi %add3A_567, %add3A_560 : vector<16xi32>
    %add3A_569 = arith.addi %add3A_568, %get3A_554 : vector<16xi32>
    %swap3A_570 = arith.constant 2 : i32
    %swap3A_571 = arith.index_cast %swap3A_570 : i32 to index
    %swap3A_572 = arith.constant 0 : index
    %swap3A_573 = tpu.vector_load %arg8[%swap3A_571, %swap3A_572] {strides = array<i32>} : memref<14x112xi32, #tpu.memory_space<vmem>>, vector<16xi32>,
    tpu.vector_store %arg8[%swap3A_571, %swap3A_572], %add3A_569 {strides = array<i32>} : memref<14x112xi32, #tpu.memory_space<vmem>>, vector<16xi32>,
    %add3A_574 = arith.constant 2 : i32
    %add3A_575 = arith.addi %sub3A_65, %add3A_574 : i32
    %get3A_576 = arith.constant 0 : i32
    %get3A_577 = arith.index_cast %get3A_576 : i32 to index
    %get3A_578 = arith.index_cast %add3A_575 : i32 to index
    %get3A_579 = arith.constant 16 : index
    %get3A_580 = tpu.vector_load %arg9[%get3A_577, %get3A_578, %get3A_579] {strides = array<i32>} : memref<2x24x112xi32, #tpu.memory_space<vmem>>, vector<16xi32>,
    %add3A_581 = arith.constant 2 : i32
    %add3A_582 = arith.addi %sub3A_65, %add3A_581 : i32
    %get3A_583 = arith.constant 1 : i32
    %get3A_584 = arith.index_cast %get3A_583 : i32 to index
    %get3A_585 = arith.index_cast %add3A_582 : i32 to index
    %get3A_586 = arith.constant 16 : index
    %get3A_587 = tpu.vector_load %arg9[%get3A_584, %get3A_585, %get3A_586] {strides = array<i32>} : memref<2x24x112xi32, #tpu.memory_space<vmem>>, vector<16xi32>,
    %mul3A_588 = arith.constant 2 : i32
    %mul3A_589 = vector.broadcast %mul3A_588 : i32 to vector<16xi32>
    %mul3A_590 = arith.muli %mul3A_589, %iota3A : vector<16xi32>
    %add3A_591 = arith.constant 32 : i32
    %add3A_592 = vector.broadcast %add3A_591 : i32 to vector<16xi32>
    %add3A_593 = arith.addi %add3A_592, %mul3A_590 : vector<16xi32>
    %add3A_594 = vector.broadcast %mul3A_540 : i32 to vector<16xi32>
    %add3A_595 = arith.addi %add3A_594, %get3A_580 : vector<16xi32>
    %mul3A_596 = arith.constant 224 : i32
    %mul3A_597 = vector.broadcast %mul3A_596 : i32 to vector<16xi32>
    %mul3A_598 = arith.muli %add3A_595, %mul3A_597 : vector<16xi32>
    %add3A_599 = vector.broadcast %mul3A_68 : i32 to vector<16xi32>
    %add3A_600 = arith.addi %add3A_599, %mul3A_598 : vector<16xi32>
    %add3A_601 = arith.addi %add3A_600, %add3A_593 : vector<16xi32>
    %add3A_602 = arith.addi %add3A_601, %get3A_587 : vector<16xi32>
    %swap3A_603 = arith.constant 2 : i32
    %swap3A_604 = arith.index_cast %swap3A_603 : i32 to index
    %swap3A_605 = arith.constant 16 : index
    %swap3A_606 = tpu.vector_load %arg8[%swap3A_604, %swap3A_605] {strides = array<i32>} : memref<14x112xi32, #tpu.memory_space<vmem>>, vector<16xi32>,
    tpu.vector_store %arg8[%swap3A_604, %swap3A_605], %add3A_602 {strides = array<i32>} : memref<14x112xi32, #tpu.memory_space<vmem>>, vector<16xi32>,
    %add3A_607 = arith.constant 2 : i32
    %add3A_608 = arith.addi %sub3A_65, %add3A_607 : i32
    %get3A_609 = arith.constant 0 : i32
    %get3A_610 = arith.index_cast %get3A_609 : i32 to index
    %get3A_611 = arith.index_cast %add3A_608 : i32 to index
    %get3A_612 = arith.constant 32 : index
    %get3A_613 = tpu.vector_load %arg9[%get3A_610, %get3A_611, %get3A_612] {strides = array<i32>} : memref<2x24x112xi32, #tpu.memory_space<vmem>>, vector<16xi32>,
    %add3A_614 = arith.constant 2 : i32
    %add3A_615 = arith.addi %sub3A_65, %add3A_614 : i32
    %get3A_616 = arith.constant 1 : i32
    %get3A_617 = arith.index_cast %get3A_616 : i32 to index
    %get3A_618 = arith.index_cast %add3A_615 : i32 to index
    %get3A_619 = arith.constant 32 : index
    %get3A_620 = tpu.vector_load %arg9[%get3A_617, %get3A_618, %get3A_619] {strides = array<i32>} : memref<2x24x112xi32, #tpu.memory_space<vmem>>, vector<16xi32>,
    %mul3A_621 = arith.constant 2 : i32
    %mul3A_622 = vector.broadcast %mul3A_621 : i32 to vector<16xi32>
    %mul3A_623 = arith.muli %mul3A_622, %iota3A : vector<16xi32>
    %add3A_624 = arith.constant 64 : i32
    %add3A_625 = vector.broadcast %add3A_624 : i32 to vector<16xi32>
    %add3A_626 = arith.addi %add3A_625, %mul3A_623 : vector<16xi32>
    %add3A_627 = vector.broadcast %mul3A_540 : i32 to vector<16xi32>
    %add3A_628 = arith.addi %add3A_627, %get3A_613 : vector<16xi32>
    %mul3A_629 = arith.constant 224 : i32
    %mul3A_630 = vector.broadcast %mul3A_629 : i32 to vector<16xi32>
    %mul3A_631 = arith.muli %add3A_628, %mul3A_630 : vector<16xi32>
    %add3A_632 = vector.broadcast %mul3A_68 : i32 to vector<16xi32>
    %add3A_633 = arith.addi %add3A_632, %mul3A_631 : vector<16xi32>
    %add3A_634 = arith.addi %add3A_633, %add3A_626 : vector<16xi32>
    %add3A_635 = arith.addi %add3A_634, %get3A_620 : vector<16xi32>
    %swap3A_636 = arith.constant 2 : i32
    %swap3A_637 = arith.index_cast %swap3A_636 : i32 to index
    %swap3A_638 = arith.constant 32 : index
    %swap3A_639 = tpu.vector_load %arg8[%swap3A_637, %swap3A_638] {strides = array<i32>} : memref<14x112xi32, #tpu.memory_space<vmem>>, vector<16xi32>,
    tpu.vector_store %arg8[%swap3A_637, %swap3A_638], %add3A_635 {strides = array<i32>} : memref<14x112xi32, #tpu.memory_space<vmem>>, vector<16xi32>,
    %add3A_640 = arith.constant 2 : i32
    %add3A_641 = arith.addi %sub3A_65, %add3A_640 : i32
    %get3A_642 = arith.constant 0 : i32
    %get3A_643 = arith.index_cast %get3A_642 : i32 to index
    %get3A_644 = arith.index_cast %add3A_641 : i32 to index
    %get3A_645 = arith.constant 48 : index
    %get3A_646 = tpu.vector_load %arg9[%get3A_643, %get3A_644, %get3A_645] {strides = array<i32>} : memref<2x24x112xi32, #tpu.memory_space<vmem>>, vector<16xi32>,
    %add3A_647 = arith.constant 2 : i32
    %add3A_648 = arith.addi %sub3A_65, %add3A_647 : i32
    %get3A_649 = arith.constant 1 : i32
    %get3A_650 = arith.index_cast %get3A_649 : i32 to index
    %get3A_651 = arith.index_cast %add3A_648 : i32 to index
    %get3A_652 = arith.constant 48 : index
    %get3A_653 = tpu.vector_load %arg9[%get3A_650, %get3A_651, %get3A_652] {strides = array<i32>} : memref<2x24x112xi32, #tpu.memory_space<vmem>>, vector<16xi32>,
    %mul3A_654 = arith.constant 2 : i32
    %mul3A_655 = vector.broadcast %mul3A_654 : i32 to vector<16xi32>
    %mul3A_656 = arith.muli %mul3A_655, %iota3A : vector<16xi32>
    %add3A_657 = arith.constant 96 : i32
    %add3A_658 = vector.broadcast %add3A_657 : i32 to vector<16xi32>
    %add3A_659 = arith.addi %add3A_658, %mul3A_656 : vector<16xi32>
    %add3A_660 = vector.broadcast %mul3A_540 : i32 to vector<16xi32>
    %add3A_661 = arith.addi %add3A_660, %get3A_646 : vector<16xi32>
    %mul3A_662 = arith.constant 224 : i32
    %mul3A_663 = vector.broadcast %mul3A_662 : i32 to vector<16xi32>
    %mul3A_664 = arith.muli %add3A_661, %mul3A_663 : vector<16xi32>
    %add3A_665 = vector.broadcast %mul3A_68 : i32 to vector<16xi32>
    %add3A_666 = arith.addi %add3A_665, %mul3A_664 : vector<16xi32>
    %add3A_667 = arith.addi %add3A_666, %add3A_659 : vector<16xi32>
    %add3A_668 = arith.addi %add3A_667, %get3A_653 : vector<16xi32>
    %swap3A_669 = arith.constant 2 : i32
    %swap3A_670 = arith.index_cast %swap3A_669 : i32 to index
    %swap3A_671 = arith.constant 48 : index
    %swap3A_672 = tpu.vector_load %arg8[%swap3A_670, %swap3A_671] {strides = array<i32>} : memref<14x112xi32, #tpu.memory_space<vmem>>, vector<16xi32>,
    tpu.vector_store %arg8[%swap3A_670, %swap3A_671], %add3A_668 {strides = array<i32>} : memref<14x112xi32, #tpu.memory_space<vmem>>, vector<16xi32>,
    %add3A_673 = arith.constant 2 : i32
    %add3A_674 = arith.addi %sub3A_65, %add3A_673 : i32
    %get3A_675 = arith.constant 0 : i32
    %get3A_676 = arith.index_cast %get3A_675 : i32 to index
    %get3A_677 = arith.index_cast %add3A_674 : i32 to index
    %get3A_678 = arith.constant 64 : index
    %get3A_679 = tpu.vector_load %arg9[%get3A_676, %get3A_677, %get3A_678] {strides = array<i32>} : memref<2x24x112xi32, #tpu.memory_space<vmem>>, vector<16xi32>,
    %add3A_680 = arith.constant 2 : i32
    %add3A_681 = arith.addi %sub3A_65, %add3A_680 : i32
    %get3A_682 = arith.constant 1 : i32
    %get3A_683 = arith.index_cast %get3A_682 : i32 to index
    %get3A_684 = arith.index_cast %add3A_681 : i32 to index
    %get3A_685 = arith.constant 64 : index
    %get3A_686 = tpu.vector_load %arg9[%get3A_683, %get3A_684, %get3A_685] {strides = array<i32>} : memref<2x24x112xi32, #tpu.memory_space<vmem>>, vector<16xi32>,
    %mul3A_687 = arith.constant 2 : i32
    %mul3A_688 = vector.broadcast %mul3A_687 : i32 to vector<16xi32>
    %mul3A_689 = arith.muli %mul3A_688, %iota3A : vector<16xi32>
    %add3A_690 = arith.constant 128 : i32
    %add3A_691 = vector.broadcast %add3A_690 : i32 to vector<16xi32>
    %add3A_692 = arith.addi %add3A_691, %mul3A_689 : vector<16xi32>
    %add3A_693 = vector.broadcast %mul3A_540 : i32 to vector<16xi32>
    %add3A_694 = arith.addi %add3A_693, %get3A_679 : vector<16xi32>
    %mul3A_695 = arith.constant 224 : i32
    %mul3A_696 = vector.broadcast %mul3A_695 : i32 to vector<16xi32>
    %mul3A_697 = arith.muli %add3A_694, %mul3A_696 : vector<16xi32>
    %add3A_698 = vector.broadcast %mul3A_68 : i32 to vector<16xi32>
    %add3A_699 = arith.addi %add3A_698, %mul3A_697 : vector<16xi32>
    %add3A_700 = arith.addi %add3A_699, %add3A_692 : vector<16xi32>
    %add3A_701 = arith.addi %add3A_700, %get3A_686 : vector<16xi32>
    %swap3A_702 = arith.constant 2 : i32
    %swap3A_703 = arith.index_cast %swap3A_702 : i32 to index
    %swap3A_704 = arith.constant 64 : index
    %swap3A_705 = tpu.vector_load %arg8[%swap3A_703, %swap3A_704] {strides = array<i32>} : memref<14x112xi32, #tpu.memory_space<vmem>>, vector<16xi32>,
    tpu.vector_store %arg8[%swap3A_703, %swap3A_704], %add3A_701 {strides = array<i32>} : memref<14x112xi32, #tpu.memory_space<vmem>>, vector<16xi32>,
    %add3A_706 = arith.constant 2 : i32
    %add3A_707 = arith.addi %sub3A_65, %add3A_706 : i32
    %get3A_708 = arith.constant 0 : i32
    %get3A_709 = arith.index_cast %get3A_708 : i32 to index
    %get3A_710 = arith.index_cast %add3A_707 : i32 to index
    %get3A_711 = arith.constant 80 : index
    %get3A_712 = tpu.vector_load %arg9[%get3A_709, %get3A_710, %get3A_711] {strides = array<i32>} : memref<2x24x112xi32, #tpu.memory_space<vmem>>, vector<16xi32>,
    %add3A_713 = arith.constant 2 : i32
    %add3A_714 = arith.addi %sub3A_65, %add3A_713 : i32
    %get3A_715 = arith.constant 1 : i32
    %get3A_716 = arith.index_cast %get3A_715 : i32 to index
    %get3A_717 = arith.index_cast %add3A_714 : i32 to index
    %get3A_718 = arith.constant 80 : index
    %get3A_719 = tpu.vector_load %arg9[%get3A_716, %get3A_717, %get3A_718] {strides = array<i32>} : memref<2x24x112xi32, #tpu.memory_space<vmem>>, vector<16xi32>,
    %mul3A_720 = arith.constant 2 : i32
    %mul3A_721 = vector.broadcast %mul3A_720 : i32 to vector<16xi32>
    %mul3A_722 = arith.muli %mul3A_721, %iota3A : vector<16xi32>
    %add3A_723 = arith.constant 160 : i32
    %add3A_724 = vector.broadcast %add3A_723 : i32 to vector<16xi32>
    %add3A_725 = arith.addi %add3A_724, %mul3A_722 : vector<16xi32>
    %add3A_726 = vector.broadcast %mul3A_540 : i32 to vector<16xi32>
    %add3A_727 = arith.addi %add3A_726, %get3A_712 : vector<16xi32>
    %mul3A_728 = arith.constant 224 : i32
    %mul3A_729 = vector.broadcast %mul3A_728 : i32 to vector<16xi32>
    %mul3A_730 = arith.muli %add3A_727, %mul3A_729 : vector<16xi32>
    %add3A_731 = vector.broadcast %mul3A_68 : i32 to vector<16xi32>
    %add3A_732 = arith.addi %add3A_731, %mul3A_730 : vector<16xi32>
    %add3A_733 = arith.addi %add3A_732, %add3A_725 : vector<16xi32>
    %add3A_734 = arith.addi %add3A_733, %get3A_719 : vector<16xi32>
    %swap3A_735 = arith.constant 2 : i32
    %swap3A_736 = arith.index_cast %swap3A_735 : i32 to index
    %swap3A_737 = arith.constant 80 : index
    %swap3A_738 = tpu.vector_load %arg8[%swap3A_736, %swap3A_737] {strides = array<i32>} : memref<14x112xi32, #tpu.memory_space<vmem>>, vector<16xi32>,
    tpu.vector_store %arg8[%swap3A_736, %swap3A_737], %add3A_734 {strides = array<i32>} : memref<14x112xi32, #tpu.memory_space<vmem>>, vector<16xi32>,
    %add3A_739 = arith.constant 2 : i32
    %add3A_740 = arith.addi %sub3A_65, %add3A_739 : i32
    %get3A_741 = arith.constant 0 : i32
    %get3A_742 = arith.index_cast %get3A_741 : i32 to index
    %get3A_743 = arith.index_cast %add3A_740 : i32 to index
    %get3A_744 = arith.constant 96 : index
    %get3A_745 = tpu.vector_load %arg9[%get3A_742, %get3A_743, %get3A_744] {strides = array<i32>} : memref<2x24x112xi32, #tpu.memory_space<vmem>>, vector<16xi32>,
    %add3A_746 = arith.constant 2 : i32
    %add3A_747 = arith.addi %sub3A_65, %add3A_746 : i32
    %get3A_748 = arith.constant 1 : i32
    %get3A_749 = arith.index_cast %get3A_748 : i32 to index
    %get3A_750 = arith.index_cast %add3A_747 : i32 to index
    %get3A_751 = arith.constant 96 : index
    %get3A_752 = tpu.vector_load %arg9[%get3A_749, %get3A_750, %get3A_751] {strides = array<i32>} : memref<2x24x112xi32, #tpu.memory_space<vmem>>, vector<16xi32>,
    %mul3A_753 = arith.constant 2 : i32
    %mul3A_754 = vector.broadcast %mul3A_753 : i32 to vector<16xi32>
    %mul3A_755 = arith.muli %mul3A_754, %iota3A : vector<16xi32>
    %add3A_756 = arith.constant 192 : i32
    %add3A_757 = vector.broadcast %add3A_756 : i32 to vector<16xi32>
    %add3A_758 = arith.addi %add3A_757, %mul3A_755 : vector<16xi32>
    %add3A_759 = vector.broadcast %mul3A_540 : i32 to vector<16xi32>
    %add3A_760 = arith.addi %add3A_759, %get3A_745 : vector<16xi32>
    %mul3A_761 = arith.constant 224 : i32
    %mul3A_762 = vector.broadcast %mul3A_761 : i32 to vector<16xi32>
    %mul3A_763 = arith.muli %add3A_760, %mul3A_762 : vector<16xi32>
    %add3A_764 = vector.broadcast %mul3A_68 : i32 to vector<16xi32>
    %add3A_765 = arith.addi %add3A_764, %mul3A_763 : vector<16xi32>
    %add3A_766 = arith.addi %add3A_765, %add3A_758 : vector<16xi32>
    %add3A_767 = arith.addi %add3A_766, %get3A_752 : vector<16xi32>
    %swap3A_768 = arith.constant 2 : i32
    %swap3A_769 = arith.index_cast %swap3A_768 : i32 to index
    %swap3A_770 = arith.constant 96 : index
    %swap3A_771 = tpu.vector_load %arg8[%swap3A_769, %swap3A_770] {strides = array<i32>} : memref<14x112xi32, #tpu.memory_space<vmem>>, vector<16xi32>,
    tpu.vector_store %arg8[%swap3A_769, %swap3A_770], %add3A_767 {strides = array<i32>} : memref<14x112xi32, #tpu.memory_space<vmem>>, vector<16xi32>,
    %add3A_772 = arith.constant 3 : i32
    %add3A_773 = arith.addi %mul3A_32, %add3A_772 : i32
    %mul3A_774 = arith.constant 2 : i32
    %mul3A_775 = arith.muli %mul3A_774, %add3A_773 : i32
    %add3A_776 = arith.constant 3 : i32
    %add3A_777 = arith.addi %sub3A_65, %add3A_776 : i32
    %get3A_778 = arith.constant 0 : i32
    %get3A_779 = arith.index_cast %get3A_778 : i32 to index
    %get3A_780 = arith.index_cast %add3A_777 : i32 to index
    %get3A_781 = arith.constant 0 : index
    %get3A_782 = tpu.vector_load %arg9[%get3A_779, %get3A_780, %get3A_781] {strides = array<i32>} : memref<2x24x112xi32, #tpu.memory_space<vmem>>, vector<16xi32>,
    %add3A_783 = arith.constant 3 : i32
    %add3A_784 = arith.addi %sub3A_65, %add3A_783 : i32
    %get3A_785 = arith.constant 1 : i32
    %get3A_786 = arith.index_cast %get3A_785 : i32 to index
    %get3A_787 = arith.index_cast %add3A_784 : i32 to index
    %get3A_788 = arith.constant 0 : index
    %get3A_789 = tpu.vector_load %arg9[%get3A_786, %get3A_787, %get3A_788] {strides = array<i32>} : memref<2x24x112xi32, #tpu.memory_space<vmem>>, vector<16xi32>,
    %mul3A_790 = arith.constant 2 : i32
    %mul3A_791 = vector.broadcast %mul3A_790 : i32 to vector<16xi32>
    %mul3A_792 = arith.muli %mul3A_791, %iota3A : vector<16xi32>
    %add3A_793 = arith.constant 0 : i32
    %add3A_794 = vector.broadcast %add3A_793 : i32 to vector<16xi32>
    %add3A_795 = arith.addi %add3A_794, %mul3A_792 : vector<16xi32>
    %add3A_796 = vector.broadcast %mul3A_775 : i32 to vector<16xi32>
    %add3A_797 = arith.addi %add3A_796, %get3A_782 : vector<16xi32>
    %mul3A_798 = arith.constant 224 : i32
    %mul3A_799 = vector.broadcast %mul3A_798 : i32 to vector<16xi32>
    %mul3A_800 = arith.muli %add3A_797, %mul3A_799 : vector<16xi32>
    %add3A_801 = vector.broadcast %mul3A_68 : i32 to vector<16xi32>
    %add3A_802 = arith.addi %add3A_801, %mul3A_800 : vector<16xi32>
    %add3A_803 = arith.addi %add3A_802, %add3A_795 : vector<16xi32>
    %add3A_804 = arith.addi %add3A_803, %get3A_789 : vector<16xi32>
    %swap3A_805 = arith.constant 3 : i32
    %swap3A_806 = arith.index_cast %swap3A_805 : i32 to index
    %swap3A_807 = arith.constant 0 : index
    %swap3A_808 = tpu.vector_load %arg8[%swap3A_806, %swap3A_807] {strides = array<i32>} : memref<14x112xi32, #tpu.memory_space<vmem>>, vector<16xi32>,
    tpu.vector_store %arg8[%swap3A_806, %swap3A_807], %add3A_804 {strides = array<i32>} : memref<14x112xi32, #tpu.memory_space<vmem>>, vector<16xi32>,
    %add3A_809 = arith.constant 3 : i32
    %add3A_810 = arith.addi %sub3A_65, %add3A_809 : i32
    %get3A_811 = arith.constant 0 : i32
    %get3A_812 = arith.index_cast %get3A_811 : i32 to index
    %get3A_813 = arith.index_cast %add3A_810 : i32 to index
    %get3A_814 = arith.constant 16 : index
    %get3A_815 = tpu.vector_load %arg9[%get3A_812, %get3A_813, %get3A_814] {strides = array<i32>} : memref<2x24x112xi32, #tpu.memory_space<vmem>>, vector<16xi32>,
    %add3A_816 = arith.constant 3 : i32
    %add3A_817 = arith.addi %sub3A_65, %add3A_816 : i32
    %get3A_818 = arith.constant 1 : i32
    %get3A_819 = arith.index_cast %get3A_818 : i32 to index
    %get3A_820 = arith.index_cast %add3A_817 : i32 to index
    %get3A_821 = arith.constant 16 : index
    %get3A_822 = tpu.vector_load %arg9[%get3A_819, %get3A_820, %get3A_821] {strides = array<i32>} : memref<2x24x112xi32, #tpu.memory_space<vmem>>, vector<16xi32>,
    %mul3A_823 = arith.constant 2 : i32
    %mul3A_824 = vector.broadcast %mul3A_823 : i32 to vector<16xi32>
    %mul3A_825 = arith.muli %mul3A_824, %iota3A : vector<16xi32>
    %add3A_826 = arith.constant 32 : i32
    %add3A_827 = vector.broadcast %add3A_826 : i32 to vector<16xi32>
    %add3A_828 = arith.addi %add3A_827, %mul3A_825 : vector<16xi32>
    %add3A_829 = vector.broadcast %mul3A_775 : i32 to vector<16xi32>
    %add3A_830 = arith.addi %add3A_829, %get3A_815 : vector<16xi32>
    %mul3A_831 = arith.constant 224 : i32
    %mul3A_832 = vector.broadcast %mul3A_831 : i32 to vector<16xi32>
    %mul3A_833 = arith.muli %add3A_830, %mul3A_832 : vector<16xi32>
    %add3A_834 = vector.broadcast %mul3A_68 : i32 to vector<16xi32>
    %add3A_835 = arith.addi %add3A_834, %mul3A_833 : vector<16xi32>
    %add3A_836 = arith.addi %add3A_835, %add3A_828 : vector<16xi32>
    %add3A_837 = arith.addi %add3A_836, %get3A_822 : vector<16xi32>
    %swap3A_838 = arith.constant 3 : i32
    %swap3A_839 = arith.index_cast %swap3A_838 : i32 to index
    %swap3A_840 = arith.constant 16 : index
    %swap3A_841 = tpu.vector_load %arg8[%swap3A_839, %swap3A_840] {strides = array<i32>} : memref<14x112xi32, #tpu.memory_space<vmem>>, vector<16xi32>,
    tpu.vector_store %arg8[%swap3A_839, %swap3A_840], %add3A_837 {strides = array<i32>} : memref<14x112xi32, #tpu.memory_space<vmem>>, vector<16xi32>,
    %add3A_842 = arith.constant 3 : i32
    %add3A_843 = arith.addi %sub3A_65, %add3A_842 : i32
    %get3A_844 = arith.constant 0 : i32
    %get3A_845 = arith.index_cast %get3A_844 : i32 to index
    %get3A_846 = arith.index_cast %add3A_843 : i32 to index
    %get3A_847 = arith.constant 32 : index
    %get3A_848 = tpu.vector_load %arg9[%get3A_845, %get3A_846, %get3A_847] {strides = array<i32>} : memref<2x24x112xi32, #tpu.memory_space<vmem>>, vector<16xi32>,
    %add3A_849 = arith.constant 3 : i32
    %add3A_850 = arith.addi %sub3A_65, %add3A_849 : i32
    %get3A_851 = arith.constant 1 : i32
    %get3A_852 = arith.index_cast %get3A_851 : i32 to index
    %get3A_853 = arith.index_cast %add3A_850 : i32 to index
    %get3A_854 = arith.constant 32 : index
    %get3A_855 = tpu.vector_load %arg9[%get3A_852, %get3A_853, %get3A_854] {strides = array<i32>} : memref<2x24x112xi32, #tpu.memory_space<vmem>>, vector<16xi32>,
    %mul3A_856 = arith.constant 2 : i32
    %mul3A_857 = vector.broadcast %mul3A_856 : i32 to vector<16xi32>
    %mul3A_858 = arith.muli %mul3A_857, %iota3A : vector<16xi32>
    %add3A_859 = arith.constant 64 : i32
    %add3A_860 = vector.broadcast %add3A_859 : i32 to vector<16xi32>
    %add3A_861 = arith.addi %add3A_860, %mul3A_858 : vector<16xi32>
    %add3A_862 = vector.broadcast %mul3A_775 : i32 to vector<16xi32>
    %add3A_863 = arith.addi %add3A_862, %get3A_848 : vector<16xi32>
    %mul3A_864 = arith.constant 224 : i32
    %mul3A_865 = vector.broadcast %mul3A_864 : i32 to vector<16xi32>
    %mul3A_866 = arith.muli %add3A_863, %mul3A_865 : vector<16xi32>
    %add3A_867 = vector.broadcast %mul3A_68 : i32 to vector<16xi32>
    %add3A_868 = arith.addi %add3A_867, %mul3A_866 : vector<16xi32>
    %add3A_869 = arith.addi %add3A_868, %add3A_861 : vector<16xi32>
    %add3A_870 = arith.addi %add3A_869, %get3A_855 : vector<16xi32>
    %swap3A_871 = arith.constant 3 : i32
    %swap3A_872 = arith.index_cast %swap3A_871 : i32 to index
    %swap3A_873 = arith.constant 32 : index
    %swap3A_874 = tpu.vector_load %arg8[%swap3A_872, %swap3A_873] {strides = array<i32>} : memref<14x112xi32, #tpu.memory_space<vmem>>, vector<16xi32>,
    tpu.vector_store %arg8[%swap3A_872, %swap3A_873], %add3A_870 {strides = array<i32>} : memref<14x112xi32, #tpu.memory_space<vmem>>, vector<16xi32>,
    %add3A_875 = arith.constant 3 : i32
    %add3A_876 = arith.addi %sub3A_65, %add3A_875 : i32
    %get3A_877 = arith.constant 0 : i32
    %get3A_878 = arith.index_cast %get3A_877 : i32 to index
    %get3A_879 = arith.index_cast %add3A_876 : i32 to index
    %get3A_880 = arith.constant 48 : index
    %get3A_881 = tpu.vector_load %arg9[%get3A_878, %get3A_879, %get3A_880] {strides = array<i32>} : memref<2x24x112xi32, #tpu.memory_space<vmem>>, vector<16xi32>,
    %add3A_882 = arith.constant 3 : i32
    %add3A_883 = arith.addi %sub3A_65, %add3A_882 : i32
    %get3A_884 = arith.constant 1 : i32
    %get3A_885 = arith.index_cast %get3A_884 : i32 to index
    %get3A_886 = arith.index_cast %add3A_883 : i32 to index
    %get3A_887 = arith.constant 48 : index
    %get3A_888 = tpu.vector_load %arg9[%get3A_885, %get3A_886, %get3A_887] {strides = array<i32>} : memref<2x24x112xi32, #tpu.memory_space<vmem>>, vector<16xi32>,
    %mul3A_889 = arith.constant 2 : i32
    %mul3A_890 = vector.broadcast %mul3A_889 : i32 to vector<16xi32>
    %mul3A_891 = arith.muli %mul3A_890, %iota3A : vector<16xi32>
    %add3A_892 = arith.constant 96 : i32
    %add3A_893 = vector.broadcast %add3A_892 : i32 to vector<16xi32>
    %add3A_894 = arith.addi %add3A_893, %mul3A_891 : vector<16xi32>
    %add3A_895 = vector.broadcast %mul3A_775 : i32 to vector<16xi32>
    %add3A_896 = arith.addi %add3A_895, %get3A_881 : vector<16xi32>
    %mul3A_897 = arith.constant 224 : i32
    %mul3A_898 = vector.broadcast %mul3A_897 : i32 to vector<16xi32>
    %mul3A_899 = arith.muli %add3A_896, %mul3A_898 : vector<16xi32>
    %add3A_900 = vector.broadcast %mul3A_68 : i32 to vector<16xi32>
    %add3A_901 = arith.addi %add3A_900, %mul3A_899 : vector<16xi32>
    %add3A_902 = arith.addi %add3A_901, %add3A_894 : vector<16xi32>
    %add3A_903 = arith.addi %add3A_902, %get3A_888 : vector<16xi32>
    %swap3A_904 = arith.constant 3 : i32
    %swap3A_905 = arith.index_cast %swap3A_904 : i32 to index
    %swap3A_906 = arith.constant 48 : index
    %swap3A_907 = tpu.vector_load %arg8[%swap3A_905, %swap3A_906] {strides = array<i32>} : memref<14x112xi32, #tpu.memory_space<vmem>>, vector<16xi32>,
    tpu.vector_store %arg8[%swap3A_905, %swap3A_906], %add3A_903 {strides = array<i32>} : memref<14x112xi32, #tpu.memory_space<vmem>>, vector<16xi32>,
    %add3A_908 = arith.constant 3 : i32
    %add3A_909 = arith.addi %sub3A_65, %add3A_908 : i32
    %get3A_910 = arith.constant 0 : i32
    %get3A_911 = arith.index_cast %get3A_910 : i32 to index
    %get3A_912 = arith.index_cast %add3A_909 : i32 to index
    %get3A_913 = arith.constant 64 : index
    %get3A_914 = tpu.vector_load %arg9[%get3A_911, %get3A_912, %get3A_913] {strides = array<i32>} : memref<2x24x112xi32, #tpu.memory_space<vmem>>, vector<16xi32>,
    %add3A_915 = arith.constant 3 : i32
    %add3A_916 = arith.addi %sub3A_65, %add3A_915 : i32
    %get3A_917 = arith.constant 1 : i32
    %get3A_918 = arith.index_cast %get3A_917 : i32 to index
    %get3A_919 = arith.index_cast %add3A_916 : i32 to index
    %get3A_920 = arith.constant 64 : index
    %get3A_921 = tpu.vector_load %arg9[%get3A_918, %get3A_919, %get3A_920] {strides = array<i32>} : memref<2x24x112xi32, #tpu.memory_space<vmem>>, vector<16xi32>,
    %mul3A_922 = arith.constant 2 : i32
    %mul3A_923 = vector.broadcast %mul3A_922 : i32 to vector<16xi32>
    %mul3A_924 = arith.muli %mul3A_923, %iota3A : vector<16xi32>
    %add3A_925 = arith.constant 128 : i32
    %add3A_926 = vector.broadcast %add3A_925 : i32 to vector<16xi32>
    %add3A_927 = arith.addi %add3A_926, %mul3A_924 : vector<16xi32>
    %add3A_928 = vector.broadcast %mul3A_775 : i32 to vector<16xi32>
    %add3A_929 = arith.addi %add3A_928, %get3A_914 : vector<16xi32>
    %mul3A_930 = arith.constant 224 : i32
    %mul3A_931 = vector.broadcast %mul3A_930 : i32 to vector<16xi32>
    %mul3A_932 = arith.muli %add3A_929, %mul3A_931 : vector<16xi32>
    %add3A_933 = vector.broadcast %mul3A_68 : i32 to vector<16xi32>
    %add3A_934 = arith.addi %add3A_933, %mul3A_932 : vector<16xi32>
    %add3A_935 = arith.addi %add3A_934, %add3A_927 : vector<16xi32>
    %add3A_936 = arith.addi %add3A_935, %get3A_921 : vector<16xi32>
    %swap3A_937 = arith.constant 3 : i32
    %swap3A_938 = arith.index_cast %swap3A_937 : i32 to index
    %swap3A_939 = arith.constant 64 : index
    %swap3A_940 = tpu.vector_load %arg8[%swap3A_938, %swap3A_939] {strides = array<i32>} : memref<14x112xi32, #tpu.memory_space<vmem>>, vector<16xi32>,
    tpu.vector_store %arg8[%swap3A_938, %swap3A_939], %add3A_936 {strides = array<i32>} : memref<14x112xi32, #tpu.memory_space<vmem>>, vector<16xi32>,
    %add3A_941 = arith.constant 3 : i32
    %add3A_942 = arith.addi %sub3A_65, %add3A_941 : i32
    %get3A_943 = arith.constant 0 : i32
    %get3A_944 = arith.index_cast %get3A_943 : i32 to index
    %get3A_945 = arith.index_cast %add3A_942 : i32 to index
    %get3A_946 = arith.constant 80 : index
    %get3A_947 = tpu.vector_load %arg9[%get3A_944, %get3A_945, %get3A_946] {strides = array<i32>} : memref<2x24x112xi32, #tpu.memory_space<vmem>>, vector<16xi32>,
    %add3A_948 = arith.constant 3 : i32
    %add3A_949 = arith.addi %sub3A_65, %add3A_948 : i32
    %get3A_950 = arith.constant 1 : i32
    %get3A_951 = arith.index_cast %get3A_950 : i32 to index
    %get3A_952 = arith.index_cast %add3A_949 : i32 to index
    %get3A_953 = arith.constant 80 : index
    %get3A_954 = tpu.vector_load %arg9[%get3A_951, %get3A_952, %get3A_953] {strides = array<i32>} : memref<2x24x112xi32, #tpu.memory_space<vmem>>, vector<16xi32>,
    %mul3A_955 = arith.constant 2 : i32
    %mul3A_956 = vector.broadcast %mul3A_955 : i32 to vector<16xi32>
    %mul3A_957 = arith.muli %mul3A_956, %iota3A : vector<16xi32>
    %add3A_958 = arith.constant 160 : i32
    %add3A_959 = vector.broadcast %add3A_958 : i32 to vector<16xi32>
    %add3A_960 = arith.addi %add3A_959, %mul3A_957 : vector<16xi32>
    %add3A_961 = vector.broadcast %mul3A_775 : i32 to vector<16xi32>
    %add3A_962 = arith.addi %add3A_961, %get3A_947 : vector<16xi32>
    %mul3A_963 = arith.constant 224 : i32
    %mul3A_964 = vector.broadcast %mul3A_963 : i32 to vector<16xi32>
    %mul3A_965 = arith.muli %add3A_962, %mul3A_964 : vector<16xi32>
    %add3A_966 = vector.broadcast %mul3A_68 : i32 to vector<16xi32>
    %add3A_967 = arith.addi %add3A_966, %mul3A_965 : vector<16xi32>
    %add3A_968 = arith.addi %add3A_967, %add3A_960 : vector<16xi32>
    %add3A_969 = arith.addi %add3A_968, %get3A_954 : vector<16xi32>
    %swap3A_970 = arith.constant 3 : i32
    %swap3A_971 = arith.index_cast %swap3A_970 : i32 to index
    %swap3A_972 = arith.constant 80 : index
    %swap3A_973 = tpu.vector_load %arg8[%swap3A_971, %swap3A_972] {strides = array<i32>} : memref<14x112xi32, #tpu.memory_space<vmem>>, vector<16xi32>,
    tpu.vector_store %arg8[%swap3A_971, %swap3A_972], %add3A_969 {strides = array<i32>} : memref<14x112xi32, #tpu.memory_space<vmem>>, vector<16xi32>,
    %add3A_974 = arith.constant 3 : i32
    %add3A_975 = arith.addi %sub3A_65, %add3A_974 : i32
    %get3A_976 = arith.constant 0 : i32
    %get3A_977 = arith.index_cast %get3A_976 : i32 to index
    %get3A_978 = arith.index_cast %add3A_975 : i32 to index
    %get3A_979 = arith.constant 96 : index
    %get3A_980 = tpu.vector_load %arg9[%get3A_977, %get3A_978, %get3A_979] {strides = array<i32>} : memref<2x24x112xi32, #tpu.memory_space<vmem>>, vector<16xi32>,
    %add3A_981 = arith.constant 3 : i32
    %add3A_982 = arith.addi %sub3A_65, %add3A_981 : i32
    %get3A_983 = arith.constant 1 : i32
    %get3A_984 = arith.index_cast %get3A_983 : i32 to index
    %get3A_985 = arith.index_cast %add3A_982 : i32 to index
    %get3A_986 = arith.constant 96 : index
    %get3A_987 = tpu.vector_load %arg9[%get3A_984, %get3A_985, %get3A_986] {strides = array<i32>} : memref<2x24x112xi32, #tpu.memory_space<vmem>>, vector<16xi32>,
    %mul3A_988 = arith.constant 2 : i32
    %mul3A_989 = vector.broadcast %mul3A_988 : i32 to vector<16xi32>
    %mul3A_990 = arith.muli %mul3A_989, %iota3A : vector<16xi32>
    %add3A_991 = arith.constant 192 : i32
    %add3A_992 = vector.broadcast %add3A_991 : i32 to vector<16xi32>
    %add3A_993 = arith.addi %add3A_992, %mul3A_990 : vector<16xi32>
    %add3A_994 = vector.broadcast %mul3A_775 : i32 to vector<16xi32>
    %add3A_995 = arith.addi %add3A_994, %get3A_980 : vector<16xi32>
    %mul3A_996 = arith.constant 224 : i32
    %mul3A_997 = vector.broadcast %mul3A_996 : i32 to vector<16xi32>
    %mul3A_998 = arith.muli %add3A_995, %mul3A_997 : vector<16xi32>
    %add3A_999 = vector.broadcast %mul3A_68 : i32 to vector<16xi32>
    %add3A_1000 = arith.addi %add3A_999, %mul3A_998 : vector<16xi32>
    %add3A_1001 = arith.addi %add3A_1000, %add3A_993 : vector<16xi32>
    %add3A_1002 = arith.addi %add3A_1001, %get3A_987 : vector<16xi32>
    %swap3A_1003 = arith.constant 3 : i32
    %swap3A_1004 = arith.index_cast %swap3A_1003 : i32 to index
    %swap3A_1005 = arith.constant 96 : index
    %swap3A_1006 = tpu.vector_load %arg8[%swap3A_1004, %swap3A_1005] {strides = array<i32>} : memref<14x112xi32, #tpu.memory_space<vmem>>, vector<16xi32>,
    tpu.vector_store %arg8[%swap3A_1004, %swap3A_1005], %add3A_1002 {strides = array<i32>} : memref<14x112xi32, #tpu.memory_space<vmem>>, vector<16xi32>,
    %add3A_1007 = arith.constant 4 : i32
    %add3A_1008 = arith.addi %mul3A_32, %add3A_1007 : i32
    %mul3A_1009 = arith.constant 2 : i32
    %mul3A_1010 = arith.muli %mul3A_1009, %add3A_1008 : i32
    %add3A_1011 = arith.constant 4 : i32
    %add3A_1012 = arith.addi %sub3A_65, %add3A_1011 : i32
    %get3A_1013 = arith.constant 0 : i32
    %get3A_1014 = arith.index_cast %get3A_1013 : i32 to index
    %get3A_1015 = arith.index_cast %add3A_1012 : i32 to index
    %get3A_1016 = arith.constant 0 : index
    %get3A_1017 = tpu.vector_load %arg9[%get3A_1014, %get3A_1015, %get3A_1016] {strides = array<i32>} : memref<2x24x112xi32, #tpu.memory_space<vmem>>, vector<16xi32>,
    %add3A_1018 = arith.constant 4 : i32
    %add3A_1019 = arith.addi %sub3A_65, %add3A_1018 : i32
    %get3A_1020 = arith.constant 1 : i32
    %get3A_1021 = arith.index_cast %get3A_1020 : i32 to index
    %get3A_1022 = arith.index_cast %add3A_1019 : i32 to index
    %get3A_1023 = arith.constant 0 : index
    %get3A_1024 = tpu.vector_load %arg9[%get3A_1021, %get3A_1022, %get3A_1023] {strides = array<i32>} : memref<2x24x112xi32, #tpu.memory_space<vmem>>, vector<16xi32>,
    %mul3A_1025 = arith.constant 2 : i32
    %mul3A_1026 = vector.broadcast %mul3A_1025 : i32 to vector<16xi32>
    %mul3A_1027 = arith.muli %mul3A_1026, %iota3A : vector<16xi32>
    %add3A_1028 = arith.constant 0 : i32
    %add3A_1029 = vector.broadcast %add3A_1028 : i32 to vector<16xi32>
    %add3A_1030 = arith.addi %add3A_1029, %mul3A_1027 : vector<16xi32>
    %add3A_1031 = vector.broadcast %mul3A_1010 : i32 to vector<16xi32>
    %add3A_1032 = arith.addi %add3A_1031, %get3A_1017 : vector<16xi32>
    %mul3A_1033 = arith.constant 224 : i32
    %mul3A_1034 = vector.broadcast %mul3A_1033 : i32 to vector<16xi32>
    %mul3A_1035 = arith.muli %add3A_1032, %mul3A_1034 : vector<16xi32>
    %add3A_1036 = vector.broadcast %mul3A_68 : i32 to vector<16xi32>
    %add3A_1037 = arith.addi %add3A_1036, %mul3A_1035 : vector<16xi32>
    %add3A_1038 = arith.addi %add3A_1037, %add3A_1030 : vector<16xi32>
    %add3A_1039 = arith.addi %add3A_1038, %get3A_1024 : vector<16xi32>
    %swap3A_1040 = arith.constant 4 : i32
    %swap3A_1041 = arith.index_cast %swap3A_1040 : i32 to index
    %swap3A_1042 = arith.constant 0 : index
    %swap3A_1043 = tpu.vector_load %arg8[%swap3A_1041, %swap3A_1042] {strides = array<i32>} : memref<14x112xi32, #tpu.memory_space<vmem>>, vector<16xi32>,
    tpu.vector_store %arg8[%swap3A_1041, %swap3A_1042], %add3A_1039 {strides = array<i32>} : memref<14x112xi32, #tpu.memory_space<vmem>>, vector<16xi32>,
    %add3A_1044 = arith.constant 4 : i32
    %add3A_1045 = arith.addi %sub3A_65, %add3A_1044 : i32
    %get3A_1046 = arith.constant 0 : i32
    %get3A_1047 = arith.index_cast %get3A_1046 : i32 to index
    %get3A_1048 = arith.index_cast %add3A_1045 : i32 to index
    %get3A_1049 = arith.constant 16 : index
    %get3A_1050 = tpu.vector_load %arg9[%get3A_1047, %get3A_1048, %get3A_1049] {strides = array<i32>} : memref<2x24x112xi32, #tpu.memory_space<vmem>>, vector<16xi32>,
    %add3A_1051 = arith.constant 4 : i32
    %add3A_1052 = arith.addi %sub3A_65, %add3A_1051 : i32
    %get3A_1053 = arith.constant 1 : i32
    %get3A_1054 = arith.index_cast %get3A_1053 : i32 to index
    %get3A_1055 = arith.index_cast %add3A_1052 : i32 to index
    %get3A_1056 = arith.constant 16 : index
    %get3A_1057 = tpu.vector_load %arg9[%get3A_1054, %get3A_1055, %get3A_1056] {strides = array<i32>} : memref<2x24x112xi32, #tpu.memory_space<vmem>>, vector<16xi32>,
    %mul3A_1058 = arith.constant 2 : i32
    %mul3A_1059 = vector.broadcast %mul3A_1058 : i32 to vector<16xi32>
    %mul3A_1060 = arith.muli %mul3A_1059, %iota3A : vector<16xi32>
    %add3A_1061 = arith.constant 32 : i32
    %add3A_1062 = vector.broadcast %add3A_1061 : i32 to vector<16xi32>
    %add3A_1063 = arith.addi %add3A_1062, %mul3A_1060 : vector<16xi32>
    %add3A_1064 = vector.broadcast %mul3A_1010 : i32 to vector<16xi32>
    %add3A_1065 = arith.addi %add3A_1064, %get3A_1050 : vector<16xi32>
    %mul3A_1066 = arith.constant 224 : i32
    %mul3A_1067 = vector.broadcast %mul3A_1066 : i32 to vector<16xi32>
    %mul3A_1068 = arith.muli %add3A_1065, %mul3A_1067 : vector<16xi32>
    %add3A_1069 = vector.broadcast %mul3A_68 : i32 to vector<16xi32>
    %add3A_1070 = arith.addi %add3A_1069, %mul3A_1068 : vector<16xi32>
    %add3A_1071 = arith.addi %add3A_1070, %add3A_1063 : vector<16xi32>
    %add3A_1072 = arith.addi %add3A_1071, %get3A_1057 : vector<16xi32>
    %swap3A_1073 = arith.constant 4 : i32
    %swap3A_1074 = arith.index_cast %swap3A_1073 : i32 to index
    %swap3A_1075 = arith.constant 16 : index
    %swap3A_1076 = tpu.vector_load %arg8[%swap3A_1074, %swap3A_1075] {strides = array<i32>} : memref<14x112xi32, #tpu.memory_space<vmem>>, vector<16xi32>,
    tpu.vector_store %arg8[%swap3A_1074, %swap3A_1075], %add3A_1072 {strides = array<i32>} : memref<14x112xi32, #tpu.memory_space<vmem>>, vector<16xi32>,
    %add3A_1077 = arith.constant 4 : i32
    %add3A_1078 = arith.addi %sub3A_65, %add3A_1077 : i32
    %get3A_1079 = arith.constant 0 : i32
    %get3A_1080 = arith.index_cast %get3A_1079 : i32 to index
    %get3A_1081 = arith.index_cast %add3A_1078 : i32 to index
    %get3A_1082 = arith.constant 32 : index
    %get3A_1083 = tpu.vector_load %arg9[%get3A_1080, %get3A_1081, %get3A_1082] {strides = array<i32>} : memref<2x24x112xi32, #tpu.memory_space<vmem>>, vector<16xi32>,
    %add3A_1084 = arith.constant 4 : i32
    %add3A_1085 = arith.addi %sub3A_65, %add3A_1084 : i32
    %get3A_1086 = arith.constant 1 : i32
    %get3A_1087 = arith.index_cast %get3A_1086 : i32 to index
    %get3A_1088 = arith.index_cast %add3A_1085 : i32 to index
    %get3A_1089 = arith.constant 32 : index
    %get3A_1090 = tpu.vector_load %arg9[%get3A_1087, %get3A_1088, %get3A_1089] {strides = array<i32>} : memref<2x24x112xi32, #tpu.memory_space<vmem>>, vector<16xi32>,
    %mul3A_1091 = arith.constant 2 : i32
    %mul3A_1092 = vector.broadcast %mul3A_1091 : i32 to vector<16xi32>
    %mul3A_1093 = arith.muli %mul3A_1092, %iota3A : vector<16xi32>
    %add3A_1094 = arith.constant 64 : i32
    %add3A_1095 = vector.broadcast %add3A_1094 : i32 to vector<16xi32>
    %add3A_1096 = arith.addi %add3A_1095, %mul3A_1093 : vector<16xi32>
    %add3A_1097 = vector.broadcast %mul3A_1010 : i32 to vector<16xi32>
    %add3A_1098 = arith.addi %add3A_1097, %get3A_1083 : vector<16xi32>
    %mul3A_1099 = arith.constant 224 : i32
    %mul3A_1100 = vector.broadcast %mul3A_1099 : i32 to vector<16xi32>
    %mul3A_1101 = arith.muli %add3A_1098, %mul3A_1100 : vector<16xi32>
    %add3A_1102 = vector.broadcast %mul3A_68 : i32 to vector<16xi32>
    %add3A_1103 = arith.addi %add3A_1102, %mul3A_1101 : vector<16xi32>
    %add3A_1104 = arith.addi %add3A_1103, %add3A_1096 : vector<16xi32>
    %add3A_1105 = arith.addi %add3A_1104, %get3A_1090 : vector<16xi32>
    %swap3A_1106 = arith.constant 4 : i32
    %swap3A_1107 = arith.index_cast %swap3A_1106 : i32 to index
    %swap3A_1108 = arith.constant 32 : index
    %swap3A_1109 = tpu.vector_load %arg8[%swap3A_1107, %swap3A_1108] {strides = array<i32>} : memref<14x112xi32, #tpu.memory_space<vmem>>, vector<16xi32>,
    tpu.vector_store %arg8[%swap3A_1107, %swap3A_1108], %add3A_1105 {strides = array<i32>} : memref<14x112xi32, #tpu.memory_space<vmem>>, vector<16xi32>,
    %add3A_1110 = arith.constant 4 : i32
    %add3A_1111 = arith.addi %sub3A_65, %add3A_1110 : i32
    %get3A_1112 = arith.constant 0 : i32
    %get3A_1113 = arith.index_cast %get3A_1112 : i32 to index
    %get3A_1114 = arith.index_cast %add3A_1111 : i32 to index
    %get3A_1115 = arith.constant 48 : index
    %get3A_1116 = tpu.vector_load %arg9[%get3A_1113, %get3A_1114, %get3A_1115] {strides = array<i32>} : memref<2x24x112xi32, #tpu.memory_space<vmem>>, vector<16xi32>,
    %add3A_1117 = arith.constant 4 : i32
    %add3A_1118 = arith.addi %sub3A_65, %add3A_1117 : i32
    %get3A_1119 = arith.constant 1 : i32
    %get3A_1120 = arith.index_cast %get3A_1119 : i32 to index
    %get3A_1121 = arith.index_cast %add3A_1118 : i32 to index
    %get3A_1122 = arith.constant 48 : index
    %get3A_1123 = tpu.vector_load %arg9[%get3A_1120, %get3A_1121, %get3A_1122] {strides = array<i32>} : memref<2x24x112xi32, #tpu.memory_space<vmem>>, vector<16xi32>,
    %mul3A_1124 = arith.constant 2 : i32
    %mul3A_1125 = vector.broadcast %mul3A_1124 : i32 to vector<16xi32>
    %mul3A_1126 = arith.muli %mul3A_1125, %iota3A : vector<16xi32>
    %add3A_1127 = arith.constant 96 : i32
    %add3A_1128 = vector.broadcast %add3A_1127 : i32 to vector<16xi32>
    %add3A_1129 = arith.addi %add3A_1128, %mul3A_1126 : vector<16xi32>
    %add3A_1130 = vector.broadcast %mul3A_1010 : i32 to vector<16xi32>
    %add3A_1131 = arith.addi %add3A_1130, %get3A_1116 : vector<16xi32>
    %mul3A_1132 = arith.constant 224 : i32
    %mul3A_1133 = vector.broadcast %mul3A_1132 : i32 to vector<16xi32>
    %mul3A_1134 = arith.muli %add3A_1131, %mul3A_1133 : vector<16xi32>
    %add3A_1135 = vector.broadcast %mul3A_68 : i32 to vector<16xi32>
    %add3A_1136 = arith.addi %add3A_1135, %mul3A_1134 : vector<16xi32>
    %add3A_1137 = arith.addi %add3A_1136, %add3A_1129 : vector<16xi32>
    %add3A_1138 = arith.addi %add3A_1137, %get3A_1123 : vector<16xi32>
    %swap3A_1139 = arith.constant 4 : i32
    %swap3A_1140 = arith.index_cast %swap3A_1139 : i32 to index
    %swap3A_1141 = arith.constant 48 : index
    %swap3A_1142 = tpu.vector_load %arg8[%swap3A_1140, %swap3A_1141] {strides = array<i32>} : memref<14x112xi32, #tpu.memory_space<vmem>>, vector<16xi32>,
    tpu.vector_store %arg8[%swap3A_1140, %swap3A_1141], %add3A_1138 {strides = array<i32>} : memref<14x112xi32, #tpu.memory_space<vmem>>, vector<16xi32>,
    %add3A_1143 = arith.constant 4 : i32
    %add3A_1144 = arith.addi %sub3A_65, %add3A_1143 : i32
    %get3A_1145 = arith.constant 0 : i32
    %get3A_1146 = arith.index_cast %get3A_1145 : i32 to index
    %get3A_1147 = arith.index_cast %add3A_1144 : i32 to index
    %get3A_1148 = arith.constant 64 : index
    %get3A_1149 = tpu.vector_load %arg9[%get3A_1146, %get3A_1147, %get3A_1148] {strides = array<i32>} : memref<2x24x112xi32, #tpu.memory_space<vmem>>, vector<16xi32>,
    %add3A_1150 = arith.constant 4 : i32
    %add3A_1151 = arith.addi %sub3A_65, %add3A_1150 : i32
    %get3A_1152 = arith.constant 1 : i32
    %get3A_1153 = arith.index_cast %get3A_1152 : i32 to index
    %get3A_1154 = arith.index_cast %add3A_1151 : i32 to index
    %get3A_1155 = arith.constant 64 : index
    %get3A_1156 = tpu.vector_load %arg9[%get3A_1153, %get3A_1154, %get3A_1155] {strides = array<i32>} : memref<2x24x112xi32, #tpu.memory_space<vmem>>, vector<16xi32>,
    %mul3A_1157 = arith.constant 2 : i32
    %mul3A_1158 = vector.broadcast %mul3A_1157 : i32 to vector<16xi32>
    %mul3A_1159 = arith.muli %mul3A_1158, %iota3A : vector<16xi32>
    %add3A_1160 = arith.constant 128 : i32
    %add3A_1161 = vector.broadcast %add3A_1160 : i32 to vector<16xi32>
    %add3A_1162 = arith.addi %add3A_1161, %mul3A_1159 : vector<16xi32>
    %add3A_1163 = vector.broadcast %mul3A_1010 : i32 to vector<16xi32>
    %add3A_1164 = arith.addi %add3A_1163, %get3A_1149 : vector<16xi32>
    %mul3A_1165 = arith.constant 224 : i32
    %mul3A_1166 = vector.broadcast %mul3A_1165 : i32 to vector<16xi32>
    %mul3A_1167 = arith.muli %add3A_1164, %mul3A_1166 : vector<16xi32>
    %add3A_1168 = vector.broadcast %mul3A_68 : i32 to vector<16xi32>
    %add3A_1169 = arith.addi %add3A_1168, %mul3A_1167 : vector<16xi32>
    %add3A_1170 = arith.addi %add3A_1169, %add3A_1162 : vector<16xi32>
    %add3A_1171 = arith.addi %add3A_1170, %get3A_1156 : vector<16xi32>
    %swap3A_1172 = arith.constant 4 : i32
    %swap3A_1173 = arith.index_cast %swap3A_1172 : i32 to index
    %swap3A_1174 = arith.constant 64 : index
    %swap3A_1175 = tpu.vector_load %arg8[%swap3A_1173, %swap3A_1174] {strides = array<i32>} : memref<14x112xi32, #tpu.memory_space<vmem>>, vector<16xi32>,
    tpu.vector_store %arg8[%swap3A_1173, %swap3A_1174], %add3A_1171 {strides = array<i32>} : memref<14x112xi32, #tpu.memory_space<vmem>>, vector<16xi32>,
    %add3A_1176 = arith.constant 4 : i32
    %add3A_1177 = arith.addi %sub3A_65, %add3A_1176 : i32
    %get3A_1178 = arith.constant 0 : i32
    %get3A_1179 = arith.index_cast %get3A_1178 : i32 to index
    %get3A_1180 = arith.index_cast %add3A_1177 : i32 to index
    %get3A_1181 = arith.constant 80 : index
    %get3A_1182 = tpu.vector_load %arg9[%get3A_1179, %get3A_1180, %get3A_1181] {strides = array<i32>} : memref<2x24x112xi32, #tpu.memory_space<vmem>>, vector<16xi32>,
    %add3A_1183 = arith.constant 4 : i32
    %add3A_1184 = arith.addi %sub3A_65, %add3A_1183 : i32
    %get3A_1185 = arith.constant 1 : i32
    %get3A_1186 = arith.index_cast %get3A_1185 : i32 to index
    %get3A_1187 = arith.index_cast %add3A_1184 : i32 to index
    %get3A_1188 = arith.constant 80 : index
    %get3A_1189 = tpu.vector_load %arg9[%get3A_1186, %get3A_1187, %get3A_1188] {strides = array<i32>} : memref<2x24x112xi32, #tpu.memory_space<vmem>>, vector<16xi32>,
    %mul3A_1190 = arith.constant 2 : i32
    %mul3A_1191 = vector.broadcast %mul3A_1190 : i32 to vector<16xi32>
    %mul3A_1192 = arith.muli %mul3A_1191, %iota3A : vector<16xi32>
    %add3A_1193 = arith.constant 160 : i32
    %add3A_1194 = vector.broadcast %add3A_1193 : i32 to vector<16xi32>
    %add3A_1195 = arith.addi %add3A_1194, %mul3A_1192 : vector<16xi32>
    %add3A_1196 = vector.broadcast %mul3A_1010 : i32 to vector<16xi32>
    %add3A_1197 = arith.addi %add3A_1196, %get3A_1182 : vector<16xi32>
    %mul3A_1198 = arith.constant 224 : i32
    %mul3A_1199 = vector.broadcast %mul3A_1198 : i32 to vector<16xi32>
    %mul3A_1200 = arith.muli %add3A_1197, %mul3A_1199 : vector<16xi32>
    %add3A_1201 = vector.broadcast %mul3A_68 : i32 to vector<16xi32>
    %add3A_1202 = arith.addi %add3A_1201, %mul3A_1200 : vector<16xi32>
    %add3A_1203 = arith.addi %add3A_1202, %add3A_1195 : vector<16xi32>
    %add3A_1204 = arith.addi %add3A_1203, %get3A_1189 : vector<16xi32>
    %swap3A_1205 = arith.constant 4 : i32
    %swap3A_1206 = arith.index_cast %swap3A_1205 : i32 to index
    %swap3A_1207 = arith.constant 80 : index
    %swap3A_1208 = tpu.vector_load %arg8[%swap3A_1206, %swap3A_1207] {strides = array<i32>} : memref<14x112xi32, #tpu.memory_space<vmem>>, vector<16xi32>,
    tpu.vector_store %arg8[%swap3A_1206, %swap3A_1207], %add3A_1204 {strides = array<i32>} : memref<14x112xi32, #tpu.memory_space<vmem>>, vector<16xi32>,
    %add3A_1209 = arith.constant 4 : i32
    %add3A_1210 = arith.addi %sub3A_65, %add3A_1209 : i32
    %get3A_1211 = arith.constant 0 : i32
    %get3A_1212 = arith.index_cast %get3A_1211 : i32 to index
    %get3A_1213 = arith.index_cast %add3A_1210 : i32 to index
    %get3A_1214 = arith.constant 96 : index
    %get3A_1215 = tpu.vector_load %arg9[%get3A_1212, %get3A_1213, %get3A_1214] {strides = array<i32>} : memref<2x24x112xi32, #tpu.memory_space<vmem>>, vector<16xi32>,
    %add3A_1216 = arith.constant 4 : i32
    %add3A_1217 = arith.addi %sub3A_65, %add3A_1216 : i32
    %get3A_1218 = arith.constant 1 : i32
    %get3A_1219 = arith.index_cast %get3A_1218 : i32 to index
    %get3A_1220 = arith.index_cast %add3A_1217 : i32 to index
    %get3A_1221 = arith.constant 96 : index
    %get3A_1222 = tpu.vector_load %arg9[%get3A_1219, %get3A_1220, %get3A_1221] {strides = array<i32>} : memref<2x24x112xi32, #tpu.memory_space<vmem>>, vector<16xi32>,
    %mul3A_1223 = arith.constant 2 : i32
    %mul3A_1224 = vector.broadcast %mul3A_1223 : i32 to vector<16xi32>
    %mul3A_1225 = arith.muli %mul3A_1224, %iota3A : vector<16xi32>
    %add3A_1226 = arith.constant 192 : i32
    %add3A_1227 = vector.broadcast %add3A_1226 : i32 to vector<16xi32>
    %add3A_1228 = arith.addi %add3A_1227, %mul3A_1225 : vector<16xi32>
    %add3A_1229 = vector.broadcast %mul3A_1010 : i32 to vector<16xi32>
    %add3A_1230 = arith.addi %add3A_1229, %get3A_1215 : vector<16xi32>
    %mul3A_1231 = arith.constant 224 : i32
    %mul3A_1232 = vector.broadcast %mul3A_1231 : i32 to vector<16xi32>
    %mul3A_1233 = arith.muli %add3A_1230, %mul3A_1232 : vector<16xi32>
    %add3A_1234 = vector.broadcast %mul3A_68 : i32 to vector<16xi32>
    %add3A_1235 = arith.addi %add3A_1234, %mul3A_1233 : vector<16xi32>
    %add3A_1236 = arith.addi %add3A_1235, %add3A_1228 : vector<16xi32>
    %add3A_1237 = arith.addi %add3A_1236, %get3A_1222 : vector<16xi32>
    %swap3A_1238 = arith.constant 4 : i32
    %swap3A_1239 = arith.index_cast %swap3A_1238 : i32 to index
    %swap3A_1240 = arith.constant 96 : index
    %swap3A_1241 = tpu.vector_load %arg8[%swap3A_1239, %swap3A_1240] {strides = array<i32>} : memref<14x112xi32, #tpu.memory_space<vmem>>, vector<16xi32>,
    tpu.vector_store %arg8[%swap3A_1239, %swap3A_1240], %add3A_1237 {strides = array<i32>} : memref<14x112xi32, #tpu.memory_space<vmem>>, vector<16xi32>,
    %add3A_1242 = arith.constant 5 : i32
    %add3A_1243 = arith.addi %mul3A_32, %add3A_1242 : i32
    %mul3A_1244 = arith.constant 2 : i32
    %mul3A_1245 = arith.muli %mul3A_1244, %add3A_1243 : i32
    %add3A_1246 = arith.constant 5 : i32
    %add3A_1247 = arith.addi %sub3A_65, %add3A_1246 : i32
    %get3A_1248 = arith.constant 0 : i32
    %get3A_1249 = arith.index_cast %get3A_1248 : i32 to index
    %get3A_1250 = arith.index_cast %add3A_1247 : i32 to index
    %get3A_1251 = arith.constant 0 : index
    %get3A_1252 = tpu.vector_load %arg9[%get3A_1249, %get3A_1250, %get3A_1251] {strides = array<i32>} : memref<2x24x112xi32, #tpu.memory_space<vmem>>, vector<16xi32>,
    %add3A_1253 = arith.constant 5 : i32
    %add3A_1254 = arith.addi %sub3A_65, %add3A_1253 : i32
    %get3A_1255 = arith.constant 1 : i32
    %get3A_1256 = arith.index_cast %get3A_1255 : i32 to index
    %get3A_1257 = arith.index_cast %add3A_1254 : i32 to index
    %get3A_1258 = arith.constant 0 : index
    %get3A_1259 = tpu.vector_load %arg9[%get3A_1256, %get3A_1257, %get3A_1258] {strides = array<i32>} : memref<2x24x112xi32, #tpu.memory_space<vmem>>, vector<16xi32>,
    %mul3A_1260 = arith.constant 2 : i32
    %mul3A_1261 = vector.broadcast %mul3A_1260 : i32 to vector<16xi32>
    %mul3A_1262 = arith.muli %mul3A_1261, %iota3A : vector<16xi32>
    %add3A_1263 = arith.constant 0 : i32
    %add3A_1264 = vector.broadcast %add3A_1263 : i32 to vector<16xi32>
    %add3A_1265 = arith.addi %add3A_1264, %mul3A_1262 : vector<16xi32>
    %add3A_1266 = vector.broadcast %mul3A_1245 : i32 to vector<16xi32>
    %add3A_1267 = arith.addi %add3A_1266, %get3A_1252 : vector<16xi32>
    %mul3A_1268 = arith.constant 224 : i32
    %mul3A_1269 = vector.broadcast %mul3A_1268 : i32 to vector<16xi32>
    %mul3A_1270 = arith.muli %add3A_1267, %mul3A_1269 : vector<16xi32>
    %add3A_1271 = vector.broadcast %mul3A_68 : i32 to vector<16xi32>
    %add3A_1272 = arith.addi %add3A_1271, %mul3A_1270 : vector<16xi32>
    %add3A_1273 = arith.addi %add3A_1272, %add3A_1265 : vector<16xi32>
    %add3A_1274 = arith.addi %add3A_1273, %get3A_1259 : vector<16xi32>
    %swap3A_1275 = arith.constant 5 : i32
    %swap3A_1276 = arith.index_cast %swap3A_1275 : i32 to index
    %swap3A_1277 = arith.constant 0 : index
    %swap3A_1278 = tpu.vector_load %arg8[%swap3A_1276, %swap3A_1277] {strides = array<i32>} : memref<14x112xi32, #tpu.memory_space<vmem>>, vector<16xi32>,
    tpu.vector_store %arg8[%swap3A_1276, %swap3A_1277], %add3A_1274 {strides = array<i32>} : memref<14x112xi32, #tpu.memory_space<vmem>>, vector<16xi32>,
    %add3A_1279 = arith.constant 5 : i32
    %add3A_1280 = arith.addi %sub3A_65, %add3A_1279 : i32
    %get3A_1281 = arith.constant 0 : i32
    %get3A_1282 = arith.index_cast %get3A_1281 : i32 to index
    %get3A_1283 = arith.index_cast %add3A_1280 : i32 to index
    %get3A_1284 = arith.constant 16 : index
    %get3A_1285 = tpu.vector_load %arg9[%get3A_1282, %get3A_1283, %get3A_1284] {strides = array<i32>} : memref<2x24x112xi32, #tpu.memory_space<vmem>>, vector<16xi32>,
    %add3A_1286 = arith.constant 5 : i32
    %add3A_1287 = arith.addi %sub3A_65, %add3A_1286 : i32
    %get3A_1288 = arith.constant 1 : i32
    %get3A_1289 = arith.index_cast %get3A_1288 : i32 to index
    %get3A_1290 = arith.index_cast %add3A_1287 : i32 to index
    %get3A_1291 = arith.constant 16 : index
    %get3A_1292 = tpu.vector_load %arg9[%get3A_1289, %get3A_1290, %get3A_1291] {strides = array<i32>} : memref<2x24x112xi32, #tpu.memory_space<vmem>>, vector<16xi32>,
    %mul3A_1293 = arith.constant 2 : i32
    %mul3A_1294 = vector.broadcast %mul3A_1293 : i32 to vector<16xi32>
    %mul3A_1295 = arith.muli %mul3A_1294, %iota3A : vector<16xi32>
    %add3A_1296 = arith.constant 32 : i32
    %add3A_1297 = vector.broadcast %add3A_1296 : i32 to vector<16xi32>
    %add3A_1298 = arith.addi %add3A_1297, %mul3A_1295 : vector<16xi32>
    %add3A_1299 = vector.broadcast %mul3A_1245 : i32 to vector<16xi32>
    %add3A_1300 = arith.addi %add3A_1299, %get3A_1285 : vector<16xi32>
    %mul3A_1301 = arith.constant 224 : i32
    %mul3A_1302 = vector.broadcast %mul3A_1301 : i32 to vector<16xi32>
    %mul3A_1303 = arith.muli %add3A_1300, %mul3A_1302 : vector<16xi32>
    %add3A_1304 = vector.broadcast %mul3A_68 : i32 to vector<16xi32>
    %add3A_1305 = arith.addi %add3A_1304, %mul3A_1303 : vector<16xi32>
    %add3A_1306 = arith.addi %add3A_1305, %add3A_1298 : vector<16xi32>
    %add3A_1307 = arith.addi %add3A_1306, %get3A_1292 : vector<16xi32>
    %swap3A_1308 = arith.constant 5 : i32
    %swap3A_1309 = arith.index_cast %swap3A_1308 : i32 to index
    %swap3A_1310 = arith.constant 16 : index
    %swap3A_1311 = tpu.vector_load %arg8[%swap3A_1309, %swap3A_1310] {strides = array<i32>} : memref<14x112xi32, #tpu.memory_space<vmem>>, vector<16xi32>,
    tpu.vector_store %arg8[%swap3A_1309, %swap3A_1310], %add3A_1307 {strides = array<i32>} : memref<14x112xi32, #tpu.memory_space<vmem>>, vector<16xi32>,
    %add3A_1312 = arith.constant 5 : i32
    %add3A_1313 = arith.addi %sub3A_65, %add3A_1312 : i32
    %get3A_1314 = arith.constant 0 : i32
    %get3A_1315 = arith.index_cast %get3A_1314 : i32 to index
    %get3A_1316 = arith.index_cast %add3A_1313 : i32 to index
    %get3A_1317 = arith.constant 32 : index
    %get3A_1318 = tpu.vector_load %arg9[%get3A_1315, %get3A_1316, %get3A_1317] {strides = array<i32>} : memref<2x24x112xi32, #tpu.memory_space<vmem>>, vector<16xi32>,
    %add3A_1319 = arith.constant 5 : i32
    %add3A_1320 = arith.addi %sub3A_65, %add3A_1319 : i32
    %get3A_1321 = arith.constant 1 : i32
    %get3A_1322 = arith.index_cast %get3A_1321 : i32 to index
    %get3A_1323 = arith.index_cast %add3A_1320 : i32 to index
    %get3A_1324 = arith.constant 32 : index
    %get3A_1325 = tpu.vector_load %arg9[%get3A_1322, %get3A_1323, %get3A_1324] {strides = array<i32>} : memref<2x24x112xi32, #tpu.memory_space<vmem>>, vector<16xi32>,
    %mul3A_1326 = arith.constant 2 : i32
    %mul3A_1327 = vector.broadcast %mul3A_1326 : i32 to vector<16xi32>
    %mul3A_1328 = arith.muli %mul3A_1327, %iota3A : vector<16xi32>
    %add3A_1329 = arith.constant 64 : i32
    %add3A_1330 = vector.broadcast %add3A_1329 : i32 to vector<16xi32>
    %add3A_1331 = arith.addi %add3A_1330, %mul3A_1328 : vector<16xi32>
    %add3A_1332 = vector.broadcast %mul3A_1245 : i32 to vector<16xi32>
    %add3A_1333 = arith.addi %add3A_1332, %get3A_1318 : vector<16xi32>
    %mul3A_1334 = arith.constant 224 : i32
    %mul3A_1335 = vector.broadcast %mul3A_1334 : i32 to vector<16xi32>
    %mul3A_1336 = arith.muli %add3A_1333, %mul3A_1335 : vector<16xi32>
    %add3A_1337 = vector.broadcast %mul3A_68 : i32 to vector<16xi32>
    %add3A_1338 = arith.addi %add3A_1337, %mul3A_1336 : vector<16xi32>
    %add3A_1339 = arith.addi %add3A_1338, %add3A_1331 : vector<16xi32>
    %add3A_1340 = arith.addi %add3A_1339, %get3A_1325 : vector<16xi32>
    %swap3A_1341 = arith.constant 5 : i32
    %swap3A_1342 = arith.index_cast %swap3A_1341 : i32 to index
    %swap3A_1343 = arith.constant 32 : index
    %swap3A_1344 = tpu.vector_load %arg8[%swap3A_1342, %swap3A_1343] {strides = array<i32>} : memref<14x112xi32, #tpu.memory_space<vmem>>, vector<16xi32>,
    tpu.vector_store %arg8[%swap3A_1342, %swap3A_1343], %add3A_1340 {strides = array<i32>} : memref<14x112xi32, #tpu.memory_space<vmem>>, vector<16xi32>,
    %add3A_1345 = arith.constant 5 : i32
    %add3A_1346 = arith.addi %sub3A_65, %add3A_1345 : i32
    %get3A_1347 = arith.constant 0 : i32
    %get3A_1348 = arith.index_cast %get3A_1347 : i32 to index
    %get3A_1349 = arith.index_cast %add3A_1346 : i32 to index
    %get3A_1350 = arith.constant 48 : index
    %get3A_1351 = tpu.vector_load %arg9[%get3A_1348, %get3A_1349, %get3A_1350] {strides = array<i32>} : memref<2x24x112xi32, #tpu.memory_space<vmem>>, vector<16xi32>,
    %add3A_1352 = arith.constant 5 : i32
    %add3A_1353 = arith.addi %sub3A_65, %add3A_1352 : i32
    %get3A_1354 = arith.constant 1 : i32
    %get3A_1355 = arith.index_cast %get3A_1354 : i32 to index
    %get3A_1356 = arith.index_cast %add3A_1353 : i32 to index
    %get3A_1357 = arith.constant 48 : index
    %get3A_1358 = tpu.vector_load %arg9[%get3A_1355, %get3A_1356, %get3A_1357] {strides = array<i32>} : memref<2x24x112xi32, #tpu.memory_space<vmem>>, vector<16xi32>,
    %mul3A_1359 = arith.constant 2 : i32
    %mul3A_1360 = vector.broadcast %mul3A_1359 : i32 to vector<16xi32>
    %mul3A_1361 = arith.muli %mul3A_1360, %iota3A : vector<16xi32>
    %add3A_1362 = arith.constant 96 : i32
    %add3A_1363 = vector.broadcast %add3A_1362 : i32 to vector<16xi32>
    %add3A_1364 = arith.addi %add3A_1363, %mul3A_1361 : vector<16xi32>
    %add3A_1365 = vector.broadcast %mul3A_1245 : i32 to vector<16xi32>
    %add3A_1366 = arith.addi %add3A_1365, %get3A_1351 : vector<16xi32>
    %mul3A_1367 = arith.constant 224 : i32
    %mul3A_1368 = vector.broadcast %mul3A_1367 : i32 to vector<16xi32>
    %mul3A_1369 = arith.muli %add3A_1366, %mul3A_1368 : vector<16xi32>
    %add3A_1370 = vector.broadcast %mul3A_68 : i32 to vector<16xi32>
    %add3A_1371 = arith.addi %add3A_1370, %mul3A_1369 : vector<16xi32>
    %add3A_1372 = arith.addi %add3A_1371, %add3A_1364 : vector<16xi32>
    %add3A_1373 = arith.addi %add3A_1372, %get3A_1358 : vector<16xi32>
    %swap3A_1374 = arith.constant 5 : i32
    %swap3A_1375 = arith.index_cast %swap3A_1374 : i32 to index
    %swap3A_1376 = arith.constant 48 : index
    %swap3A_1377 = tpu.vector_load %arg8[%swap3A_1375, %swap3A_1376] {strides = array<i32>} : memref<14x112xi32, #tpu.memory_space<vmem>>, vector<16xi32>,
    tpu.vector_store %arg8[%swap3A_1375, %swap3A_1376], %add3A_1373 {strides = array<i32>} : memref<14x112xi32, #tpu.memory_space<vmem>>, vector<16xi32>,
    %add3A_1378 = arith.constant 5 : i32
    %add3A_1379 = arith.addi %sub3A_65, %add3A_1378 : i32
    %get3A_1380 = arith.constant 0 : i32
    %get3A_1381 = arith.index_cast %get3A_1380 : i32 to index
    %get3A_1382 = arith.index_cast %add3A_1379 : i32 to index
    %get3A_1383 = arith.constant 64 : index
    %get3A_1384 = tpu.vector_load %arg9[%get3A_1381, %get3A_1382, %get3A_1383] {strides = array<i32>} : memref<2x24x112xi32, #tpu.memory_space<vmem>>, vector<16xi32>,
    %add3A_1385 = arith.constant 5 : i32
    %add3A_1386 = arith.addi %sub3A_65, %add3A_1385 : i32
    %get3A_1387 = arith.constant 1 : i32
    %get3A_1388 = arith.index_cast %get3A_1387 : i32 to index
    %get3A_1389 = arith.index_cast %add3A_1386 : i32 to index
    %get3A_1390 = arith.constant 64 : index
    %get3A_1391 = tpu.vector_load %arg9[%get3A_1388, %get3A_1389, %get3A_1390] {strides = array<i32>} : memref<2x24x112xi32, #tpu.memory_space<vmem>>, vector<16xi32>,
    %mul3A_1392 = arith.constant 2 : i32
    %mul3A_1393 = vector.broadcast %mul3A_1392 : i32 to vector<16xi32>
    %mul3A_1394 = arith.muli %mul3A_1393, %iota3A : vector<16xi32>
    %add3A_1395 = arith.constant 128 : i32
    %add3A_1396 = vector.broadcast %add3A_1395 : i32 to vector<16xi32>
    %add3A_1397 = arith.addi %add3A_1396, %mul3A_1394 : vector<16xi32>
    %add3A_1398 = vector.broadcast %mul3A_1245 : i32 to vector<16xi32>
    %add3A_1399 = arith.addi %add3A_1398, %get3A_1384 : vector<16xi32>
    %mul3A_1400 = arith.constant 224 : i32
    %mul3A_1401 = vector.broadcast %mul3A_1400 : i32 to vector<16xi32>
    %mul3A_1402 = arith.muli %add3A_1399, %mul3A_1401 : vector<16xi32>
    %add3A_1403 = vector.broadcast %mul3A_68 : i32 to vector<16xi32>
    %add3A_1404 = arith.addi %add3A_1403, %mul3A_1402 : vector<16xi32>
    %add3A_1405 = arith.addi %add3A_1404, %add3A_1397 : vector<16xi32>
    %add3A_1406 = arith.addi %add3A_1405, %get3A_1391 : vector<16xi32>
    %swap3A_1407 = arith.constant 5 : i32
    %swap3A_1408 = arith.index_cast %swap3A_1407 : i32 to index
    %swap3A_1409 = arith.constant 64 : index
    %swap3A_1410 = tpu.vector_load %arg8[%swap3A_1408, %swap3A_1409] {strides = array<i32>} : memref<14x112xi32, #tpu.memory_space<vmem>>, vector<16xi32>,
    tpu.vector_store %arg8[%swap3A_1408, %swap3A_1409], %add3A_1406 {strides = array<i32>} : memref<14x112xi32, #tpu.memory_space<vmem>>, vector<16xi32>,
    %add3A_1411 = arith.constant 5 : i32
    %add3A_1412 = arith.addi %sub3A_65, %add3A_1411 : i32
    %get3A_1413 = arith.constant 0 : i32
    %get3A_1414 = arith.index_cast %get3A_1413 : i32 to index
    %get3A_1415 = arith.index_cast %add3A_1412 : i32 to index
    %get3A_1416 = arith.constant 80 : index
    %get3A_1417 = tpu.vector_load %arg9[%get3A_1414, %get3A_1415, %get3A_1416] {strides = array<i32>} : memref<2x24x112xi32, #tpu.memory_space<vmem>>, vector<16xi32>,
    %add3A_1418 = arith.constant 5 : i32
    %add3A_1419 = arith.addi %sub3A_65, %add3A_1418 : i32
    %get3A_1420 = arith.constant 1 : i32
    %get3A_1421 = arith.index_cast %get3A_1420 : i32 to index
    %get3A_1422 = arith.index_cast %add3A_1419 : i32 to index
    %get3A_1423 = arith.constant 80 : index
    %get3A_1424 = tpu.vector_load %arg9[%get3A_1421, %get3A_1422, %get3A_1423] {strides = array<i32>} : memref<2x24x112xi32, #tpu.memory_space<vmem>>, vector<16xi32>,
    %mul3A_1425 = arith.constant 2 : i32
    %mul3A_1426 = vector.broadcast %mul3A_1425 : i32 to vector<16xi32>
    %mul3A_1427 = arith.muli %mul3A_1426, %iota3A : vector<16xi32>
    %add3A_1428 = arith.constant 160 : i32
    %add3A_1429 = vector.broadcast %add3A_1428 : i32 to vector<16xi32>
    %add3A_1430 = arith.addi %add3A_1429, %mul3A_1427 : vector<16xi32>
    %add3A_1431 = vector.broadcast %mul3A_1245 : i32 to vector<16xi32>
    %add3A_1432 = arith.addi %add3A_1431, %get3A_1417 : vector<16xi32>
    %mul3A_1433 = arith.constant 224 : i32
    %mul3A_1434 = vector.broadcast %mul3A_1433 : i32 to vector<16xi32>
    %mul3A_1435 = arith.muli %add3A_1432, %mul3A_1434 : vector<16xi32>
    %add3A_1436 = vector.broadcast %mul3A_68 : i32 to vector<16xi32>
    %add3A_1437 = arith.addi %add3A_1436, %mul3A_1435 : vector<16xi32>
    %add3A_1438 = arith.addi %add3A_1437, %add3A_1430 : vector<16xi32>
    %add3A_1439 = arith.addi %add3A_1438, %get3A_1424 : vector<16xi32>
    %swap3A_1440 = arith.constant 5 : i32
    %swap3A_1441 = arith.index_cast %swap3A_1440 : i32 to index
    %swap3A_1442 = arith.constant 80 : index
    %swap3A_1443 = tpu.vector_load %arg8[%swap3A_1441, %swap3A_1442] {strides = array<i32>} : memref<14x112xi32, #tpu.memory_space<vmem>>, vector<16xi32>,
    tpu.vector_store %arg8[%swap3A_1441, %swap3A_1442], %add3A_1439 {strides = array<i32>} : memref<14x112xi32, #tpu.memory_space<vmem>>, vector<16xi32>,
    %add3A_1444 = arith.constant 5 : i32
    %add3A_1445 = arith.addi %sub3A_65, %add3A_1444 : i32
    %get3A_1446 = arith.constant 0 : i32
    %get3A_1447 = arith.index_cast %get3A_1446 : i32 to index
    %get3A_1448 = arith.index_cast %add3A_1445 : i32 to index
    %get3A_1449 = arith.constant 96 : index
    %get3A_1450 = tpu.vector_load %arg9[%get3A_1447, %get3A_1448, %get3A_1449] {strides = array<i32>} : memref<2x24x112xi32, #tpu.memory_space<vmem>>, vector<16xi32>,
    %add3A_1451 = arith.constant 5 : i32
    %add3A_1452 = arith.addi %sub3A_65, %add3A_1451 : i32
    %get3A_1453 = arith.constant 1 : i32
    %get3A_1454 = arith.index_cast %get3A_1453 : i32 to index
    %get3A_1455 = arith.index_cast %add3A_1452 : i32 to index
    %get3A_1456 = arith.constant 96 : index
    %get3A_1457 = tpu.vector_load %arg9[%get3A_1454, %get3A_1455, %get3A_1456] {strides = array<i32>} : memref<2x24x112xi32, #tpu.memory_space<vmem>>, vector<16xi32>,
    %mul3A_1458 = arith.constant 2 : i32
    %mul3A_1459 = vector.broadcast %mul3A_1458 : i32 to vector<16xi32>
    %mul3A_1460 = arith.muli %mul3A_1459, %iota3A : vector<16xi32>
    %add3A_1461 = arith.constant 192 : i32
    %add3A_1462 = vector.broadcast %add3A_1461 : i32 to vector<16xi32>
    %add3A_1463 = arith.addi %add3A_1462, %mul3A_1460 : vector<16xi32>
    %add3A_1464 = vector.broadcast %mul3A_1245 : i32 to vector<16xi32>
    %add3A_1465 = arith.addi %add3A_1464, %get3A_1450 : vector<16xi32>
    %mul3A_1466 = arith.constant 224 : i32
    %mul3A_1467 = vector.broadcast %mul3A_1466 : i32 to vector<16xi32>
    %mul3A_1468 = arith.muli %add3A_1465, %mul3A_1467 : vector<16xi32>
    %add3A_1469 = vector.broadcast %mul3A_68 : i32 to vector<16xi32>
    %add3A_1470 = arith.addi %add3A_1469, %mul3A_1468 : vector<16xi32>
    %add3A_1471 = arith.addi %add3A_1470, %add3A_1463 : vector<16xi32>
    %add3A_1472 = arith.addi %add3A_1471, %get3A_1457 : vector<16xi32>
    %swap3A_1473 = arith.constant 5 : i32
    %swap3A_1474 = arith.index_cast %swap3A_1473 : i32 to index
    %swap3A_1475 = arith.constant 96 : index
    %swap3A_1476 = tpu.vector_load %arg8[%swap3A_1474, %swap3A_1475] {strides = array<i32>} : memref<14x112xi32, #tpu.memory_space<vmem>>, vector<16xi32>,
    tpu.vector_store %arg8[%swap3A_1474, %swap3A_1475], %add3A_1472 {strides = array<i32>} : memref<14x112xi32, #tpu.memory_space<vmem>>, vector<16xi32>,
    %add3A_1477 = arith.constant 6 : i32
    %add3A_1478 = arith.addi %mul3A_32, %add3A_1477 : i32
    %mul3A_1479 = arith.constant 2 : i32
    %mul3A_1480 = arith.muli %mul3A_1479, %add3A_1478 : i32
    %add3A_1481 = arith.constant 6 : i32
    %add3A_1482 = arith.addi %sub3A_65, %add3A_1481 : i32
    %get3A_1483 = arith.constant 0 : i32
    %get3A_1484 = arith.index_cast %get3A_1483 : i32 to index
    %get3A_1485 = arith.index_cast %add3A_1482 : i32 to index
    %get3A_1486 = arith.constant 0 : index
    %get3A_1487 = tpu.vector_load %arg9[%get3A_1484, %get3A_1485, %get3A_1486] {strides = array<i32>} : memref<2x24x112xi32, #tpu.memory_space<vmem>>, vector<16xi32>,
    %add3A_1488 = arith.constant 6 : i32
    %add3A_1489 = arith.addi %sub3A_65, %add3A_1488 : i32
    %get3A_1490 = arith.constant 1 : i32
    %get3A_1491 = arith.index_cast %get3A_1490 : i32 to index
    %get3A_1492 = arith.index_cast %add3A_1489 : i32 to index
    %get3A_1493 = arith.constant 0 : index
    %get3A_1494 = tpu.vector_load %arg9[%get3A_1491, %get3A_1492, %get3A_1493] {strides = array<i32>} : memref<2x24x112xi32, #tpu.memory_space<vmem>>, vector<16xi32>,
    %mul3A_1495 = arith.constant 2 : i32
    %mul3A_1496 = vector.broadcast %mul3A_1495 : i32 to vector<16xi32>
    %mul3A_1497 = arith.muli %mul3A_1496, %iota3A : vector<16xi32>
    %add3A_1498 = arith.constant 0 : i32
    %add3A_1499 = vector.broadcast %add3A_1498 : i32 to vector<16xi32>
    %add3A_1500 = arith.addi %add3A_1499, %mul3A_1497 : vector<16xi32>
    %add3A_1501 = vector.broadcast %mul3A_1480 : i32 to vector<16xi32>
    %add3A_1502 = arith.addi %add3A_1501, %get3A_1487 : vector<16xi32>
    %mul3A_1503 = arith.constant 224 : i32
    %mul3A_1504 = vector.broadcast %mul3A_1503 : i32 to vector<16xi32>
    %mul3A_1505 = arith.muli %add3A_1502, %mul3A_1504 : vector<16xi32>
    %add3A_1506 = vector.broadcast %mul3A_68 : i32 to vector<16xi32>
    %add3A_1507 = arith.addi %add3A_1506, %mul3A_1505 : vector<16xi32>
    %add3A_1508 = arith.addi %add3A_1507, %add3A_1500 : vector<16xi32>
    %add3A_1509 = arith.addi %add3A_1508, %get3A_1494 : vector<16xi32>
    %swap3A_1510 = arith.constant 6 : i32
    %swap3A_1511 = arith.index_cast %swap3A_1510 : i32 to index
    %swap3A_1512 = arith.constant 0 : index
    %swap3A_1513 = tpu.vector_load %arg8[%swap3A_1511, %swap3A_1512] {strides = array<i32>} : memref<14x112xi32, #tpu.memory_space<vmem>>, vector<16xi32>,
    tpu.vector_store %arg8[%swap3A_1511, %swap3A_1512], %add3A_1509 {strides = array<i32>} : memref<14x112xi32, #tpu.memory_space<vmem>>, vector<16xi32>,
    %add3A_1514 = arith.constant 6 : i32
    %add3A_1515 = arith.addi %sub3A_65, %add3A_1514 : i32
    %get3A_1516 = arith.constant 0 : i32
    %get3A_1517 = arith.index_cast %get3A_1516 : i32 to index
    %get3A_1518 = arith.index_cast %add3A_1515 : i32 to index
    %get3A_1519 = arith.constant 16 : index
    %get3A_1520 = tpu.vector_load %arg9[%get3A_1517, %get3A_1518, %get3A_1519] {strides = array<i32>} : memref<2x24x112xi32, #tpu.memory_space<vmem>>, vector<16xi32>,
    %add3A_1521 = arith.constant 6 : i32
    %add3A_1522 = arith.addi %sub3A_65, %add3A_1521 : i32
    %get3A_1523 = arith.constant 1 : i32
    %get3A_1524 = arith.index_cast %get3A_1523 : i32 to index
    %get3A_1525 = arith.index_cast %add3A_1522 : i32 to index
    %get3A_1526 = arith.constant 16 : index
    %get3A_1527 = tpu.vector_load %arg9[%get3A_1524, %get3A_1525, %get3A_1526] {strides = array<i32>} : memref<2x24x112xi32, #tpu.memory_space<vmem>>, vector<16xi32>,
    %mul3A_1528 = arith.constant 2 : i32
    %mul3A_1529 = vector.broadcast %mul3A_1528 : i32 to vector<16xi32>
    %mul3A_1530 = arith.muli %mul3A_1529, %iota3A : vector<16xi32>
    %add3A_1531 = arith.constant 32 : i32
    %add3A_1532 = vector.broadcast %add3A_1531 : i32 to vector<16xi32>
    %add3A_1533 = arith.addi %add3A_1532, %mul3A_1530 : vector<16xi32>
    %add3A_1534 = vector.broadcast %mul3A_1480 : i32 to vector<16xi32>
    %add3A_1535 = arith.addi %add3A_1534, %get3A_1520 : vector<16xi32>
    %mul3A_1536 = arith.constant 224 : i32
    %mul3A_1537 = vector.broadcast %mul3A_1536 : i32 to vector<16xi32>
    %mul3A_1538 = arith.muli %add3A_1535, %mul3A_1537 : vector<16xi32>
    %add3A_1539 = vector.broadcast %mul3A_68 : i32 to vector<16xi32>
    %add3A_1540 = arith.addi %add3A_1539, %mul3A_1538 : vector<16xi32>
    %add3A_1541 = arith.addi %add3A_1540, %add3A_1533 : vector<16xi32>
    %add3A_1542 = arith.addi %add3A_1541, %get3A_1527 : vector<16xi32>
    %swap3A_1543 = arith.constant 6 : i32
    %swap3A_1544 = arith.index_cast %swap3A_1543 : i32 to index
    %swap3A_1545 = arith.constant 16 : index
    %swap3A_1546 = tpu.vector_load %arg8[%swap3A_1544, %swap3A_1545] {strides = array<i32>} : memref<14x112xi32, #tpu.memory_space<vmem>>, vector<16xi32>,
    tpu.vector_store %arg8[%swap3A_1544, %swap3A_1545], %add3A_1542 {strides = array<i32>} : memref<14x112xi32, #tpu.memory_space<vmem>>, vector<16xi32>,
    %add3A_1547 = arith.constant 6 : i32
    %add3A_1548 = arith.addi %sub3A_65, %add3A_1547 : i32
    %get3A_1549 = arith.constant 0 : i32
    %get3A_1550 = arith.index_cast %get3A_1549 : i32 to index
    %get3A_1551 = arith.index_cast %add3A_1548 : i32 to index
    %get3A_1552 = arith.constant 32 : index
    %get3A_1553 = tpu.vector_load %arg9[%get3A_1550, %get3A_1551, %get3A_1552] {strides = array<i32>} : memref<2x24x112xi32, #tpu.memory_space<vmem>>, vector<16xi32>,
    %add3A_1554 = arith.constant 6 : i32
    %add3A_1555 = arith.addi %sub3A_65, %add3A_1554 : i32
    %get3A_1556 = arith.constant 1 : i32
    %get3A_1557 = arith.index_cast %get3A_1556 : i32 to index
    %get3A_1558 = arith.index_cast %add3A_1555 : i32 to index
    %get3A_1559 = arith.constant 32 : index
    %get3A_1560 = tpu.vector_load %arg9[%get3A_1557, %get3A_1558, %get3A_1559] {strides = array<i32>} : memref<2x24x112xi32, #tpu.memory_space<vmem>>, vector<16xi32>,
    %mul3A_1561 = arith.constant 2 : i32
    %mul3A_1562 = vector.broadcast %mul3A_1561 : i32 to vector<16xi32>
    %mul3A_1563 = arith.muli %mul3A_1562, %iota3A : vector<16xi32>
    %add3A_1564 = arith.constant 64 : i32
    %add3A_1565 = vector.broadcast %add3A_1564 : i32 to vector<16xi32>
    %add3A_1566 = arith.addi %add3A_1565, %mul3A_1563 : vector<16xi32>
    %add3A_1567 = vector.broadcast %mul3A_1480 : i32 to vector<16xi32>
    %add3A_1568 = arith.addi %add3A_1567, %get3A_1553 : vector<16xi32>
    %mul3A_1569 = arith.constant 224 : i32
    %mul3A_1570 = vector.broadcast %mul3A_1569 : i32 to vector<16xi32>
    %mul3A_1571 = arith.muli %add3A_1568, %mul3A_1570 : vector<16xi32>
    %add3A_1572 = vector.broadcast %mul3A_68 : i32 to vector<16xi32>
    %add3A_1573 = arith.addi %add3A_1572, %mul3A_1571 : vector<16xi32>
    %add3A_1574 = arith.addi %add3A_1573, %add3A_1566 : vector<16xi32>
    %add3A_1575 = arith.addi %add3A_1574, %get3A_1560 : vector<16xi32>
    %swap3A_1576 = arith.constant 6 : i32
    %swap3A_1577 = arith.index_cast %swap3A_1576 : i32 to index
    %swap3A_1578 = arith.constant 32 : index
    %swap3A_1579 = tpu.vector_load %arg8[%swap3A_1577, %swap3A_1578] {strides = array<i32>} : memref<14x112xi32, #tpu.memory_space<vmem>>, vector<16xi32>,
    tpu.vector_store %arg8[%swap3A_1577, %swap3A_1578], %add3A_1575 {strides = array<i32>} : memref<14x112xi32, #tpu.memory_space<vmem>>, vector<16xi32>,
    %add3A_1580 = arith.constant 6 : i32
    %add3A_1581 = arith.addi %sub3A_65, %add3A_1580 : i32
    %get3A_1582 = arith.constant 0 : i32
    %get3A_1583 = arith.index_cast %get3A_1582 : i32 to index
    %get3A_1584 = arith.index_cast %add3A_1581 : i32 to index
    %get3A_1585 = arith.constant 48 : index
    %get3A_1586 = tpu.vector_load %arg9[%get3A_1583, %get3A_1584, %get3A_1585] {strides = array<i32>} : memref<2x24x112xi32, #tpu.memory_space<vmem>>, vector<16xi32>,
    %add3A_1587 = arith.constant 6 : i32
    %add3A_1588 = arith.addi %sub3A_65, %add3A_1587 : i32
    %get3A_1589 = arith.constant 1 : i32
    %get3A_1590 = arith.index_cast %get3A_1589 : i32 to index
    %get3A_1591 = arith.index_cast %add3A_1588 : i32 to index
    %get3A_1592 = arith.constant 48 : index
    %get3A_1593 = tpu.vector_load %arg9[%get3A_1590, %get3A_1591, %get3A_1592] {strides = array<i32>} : memref<2x24x112xi32, #tpu.memory_space<vmem>>, vector<16xi32>,
    %mul3A_1594 = arith.constant 2 : i32
    %mul3A_1595 = vector.broadcast %mul3A_1594 : i32 to vector<16xi32>
    %mul3A_1596 = arith.muli %mul3A_1595, %iota3A : vector<16xi32>
    %add3A_1597 = arith.constant 96 : i32
    %add3A_1598 = vector.broadcast %add3A_1597 : i32 to vector<16xi32>
    %add3A_1599 = arith.addi %add3A_1598, %mul3A_1596 : vector<16xi32>
    %add3A_1600 = vector.broadcast %mul3A_1480 : i32 to vector<16xi32>
    %add3A_1601 = arith.addi %add3A_1600, %get3A_1586 : vector<16xi32>
    %mul3A_1602 = arith.constant 224 : i32
    %mul3A_1603 = vector.broadcast %mul3A_1602 : i32 to vector<16xi32>
    %mul3A_1604 = arith.muli %add3A_1601, %mul3A_1603 : vector<16xi32>
    %add3A_1605 = vector.broadcast %mul3A_68 : i32 to vector<16xi32>
    %add3A_1606 = arith.addi %add3A_1605, %mul3A_1604 : vector<16xi32>
    %add3A_1607 = arith.addi %add3A_1606, %add3A_1599 : vector<16xi32>
    %add3A_1608 = arith.addi %add3A_1607, %get3A_1593 : vector<16xi32>
    %swap3A_1609 = arith.constant 6 : i32
    %swap3A_1610 = arith.index_cast %swap3A_1609 : i32 to index
    %swap3A_1611 = arith.constant 48 : index
    %swap3A_1612 = tpu.vector_load %arg8[%swap3A_1610, %swap3A_1611] {strides = array<i32>} : memref<14x112xi32, #tpu.memory_space<vmem>>, vector<16xi32>,
    tpu.vector_store %arg8[%swap3A_1610, %swap3A_1611], %add3A_1608 {strides = array<i32>} : memref<14x112xi32, #tpu.memory_space<vmem>>, vector<16xi32>,
    %add3A_1613 = arith.constant 6 : i32
    %add3A_1614 = arith.addi %sub3A_65, %add3A_1613 : i32
    %get3A_1615 = arith.constant 0 : i32
    %get3A_1616 = arith.index_cast %get3A_1615 : i32 to index
    %get3A_1617 = arith.index_cast %add3A_1614 : i32 to index
    %get3A_1618 = arith.constant 64 : index
    %get3A_1619 = tpu.vector_load %arg9[%get3A_1616, %get3A_1617, %get3A_1618] {strides = array<i32>} : memref<2x24x112xi32, #tpu.memory_space<vmem>>, vector<16xi32>,
    %add3A_1620 = arith.constant 6 : i32
    %add3A_1621 = arith.addi %sub3A_65, %add3A_1620 : i32
    %get3A_1622 = arith.constant 1 : i32
    %get3A_1623 = arith.index_cast %get3A_1622 : i32 to index
    %get3A_1624 = arith.index_cast %add3A_1621 : i32 to index
    %get3A_1625 = arith.constant 64 : index
    %get3A_1626 = tpu.vector_load %arg9[%get3A_1623, %get3A_1624, %get3A_1625] {strides = array<i32>} : memref<2x24x112xi32, #tpu.memory_space<vmem>>, vector<16xi32>,
    %mul3A_1627 = arith.constant 2 : i32
    %mul3A_1628 = vector.broadcast %mul3A_1627 : i32 to vector<16xi32>
    %mul3A_1629 = arith.muli %mul3A_1628, %iota3A : vector<16xi32>
    %add3A_1630 = arith.constant 128 : i32
    %add3A_1631 = vector.broadcast %add3A_1630 : i32 to vector<16xi32>
    %add3A_1632 = arith.addi %add3A_1631, %mul3A_1629 : vector<16xi32>
    %add3A_1633 = vector.broadcast %mul3A_1480 : i32 to vector<16xi32>
    %add3A_1634 = arith.addi %add3A_1633, %get3A_1619 : vector<16xi32>
    %mul3A_1635 = arith.constant 224 : i32
    %mul3A_1636 = vector.broadcast %mul3A_1635 : i32 to vector<16xi32>
    %mul3A_1637 = arith.muli %add3A_1634, %mul3A_1636 : vector<16xi32>
    %add3A_1638 = vector.broadcast %mul3A_68 : i32 to vector<16xi32>
    %add3A_1639 = arith.addi %add3A_1638, %mul3A_1637 : vector<16xi32>
    %add3A_1640 = arith.addi %add3A_1639, %add3A_1632 : vector<16xi32>
    %add3A_1641 = arith.addi %add3A_1640, %get3A_1626 : vector<16xi32>
    %swap3A_1642 = arith.constant 6 : i32
    %swap3A_1643 = arith.index_cast %swap3A_1642 : i32 to index
    %swap3A_1644 = arith.constant 64 : index
    %swap3A_1645 = tpu.vector_load %arg8[%swap3A_1643, %swap3A_1644] {strides = array<i32>} : memref<14x112xi32, #tpu.memory_space<vmem>>, vector<16xi32>,
    tpu.vector_store %arg8[%swap3A_1643, %swap3A_1644], %add3A_1641 {strides = array<i32>} : memref<14x112xi32, #tpu.memory_space<vmem>>, vector<16xi32>,
    %add3A_1646 = arith.constant 6 : i32
    %add3A_1647 = arith.addi %sub3A_65, %add3A_1646 : i32
    %get3A_1648 = arith.constant 0 : i32
    %get3A_1649 = arith.index_cast %get3A_1648 : i32 to index
    %get3A_1650 = arith.index_cast %add3A_1647 : i32 to index
    %get3A_1651 = arith.constant 80 : index
    %get3A_1652 = tpu.vector_load %arg9[%get3A_1649, %get3A_1650, %get3A_1651] {strides = array<i32>} : memref<2x24x112xi32, #tpu.memory_space<vmem>>, vector<16xi32>,
    %add3A_1653 = arith.constant 6 : i32
    %add3A_1654 = arith.addi %sub3A_65, %add3A_1653 : i32
    %get3A_1655 = arith.constant 1 : i32
    %get3A_1656 = arith.index_cast %get3A_1655 : i32 to index
    %get3A_1657 = arith.index_cast %add3A_1654 : i32 to index
    %get3A_1658 = arith.constant 80 : index
    %get3A_1659 = tpu.vector_load %arg9[%get3A_1656, %get3A_1657, %get3A_1658] {strides = array<i32>} : memref<2x24x112xi32, #tpu.memory_space<vmem>>, vector<16xi32>,
    %mul3A_1660 = arith.constant 2 : i32
    %mul3A_1661 = vector.broadcast %mul3A_1660 : i32 to vector<16xi32>
    %mul3A_1662 = arith.muli %mul3A_1661, %iota3A : vector<16xi32>
    %add3A_1663 = arith.constant 160 : i32
    %add3A_1664 = vector.broadcast %add3A_1663 : i32 to vector<16xi32>
    %add3A_1665 = arith.addi %add3A_1664, %mul3A_1662 : vector<16xi32>
    %add3A_1666 = vector.broadcast %mul3A_1480 : i32 to vector<16xi32>
    %add3A_1667 = arith.addi %add3A_1666, %get3A_1652 : vector<16xi32>
    %mul3A_1668 = arith.constant 224 : i32
    %mul3A_1669 = vector.broadcast %mul3A_1668 : i32 to vector<16xi32>
    %mul3A_1670 = arith.muli %add3A_1667, %mul3A_1669 : vector<16xi32>
    %add3A_1671 = vector.broadcast %mul3A_68 : i32 to vector<16xi32>
    %add3A_1672 = arith.addi %add3A_1671, %mul3A_1670 : vector<16xi32>
    %add3A_1673 = arith.addi %add3A_1672, %add3A_1665 : vector<16xi32>
    %add3A_1674 = arith.addi %add3A_1673, %get3A_1659 : vector<16xi32>
    %swap3A_1675 = arith.constant 6 : i32
    %swap3A_1676 = arith.index_cast %swap3A_1675 : i32 to index
    %swap3A_1677 = arith.constant 80 : index
    %swap3A_1678 = tpu.vector_load %arg8[%swap3A_1676, %swap3A_1677] {strides = array<i32>} : memref<14x112xi32, #tpu.memory_space<vmem>>, vector<16xi32>,
    tpu.vector_store %arg8[%swap3A_1676, %swap3A_1677], %add3A_1674 {strides = array<i32>} : memref<14x112xi32, #tpu.memory_space<vmem>>, vector<16xi32>,
    %add3A_1679 = arith.constant 6 : i32
    %add3A_1680 = arith.addi %sub3A_65, %add3A_1679 : i32
    %get3A_1681 = arith.constant 0 : i32
    %get3A_1682 = arith.index_cast %get3A_1681 : i32 to index
    %get3A_1683 = arith.index_cast %add3A_1680 : i32 to index
    %get3A_1684 = arith.constant 96 : index
    %get3A_1685 = tpu.vector_load %arg9[%get3A_1682, %get3A_1683, %get3A_1684] {strides = array<i32>} : memref<2x24x112xi32, #tpu.memory_space<vmem>>, vector<16xi32>,
    %add3A_1686 = arith.constant 6 : i32
    %add3A_1687 = arith.addi %sub3A_65, %add3A_1686 : i32
    %get3A_1688 = arith.constant 1 : i32
    %get3A_1689 = arith.index_cast %get3A_1688 : i32 to index
    %get3A_1690 = arith.index_cast %add3A_1687 : i32 to index
    %get3A_1691 = arith.constant 96 : index
    %get3A_1692 = tpu.vector_load %arg9[%get3A_1689, %get3A_1690, %get3A_1691] {strides = array<i32>} : memref<2x24x112xi32, #tpu.memory_space<vmem>>, vector<16xi32>,
    %mul3A_1693 = arith.constant 2 : i32
    %mul3A_1694 = vector.broadcast %mul3A_1693 : i32 to vector<16xi32>
    %mul3A_1695 = arith.muli %mul3A_1694, %iota3A : vector<16xi32>
    %add3A_1696 = arith.constant 192 : i32
    %add3A_1697 = vector.broadcast %add3A_1696 : i32 to vector<16xi32>
    %add3A_1698 = arith.addi %add3A_1697, %mul3A_1695 : vector<16xi32>
    %add3A_1699 = vector.broadcast %mul3A_1480 : i32 to vector<16xi32>
    %add3A_1700 = arith.addi %add3A_1699, %get3A_1685 : vector<16xi32>
    %mul3A_1701 = arith.constant 224 : i32
    %mul3A_1702 = vector.broadcast %mul3A_1701 : i32 to vector<16xi32>
    %mul3A_1703 = arith.muli %add3A_1700, %mul3A_1702 : vector<16xi32>
    %add3A_1704 = vector.broadcast %mul3A_68 : i32 to vector<16xi32>
    %add3A_1705 = arith.addi %add3A_1704, %mul3A_1703 : vector<16xi32>
    %add3A_1706 = arith.addi %add3A_1705, %add3A_1698 : vector<16xi32>
    %add3A_1707 = arith.addi %add3A_1706, %get3A_1692 : vector<16xi32>
    %swap3A_1708 = arith.constant 6 : i32
    %swap3A_1709 = arith.index_cast %swap3A_1708 : i32 to index
    %swap3A_1710 = arith.constant 96 : index
    %swap3A_1711 = tpu.vector_load %arg8[%swap3A_1709, %swap3A_1710] {strides = array<i32>} : memref<14x112xi32, #tpu.memory_space<vmem>>, vector<16xi32>,
    tpu.vector_store %arg8[%swap3A_1709, %swap3A_1710], %add3A_1707 {strides = array<i32>} : memref<14x112xi32, #tpu.memory_space<vmem>>, vector<16xi32>,
    %add3A_1712 = arith.constant 7 : i32
    %add3A_1713 = arith.addi %mul3A_32, %add3A_1712 : i32
    %mul3A_1714 = arith.constant 2 : i32
    %mul3A_1715 = arith.muli %mul3A_1714, %add3A_1713 : i32
    %add3A_1716 = arith.constant 7 : i32
    %add3A_1717 = arith.addi %sub3A_65, %add3A_1716 : i32
    %get3A_1718 = arith.constant 0 : i32
    %get3A_1719 = arith.index_cast %get3A_1718 : i32 to index
    %get3A_1720 = arith.index_cast %add3A_1717 : i32 to index
    %get3A_1721 = arith.constant 0 : index
    %get3A_1722 = tpu.vector_load %arg9[%get3A_1719, %get3A_1720, %get3A_1721] {strides = array<i32>} : memref<2x24x112xi32, #tpu.memory_space<vmem>>, vector<16xi32>,
    %add3A_1723 = arith.constant 7 : i32
    %add3A_1724 = arith.addi %sub3A_65, %add3A_1723 : i32
    %get3A_1725 = arith.constant 1 : i32
    %get3A_1726 = arith.index_cast %get3A_1725 : i32 to index
    %get3A_1727 = arith.index_cast %add3A_1724 : i32 to index
    %get3A_1728 = arith.constant 0 : index
    %get3A_1729 = tpu.vector_load %arg9[%get3A_1726, %get3A_1727, %get3A_1728] {strides = array<i32>} : memref<2x24x112xi32, #tpu.memory_space<vmem>>, vector<16xi32>,
    %mul3A_1730 = arith.constant 2 : i32
    %mul3A_1731 = vector.broadcast %mul3A_1730 : i32 to vector<16xi32>
    %mul3A_1732 = arith.muli %mul3A_1731, %iota3A : vector<16xi32>
    %add3A_1733 = arith.constant 0 : i32
    %add3A_1734 = vector.broadcast %add3A_1733 : i32 to vector<16xi32>
    %add3A_1735 = arith.addi %add3A_1734, %mul3A_1732 : vector<16xi32>
    %add3A_1736 = vector.broadcast %mul3A_1715 : i32 to vector<16xi32>
    %add3A_1737 = arith.addi %add3A_1736, %get3A_1722 : vector<16xi32>
    %mul3A_1738 = arith.constant 224 : i32
    %mul3A_1739 = vector.broadcast %mul3A_1738 : i32 to vector<16xi32>
    %mul3A_1740 = arith.muli %add3A_1737, %mul3A_1739 : vector<16xi32>
    %add3A_1741 = vector.broadcast %mul3A_68 : i32 to vector<16xi32>
    %add3A_1742 = arith.addi %add3A_1741, %mul3A_1740 : vector<16xi32>
    %add3A_1743 = arith.addi %add3A_1742, %add3A_1735 : vector<16xi32>
    %add3A_1744 = arith.addi %add3A_1743, %get3A_1729 : vector<16xi32>
    %swap3A_1745 = arith.constant 7 : i32
    %swap3A_1746 = arith.index_cast %swap3A_1745 : i32 to index
    %swap3A_1747 = arith.constant 0 : index
    %swap3A_1748 = tpu.vector_load %arg8[%swap3A_1746, %swap3A_1747] {strides = array<i32>} : memref<14x112xi32, #tpu.memory_space<vmem>>, vector<16xi32>,
    tpu.vector_store %arg8[%swap3A_1746, %swap3A_1747], %add3A_1744 {strides = array<i32>} : memref<14x112xi32, #tpu.memory_space<vmem>>, vector<16xi32>,
    %add3A_1749 = arith.constant 7 : i32
    %add3A_1750 = arith.addi %sub3A_65, %add3A_1749 : i32
    %get3A_1751 = arith.constant 0 : i32
    %get3A_1752 = arith.index_cast %get3A_1751 : i32 to index
    %get3A_1753 = arith.index_cast %add3A_1750 : i32 to index
    %get3A_1754 = arith.constant 16 : index
    %get3A_1755 = tpu.vector_load %arg9[%get3A_1752, %get3A_1753, %get3A_1754] {strides = array<i32>} : memref<2x24x112xi32, #tpu.memory_space<vmem>>, vector<16xi32>,
    %add3A_1756 = arith.constant 7 : i32
    %add3A_1757 = arith.addi %sub3A_65, %add3A_1756 : i32
    %get3A_1758 = arith.constant 1 : i32
    %get3A_1759 = arith.index_cast %get3A_1758 : i32 to index
    %get3A_1760 = arith.index_cast %add3A_1757 : i32 to index
    %get3A_1761 = arith.constant 16 : index
    %get3A_1762 = tpu.vector_load %arg9[%get3A_1759, %get3A_1760, %get3A_1761] {strides = array<i32>} : memref<2x24x112xi32, #tpu.memory_space<vmem>>, vector<16xi32>,
    %mul3A_1763 = arith.constant 2 : i32
    %mul3A_1764 = vector.broadcast %mul3A_1763 : i32 to vector<16xi32>
    %mul3A_1765 = arith.muli %mul3A_1764, %iota3A : vector<16xi32>
    %add3A_1766 = arith.constant 32 : i32
    %add3A_1767 = vector.broadcast %add3A_1766 : i32 to vector<16xi32>
    %add3A_1768 = arith.addi %add3A_1767, %mul3A_1765 : vector<16xi32>
    %add3A_1769 = vector.broadcast %mul3A_1715 : i32 to vector<16xi32>
    %add3A_1770 = arith.addi %add3A_1769, %get3A_1755 : vector<16xi32>
    %mul3A_1771 = arith.constant 224 : i32
    %mul3A_1772 = vector.broadcast %mul3A_1771 : i32 to vector<16xi32>
    %mul3A_1773 = arith.muli %add3A_1770, %mul3A_1772 : vector<16xi32>
    %add3A_1774 = vector.broadcast %mul3A_68 : i32 to vector<16xi32>
    %add3A_1775 = arith.addi %add3A_1774, %mul3A_1773 : vector<16xi32>
    %add3A_1776 = arith.addi %add3A_1775, %add3A_1768 : vector<16xi32>
    %add3A_1777 = arith.addi %add3A_1776, %get3A_1762 : vector<16xi32>
    %swap3A_1778 = arith.constant 7 : i32
    %swap3A_1779 = arith.index_cast %swap3A_1778 : i32 to index
    %swap3A_1780 = arith.constant 16 : index
    %swap3A_1781 = tpu.vector_load %arg8[%swap3A_1779, %swap3A_1780] {strides = array<i32>} : memref<14x112xi32, #tpu.memory_space<vmem>>, vector<16xi32>,
    tpu.vector_store %arg8[%swap3A_1779, %swap3A_1780], %add3A_1777 {strides = array<i32>} : memref<14x112xi32, #tpu.memory_space<vmem>>, vector<16xi32>,
    %add3A_1782 = arith.constant 7 : i32
    %add3A_1783 = arith.addi %sub3A_65, %add3A_1782 : i32
    %get3A_1784 = arith.constant 0 : i32
    %get3A_1785 = arith.index_cast %get3A_1784 : i32 to index
    %get3A_1786 = arith.index_cast %add3A_1783 : i32 to index
    %get3A_1787 = arith.constant 32 : index
    %get3A_1788 = tpu.vector_load %arg9[%get3A_1785, %get3A_1786, %get3A_1787] {strides = array<i32>} : memref<2x24x112xi32, #tpu.memory_space<vmem>>, vector<16xi32>,
    %add3A_1789 = arith.constant 7 : i32
    %add3A_1790 = arith.addi %sub3A_65, %add3A_1789 : i32
    %get3A_1791 = arith.constant 1 : i32
    %get3A_1792 = arith.index_cast %get3A_1791 : i32 to index
    %get3A_1793 = arith.index_cast %add3A_1790 : i32 to index
    %get3A_1794 = arith.constant 32 : index
    %get3A_1795 = tpu.vector_load %arg9[%get3A_1792, %get3A_1793, %get3A_1794] {strides = array<i32>} : memref<2x24x112xi32, #tpu.memory_space<vmem>>, vector<16xi32>,
    %mul3A_1796 = arith.constant 2 : i32
    %mul3A_1797 = vector.broadcast %mul3A_1796 : i32 to vector<16xi32>
    %mul3A_1798 = arith.muli %mul3A_1797, %iota3A : vector<16xi32>
    %add3A_1799 = arith.constant 64 : i32
    %add3A_1800 = vector.broadcast %add3A_1799 : i32 to vector<16xi32>
    %add3A_1801 = arith.addi %add3A_1800, %mul3A_1798 : vector<16xi32>
    %add3A_1802 = vector.broadcast %mul3A_1715 : i32 to vector<16xi32>
    %add3A_1803 = arith.addi %add3A_1802, %get3A_1788 : vector<16xi32>
    %mul3A_1804 = arith.constant 224 : i32
    %mul3A_1805 = vector.broadcast %mul3A_1804 : i32 to vector<16xi32>
    %mul3A_1806 = arith.muli %add3A_1803, %mul3A_1805 : vector<16xi32>
    %add3A_1807 = vector.broadcast %mul3A_68 : i32 to vector<16xi32>
    %add3A_1808 = arith.addi %add3A_1807, %mul3A_1806 : vector<16xi32>
    %add3A_1809 = arith.addi %add3A_1808, %add3A_1801 : vector<16xi32>
    %add3A_1810 = arith.addi %add3A_1809, %get3A_1795 : vector<16xi32>
    %swap3A_1811 = arith.constant 7 : i32
    %swap3A_1812 = arith.index_cast %swap3A_1811 : i32 to index
    %swap3A_1813 = arith.constant 32 : index
    %swap3A_1814 = tpu.vector_load %arg8[%swap3A_1812, %swap3A_1813] {strides = array<i32>} : memref<14x112xi32, #tpu.memory_space<vmem>>, vector<16xi32>,
    tpu.vector_store %arg8[%swap3A_1812, %swap3A_1813], %add3A_1810 {strides = array<i32>} : memref<14x112xi32, #tpu.memory_space<vmem>>, vector<16xi32>,
    %add3A_1815 = arith.constant 7 : i32
    %add3A_1816 = arith.addi %sub3A_65, %add3A_1815 : i32
    %get3A_1817 = arith.constant 0 : i32
    %get3A_1818 = arith.index_cast %get3A_1817 : i32 to index
    %get3A_1819 = arith.index_cast %add3A_1816 : i32 to index
    %get3A_1820 = arith.constant 48 : index
    %get3A_1821 = tpu.vector_load %arg9[%get3A_1818, %get3A_1819, %get3A_1820] {strides = array<i32>} : memref<2x24x112xi32, #tpu.memory_space<vmem>>, vector<16xi32>,
    %add3A_1822 = arith.constant 7 : i32
    %add3A_1823 = arith.addi %sub3A_65, %add3A_1822 : i32
    %get3A_1824 = arith.constant 1 : i32
    %get3A_1825 = arith.index_cast %get3A_1824 : i32 to index
    %get3A_1826 = arith.index_cast %add3A_1823 : i32 to index
    %get3A_1827 = arith.constant 48 : index
    %get3A_1828 = tpu.vector_load %arg9[%get3A_1825, %get3A_1826, %get3A_1827] {strides = array<i32>} : memref<2x24x112xi32, #tpu.memory_space<vmem>>, vector<16xi32>,
    %mul3A_1829 = arith.constant 2 : i32
    %mul3A_1830 = vector.broadcast %mul3A_1829 : i32 to vector<16xi32>
    %mul3A_1831 = arith.muli %mul3A_1830, %iota3A : vector<16xi32>
    %add3A_1832 = arith.constant 96 : i32
    %add3A_1833 = vector.broadcast %add3A_1832 : i32 to vector<16xi32>
    %add3A_1834 = arith.addi %add3A_1833, %mul3A_1831 : vector<16xi32>
    %add3A_1835 = vector.broadcast %mul3A_1715 : i32 to vector<16xi32>
    %add3A_1836 = arith.addi %add3A_1835, %get3A_1821 : vector<16xi32>
    %mul3A_1837 = arith.constant 224 : i32
    %mul3A_1838 = vector.broadcast %mul3A_1837 : i32 to vector<16xi32>
    %mul3A_1839 = arith.muli %add3A_1836, %mul3A_1838 : vector<16xi32>
    %add3A_1840 = vector.broadcast %mul3A_68 : i32 to vector<16xi32>
    %add3A_1841 = arith.addi %add3A_1840, %mul3A_1839 : vector<16xi32>
    %add3A_1842 = arith.addi %add3A_1841, %add3A_1834 : vector<16xi32>
    %add3A_1843 = arith.addi %add3A_1842, %get3A_1828 : vector<16xi32>
    %swap3A_1844 = arith.constant 7 : i32
    %swap3A_1845 = arith.index_cast %swap3A_1844 : i32 to index
    %swap3A_1846 = arith.constant 48 : index
    %swap3A_1847 = tpu.vector_load %arg8[%swap3A_1845, %swap3A_1846] {strides = array<i32>} : memref<14x112xi32, #tpu.memory_space<vmem>>, vector<16xi32>,
    tpu.vector_store %arg8[%swap3A_1845, %swap3A_1846], %add3A_1843 {strides = array<i32>} : memref<14x112xi32, #tpu.memory_space<vmem>>, vector<16xi32>,
    %add3A_1848 = arith.constant 7 : i32
    %add3A_1849 = arith.addi %sub3A_65, %add3A_1848 : i32
    %get3A_1850 = arith.constant 0 : i32
    %get3A_1851 = arith.index_cast %get3A_1850 : i32 to index
    %get3A_1852 = arith.index_cast %add3A_1849 : i32 to index
    %get3A_1853 = arith.constant 64 : index
    %get3A_1854 = tpu.vector_load %arg9[%get3A_1851, %get3A_1852, %get3A_1853] {strides = array<i32>} : memref<2x24x112xi32, #tpu.memory_space<vmem>>, vector<16xi32>,
    %add3A_1855 = arith.constant 7 : i32
    %add3A_1856 = arith.addi %sub3A_65, %add3A_1855 : i32
    %get3A_1857 = arith.constant 1 : i32
    %get3A_1858 = arith.index_cast %get3A_1857 : i32 to index
    %get3A_1859 = arith.index_cast %add3A_1856 : i32 to index
    %get3A_1860 = arith.constant 64 : index
    %get3A_1861 = tpu.vector_load %arg9[%get3A_1858, %get3A_1859, %get3A_1860] {strides = array<i32>} : memref<2x24x112xi32, #tpu.memory_space<vmem>>, vector<16xi32>,
    %mul3A_1862 = arith.constant 2 : i32
    %mul3A_1863 = vector.broadcast %mul3A_1862 : i32 to vector<16xi32>
    %mul3A_1864 = arith.muli %mul3A_1863, %iota3A : vector<16xi32>
    %add3A_1865 = arith.constant 128 : i32
    %add3A_1866 = vector.broadcast %add3A_1865 : i32 to vector<16xi32>
    %add3A_1867 = arith.addi %add3A_1866, %mul3A_1864 : vector<16xi32>
    %add3A_1868 = vector.broadcast %mul3A_1715 : i32 to vector<16xi32>
    %add3A_1869 = arith.addi %add3A_1868, %get3A_1854 : vector<16xi32>
    %mul3A_1870 = arith.constant 224 : i32
    %mul3A_1871 = vector.broadcast %mul3A_1870 : i32 to vector<16xi32>
    %mul3A_1872 = arith.muli %add3A_1869, %mul3A_1871 : vector<16xi32>
    %add3A_1873 = vector.broadcast %mul3A_68 : i32 to vector<16xi32>
    %add3A_1874 = arith.addi %add3A_1873, %mul3A_1872 : vector<16xi32>
    %add3A_1875 = arith.addi %add3A_1874, %add3A_1867 : vector<16xi32>
    %add3A_1876 = arith.addi %add3A_1875, %get3A_1861 : vector<16xi32>
    %swap3A_1877 = arith.constant 7 : i32
    %swap3A_1878 = arith.index_cast %swap3A_1877 : i32 to index
    %swap3A_1879 = arith.constant 64 : index
    %swap3A_1880 = tpu.vector_load %arg8[%swap3A_1878, %swap3A_1879] {strides = array<i32>} : memref<14x112xi32, #tpu.memory_space<vmem>>, vector<16xi32>,
    tpu.vector_store %arg8[%swap3A_1878, %swap3A_1879], %add3A_1876 {strides = array<i32>} : memref<14x112xi32, #tpu.memory_space<vmem>>, vector<16xi32>,
    %add3A_1881 = arith.constant 7 : i32
    %add3A_1882 = arith.addi %sub3A_65, %add3A_1881 : i32
    %get3A_1883 = arith.constant 0 : i32
    %get3A_1884 = arith.index_cast %get3A_1883 : i32 to index
    %get3A_1885 = arith.index_cast %add3A_1882 : i32 to index
    %get3A_1886 = arith.constant 80 : index
    %get3A_1887 = tpu.vector_load %arg9[%get3A_1884, %get3A_1885, %get3A_1886] {strides = array<i32>} : memref<2x24x112xi32, #tpu.memory_space<vmem>>, vector<16xi32>,
    %add3A_1888 = arith.constant 7 : i32
    %add3A_1889 = arith.addi %sub3A_65, %add3A_1888 : i32
    %get3A_1890 = arith.constant 1 : i32
    %get3A_1891 = arith.index_cast %get3A_1890 : i32 to index
    %get3A_1892 = arith.index_cast %add3A_1889 : i32 to index
    %get3A_1893 = arith.constant 80 : index
    %get3A_1894 = tpu.vector_load %arg9[%get3A_1891, %get3A_1892, %get3A_1893] {strides = array<i32>} : memref<2x24x112xi32, #tpu.memory_space<vmem>>, vector<16xi32>,
    %mul3A_1895 = arith.constant 2 : i32
    %mul3A_1896 = vector.broadcast %mul3A_1895 : i32 to vector<16xi32>
    %mul3A_1897 = arith.muli %mul3A_1896, %iota3A : vector<16xi32>
    %add3A_1898 = arith.constant 160 : i32
    %add3A_1899 = vector.broadcast %add3A_1898 : i32 to vector<16xi32>
    %add3A_1900 = arith.addi %add3A_1899, %mul3A_1897 : vector<16xi32>
    %add3A_1901 = vector.broadcast %mul3A_1715 : i32 to vector<16xi32>
    %add3A_1902 = arith.addi %add3A_1901, %get3A_1887 : vector<16xi32>
    %mul3A_1903 = arith.constant 224 : i32
    %mul3A_1904 = vector.broadcast %mul3A_1903 : i32 to vector<16xi32>
    %mul3A_1905 = arith.muli %add3A_1902, %mul3A_1904 : vector<16xi32>
    %add3A_1906 = vector.broadcast %mul3A_68 : i32 to vector<16xi32>
    %add3A_1907 = arith.addi %add3A_1906, %mul3A_1905 : vector<16xi32>
    %add3A_1908 = arith.addi %add3A_1907, %add3A_1900 : vector<16xi32>
    %add3A_1909 = arith.addi %add3A_1908, %get3A_1894 : vector<16xi32>
    %swap3A_1910 = arith.constant 7 : i32
    %swap3A_1911 = arith.index_cast %swap3A_1910 : i32 to index
    %swap3A_1912 = arith.constant 80 : index
    %swap3A_1913 = tpu.vector_load %arg8[%swap3A_1911, %swap3A_1912] {strides = array<i32>} : memref<14x112xi32, #tpu.memory_space<vmem>>, vector<16xi32>,
    tpu.vector_store %arg8[%swap3A_1911, %swap3A_1912], %add3A_1909 {strides = array<i32>} : memref<14x112xi32, #tpu.memory_space<vmem>>, vector<16xi32>,
    %add3A_1914 = arith.constant 7 : i32
    %add3A_1915 = arith.addi %sub3A_65, %add3A_1914 : i32
    %get3A_1916 = arith.constant 0 : i32
    %get3A_1917 = arith.index_cast %get3A_1916 : i32 to index
    %get3A_1918 = arith.index_cast %add3A_1915 : i32 to index
    %get3A_1919 = arith.constant 96 : index
    %get3A_1920 = tpu.vector_load %arg9[%get3A_1917, %get3A_1918, %get3A_1919] {strides = array<i32>} : memref<2x24x112xi32, #tpu.memory_space<vmem>>, vector<16xi32>,
    %add3A_1921 = arith.constant 7 : i32
    %add3A_1922 = arith.addi %sub3A_65, %add3A_1921 : i32
    %get3A_1923 = arith.constant 1 : i32
    %get3A_1924 = arith.index_cast %get3A_1923 : i32 to index
    %get3A_1925 = arith.index_cast %add3A_1922 : i32 to index
    %get3A_1926 = arith.constant 96 : index
    %get3A_1927 = tpu.vector_load %arg9[%get3A_1924, %get3A_1925, %get3A_1926] {strides = array<i32>} : memref<2x24x112xi32, #tpu.memory_space<vmem>>, vector<16xi32>,
    %mul3A_1928 = arith.constant 2 : i32
    %mul3A_1929 = vector.broadcast %mul3A_1928 : i32 to vector<16xi32>
    %mul3A_1930 = arith.muli %mul3A_1929, %iota3A : vector<16xi32>
    %add3A_1931 = arith.constant 192 : i32
    %add3A_1932 = vector.broadcast %add3A_1931 : i32 to vector<16xi32>
    %add3A_1933 = arith.addi %add3A_1932, %mul3A_1930 : vector<16xi32>
    %add3A_1934 = vector.broadcast %mul3A_1715 : i32 to vector<16xi32>
    %add3A_1935 = arith.addi %add3A_1934, %get3A_1920 : vector<16xi32>
    %mul3A_1936 = arith.constant 224 : i32
    %mul3A_1937 = vector.broadcast %mul3A_1936 : i32 to vector<16xi32>
    %mul3A_1938 = arith.muli %add3A_1935, %mul3A_1937 : vector<16xi32>
    %add3A_1939 = vector.broadcast %mul3A_68 : i32 to vector<16xi32>
    %add3A_1940 = arith.addi %add3A_1939, %mul3A_1938 : vector<16xi32>
    %add3A_1941 = arith.addi %add3A_1940, %add3A_1933 : vector<16xi32>
    %add3A_1942 = arith.addi %add3A_1941, %get3A_1927 : vector<16xi32>
    %swap3A_1943 = arith.constant 7 : i32
    %swap3A_1944 = arith.index_cast %swap3A_1943 : i32 to index
    %swap3A_1945 = arith.constant 96 : index
    %swap3A_1946 = tpu.vector_load %arg8[%swap3A_1944, %swap3A_1945] {strides = array<i32>} : memref<14x112xi32, #tpu.memory_space<vmem>>, vector<16xi32>,
    tpu.vector_store %arg8[%swap3A_1944, %swap3A_1945], %add3A_1942 {strides = array<i32>} : memref<14x112xi32, #tpu.memory_space<vmem>>, vector<16xi32>,
    %add3A_1947 = arith.constant 8 : i32
    %add3A_1948 = arith.addi %mul3A_32, %add3A_1947 : i32
    %mul3A_1949 = arith.constant 2 : i32
    %mul3A_1950 = arith.muli %mul3A_1949, %add3A_1948 : i32
    %add3A_1951 = arith.constant 8 : i32
    %add3A_1952 = arith.addi %sub3A_65, %add3A_1951 : i32
    %get3A_1953 = arith.constant 0 : i32
    %get3A_1954 = arith.index_cast %get3A_1953 : i32 to index
    %get3A_1955 = arith.index_cast %add3A_1952 : i32 to index
    %get3A_1956 = arith.constant 0 : index
    %get3A_1957 = tpu.vector_load %arg9[%get3A_1954, %get3A_1955, %get3A_1956] {strides = array<i32>} : memref<2x24x112xi32, #tpu.memory_space<vmem>>, vector<16xi32>,
    %add3A_1958 = arith.constant 8 : i32
    %add3A_1959 = arith.addi %sub3A_65, %add3A_1958 : i32
    %get3A_1960 = arith.constant 1 : i32
    %get3A_1961 = arith.index_cast %get3A_1960 : i32 to index
    %get3A_1962 = arith.index_cast %add3A_1959 : i32 to index
    %get3A_1963 = arith.constant 0 : index
    %get3A_1964 = tpu.vector_load %arg9[%get3A_1961, %get3A_1962, %get3A_1963] {strides = array<i32>} : memref<2x24x112xi32, #tpu.memory_space<vmem>>, vector<16xi32>,
    %mul3A_1965 = arith.constant 2 : i32
    %mul3A_1966 = vector.broadcast %mul3A_1965 : i32 to vector<16xi32>
    %mul3A_1967 = arith.muli %mul3A_1966, %iota3A : vector<16xi32>
    %add3A_1968 = arith.constant 0 : i32
    %add3A_1969 = vector.broadcast %add3A_1968 : i32 to vector<16xi32>
    %add3A_1970 = arith.addi %add3A_1969, %mul3A_1967 : vector<16xi32>
    %add3A_1971 = vector.broadcast %mul3A_1950 : i32 to vector<16xi32>
    %add3A_1972 = arith.addi %add3A_1971, %get3A_1957 : vector<16xi32>
    %mul3A_1973 = arith.constant 224 : i32
    %mul3A_1974 = vector.broadcast %mul3A_1973 : i32 to vector<16xi32>
    %mul3A_1975 = arith.muli %add3A_1972, %mul3A_1974 : vector<16xi32>
    %add3A_1976 = vector.broadcast %mul3A_68 : i32 to vector<16xi32>
    %add3A_1977 = arith.addi %add3A_1976, %mul3A_1975 : vector<16xi32>
    %add3A_1978 = arith.addi %add3A_1977, %add3A_1970 : vector<16xi32>
    %add3A_1979 = arith.addi %add3A_1978, %get3A_1964 : vector<16xi32>
    %swap3A_1980 = arith.constant 8 : i32
    %swap3A_1981 = arith.index_cast %swap3A_1980 : i32 to index
    %swap3A_1982 = arith.constant 0 : index
    %swap3A_1983 = tpu.vector_load %arg8[%swap3A_1981, %swap3A_1982] {strides = array<i32>} : memref<14x112xi32, #tpu.memory_space<vmem>>, vector<16xi32>,
    tpu.vector_store %arg8[%swap3A_1981, %swap3A_1982], %add3A_1979 {strides = array<i32>} : memref<14x112xi32, #tpu.memory_space<vmem>>, vector<16xi32>,
    %add3A_1984 = arith.constant 8 : i32
    %add3A_1985 = arith.addi %sub3A_65, %add3A_1984 : i32
    %get3A_1986 = arith.constant 0 : i32
    %get3A_1987 = arith.index_cast %get3A_1986 : i32 to index
    %get3A_1988 = arith.index_cast %add3A_1985 : i32 to index
    %get3A_1989 = arith.constant 16 : index
    %get3A_1990 = tpu.vector_load %arg9[%get3A_1987, %get3A_1988, %get3A_1989] {strides = array<i32>} : memref<2x24x112xi32, #tpu.memory_space<vmem>>, vector<16xi32>,
    %add3A_1991 = arith.constant 8 : i32
    %add3A_1992 = arith.addi %sub3A_65, %add3A_1991 : i32
    %get3A_1993 = arith.constant 1 : i32
    %get3A_1994 = arith.index_cast %get3A_1993 : i32 to index
    %get3A_1995 = arith.index_cast %add3A_1992 : i32 to index
    %get3A_1996 = arith.constant 16 : index
    %get3A_1997 = tpu.vector_load %arg9[%get3A_1994, %get3A_1995, %get3A_1996] {strides = array<i32>} : memref<2x24x112xi32, #tpu.memory_space<vmem>>, vector<16xi32>,
    %mul3A_1998 = arith.constant 2 : i32
    %mul3A_1999 = vector.broadcast %mul3A_1998 : i32 to vector<16xi32>
    %mul3A_2000 = arith.muli %mul3A_1999, %iota3A : vector<16xi32>
    %add3A_2001 = arith.constant 32 : i32
    %add3A_2002 = vector.broadcast %add3A_2001 : i32 to vector<16xi32>
    %add3A_2003 = arith.addi %add3A_2002, %mul3A_2000 : vector<16xi32>
    %add3A_2004 = vector.broadcast %mul3A_1950 : i32 to vector<16xi32>
    %add3A_2005 = arith.addi %add3A_2004, %get3A_1990 : vector<16xi32>
    %mul3A_2006 = arith.constant 224 : i32
    %mul3A_2007 = vector.broadcast %mul3A_2006 : i32 to vector<16xi32>
    %mul3A_2008 = arith.muli %add3A_2005, %mul3A_2007 : vector<16xi32>
    %add3A_2009 = vector.broadcast %mul3A_68 : i32 to vector<16xi32>
    %add3A_2010 = arith.addi %add3A_2009, %mul3A_2008 : vector<16xi32>
    %add3A_2011 = arith.addi %add3A_2010, %add3A_2003 : vector<16xi32>
    %add3A_2012 = arith.addi %add3A_2011, %get3A_1997 : vector<16xi32>
    %swap3A_2013 = arith.constant 8 : i32
    %swap3A_2014 = arith.index_cast %swap3A_2013 : i32 to index
    %swap3A_2015 = arith.constant 16 : index
    %swap3A_2016 = tpu.vector_load %arg8[%swap3A_2014, %swap3A_2015] {strides = array<i32>} : memref<14x112xi32, #tpu.memory_space<vmem>>, vector<16xi32>,
    tpu.vector_store %arg8[%swap3A_2014, %swap3A_2015], %add3A_2012 {strides = array<i32>} : memref<14x112xi32, #tpu.memory_space<vmem>>, vector<16xi32>,
    %add3A_2017 = arith.constant 8 : i32
    %add3A_2018 = arith.addi %sub3A_65, %add3A_2017 : i32
    %get3A_2019 = arith.constant 0 : i32
    %get3A_2020 = arith.index_cast %get3A_2019 : i32 to index
    %get3A_2021 = arith.index_cast %add3A_2018 : i32 to index
    %get3A_2022 = arith.constant 32 : index
    %get3A_2023 = tpu.vector_load %arg9[%get3A_2020, %get3A_2021, %get3A_2022] {strides = array<i32>} : memref<2x24x112xi32, #tpu.memory_space<vmem>>, vector<16xi32>,
    %add3A_2024 = arith.constant 8 : i32
    %add3A_2025 = arith.addi %sub3A_65, %add3A_2024 : i32
    %get3A_2026 = arith.constant 1 : i32
    %get3A_2027 = arith.index_cast %get3A_2026 : i32 to index
    %get3A_2028 = arith.index_cast %add3A_2025 : i32 to index
    %get3A_2029 = arith.constant 32 : index
    %get3A_2030 = tpu.vector_load %arg9[%get3A_2027, %get3A_2028, %get3A_2029] {strides = array<i32>} : memref<2x24x112xi32, #tpu.memory_space<vmem>>, vector<16xi32>,
    %mul3A_2031 = arith.constant 2 : i32
    %mul3A_2032 = vector.broadcast %mul3A_2031 : i32 to vector<16xi32>
    %mul3A_2033 = arith.muli %mul3A_2032, %iota3A : vector<16xi32>
    %add3A_2034 = arith.constant 64 : i32
    %add3A_2035 = vector.broadcast %add3A_2034 : i32 to vector<16xi32>
    %add3A_2036 = arith.addi %add3A_2035, %mul3A_2033 : vector<16xi32>
    %add3A_2037 = vector.broadcast %mul3A_1950 : i32 to vector<16xi32>
    %add3A_2038 = arith.addi %add3A_2037, %get3A_2023 : vector<16xi32>
    %mul3A_2039 = arith.constant 224 : i32
    %mul3A_2040 = vector.broadcast %mul3A_2039 : i32 to vector<16xi32>
    %mul3A_2041 = arith.muli %add3A_2038, %mul3A_2040 : vector<16xi32>
    %add3A_2042 = vector.broadcast %mul3A_68 : i32 to vector<16xi32>
    %add3A_2043 = arith.addi %add3A_2042, %mul3A_2041 : vector<16xi32>
    %add3A_2044 = arith.addi %add3A_2043, %add3A_2036 : vector<16xi32>
    %add3A_2045 = arith.addi %add3A_2044, %get3A_2030 : vector<16xi32>
    %swap3A_2046 = arith.constant 8 : i32
    %swap3A_2047 = arith.index_cast %swap3A_2046 : i32 to index
    %swap3A_2048 = arith.constant 32 : index
    %swap3A_2049 = tpu.vector_load %arg8[%swap3A_2047, %swap3A_2048] {strides = array<i32>} : memref<14x112xi32, #tpu.memory_space<vmem>>, vector<16xi32>,
    tpu.vector_store %arg8[%swap3A_2047, %swap3A_2048], %add3A_2045 {strides = array<i32>} : memref<14x112xi32, #tpu.memory_space<vmem>>, vector<16xi32>,
    %add3A_2050 = arith.constant 8 : i32
    %add3A_2051 = arith.addi %sub3A_65, %add3A_2050 : i32
    %get3A_2052 = arith.constant 0 : i32
    %get3A_2053 = arith.index_cast %get3A_2052 : i32 to index
    %get3A_2054 = arith.index_cast %add3A_2051 : i32 to index
    %get3A_2055 = arith.constant 48 : index
    %get3A_2056 = tpu.vector_load %arg9[%get3A_2053, %get3A_2054, %get3A_2055] {strides = array<i32>} : memref<2x24x112xi32, #tpu.memory_space<vmem>>, vector<16xi32>,
    %add3A_2057 = arith.constant 8 : i32
    %add3A_2058 = arith.addi %sub3A_65, %add3A_2057 : i32
    %get3A_2059 = arith.constant 1 : i32
    %get3A_2060 = arith.index_cast %get3A_2059 : i32 to index
    %get3A_2061 = arith.index_cast %add3A_2058 : i32 to index
    %get3A_2062 = arith.constant 48 : index
    %get3A_2063 = tpu.vector_load %arg9[%get3A_2060, %get3A_2061, %get3A_2062] {strides = array<i32>} : memref<2x24x112xi32, #tpu.memory_space<vmem>>, vector<16xi32>,
    %mul3A_2064 = arith.constant 2 : i32
    %mul3A_2065 = vector.broadcast %mul3A_2064 : i32 to vector<16xi32>
    %mul3A_2066 = arith.muli %mul3A_2065, %iota3A : vector<16xi32>
    %add3A_2067 = arith.constant 96 : i32
    %add3A_2068 = vector.broadcast %add3A_2067 : i32 to vector<16xi32>
    %add3A_2069 = arith.addi %add3A_2068, %mul3A_2066 : vector<16xi32>
    %add3A_2070 = vector.broadcast %mul3A_1950 : i32 to vector<16xi32>
    %add3A_2071 = arith.addi %add3A_2070, %get3A_2056 : vector<16xi32>
    %mul3A_2072 = arith.constant 224 : i32
    %mul3A_2073 = vector.broadcast %mul3A_2072 : i32 to vector<16xi32>
    %mul3A_2074 = arith.muli %add3A_2071, %mul3A_2073 : vector<16xi32>
    %add3A_2075 = vector.broadcast %mul3A_68 : i32 to vector<16xi32>
    %add3A_2076 = arith.addi %add3A_2075, %mul3A_2074 : vector<16xi32>
    %add3A_2077 = arith.addi %add3A_2076, %add3A_2069 : vector<16xi32>
    %add3A_2078 = arith.addi %add3A_2077, %get3A_2063 : vector<16xi32>
    %swap3A_2079 = arith.constant 8 : i32
    %swap3A_2080 = arith.index_cast %swap3A_2079 : i32 to index
    %swap3A_2081 = arith.constant 48 : index
    %swap3A_2082 = tpu.vector_load %arg8[%swap3A_2080, %swap3A_2081] {strides = array<i32>} : memref<14x112xi32, #tpu.memory_space<vmem>>, vector<16xi32>,
    tpu.vector_store %arg8[%swap3A_2080, %swap3A_2081], %add3A_2078 {strides = array<i32>} : memref<14x112xi32, #tpu.memory_space<vmem>>, vector<16xi32>,
    %add3A_2083 = arith.constant 8 : i32
    %add3A_2084 = arith.addi %sub3A_65, %add3A_2083 : i32
    %get3A_2085 = arith.constant 0 : i32
    %get3A_2086 = arith.index_cast %get3A_2085 : i32 to index
    %get3A_2087 = arith.index_cast %add3A_2084 : i32 to index
    %get3A_2088 = arith.constant 64 : index
    %get3A_2089 = tpu.vector_load %arg9[%get3A_2086, %get3A_2087, %get3A_2088] {strides = array<i32>} : memref<2x24x112xi32, #tpu.memory_space<vmem>>, vector<16xi32>,
    %add3A_2090 = arith.constant 8 : i32
    %add3A_2091 = arith.addi %sub3A_65, %add3A_2090 : i32
    %get3A_2092 = arith.constant 1 : i32
    %get3A_2093 = arith.index_cast %get3A_2092 : i32 to index
    %get3A_2094 = arith.index_cast %add3A_2091 : i32 to index
    %get3A_2095 = arith.constant 64 : index
    %get3A_2096 = tpu.vector_load %arg9[%get3A_2093, %get3A_2094, %get3A_2095] {strides = array<i32>} : memref<2x24x112xi32, #tpu.memory_space<vmem>>, vector<16xi32>,
    %mul3A_2097 = arith.constant 2 : i32
    %mul3A_2098 = vector.broadcast %mul3A_2097 : i32 to vector<16xi32>
    %mul3A_2099 = arith.muli %mul3A_2098, %iota3A : vector<16xi32>
    %add3A_2100 = arith.constant 128 : i32
    %add3A_2101 = vector.broadcast %add3A_2100 : i32 to vector<16xi32>
    %add3A_2102 = arith.addi %add3A_2101, %mul3A_2099 : vector<16xi32>
    %add3A_2103 = vector.broadcast %mul3A_1950 : i32 to vector<16xi32>
    %add3A_2104 = arith.addi %add3A_2103, %get3A_2089 : vector<16xi32>
    %mul3A_2105 = arith.constant 224 : i32
    %mul3A_2106 = vector.broadcast %mul3A_2105 : i32 to vector<16xi32>
    %mul3A_2107 = arith.muli %add3A_2104, %mul3A_2106 : vector<16xi32>
    %add3A_2108 = vector.broadcast %mul3A_68 : i32 to vector<16xi32>
    %add3A_2109 = arith.addi %add3A_2108, %mul3A_2107 : vector<16xi32>
    %add3A_2110 = arith.addi %add3A_2109, %add3A_2102 : vector<16xi32>
    %add3A_2111 = arith.addi %add3A_2110, %get3A_2096 : vector<16xi32>
    %swap3A_2112 = arith.constant 8 : i32
    %swap3A_2113 = arith.index_cast %swap3A_2112 : i32 to index
    %swap3A_2114 = arith.constant 64 : index
    %swap3A_2115 = tpu.vector_load %arg8[%swap3A_2113, %swap3A_2114] {strides = array<i32>} : memref<14x112xi32, #tpu.memory_space<vmem>>, vector<16xi32>,
    tpu.vector_store %arg8[%swap3A_2113, %swap3A_2114], %add3A_2111 {strides = array<i32>} : memref<14x112xi32, #tpu.memory_space<vmem>>, vector<16xi32>,
    %add3A_2116 = arith.constant 8 : i32
    %add3A_2117 = arith.addi %sub3A_65, %add3A_2116 : i32
    %get3A_2118 = arith.constant 0 : i32
    %get3A_2119 = arith.index_cast %get3A_2118 : i32 to index
    %get3A_2120 = arith.index_cast %add3A_2117 : i32 to index
    %get3A_2121 = arith.constant 80 : index
    %get3A_2122 = tpu.vector_load %arg9[%get3A_2119, %get3A_2120, %get3A_2121] {strides = array<i32>} : memref<2x24x112xi32, #tpu.memory_space<vmem>>, vector<16xi32>,
    %add3A_2123 = arith.constant 8 : i32
    %add3A_2124 = arith.addi %sub3A_65, %add3A_2123 : i32
    %get3A_2125 = arith.constant 1 : i32
    %get3A_2126 = arith.index_cast %get3A_2125 : i32 to index
    %get3A_2127 = arith.index_cast %add3A_2124 : i32 to index
    %get3A_2128 = arith.constant 80 : index
    %get3A_2129 = tpu.vector_load %arg9[%get3A_2126, %get3A_2127, %get3A_2128] {strides = array<i32>} : memref<2x24x112xi32, #tpu.memory_space<vmem>>, vector<16xi32>,
    %mul3A_2130 = arith.constant 2 : i32
    %mul3A_2131 = vector.broadcast %mul3A_2130 : i32 to vector<16xi32>
    %mul3A_2132 = arith.muli %mul3A_2131, %iota3A : vector<16xi32>
    %add3A_2133 = arith.constant 160 : i32
    %add3A_2134 = vector.broadcast %add3A_2133 : i32 to vector<16xi32>
    %add3A_2135 = arith.addi %add3A_2134, %mul3A_2132 : vector<16xi32>
    %add3A_2136 = vector.broadcast %mul3A_1950 : i32 to vector<16xi32>
    %add3A_2137 = arith.addi %add3A_2136, %get3A_2122 : vector<16xi32>
    %mul3A_2138 = arith.constant 224 : i32
    %mul3A_2139 = vector.broadcast %mul3A_2138 : i32 to vector<16xi32>
    %mul3A_2140 = arith.muli %add3A_2137, %mul3A_2139 : vector<16xi32>
    %add3A_2141 = vector.broadcast %mul3A_68 : i32 to vector<16xi32>
    %add3A_2142 = arith.addi %add3A_2141, %mul3A_2140 : vector<16xi32>
    %add3A_2143 = arith.addi %add3A_2142, %add3A_2135 : vector<16xi32>
    %add3A_2144 = arith.addi %add3A_2143, %get3A_2129 : vector<16xi32>
    %swap3A_2145 = arith.constant 8 : i32
    %swap3A_2146 = arith.index_cast %swap3A_2145 : i32 to index
    %swap3A_2147 = arith.constant 80 : index
    %swap3A_2148 = tpu.vector_load %arg8[%swap3A_2146, %swap3A_2147] {strides = array<i32>} : memref<14x112xi32, #tpu.memory_space<vmem>>, vector<16xi32>,
    tpu.vector_store %arg8[%swap3A_2146, %swap3A_2147], %add3A_2144 {strides = array<i32>} : memref<14x112xi32, #tpu.memory_space<vmem>>, vector<16xi32>,
    %add3A_2149 = arith.constant 8 : i32
    %add3A_2150 = arith.addi %sub3A_65, %add3A_2149 : i32
    %get3A_2151 = arith.constant 0 : i32
    %get3A_2152 = arith.index_cast %get3A_2151 : i32 to index
    %get3A_2153 = arith.index_cast %add3A_2150 : i32 to index
    %get3A_2154 = arith.constant 96 : index
    %get3A_2155 = tpu.vector_load %arg9[%get3A_2152, %get3A_2153, %get3A_2154] {strides = array<i32>} : memref<2x24x112xi32, #tpu.memory_space<vmem>>, vector<16xi32>,
    %add3A_2156 = arith.constant 8 : i32
    %add3A_2157 = arith.addi %sub3A_65, %add3A_2156 : i32
    %get3A_2158 = arith.constant 1 : i32
    %get3A_2159 = arith.index_cast %get3A_2158 : i32 to index
    %get3A_2160 = arith.index_cast %add3A_2157 : i32 to index
    %get3A_2161 = arith.constant 96 : index
    %get3A_2162 = tpu.vector_load %arg9[%get3A_2159, %get3A_2160, %get3A_2161] {strides = array<i32>} : memref<2x24x112xi32, #tpu.memory_space<vmem>>, vector<16xi32>,
    %mul3A_2163 = arith.constant 2 : i32
    %mul3A_2164 = vector.broadcast %mul3A_2163 : i32 to vector<16xi32>
    %mul3A_2165 = arith.muli %mul3A_2164, %iota3A : vector<16xi32>
    %add3A_2166 = arith.constant 192 : i32
    %add3A_2167 = vector.broadcast %add3A_2166 : i32 to vector<16xi32>
    %add3A_2168 = arith.addi %add3A_2167, %mul3A_2165 : vector<16xi32>
    %add3A_2169 = vector.broadcast %mul3A_1950 : i32 to vector<16xi32>
    %add3A_2170 = arith.addi %add3A_2169, %get3A_2155 : vector<16xi32>
    %mul3A_2171 = arith.constant 224 : i32
    %mul3A_2172 = vector.broadcast %mul3A_2171 : i32 to vector<16xi32>
    %mul3A_2173 = arith.muli %add3A_2170, %mul3A_2172 : vector<16xi32>
    %add3A_2174 = vector.broadcast %mul3A_68 : i32 to vector<16xi32>
    %add3A_2175 = arith.addi %add3A_2174, %mul3A_2173 : vector<16xi32>
    %add3A_2176 = arith.addi %add3A_2175, %add3A_2168 : vector<16xi32>
    %add3A_2177 = arith.addi %add3A_2176, %get3A_2162 : vector<16xi32>
    %swap3A_2178 = arith.constant 8 : i32
    %swap3A_2179 = arith.index_cast %swap3A_2178 : i32 to index
    %swap3A_2180 = arith.constant 96 : index
    %swap3A_2181 = tpu.vector_load %arg8[%swap3A_2179, %swap3A_2180] {strides = array<i32>} : memref<14x112xi32, #tpu.memory_space<vmem>>, vector<16xi32>,
    tpu.vector_store %arg8[%swap3A_2179, %swap3A_2180], %add3A_2177 {strides = array<i32>} : memref<14x112xi32, #tpu.memory_space<vmem>>, vector<16xi32>,
    %add3A_2182 = arith.constant 9 : i32
    %add3A_2183 = arith.addi %mul3A_32, %add3A_2182 : i32
    %mul3A_2184 = arith.constant 2 : i32
    %mul3A_2185 = arith.muli %mul3A_2184, %add3A_2183 : i32
    %add3A_2186 = arith.constant 9 : i32
    %add3A_2187 = arith.addi %sub3A_65, %add3A_2186 : i32
    %get3A_2188 = arith.constant 0 : i32
    %get3A_2189 = arith.index_cast %get3A_2188 : i32 to index
    %get3A_2190 = arith.index_cast %add3A_2187 : i32 to index
    %get3A_2191 = arith.constant 0 : index
    %get3A_2192 = tpu.vector_load %arg9[%get3A_2189, %get3A_2190, %get3A_2191] {strides = array<i32>} : memref<2x24x112xi32, #tpu.memory_space<vmem>>, vector<16xi32>,
    %add3A_2193 = arith.constant 9 : i32
    %add3A_2194 = arith.addi %sub3A_65, %add3A_2193 : i32
    %get3A_2195 = arith.constant 1 : i32
    %get3A_2196 = arith.index_cast %get3A_2195 : i32 to index
    %get3A_2197 = arith.index_cast %add3A_2194 : i32 to index
    %get3A_2198 = arith.constant 0 : index
    %get3A_2199 = tpu.vector_load %arg9[%get3A_2196, %get3A_2197, %get3A_2198] {strides = array<i32>} : memref<2x24x112xi32, #tpu.memory_space<vmem>>, vector<16xi32>,
    %mul3A_2200 = arith.constant 2 : i32
    %mul3A_2201 = vector.broadcast %mul3A_2200 : i32 to vector<16xi32>
    %mul3A_2202 = arith.muli %mul3A_2201, %iota3A : vector<16xi32>
    %add3A_2203 = arith.constant 0 : i32
    %add3A_2204 = vector.broadcast %add3A_2203 : i32 to vector<16xi32>
    %add3A_2205 = arith.addi %add3A_2204, %mul3A_2202 : vector<16xi32>
    %add3A_2206 = vector.broadcast %mul3A_2185 : i32 to vector<16xi32>
    %add3A_2207 = arith.addi %add3A_2206, %get3A_2192 : vector<16xi32>
    %mul3A_2208 = arith.constant 224 : i32
    %mul3A_2209 = vector.broadcast %mul3A_2208 : i32 to vector<16xi32>
    %mul3A_2210 = arith.muli %add3A_2207, %mul3A_2209 : vector<16xi32>
    %add3A_2211 = vector.broadcast %mul3A_68 : i32 to vector<16xi32>
    %add3A_2212 = arith.addi %add3A_2211, %mul3A_2210 : vector<16xi32>
    %add3A_2213 = arith.addi %add3A_2212, %add3A_2205 : vector<16xi32>
    %add3A_2214 = arith.addi %add3A_2213, %get3A_2199 : vector<16xi32>
    %swap3A_2215 = arith.constant 9 : i32
    %swap3A_2216 = arith.index_cast %swap3A_2215 : i32 to index
    %swap3A_2217 = arith.constant 0 : index
    %swap3A_2218 = tpu.vector_load %arg8[%swap3A_2216, %swap3A_2217] {strides = array<i32>} : memref<14x112xi32, #tpu.memory_space<vmem>>, vector<16xi32>,
    tpu.vector_store %arg8[%swap3A_2216, %swap3A_2217], %add3A_2214 {strides = array<i32>} : memref<14x112xi32, #tpu.memory_space<vmem>>, vector<16xi32>,
    %add3A_2219 = arith.constant 9 : i32
    %add3A_2220 = arith.addi %sub3A_65, %add3A_2219 : i32
    %get3A_2221 = arith.constant 0 : i32
    %get3A_2222 = arith.index_cast %get3A_2221 : i32 to index
    %get3A_2223 = arith.index_cast %add3A_2220 : i32 to index
    %get3A_2224 = arith.constant 16 : index
    %get3A_2225 = tpu.vector_load %arg9[%get3A_2222, %get3A_2223, %get3A_2224] {strides = array<i32>} : memref<2x24x112xi32, #tpu.memory_space<vmem>>, vector<16xi32>,
    %add3A_2226 = arith.constant 9 : i32
    %add3A_2227 = arith.addi %sub3A_65, %add3A_2226 : i32
    %get3A_2228 = arith.constant 1 : i32
    %get3A_2229 = arith.index_cast %get3A_2228 : i32 to index
    %get3A_2230 = arith.index_cast %add3A_2227 : i32 to index
    %get3A_2231 = arith.constant 16 : index
    %get3A_2232 = tpu.vector_load %arg9[%get3A_2229, %get3A_2230, %get3A_2231] {strides = array<i32>} : memref<2x24x112xi32, #tpu.memory_space<vmem>>, vector<16xi32>,
    %mul3A_2233 = arith.constant 2 : i32
    %mul3A_2234 = vector.broadcast %mul3A_2233 : i32 to vector<16xi32>
    %mul3A_2235 = arith.muli %mul3A_2234, %iota3A : vector<16xi32>
    %add3A_2236 = arith.constant 32 : i32
    %add3A_2237 = vector.broadcast %add3A_2236 : i32 to vector<16xi32>
    %add3A_2238 = arith.addi %add3A_2237, %mul3A_2235 : vector<16xi32>
    %add3A_2239 = vector.broadcast %mul3A_2185 : i32 to vector<16xi32>
    %add3A_2240 = arith.addi %add3A_2239, %get3A_2225 : vector<16xi32>
    %mul3A_2241 = arith.constant 224 : i32
    %mul3A_2242 = vector.broadcast %mul3A_2241 : i32 to vector<16xi32>
    %mul3A_2243 = arith.muli %add3A_2240, %mul3A_2242 : vector<16xi32>
    %add3A_2244 = vector.broadcast %mul3A_68 : i32 to vector<16xi32>
    %add3A_2245 = arith.addi %add3A_2244, %mul3A_2243 : vector<16xi32>
    %add3A_2246 = arith.addi %add3A_2245, %add3A_2238 : vector<16xi32>
    %add3A_2247 = arith.addi %add3A_2246, %get3A_2232 : vector<16xi32>
    %swap3A_2248 = arith.constant 9 : i32
    %swap3A_2249 = arith.index_cast %swap3A_2248 : i32 to index
    %swap3A_2250 = arith.constant 16 : index
    %swap3A_2251 = tpu.vector_load %arg8[%swap3A_2249, %swap3A_2250] {strides = array<i32>} : memref<14x112xi32, #tpu.memory_space<vmem>>, vector<16xi32>,
    tpu.vector_store %arg8[%swap3A_2249, %swap3A_2250], %add3A_2247 {strides = array<i32>} : memref<14x112xi32, #tpu.memory_space<vmem>>, vector<16xi32>,
    %add3A_2252 = arith.constant 9 : i32
    %add3A_2253 = arith.addi %sub3A_65, %add3A_2252 : i32
    %get3A_2254 = arith.constant 0 : i32
    %get3A_2255 = arith.index_cast %get3A_2254 : i32 to index
    %get3A_2256 = arith.index_cast %add3A_2253 : i32 to index
    %get3A_2257 = arith.constant 32 : index
    %get3A_2258 = tpu.vector_load %arg9[%get3A_2255, %get3A_2256, %get3A_2257] {strides = array<i32>} : memref<2x24x112xi32, #tpu.memory_space<vmem>>, vector<16xi32>,
    %add3A_2259 = arith.constant 9 : i32
    %add3A_2260 = arith.addi %sub3A_65, %add3A_2259 : i32
    %get3A_2261 = arith.constant 1 : i32
    %get3A_2262 = arith.index_cast %get3A_2261 : i32 to index
    %get3A_2263 = arith.index_cast %add3A_2260 : i32 to index
    %get3A_2264 = arith.constant 32 : index
    %get3A_2265 = tpu.vector_load %arg9[%get3A_2262, %get3A_2263, %get3A_2264] {strides = array<i32>} : memref<2x24x112xi32, #tpu.memory_space<vmem>>, vector<16xi32>,
    %mul3A_2266 = arith.constant 2 : i32
    %mul3A_2267 = vector.broadcast %mul3A_2266 : i32 to vector<16xi32>
    %mul3A_2268 = arith.muli %mul3A_2267, %iota3A : vector<16xi32>
    %add3A_2269 = arith.constant 64 : i32
    %add3A_2270 = vector.broadcast %add3A_2269 : i32 to vector<16xi32>
    %add3A_2271 = arith.addi %add3A_2270, %mul3A_2268 : vector<16xi32>
    %add3A_2272 = vector.broadcast %mul3A_2185 : i32 to vector<16xi32>
    %add3A_2273 = arith.addi %add3A_2272, %get3A_2258 : vector<16xi32>
    %mul3A_2274 = arith.constant 224 : i32
    %mul3A_2275 = vector.broadcast %mul3A_2274 : i32 to vector<16xi32>
    %mul3A_2276 = arith.muli %add3A_2273, %mul3A_2275 : vector<16xi32>
    %add3A_2277 = vector.broadcast %mul3A_68 : i32 to vector<16xi32>
    %add3A_2278 = arith.addi %add3A_2277, %mul3A_2276 : vector<16xi32>
    %add3A_2279 = arith.addi %add3A_2278, %add3A_2271 : vector<16xi32>
    %add3A_2280 = arith.addi %add3A_2279, %get3A_2265 : vector<16xi32>
    %swap3A_2281 = arith.constant 9 : i32
    %swap3A_2282 = arith.index_cast %swap3A_2281 : i32 to index
    %swap3A_2283 = arith.constant 32 : index
    %swap3A_2284 = tpu.vector_load %arg8[%swap3A_2282, %swap3A_2283] {strides = array<i32>} : memref<14x112xi32, #tpu.memory_space<vmem>>, vector<16xi32>,
    tpu.vector_store %arg8[%swap3A_2282, %swap3A_2283], %add3A_2280 {strides = array<i32>} : memref<14x112xi32, #tpu.memory_space<vmem>>, vector<16xi32>,
    %add3A_2285 = arith.constant 9 : i32
    %add3A_2286 = arith.addi %sub3A_65, %add3A_2285 : i32
    %get3A_2287 = arith.constant 0 : i32
    %get3A_2288 = arith.index_cast %get3A_2287 : i32 to index
    %get3A_2289 = arith.index_cast %add3A_2286 : i32 to index
    %get3A_2290 = arith.constant 48 : index
    %get3A_2291 = tpu.vector_load %arg9[%get3A_2288, %get3A_2289, %get3A_2290] {strides = array<i32>} : memref<2x24x112xi32, #tpu.memory_space<vmem>>, vector<16xi32>,
    %add3A_2292 = arith.constant 9 : i32
    %add3A_2293 = arith.addi %sub3A_65, %add3A_2292 : i32
    %get3A_2294 = arith.constant 1 : i32
    %get3A_2295 = arith.index_cast %get3A_2294 : i32 to index
    %get3A_2296 = arith.index_cast %add3A_2293 : i32 to index
    %get3A_2297 = arith.constant 48 : index
    %get3A_2298 = tpu.vector_load %arg9[%get3A_2295, %get3A_2296, %get3A_2297] {strides = array<i32>} : memref<2x24x112xi32, #tpu.memory_space<vmem>>, vector<16xi32>,
    %mul3A_2299 = arith.constant 2 : i32
    %mul3A_2300 = vector.broadcast %mul3A_2299 : i32 to vector<16xi32>
    %mul3A_2301 = arith.muli %mul3A_2300, %iota3A : vector<16xi32>
    %add3A_2302 = arith.constant 96 : i32
    %add3A_2303 = vector.broadcast %add3A_2302 : i32 to vector<16xi32>
    %add3A_2304 = arith.addi %add3A_2303, %mul3A_2301 : vector<16xi32>
    %add3A_2305 = vector.broadcast %mul3A_2185 : i32 to vector<16xi32>
    %add3A_2306 = arith.addi %add3A_2305, %get3A_2291 : vector<16xi32>
    %mul3A_2307 = arith.constant 224 : i32
    %mul3A_2308 = vector.broadcast %mul3A_2307 : i32 to vector<16xi32>
    %mul3A_2309 = arith.muli %add3A_2306, %mul3A_2308 : vector<16xi32>
    %add3A_2310 = vector.broadcast %mul3A_68 : i32 to vector<16xi32>
    %add3A_2311 = arith.addi %add3A_2310, %mul3A_2309 : vector<16xi32>
    %add3A_2312 = arith.addi %add3A_2311, %add3A_2304 : vector<16xi32>
    %add3A_2313 = arith.addi %add3A_2312, %get3A_2298 : vector<16xi32>
    %swap3A_2314 = arith.constant 9 : i32
    %swap3A_2315 = arith.index_cast %swap3A_2314 : i32 to index
    %swap3A_2316 = arith.constant 48 : index
    %swap3A_2317 = tpu.vector_load %arg8[%swap3A_2315, %swap3A_2316] {strides = array<i32>} : memref<14x112xi32, #tpu.memory_space<vmem>>, vector<16xi32>,
    tpu.vector_store %arg8[%swap3A_2315, %swap3A_2316], %add3A_2313 {strides = array<i32>} : memref<14x112xi32, #tpu.memory_space<vmem>>, vector<16xi32>,
    %add3A_2318 = arith.constant 9 : i32
    %add3A_2319 = arith.addi %sub3A_65, %add3A_2318 : i32
    %get3A_2320 = arith.constant 0 : i32
    %get3A_2321 = arith.index_cast %get3A_2320 : i32 to index
    %get3A_2322 = arith.index_cast %add3A_2319 : i32 to index
    %get3A_2323 = arith.constant 64 : index
    %get3A_2324 = tpu.vector_load %arg9[%get3A_2321, %get3A_2322, %get3A_2323] {strides = array<i32>} : memref<2x24x112xi32, #tpu.memory_space<vmem>>, vector<16xi32>,
    %add3A_2325 = arith.constant 9 : i32
    %add3A_2326 = arith.addi %sub3A_65, %add3A_2325 : i32
    %get3A_2327 = arith.constant 1 : i32
    %get3A_2328 = arith.index_cast %get3A_2327 : i32 to index
    %get3A_2329 = arith.index_cast %add3A_2326 : i32 to index
    %get3A_2330 = arith.constant 64 : index
    %get3A_2331 = tpu.vector_load %arg9[%get3A_2328, %get3A_2329, %get3A_2330] {strides = array<i32>} : memref<2x24x112xi32, #tpu.memory_space<vmem>>, vector<16xi32>,
    %mul3A_2332 = arith.constant 2 : i32
    %mul3A_2333 = vector.broadcast %mul3A_2332 : i32 to vector<16xi32>
    %mul3A_2334 = arith.muli %mul3A_2333, %iota3A : vector<16xi32>
    %add3A_2335 = arith.constant 128 : i32
    %add3A_2336 = vector.broadcast %add3A_2335 : i32 to vector<16xi32>
    %add3A_2337 = arith.addi %add3A_2336, %mul3A_2334 : vector<16xi32>
    %add3A_2338 = vector.broadcast %mul3A_2185 : i32 to vector<16xi32>
    %add3A_2339 = arith.addi %add3A_2338, %get3A_2324 : vector<16xi32>
    %mul3A_2340 = arith.constant 224 : i32
    %mul3A_2341 = vector.broadcast %mul3A_2340 : i32 to vector<16xi32>
    %mul3A_2342 = arith.muli %add3A_2339, %mul3A_2341 : vector<16xi32>
    %add3A_2343 = vector.broadcast %mul3A_68 : i32 to vector<16xi32>
    %add3A_2344 = arith.addi %add3A_2343, %mul3A_2342 : vector<16xi32>
    %add3A_2345 = arith.addi %add3A_2344, %add3A_2337 : vector<16xi32>
    %add3A_2346 = arith.addi %add3A_2345, %get3A_2331 : vector<16xi32>
    %swap3A_2347 = arith.constant 9 : i32
    %swap3A_2348 = arith.index_cast %swap3A_2347 : i32 to index
    %swap3A_2349 = arith.constant 64 : index
    %swap3A_2350 = tpu.vector_load %arg8[%swap3A_2348, %swap3A_2349] {strides = array<i32>} : memref<14x112xi32, #tpu.memory_space<vmem>>, vector<16xi32>,
    tpu.vector_store %arg8[%swap3A_2348, %swap3A_2349], %add3A_2346 {strides = array<i32>} : memref<14x112xi32, #tpu.memory_space<vmem>>, vector<16xi32>,
    %add3A_2351 = arith.constant 9 : i32
    %add3A_2352 = arith.addi %sub3A_65, %add3A_2351 : i32
    %get3A_2353 = arith.constant 0 : i32
    %get3A_2354 = arith.index_cast %get3A_2353 : i32 to index
    %get3A_2355 = arith.index_cast %add3A_2352 : i32 to index
    %get3A_2356 = arith.constant 80 : index
    %get3A_2357 = tpu.vector_load %arg9[%get3A_2354, %get3A_2355, %get3A_2356] {strides = array<i32>} : memref<2x24x112xi32, #tpu.memory_space<vmem>>, vector<16xi32>,
    %add3A_2358 = arith.constant 9 : i32
    %add3A_2359 = arith.addi %sub3A_65, %add3A_2358 : i32
    %get3A_2360 = arith.constant 1 : i32
    %get3A_2361 = arith.index_cast %get3A_2360 : i32 to index
    %get3A_2362 = arith.index_cast %add3A_2359 : i32 to index
    %get3A_2363 = arith.constant 80 : index
    %get3A_2364 = tpu.vector_load %arg9[%get3A_2361, %get3A_2362, %get3A_2363] {strides = array<i32>} : memref<2x24x112xi32, #tpu.memory_space<vmem>>, vector<16xi32>,
    %mul3A_2365 = arith.constant 2 : i32
    %mul3A_2366 = vector.broadcast %mul3A_2365 : i32 to vector<16xi32>
    %mul3A_2367 = arith.muli %mul3A_2366, %iota3A : vector<16xi32>
    %add3A_2368 = arith.constant 160 : i32
    %add3A_2369 = vector.broadcast %add3A_2368 : i32 to vector<16xi32>
    %add3A_2370 = arith.addi %add3A_2369, %mul3A_2367 : vector<16xi32>
    %add3A_2371 = vector.broadcast %mul3A_2185 : i32 to vector<16xi32>
    %add3A_2372 = arith.addi %add3A_2371, %get3A_2357 : vector<16xi32>
    %mul3A_2373 = arith.constant 224 : i32
    %mul3A_2374 = vector.broadcast %mul3A_2373 : i32 to vector<16xi32>
    %mul3A_2375 = arith.muli %add3A_2372, %mul3A_2374 : vector<16xi32>
    %add3A_2376 = vector.broadcast %mul3A_68 : i32 to vector<16xi32>
    %add3A_2377 = arith.addi %add3A_2376, %mul3A_2375 : vector<16xi32>
    %add3A_2378 = arith.addi %add3A_2377, %add3A_2370 : vector<16xi32>
    %add3A_2379 = arith.addi %add3A_2378, %get3A_2364 : vector<16xi32>
    %swap3A_2380 = arith.constant 9 : i32
    %swap3A_2381 = arith.index_cast %swap3A_2380 : i32 to index
    %swap3A_2382 = arith.constant 80 : index
    %swap3A_2383 = tpu.vector_load %arg8[%swap3A_2381, %swap3A_2382] {strides = array<i32>} : memref<14x112xi32, #tpu.memory_space<vmem>>, vector<16xi32>,
    tpu.vector_store %arg8[%swap3A_2381, %swap3A_2382], %add3A_2379 {strides = array<i32>} : memref<14x112xi32, #tpu.memory_space<vmem>>, vector<16xi32>,
    %add3A_2384 = arith.constant 9 : i32
    %add3A_2385 = arith.addi %sub3A_65, %add3A_2384 : i32
    %get3A_2386 = arith.constant 0 : i32
    %get3A_2387 = arith.index_cast %get3A_2386 : i32 to index
    %get3A_2388 = arith.index_cast %add3A_2385 : i32 to index
    %get3A_2389 = arith.constant 96 : index
    %get3A_2390 = tpu.vector_load %arg9[%get3A_2387, %get3A_2388, %get3A_2389] {strides = array<i32>} : memref<2x24x112xi32, #tpu.memory_space<vmem>>, vector<16xi32>,
    %add3A_2391 = arith.constant 9 : i32
    %add3A_2392 = arith.addi %sub3A_65, %add3A_2391 : i32
    %get3A_2393 = arith.constant 1 : i32
    %get3A_2394 = arith.index_cast %get3A_2393 : i32 to index
    %get3A_2395 = arith.index_cast %add3A_2392 : i32 to index
    %get3A_2396 = arith.constant 96 : index
    %get3A_2397 = tpu.vector_load %arg9[%get3A_2394, %get3A_2395, %get3A_2396] {strides = array<i32>} : memref<2x24x112xi32, #tpu.memory_space<vmem>>, vector<16xi32>,
    %mul3A_2398 = arith.constant 2 : i32
    %mul3A_2399 = vector.broadcast %mul3A_2398 : i32 to vector<16xi32>
    %mul3A_2400 = arith.muli %mul3A_2399, %iota3A : vector<16xi32>
    %add3A_2401 = arith.constant 192 : i32
    %add3A_2402 = vector.broadcast %add3A_2401 : i32 to vector<16xi32>
    %add3A_2403 = arith.addi %add3A_2402, %mul3A_2400 : vector<16xi32>
    %add3A_2404 = vector.broadcast %mul3A_2185 : i32 to vector<16xi32>
    %add3A_2405 = arith.addi %add3A_2404, %get3A_2390 : vector<16xi32>
    %mul3A_2406 = arith.constant 224 : i32
    %mul3A_2407 = vector.broadcast %mul3A_2406 : i32 to vector<16xi32>
    %mul3A_2408 = arith.muli %add3A_2405, %mul3A_2407 : vector<16xi32>
    %add3A_2409 = vector.broadcast %mul3A_68 : i32 to vector<16xi32>
    %add3A_2410 = arith.addi %add3A_2409, %mul3A_2408 : vector<16xi32>
    %add3A_2411 = arith.addi %add3A_2410, %add3A_2403 : vector<16xi32>
    %add3A_2412 = arith.addi %add3A_2411, %get3A_2397 : vector<16xi32>
    %swap3A_2413 = arith.constant 9 : i32
    %swap3A_2414 = arith.index_cast %swap3A_2413 : i32 to index
    %swap3A_2415 = arith.constant 96 : index
    %swap3A_2416 = tpu.vector_load %arg8[%swap3A_2414, %swap3A_2415] {strides = array<i32>} : memref<14x112xi32, #tpu.memory_space<vmem>>, vector<16xi32>,
    tpu.vector_store %arg8[%swap3A_2414, %swap3A_2415], %add3A_2412 {strides = array<i32>} : memref<14x112xi32, #tpu.memory_space<vmem>>, vector<16xi32>,
    %add3A_2417 = arith.constant 10 : i32
    %add3A_2418 = arith.addi %mul3A_32, %add3A_2417 : i32
    %mul3A_2419 = arith.constant 2 : i32
    %mul3A_2420 = arith.muli %mul3A_2419, %add3A_2418 : i32
    %add3A_2421 = arith.constant 10 : i32
    %add3A_2422 = arith.addi %sub3A_65, %add3A_2421 : i32
    %get3A_2423 = arith.constant 0 : i32
    %get3A_2424 = arith.index_cast %get3A_2423 : i32 to index
    %get3A_2425 = arith.index_cast %add3A_2422 : i32 to index
    %get3A_2426 = arith.constant 0 : index
    %get3A_2427 = tpu.vector_load %arg9[%get3A_2424, %get3A_2425, %get3A_2426] {strides = array<i32>} : memref<2x24x112xi32, #tpu.memory_space<vmem>>, vector<16xi32>,
    %add3A_2428 = arith.constant 10 : i32
    %add3A_2429 = arith.addi %sub3A_65, %add3A_2428 : i32
    %get3A_2430 = arith.constant 1 : i32
    %get3A_2431 = arith.index_cast %get3A_2430 : i32 to index
    %get3A_2432 = arith.index_cast %add3A_2429 : i32 to index
    %get3A_2433 = arith.constant 0 : index
    %get3A_2434 = tpu.vector_load %arg9[%get3A_2431, %get3A_2432, %get3A_2433] {strides = array<i32>} : memref<2x24x112xi32, #tpu.memory_space<vmem>>, vector<16xi32>,
    %mul3A_2435 = arith.constant 2 : i32
    %mul3A_2436 = vector.broadcast %mul3A_2435 : i32 to vector<16xi32>
    %mul3A_2437 = arith.muli %mul3A_2436, %iota3A : vector<16xi32>
    %add3A_2438 = arith.constant 0 : i32
    %add3A_2439 = vector.broadcast %add3A_2438 : i32 to vector<16xi32>
    %add3A_2440 = arith.addi %add3A_2439, %mul3A_2437 : vector<16xi32>
    %add3A_2441 = vector.broadcast %mul3A_2420 : i32 to vector<16xi32>
    %add3A_2442 = arith.addi %add3A_2441, %get3A_2427 : vector<16xi32>
    %mul3A_2443 = arith.constant 224 : i32
    %mul3A_2444 = vector.broadcast %mul3A_2443 : i32 to vector<16xi32>
    %mul3A_2445 = arith.muli %add3A_2442, %mul3A_2444 : vector<16xi32>
    %add3A_2446 = vector.broadcast %mul3A_68 : i32 to vector<16xi32>
    %add3A_2447 = arith.addi %add3A_2446, %mul3A_2445 : vector<16xi32>
    %add3A_2448 = arith.addi %add3A_2447, %add3A_2440 : vector<16xi32>
    %add3A_2449 = arith.addi %add3A_2448, %get3A_2434 : vector<16xi32>
    %swap3A_2450 = arith.constant 10 : i32
    %swap3A_2451 = arith.index_cast %swap3A_2450 : i32 to index
    %swap3A_2452 = arith.constant 0 : index
    %swap3A_2453 = tpu.vector_load %arg8[%swap3A_2451, %swap3A_2452] {strides = array<i32>} : memref<14x112xi32, #tpu.memory_space<vmem>>, vector<16xi32>,
    tpu.vector_store %arg8[%swap3A_2451, %swap3A_2452], %add3A_2449 {strides = array<i32>} : memref<14x112xi32, #tpu.memory_space<vmem>>, vector<16xi32>,
    %add3A_2454 = arith.constant 10 : i32
    %add3A_2455 = arith.addi %sub3A_65, %add3A_2454 : i32
    %get3A_2456 = arith.constant 0 : i32
    %get3A_2457 = arith.index_cast %get3A_2456 : i32 to index
    %get3A_2458 = arith.index_cast %add3A_2455 : i32 to index
    %get3A_2459 = arith.constant 16 : index
    %get3A_2460 = tpu.vector_load %arg9[%get3A_2457, %get3A_2458, %get3A_2459] {strides = array<i32>} : memref<2x24x112xi32, #tpu.memory_space<vmem>>, vector<16xi32>,
    %add3A_2461 = arith.constant 10 : i32
    %add3A_2462 = arith.addi %sub3A_65, %add3A_2461 : i32
    %get3A_2463 = arith.constant 1 : i32
    %get3A_2464 = arith.index_cast %get3A_2463 : i32 to index
    %get3A_2465 = arith.index_cast %add3A_2462 : i32 to index
    %get3A_2466 = arith.constant 16 : index
    %get3A_2467 = tpu.vector_load %arg9[%get3A_2464, %get3A_2465, %get3A_2466] {strides = array<i32>} : memref<2x24x112xi32, #tpu.memory_space<vmem>>, vector<16xi32>,
    %mul3A_2468 = arith.constant 2 : i32
    %mul3A_2469 = vector.broadcast %mul3A_2468 : i32 to vector<16xi32>
    %mul3A_2470 = arith.muli %mul3A_2469, %iota3A : vector<16xi32>
    %add3A_2471 = arith.constant 32 : i32
    %add3A_2472 = vector.broadcast %add3A_2471 : i32 to vector<16xi32>
    %add3A_2473 = arith.addi %add3A_2472, %mul3A_2470 : vector<16xi32>
    %add3A_2474 = vector.broadcast %mul3A_2420 : i32 to vector<16xi32>
    %add3A_2475 = arith.addi %add3A_2474, %get3A_2460 : vector<16xi32>
    %mul3A_2476 = arith.constant 224 : i32
    %mul3A_2477 = vector.broadcast %mul3A_2476 : i32 to vector<16xi32>
    %mul3A_2478 = arith.muli %add3A_2475, %mul3A_2477 : vector<16xi32>
    %add3A_2479 = vector.broadcast %mul3A_68 : i32 to vector<16xi32>
    %add3A_2480 = arith.addi %add3A_2479, %mul3A_2478 : vector<16xi32>
    %add3A_2481 = arith.addi %add3A_2480, %add3A_2473 : vector<16xi32>
    %add3A_2482 = arith.addi %add3A_2481, %get3A_2467 : vector<16xi32>
    %swap3A_2483 = arith.constant 10 : i32
    %swap3A_2484 = arith.index_cast %swap3A_2483 : i32 to index
    %swap3A_2485 = arith.constant 16 : index
    %swap3A_2486 = tpu.vector_load %arg8[%swap3A_2484, %swap3A_2485] {strides = array<i32>} : memref<14x112xi32, #tpu.memory_space<vmem>>, vector<16xi32>,
    tpu.vector_store %arg8[%swap3A_2484, %swap3A_2485], %add3A_2482 {strides = array<i32>} : memref<14x112xi32, #tpu.memory_space<vmem>>, vector<16xi32>,
    %add3A_2487 = arith.constant 10 : i32
    %add3A_2488 = arith.addi %sub3A_65, %add3A_2487 : i32
    %get3A_2489 = arith.constant 0 : i32
    %get3A_2490 = arith.index_cast %get3A_2489 : i32 to index
    %get3A_2491 = arith.index_cast %add3A_2488 : i32 to index
    %get3A_2492 = arith.constant 32 : index
    %get3A_2493 = tpu.vector_load %arg9[%get3A_2490, %get3A_2491, %get3A_2492] {strides = array<i32>} : memref<2x24x112xi32, #tpu.memory_space<vmem>>, vector<16xi32>,
    %add3A_2494 = arith.constant 10 : i32
    %add3A_2495 = arith.addi %sub3A_65, %add3A_2494 : i32
    %get3A_2496 = arith.constant 1 : i32
    %get3A_2497 = arith.index_cast %get3A_2496 : i32 to index
    %get3A_2498 = arith.index_cast %add3A_2495 : i32 to index
    %get3A_2499 = arith.constant 32 : index
    %get3A_2500 = tpu.vector_load %arg9[%get3A_2497, %get3A_2498, %get3A_2499] {strides = array<i32>} : memref<2x24x112xi32, #tpu.memory_space<vmem>>, vector<16xi32>,
    %mul3A_2501 = arith.constant 2 : i32
    %mul3A_2502 = vector.broadcast %mul3A_2501 : i32 to vector<16xi32>
    %mul3A_2503 = arith.muli %mul3A_2502, %iota3A : vector<16xi32>
    %add3A_2504 = arith.constant 64 : i32
    %add3A_2505 = vector.broadcast %add3A_2504 : i32 to vector<16xi32>
    %add3A_2506 = arith.addi %add3A_2505, %mul3A_2503 : vector<16xi32>
    %add3A_2507 = vector.broadcast %mul3A_2420 : i32 to vector<16xi32>
    %add3A_2508 = arith.addi %add3A_2507, %get3A_2493 : vector<16xi32>
    %mul3A_2509 = arith.constant 224 : i32
    %mul3A_2510 = vector.broadcast %mul3A_2509 : i32 to vector<16xi32>
    %mul3A_2511 = arith.muli %add3A_2508, %mul3A_2510 : vector<16xi32>
    %add3A_2512 = vector.broadcast %mul3A_68 : i32 to vector<16xi32>
    %add3A_2513 = arith.addi %add3A_2512, %mul3A_2511 : vector<16xi32>
    %add3A_2514 = arith.addi %add3A_2513, %add3A_2506 : vector<16xi32>
    %add3A_2515 = arith.addi %add3A_2514, %get3A_2500 : vector<16xi32>
    %swap3A_2516 = arith.constant 10 : i32
    %swap3A_2517 = arith.index_cast %swap3A_2516 : i32 to index
    %swap3A_2518 = arith.constant 32 : index
    %swap3A_2519 = tpu.vector_load %arg8[%swap3A_2517, %swap3A_2518] {strides = array<i32>} : memref<14x112xi32, #tpu.memory_space<vmem>>, vector<16xi32>,
    tpu.vector_store %arg8[%swap3A_2517, %swap3A_2518], %add3A_2515 {strides = array<i32>} : memref<14x112xi32, #tpu.memory_space<vmem>>, vector<16xi32>,
    %add3A_2520 = arith.constant 10 : i32
    %add3A_2521 = arith.addi %sub3A_65, %add3A_2520 : i32
    %get3A_2522 = arith.constant 0 : i32
    %get3A_2523 = arith.index_cast %get3A_2522 : i32 to index
    %get3A_2524 = arith.index_cast %add3A_2521 : i32 to index
    %get3A_2525 = arith.constant 48 : index
    %get3A_2526 = tpu.vector_load %arg9[%get3A_2523, %get3A_2524, %get3A_2525] {strides = array<i32>} : memref<2x24x112xi32, #tpu.memory_space<vmem>>, vector<16xi32>,
    %add3A_2527 = arith.constant 10 : i32
    %add3A_2528 = arith.addi %sub3A_65, %add3A_2527 : i32
    %get3A_2529 = arith.constant 1 : i32
    %get3A_2530 = arith.index_cast %get3A_2529 : i32 to index
    %get3A_2531 = arith.index_cast %add3A_2528 : i32 to index
    %get3A_2532 = arith.constant 48 : index
    %get3A_2533 = tpu.vector_load %arg9[%get3A_2530, %get3A_2531, %get3A_2532] {strides = array<i32>} : memref<2x24x112xi32, #tpu.memory_space<vmem>>, vector<16xi32>,
    %mul3A_2534 = arith.constant 2 : i32
    %mul3A_2535 = vector.broadcast %mul3A_2534 : i32 to vector<16xi32>
    %mul3A_2536 = arith.muli %mul3A_2535, %iota3A : vector<16xi32>
    %add3A_2537 = arith.constant 96 : i32
    %add3A_2538 = vector.broadcast %add3A_2537 : i32 to vector<16xi32>
    %add3A_2539 = arith.addi %add3A_2538, %mul3A_2536 : vector<16xi32>
    %add3A_2540 = vector.broadcast %mul3A_2420 : i32 to vector<16xi32>
    %add3A_2541 = arith.addi %add3A_2540, %get3A_2526 : vector<16xi32>
    %mul3A_2542 = arith.constant 224 : i32
    %mul3A_2543 = vector.broadcast %mul3A_2542 : i32 to vector<16xi32>
    %mul3A_2544 = arith.muli %add3A_2541, %mul3A_2543 : vector<16xi32>
    %add3A_2545 = vector.broadcast %mul3A_68 : i32 to vector<16xi32>
    %add3A_2546 = arith.addi %add3A_2545, %mul3A_2544 : vector<16xi32>
    %add3A_2547 = arith.addi %add3A_2546, %add3A_2539 : vector<16xi32>
    %add3A_2548 = arith.addi %add3A_2547, %get3A_2533 : vector<16xi32>
    %swap3A_2549 = arith.constant 10 : i32
    %swap3A_2550 = arith.index_cast %swap3A_2549 : i32 to index
    %swap3A_2551 = arith.constant 48 : index
    %swap3A_2552 = tpu.vector_load %arg8[%swap3A_2550, %swap3A_2551] {strides = array<i32>} : memref<14x112xi32, #tpu.memory_space<vmem>>, vector<16xi32>,
    tpu.vector_store %arg8[%swap3A_2550, %swap3A_2551], %add3A_2548 {strides = array<i32>} : memref<14x112xi32, #tpu.memory_space<vmem>>, vector<16xi32>,
    %add3A_2553 = arith.constant 10 : i32
    %add3A_2554 = arith.addi %sub3A_65, %add3A_2553 : i32
    %get3A_2555 = arith.constant 0 : i32
    %get3A_2556 = arith.index_cast %get3A_2555 : i32 to index
    %get3A_2557 = arith.index_cast %add3A_2554 : i32 to index
    %get3A_2558 = arith.constant 64 : index
    %get3A_2559 = tpu.vector_load %arg9[%get3A_2556, %get3A_2557, %get3A_2558] {strides = array<i32>} : memref<2x24x112xi32, #tpu.memory_space<vmem>>, vector<16xi32>,
    %add3A_2560 = arith.constant 10 : i32
    %add3A_2561 = arith.addi %sub3A_65, %add3A_2560 : i32
    %get3A_2562 = arith.constant 1 : i32
    %get3A_2563 = arith.index_cast %get3A_2562 : i32 to index
    %get3A_2564 = arith.index_cast %add3A_2561 : i32 to index
    %get3A_2565 = arith.constant 64 : index
    %get3A_2566 = tpu.vector_load %arg9[%get3A_2563, %get3A_2564, %get3A_2565] {strides = array<i32>} : memref<2x24x112xi32, #tpu.memory_space<vmem>>, vector<16xi32>,
    %mul3A_2567 = arith.constant 2 : i32
    %mul3A_2568 = vector.broadcast %mul3A_2567 : i32 to vector<16xi32>
    %mul3A_2569 = arith.muli %mul3A_2568, %iota3A : vector<16xi32>
    %add3A_2570 = arith.constant 128 : i32
    %add3A_2571 = vector.broadcast %add3A_2570 : i32 to vector<16xi32>
    %add3A_2572 = arith.addi %add3A_2571, %mul3A_2569 : vector<16xi32>
    %add3A_2573 = vector.broadcast %mul3A_2420 : i32 to vector<16xi32>
    %add3A_2574 = arith.addi %add3A_2573, %get3A_2559 : vector<16xi32>
    %mul3A_2575 = arith.constant 224 : i32
    %mul3A_2576 = vector.broadcast %mul3A_2575 : i32 to vector<16xi32>
    %mul3A_2577 = arith.muli %add3A_2574, %mul3A_2576 : vector<16xi32>
    %add3A_2578 = vector.broadcast %mul3A_68 : i32 to vector<16xi32>
    %add3A_2579 = arith.addi %add3A_2578, %mul3A_2577 : vector<16xi32>
    %add3A_2580 = arith.addi %add3A_2579, %add3A_2572 : vector<16xi32>
    %add3A_2581 = arith.addi %add3A_2580, %get3A_2566 : vector<16xi32>
    %swap3A_2582 = arith.constant 10 : i32
    %swap3A_2583 = arith.index_cast %swap3A_2582 : i32 to index
    %swap3A_2584 = arith.constant 64 : index
    %swap3A_2585 = tpu.vector_load %arg8[%swap3A_2583, %swap3A_2584] {strides = array<i32>} : memref<14x112xi32, #tpu.memory_space<vmem>>, vector<16xi32>,
    tpu.vector_store %arg8[%swap3A_2583, %swap3A_2584], %add3A_2581 {strides = array<i32>} : memref<14x112xi32, #tpu.memory_space<vmem>>, vector<16xi32>,
    %add3A_2586 = arith.constant 10 : i32
    %add3A_2587 = arith.addi %sub3A_65, %add3A_2586 : i32
    %get3A_2588 = arith.constant 0 : i32
    %get3A_2589 = arith.index_cast %get3A_2588 : i32 to index
    %get3A_2590 = arith.index_cast %add3A_2587 : i32 to index
    %get3A_2591 = arith.constant 80 : index
    %get3A_2592 = tpu.vector_load %arg9[%get3A_2589, %get3A_2590, %get3A_2591] {strides = array<i32>} : memref<2x24x112xi32, #tpu.memory_space<vmem>>, vector<16xi32>,
    %add3A_2593 = arith.constant 10 : i32
    %add3A_2594 = arith.addi %sub3A_65, %add3A_2593 : i32
    %get3A_2595 = arith.constant 1 : i32
    %get3A_2596 = arith.index_cast %get3A_2595 : i32 to index
    %get3A_2597 = arith.index_cast %add3A_2594 : i32 to index
    %get3A_2598 = arith.constant 80 : index
    %get3A_2599 = tpu.vector_load %arg9[%get3A_2596, %get3A_2597, %get3A_2598] {strides = array<i32>} : memref<2x24x112xi32, #tpu.memory_space<vmem>>, vector<16xi32>,
    %mul3A_2600 = arith.constant 2 : i32
    %mul3A_2601 = vector.broadcast %mul3A_2600 : i32 to vector<16xi32>
    %mul3A_2602 = arith.muli %mul3A_2601, %iota3A : vector<16xi32>
    %add3A_2603 = arith.constant 160 : i32
    %add3A_2604 = vector.broadcast %add3A_2603 : i32 to vector<16xi32>
    %add3A_2605 = arith.addi %add3A_2604, %mul3A_2602 : vector<16xi32>
    %add3A_2606 = vector.broadcast %mul3A_2420 : i32 to vector<16xi32>
    %add3A_2607 = arith.addi %add3A_2606, %get3A_2592 : vector<16xi32>
    %mul3A_2608 = arith.constant 224 : i32
    %mul3A_2609 = vector.broadcast %mul3A_2608 : i32 to vector<16xi32>
    %mul3A_2610 = arith.muli %add3A_2607, %mul3A_2609 : vector<16xi32>
    %add3A_2611 = vector.broadcast %mul3A_68 : i32 to vector<16xi32>
    %add3A_2612 = arith.addi %add3A_2611, %mul3A_2610 : vector<16xi32>
    %add3A_2613 = arith.addi %add3A_2612, %add3A_2605 : vector<16xi32>
    %add3A_2614 = arith.addi %add3A_2613, %get3A_2599 : vector<16xi32>
    %swap3A_2615 = arith.constant 10 : i32
    %swap3A_2616 = arith.index_cast %swap3A_2615 : i32 to index
    %swap3A_2617 = arith.constant 80 : index
    %swap3A_2618 = tpu.vector_load %arg8[%swap3A_2616, %swap3A_2617] {strides = array<i32>} : memref<14x112xi32, #tpu.memory_space<vmem>>, vector<16xi32>,
    tpu.vector_store %arg8[%swap3A_2616, %swap3A_2617], %add3A_2614 {strides = array<i32>} : memref<14x112xi32, #tpu.memory_space<vmem>>, vector<16xi32>,
    %add3A_2619 = arith.constant 10 : i32
    %add3A_2620 = arith.addi %sub3A_65, %add3A_2619 : i32
    %get3A_2621 = arith.constant 0 : i32
    %get3A_2622 = arith.index_cast %get3A_2621 : i32 to index
    %get3A_2623 = arith.index_cast %add3A_2620 : i32 to index
    %get3A_2624 = arith.constant 96 : index
    %get3A_2625 = tpu.vector_load %arg9[%get3A_2622, %get3A_2623, %get3A_2624] {strides = array<i32>} : memref<2x24x112xi32, #tpu.memory_space<vmem>>, vector<16xi32>,
    %add3A_2626 = arith.constant 10 : i32
    %add3A_2627 = arith.addi %sub3A_65, %add3A_2626 : i32
    %get3A_2628 = arith.constant 1 : i32
    %get3A_2629 = arith.index_cast %get3A_2628 : i32 to index
    %get3A_2630 = arith.index_cast %add3A_2627 : i32 to index
    %get3A_2631 = arith.constant 96 : index
    %get3A_2632 = tpu.vector_load %arg9[%get3A_2629, %get3A_2630, %get3A_2631] {strides = array<i32>} : memref<2x24x112xi32, #tpu.memory_space<vmem>>, vector<16xi32>,
    %mul3A_2633 = arith.constant 2 : i32
    %mul3A_2634 = vector.broadcast %mul3A_2633 : i32 to vector<16xi32>
    %mul3A_2635 = arith.muli %mul3A_2634, %iota3A : vector<16xi32>
    %add3A_2636 = arith.constant 192 : i32
    %add3A_2637 = vector.broadcast %add3A_2636 : i32 to vector<16xi32>
    %add3A_2638 = arith.addi %add3A_2637, %mul3A_2635 : vector<16xi32>
    %add3A_2639 = vector.broadcast %mul3A_2420 : i32 to vector<16xi32>
    %add3A_2640 = arith.addi %add3A_2639, %get3A_2625 : vector<16xi32>
    %mul3A_2641 = arith.constant 224 : i32
    %mul3A_2642 = vector.broadcast %mul3A_2641 : i32 to vector<16xi32>
    %mul3A_2643 = arith.muli %add3A_2640, %mul3A_2642 : vector<16xi32>
    %add3A_2644 = vector.broadcast %mul3A_68 : i32 to vector<16xi32>
    %add3A_2645 = arith.addi %add3A_2644, %mul3A_2643 : vector<16xi32>
    %add3A_2646 = arith.addi %add3A_2645, %add3A_2638 : vector<16xi32>
    %add3A_2647 = arith.addi %add3A_2646, %get3A_2632 : vector<16xi32>
    %swap3A_2648 = arith.constant 10 : i32
    %swap3A_2649 = arith.index_cast %swap3A_2648 : i32 to index
    %swap3A_2650 = arith.constant 96 : index
    %swap3A_2651 = tpu.vector_load %arg8[%swap3A_2649, %swap3A_2650] {strides = array<i32>} : memref<14x112xi32, #tpu.memory_space<vmem>>, vector<16xi32>,
    tpu.vector_store %arg8[%swap3A_2649, %swap3A_2650], %add3A_2647 {strides = array<i32>} : memref<14x112xi32, #tpu.memory_space<vmem>>, vector<16xi32>,
    %add3A_2652 = arith.constant 11 : i32
    %add3A_2653 = arith.addi %mul3A_32, %add3A_2652 : i32
    %mul3A_2654 = arith.constant 2 : i32
    %mul3A_2655 = arith.muli %mul3A_2654, %add3A_2653 : i32
    %add3A_2656 = arith.constant 11 : i32
    %add3A_2657 = arith.addi %sub3A_65, %add3A_2656 : i32
    %get3A_2658 = arith.constant 0 : i32
    %get3A_2659 = arith.index_cast %get3A_2658 : i32 to index
    %get3A_2660 = arith.index_cast %add3A_2657 : i32 to index
    %get3A_2661 = arith.constant 0 : index
    %get3A_2662 = tpu.vector_load %arg9[%get3A_2659, %get3A_2660, %get3A_2661] {strides = array<i32>} : memref<2x24x112xi32, #tpu.memory_space<vmem>>, vector<16xi32>,
    %add3A_2663 = arith.constant 11 : i32
    %add3A_2664 = arith.addi %sub3A_65, %add3A_2663 : i32
    %get3A_2665 = arith.constant 1 : i32
    %get3A_2666 = arith.index_cast %get3A_2665 : i32 to index
    %get3A_2667 = arith.index_cast %add3A_2664 : i32 to index
    %get3A_2668 = arith.constant 0 : index
    %get3A_2669 = tpu.vector_load %arg9[%get3A_2666, %get3A_2667, %get3A_2668] {strides = array<i32>} : memref<2x24x112xi32, #tpu.memory_space<vmem>>, vector<16xi32>,
    %mul3A_2670 = arith.constant 2 : i32
    %mul3A_2671 = vector.broadcast %mul3A_2670 : i32 to vector<16xi32>
    %mul3A_2672 = arith.muli %mul3A_2671, %iota3A : vector<16xi32>
    %add3A_2673 = arith.constant 0 : i32
    %add3A_2674 = vector.broadcast %add3A_2673 : i32 to vector<16xi32>
    %add3A_2675 = arith.addi %add3A_2674, %mul3A_2672 : vector<16xi32>
    %add3A_2676 = vector.broadcast %mul3A_2655 : i32 to vector<16xi32>
    %add3A_2677 = arith.addi %add3A_2676, %get3A_2662 : vector<16xi32>
    %mul3A_2678 = arith.constant 224 : i32
    %mul3A_2679 = vector.broadcast %mul3A_2678 : i32 to vector<16xi32>
    %mul3A_2680 = arith.muli %add3A_2677, %mul3A_2679 : vector<16xi32>
    %add3A_2681 = vector.broadcast %mul3A_68 : i32 to vector<16xi32>
    %add3A_2682 = arith.addi %add3A_2681, %mul3A_2680 : vector<16xi32>
    %add3A_2683 = arith.addi %add3A_2682, %add3A_2675 : vector<16xi32>
    %add3A_2684 = arith.addi %add3A_2683, %get3A_2669 : vector<16xi32>
    %swap3A_2685 = arith.constant 11 : i32
    %swap3A_2686 = arith.index_cast %swap3A_2685 : i32 to index
    %swap3A_2687 = arith.constant 0 : index
    %swap3A_2688 = tpu.vector_load %arg8[%swap3A_2686, %swap3A_2687] {strides = array<i32>} : memref<14x112xi32, #tpu.memory_space<vmem>>, vector<16xi32>,
    tpu.vector_store %arg8[%swap3A_2686, %swap3A_2687], %add3A_2684 {strides = array<i32>} : memref<14x112xi32, #tpu.memory_space<vmem>>, vector<16xi32>,
    %add3A_2689 = arith.constant 11 : i32
    %add3A_2690 = arith.addi %sub3A_65, %add3A_2689 : i32
    %get3A_2691 = arith.constant 0 : i32
    %get3A_2692 = arith.index_cast %get3A_2691 : i32 to index
    %get3A_2693 = arith.index_cast %add3A_2690 : i32 to index
    %get3A_2694 = arith.constant 16 : index
    %get3A_2695 = tpu.vector_load %arg9[%get3A_2692, %get3A_2693, %get3A_2694] {strides = array<i32>} : memref<2x24x112xi32, #tpu.memory_space<vmem>>, vector<16xi32>,
    %add3A_2696 = arith.constant 11 : i32
    %add3A_2697 = arith.addi %sub3A_65, %add3A_2696 : i32
    %get3A_2698 = arith.constant 1 : i32
    %get3A_2699 = arith.index_cast %get3A_2698 : i32 to index
    %get3A_2700 = arith.index_cast %add3A_2697 : i32 to index
    %get3A_2701 = arith.constant 16 : index
    %get3A_2702 = tpu.vector_load %arg9[%get3A_2699, %get3A_2700, %get3A_2701] {strides = array<i32>} : memref<2x24x112xi32, #tpu.memory_space<vmem>>, vector<16xi32>,
    %mul3A_2703 = arith.constant 2 : i32
    %mul3A_2704 = vector.broadcast %mul3A_2703 : i32 to vector<16xi32>
    %mul3A_2705 = arith.muli %mul3A_2704, %iota3A : vector<16xi32>
    %add3A_2706 = arith.constant 32 : i32
    %add3A_2707 = vector.broadcast %add3A_2706 : i32 to vector<16xi32>
    %add3A_2708 = arith.addi %add3A_2707, %mul3A_2705 : vector<16xi32>
    %add3A_2709 = vector.broadcast %mul3A_2655 : i32 to vector<16xi32>
    %add3A_2710 = arith.addi %add3A_2709, %get3A_2695 : vector<16xi32>
    %mul3A_2711 = arith.constant 224 : i32
    %mul3A_2712 = vector.broadcast %mul3A_2711 : i32 to vector<16xi32>
    %mul3A_2713 = arith.muli %add3A_2710, %mul3A_2712 : vector<16xi32>
    %add3A_2714 = vector.broadcast %mul3A_68 : i32 to vector<16xi32>
    %add3A_2715 = arith.addi %add3A_2714, %mul3A_2713 : vector<16xi32>
    %add3A_2716 = arith.addi %add3A_2715, %add3A_2708 : vector<16xi32>
    %add3A_2717 = arith.addi %add3A_2716, %get3A_2702 : vector<16xi32>
    %swap3A_2718 = arith.constant 11 : i32
    %swap3A_2719 = arith.index_cast %swap3A_2718 : i32 to index
    %swap3A_2720 = arith.constant 16 : index
    %swap3A_2721 = tpu.vector_load %arg8[%swap3A_2719, %swap3A_2720] {strides = array<i32>} : memref<14x112xi32, #tpu.memory_space<vmem>>, vector<16xi32>,
    tpu.vector_store %arg8[%swap3A_2719, %swap3A_2720], %add3A_2717 {strides = array<i32>} : memref<14x112xi32, #tpu.memory_space<vmem>>, vector<16xi32>,
    %add3A_2722 = arith.constant 11 : i32
    %add3A_2723 = arith.addi %sub3A_65, %add3A_2722 : i32
    %get3A_2724 = arith.constant 0 : i32
    %get3A_2725 = arith.index_cast %get3A_2724 : i32 to index
    %get3A_2726 = arith.index_cast %add3A_2723 : i32 to index
    %get3A_2727 = arith.constant 32 : index
    %get3A_2728 = tpu.vector_load %arg9[%get3A_2725, %get3A_2726, %get3A_2727] {strides = array<i32>} : memref<2x24x112xi32, #tpu.memory_space<vmem>>, vector<16xi32>,
    %add3A_2729 = arith.constant 11 : i32
    %add3A_2730 = arith.addi %sub3A_65, %add3A_2729 : i32
    %get3A_2731 = arith.constant 1 : i32
    %get3A_2732 = arith.index_cast %get3A_2731 : i32 to index
    %get3A_2733 = arith.index_cast %add3A_2730 : i32 to index
    %get3A_2734 = arith.constant 32 : index
    %get3A_2735 = tpu.vector_load %arg9[%get3A_2732, %get3A_2733, %get3A_2734] {strides = array<i32>} : memref<2x24x112xi32, #tpu.memory_space<vmem>>, vector<16xi32>,
    %mul3A_2736 = arith.constant 2 : i32
    %mul3A_2737 = vector.broadcast %mul3A_2736 : i32 to vector<16xi32>
    %mul3A_2738 = arith.muli %mul3A_2737, %iota3A : vector<16xi32>
    %add3A_2739 = arith.constant 64 : i32
    %add3A_2740 = vector.broadcast %add3A_2739 : i32 to vector<16xi32>
    %add3A_2741 = arith.addi %add3A_2740, %mul3A_2738 : vector<16xi32>
    %add3A_2742 = vector.broadcast %mul3A_2655 : i32 to vector<16xi32>
    %add3A_2743 = arith.addi %add3A_2742, %get3A_2728 : vector<16xi32>
    %mul3A_2744 = arith.constant 224 : i32
    %mul3A_2745 = vector.broadcast %mul3A_2744 : i32 to vector<16xi32>
    %mul3A_2746 = arith.muli %add3A_2743, %mul3A_2745 : vector<16xi32>
    %add3A_2747 = vector.broadcast %mul3A_68 : i32 to vector<16xi32>
    %add3A_2748 = arith.addi %add3A_2747, %mul3A_2746 : vector<16xi32>
    %add3A_2749 = arith.addi %add3A_2748, %add3A_2741 : vector<16xi32>
    %add3A_2750 = arith.addi %add3A_2749, %get3A_2735 : vector<16xi32>
    %swap3A_2751 = arith.constant 11 : i32
    %swap3A_2752 = arith.index_cast %swap3A_2751 : i32 to index
    %swap3A_2753 = arith.constant 32 : index
    %swap3A_2754 = tpu.vector_load %arg8[%swap3A_2752, %swap3A_2753] {strides = array<i32>} : memref<14x112xi32, #tpu.memory_space<vmem>>, vector<16xi32>,
    tpu.vector_store %arg8[%swap3A_2752, %swap3A_2753], %add3A_2750 {strides = array<i32>} : memref<14x112xi32, #tpu.memory_space<vmem>>, vector<16xi32>,
    %add3A_2755 = arith.constant 11 : i32
    %add3A_2756 = arith.addi %sub3A_65, %add3A_2755 : i32
    %get3A_2757 = arith.constant 0 : i32
    %get3A_2758 = arith.index_cast %get3A_2757 : i32 to index
    %get3A_2759 = arith.index_cast %add3A_2756 : i32 to index
    %get3A_2760 = arith.constant 48 : index
    %get3A_2761 = tpu.vector_load %arg9[%get3A_2758, %get3A_2759, %get3A_2760] {strides = array<i32>} : memref<2x24x112xi32, #tpu.memory_space<vmem>>, vector<16xi32>,
    %add3A_2762 = arith.constant 11 : i32
    %add3A_2763 = arith.addi %sub3A_65, %add3A_2762 : i32
    %get3A_2764 = arith.constant 1 : i32
    %get3A_2765 = arith.index_cast %get3A_2764 : i32 to index
    %get3A_2766 = arith.index_cast %add3A_2763 : i32 to index
    %get3A_2767 = arith.constant 48 : index
    %get3A_2768 = tpu.vector_load %arg9[%get3A_2765, %get3A_2766, %get3A_2767] {strides = array<i32>} : memref<2x24x112xi32, #tpu.memory_space<vmem>>, vector<16xi32>,
    %mul3A_2769 = arith.constant 2 : i32
    %mul3A_2770 = vector.broadcast %mul3A_2769 : i32 to vector<16xi32>
    %mul3A_2771 = arith.muli %mul3A_2770, %iota3A : vector<16xi32>
    %add3A_2772 = arith.constant 96 : i32
    %add3A_2773 = vector.broadcast %add3A_2772 : i32 to vector<16xi32>
    %add3A_2774 = arith.addi %add3A_2773, %mul3A_2771 : vector<16xi32>
    %add3A_2775 = vector.broadcast %mul3A_2655 : i32 to vector<16xi32>
    %add3A_2776 = arith.addi %add3A_2775, %get3A_2761 : vector<16xi32>
    %mul3A_2777 = arith.constant 224 : i32
    %mul3A_2778 = vector.broadcast %mul3A_2777 : i32 to vector<16xi32>
    %mul3A_2779 = arith.muli %add3A_2776, %mul3A_2778 : vector<16xi32>
    %add3A_2780 = vector.broadcast %mul3A_68 : i32 to vector<16xi32>
    %add3A_2781 = arith.addi %add3A_2780, %mul3A_2779 : vector<16xi32>
    %add3A_2782 = arith.addi %add3A_2781, %add3A_2774 : vector<16xi32>
    %add3A_2783 = arith.addi %add3A_2782, %get3A_2768 : vector<16xi32>
    %swap3A_2784 = arith.constant 11 : i32
    %swap3A_2785 = arith.index_cast %swap3A_2784 : i32 to index
    %swap3A_2786 = arith.constant 48 : index
    %swap3A_2787 = tpu.vector_load %arg8[%swap3A_2785, %swap3A_2786] {strides = array<i32>} : memref<14x112xi32, #tpu.memory_space<vmem>>, vector<16xi32>,
    tpu.vector_store %arg8[%swap3A_2785, %swap3A_2786], %add3A_2783 {strides = array<i32>} : memref<14x112xi32, #tpu.memory_space<vmem>>, vector<16xi32>,
    %add3A_2788 = arith.constant 11 : i32
    %add3A_2789 = arith.addi %sub3A_65, %add3A_2788 : i32
    %get3A_2790 = arith.constant 0 : i32
    %get3A_2791 = arith.index_cast %get3A_2790 : i32 to index
    %get3A_2792 = arith.index_cast %add3A_2789 : i32 to index
    %get3A_2793 = arith.constant 64 : index
    %get3A_2794 = tpu.vector_load %arg9[%get3A_2791, %get3A_2792, %get3A_2793] {strides = array<i32>} : memref<2x24x112xi32, #tpu.memory_space<vmem>>, vector<16xi32>,
    %add3A_2795 = arith.constant 11 : i32
    %add3A_2796 = arith.addi %sub3A_65, %add3A_2795 : i32
    %get3A_2797 = arith.constant 1 : i32
    %get3A_2798 = arith.index_cast %get3A_2797 : i32 to index
    %get3A_2799 = arith.index_cast %add3A_2796 : i32 to index
    %get3A_2800 = arith.constant 64 : index
    %get3A_2801 = tpu.vector_load %arg9[%get3A_2798, %get3A_2799, %get3A_2800] {strides = array<i32>} : memref<2x24x112xi32, #tpu.memory_space<vmem>>, vector<16xi32>,
    %mul3A_2802 = arith.constant 2 : i32
    %mul3A_2803 = vector.broadcast %mul3A_2802 : i32 to vector<16xi32>
    %mul3A_2804 = arith.muli %mul3A_2803, %iota3A : vector<16xi32>
    %add3A_2805 = arith.constant 128 : i32
    %add3A_2806 = vector.broadcast %add3A_2805 : i32 to vector<16xi32>
    %add3A_2807 = arith.addi %add3A_2806, %mul3A_2804 : vector<16xi32>
    %add3A_2808 = vector.broadcast %mul3A_2655 : i32 to vector<16xi32>
    %add3A_2809 = arith.addi %add3A_2808, %get3A_2794 : vector<16xi32>
    %mul3A_2810 = arith.constant 224 : i32
    %mul3A_2811 = vector.broadcast %mul3A_2810 : i32 to vector<16xi32>
    %mul3A_2812 = arith.muli %add3A_2809, %mul3A_2811 : vector<16xi32>
    %add3A_2813 = vector.broadcast %mul3A_68 : i32 to vector<16xi32>
    %add3A_2814 = arith.addi %add3A_2813, %mul3A_2812 : vector<16xi32>
    %add3A_2815 = arith.addi %add3A_2814, %add3A_2807 : vector<16xi32>
    %add3A_2816 = arith.addi %add3A_2815, %get3A_2801 : vector<16xi32>
    %swap3A_2817 = arith.constant 11 : i32
    %swap3A_2818 = arith.index_cast %swap3A_2817 : i32 to index
    %swap3A_2819 = arith.constant 64 : index
    %swap3A_2820 = tpu.vector_load %arg8[%swap3A_2818, %swap3A_2819] {strides = array<i32>} : memref<14x112xi32, #tpu.memory_space<vmem>>, vector<16xi32>,
    tpu.vector_store %arg8[%swap3A_2818, %swap3A_2819], %add3A_2816 {strides = array<i32>} : memref<14x112xi32, #tpu.memory_space<vmem>>, vector<16xi32>,
    %add3A_2821 = arith.constant 11 : i32
    %add3A_2822 = arith.addi %sub3A_65, %add3A_2821 : i32
    %get3A_2823 = arith.constant 0 : i32
    %get3A_2824 = arith.index_cast %get3A_2823 : i32 to index
    %get3A_2825 = arith.index_cast %add3A_2822 : i32 to index
    %get3A_2826 = arith.constant 80 : index
    %get3A_2827 = tpu.vector_load %arg9[%get3A_2824, %get3A_2825, %get3A_2826] {strides = array<i32>} : memref<2x24x112xi32, #tpu.memory_space<vmem>>, vector<16xi32>,
    %add3A_2828 = arith.constant 11 : i32
    %add3A_2829 = arith.addi %sub3A_65, %add3A_2828 : i32
    %get3A_2830 = arith.constant 1 : i32
    %get3A_2831 = arith.index_cast %get3A_2830 : i32 to index
    %get3A_2832 = arith.index_cast %add3A_2829 : i32 to index
    %get3A_2833 = arith.constant 80 : index
    %get3A_2834 = tpu.vector_load %arg9[%get3A_2831, %get3A_2832, %get3A_2833] {strides = array<i32>} : memref<2x24x112xi32, #tpu.memory_space<vmem>>, vector<16xi32>,
    %mul3A_2835 = arith.constant 2 : i32
    %mul3A_2836 = vector.broadcast %mul3A_2835 : i32 to vector<16xi32>
    %mul3A_2837 = arith.muli %mul3A_2836, %iota3A : vector<16xi32>
    %add3A_2838 = arith.constant 160 : i32
    %add3A_2839 = vector.broadcast %add3A_2838 : i32 to vector<16xi32>
    %add3A_2840 = arith.addi %add3A_2839, %mul3A_2837 : vector<16xi32>
    %add3A_2841 = vector.broadcast %mul3A_2655 : i32 to vector<16xi32>
    %add3A_2842 = arith.addi %add3A_2841, %get3A_2827 : vector<16xi32>
    %mul3A_2843 = arith.constant 224 : i32
    %mul3A_2844 = vector.broadcast %mul3A_2843 : i32 to vector<16xi32>
    %mul3A_2845 = arith.muli %add3A_2842, %mul3A_2844 : vector<16xi32>
    %add3A_2846 = vector.broadcast %mul3A_68 : i32 to vector<16xi32>
    %add3A_2847 = arith.addi %add3A_2846, %mul3A_2845 : vector<16xi32>
    %add3A_2848 = arith.addi %add3A_2847, %add3A_2840 : vector<16xi32>
    %add3A_2849 = arith.addi %add3A_2848, %get3A_2834 : vector<16xi32>
    %swap3A_2850 = arith.constant 11 : i32
    %swap3A_2851 = arith.index_cast %swap3A_2850 : i32 to index
    %swap3A_2852 = arith.constant 80 : index
    %swap3A_2853 = tpu.vector_load %arg8[%swap3A_2851, %swap3A_2852] {strides = array<i32>} : memref<14x112xi32, #tpu.memory_space<vmem>>, vector<16xi32>,
    tpu.vector_store %arg8[%swap3A_2851, %swap3A_2852], %add3A_2849 {strides = array<i32>} : memref<14x112xi32, #tpu.memory_space<vmem>>, vector<16xi32>,
    %add3A_2854 = arith.constant 11 : i32
    %add3A_2855 = arith.addi %sub3A_65, %add3A_2854 : i32
    %get3A_2856 = arith.constant 0 : i32
    %get3A_2857 = arith.index_cast %get3A_2856 : i32 to index
    %get3A_2858 = arith.index_cast %add3A_2855 : i32 to index
    %get3A_2859 = arith.constant 96 : index
    %get3A_2860 = tpu.vector_load %arg9[%get3A_2857, %get3A_2858, %get3A_2859] {strides = array<i32>} : memref<2x24x112xi32, #tpu.memory_space<vmem>>, vector<16xi32>,
    %add3A_2861 = arith.constant 11 : i32
    %add3A_2862 = arith.addi %sub3A_65, %add3A_2861 : i32
    %get3A_2863 = arith.constant 1 : i32
    %get3A_2864 = arith.index_cast %get3A_2863 : i32 to index
    %get3A_2865 = arith.index_cast %add3A_2862 : i32 to index
    %get3A_2866 = arith.constant 96 : index
    %get3A_2867 = tpu.vector_load %arg9[%get3A_2864, %get3A_2865, %get3A_2866] {strides = array<i32>} : memref<2x24x112xi32, #tpu.memory_space<vmem>>, vector<16xi32>,
    %mul3A_2868 = arith.constant 2 : i32
    %mul3A_2869 = vector.broadcast %mul3A_2868 : i32 to vector<16xi32>
    %mul3A_2870 = arith.muli %mul3A_2869, %iota3A : vector<16xi32>
    %add3A_2871 = arith.constant 192 : i32
    %add3A_2872 = vector.broadcast %add3A_2871 : i32 to vector<16xi32>
    %add3A_2873 = arith.addi %add3A_2872, %mul3A_2870 : vector<16xi32>
    %add3A_2874 = vector.broadcast %mul3A_2655 : i32 to vector<16xi32>
    %add3A_2875 = arith.addi %add3A_2874, %get3A_2860 : vector<16xi32>
    %mul3A_2876 = arith.constant 224 : i32
    %mul3A_2877 = vector.broadcast %mul3A_2876 : i32 to vector<16xi32>
    %mul3A_2878 = arith.muli %add3A_2875, %mul3A_2877 : vector<16xi32>
    %add3A_2879 = vector.broadcast %mul3A_68 : i32 to vector<16xi32>
    %add3A_2880 = arith.addi %add3A_2879, %mul3A_2878 : vector<16xi32>
    %add3A_2881 = arith.addi %add3A_2880, %add3A_2873 : vector<16xi32>
    %add3A_2882 = arith.addi %add3A_2881, %get3A_2867 : vector<16xi32>
    %swap3A_2883 = arith.constant 11 : i32
    %swap3A_2884 = arith.index_cast %swap3A_2883 : i32 to index
    %swap3A_2885 = arith.constant 96 : index
    %swap3A_2886 = tpu.vector_load %arg8[%swap3A_2884, %swap3A_2885] {strides = array<i32>} : memref<14x112xi32, #tpu.memory_space<vmem>>, vector<16xi32>,
    tpu.vector_store %arg8[%swap3A_2884, %swap3A_2885], %add3A_2882 {strides = array<i32>} : memref<14x112xi32, #tpu.memory_space<vmem>>, vector<16xi32>,
    %add3A_2887 = arith.constant 12 : i32
    %add3A_2888 = arith.addi %mul3A_32, %add3A_2887 : i32
    %mul3A_2889 = arith.constant 2 : i32
    %mul3A_2890 = arith.muli %mul3A_2889, %add3A_2888 : i32
    %add3A_2891 = arith.constant 12 : i32
    %add3A_2892 = arith.addi %sub3A_65, %add3A_2891 : i32
    %get3A_2893 = arith.constant 0 : i32
    %get3A_2894 = arith.index_cast %get3A_2893 : i32 to index
    %get3A_2895 = arith.index_cast %add3A_2892 : i32 to index
    %get3A_2896 = arith.constant 0 : index
    %get3A_2897 = tpu.vector_load %arg9[%get3A_2894, %get3A_2895, %get3A_2896] {strides = array<i32>} : memref<2x24x112xi32, #tpu.memory_space<vmem>>, vector<16xi32>,
    %add3A_2898 = arith.constant 12 : i32
    %add3A_2899 = arith.addi %sub3A_65, %add3A_2898 : i32
    %get3A_2900 = arith.constant 1 : i32
    %get3A_2901 = arith.index_cast %get3A_2900 : i32 to index
    %get3A_2902 = arith.index_cast %add3A_2899 : i32 to index
    %get3A_2903 = arith.constant 0 : index
    %get3A_2904 = tpu.vector_load %arg9[%get3A_2901, %get3A_2902, %get3A_2903] {strides = array<i32>} : memref<2x24x112xi32, #tpu.memory_space<vmem>>, vector<16xi32>,
    %mul3A_2905 = arith.constant 2 : i32
    %mul3A_2906 = vector.broadcast %mul3A_2905 : i32 to vector<16xi32>
    %mul3A_2907 = arith.muli %mul3A_2906, %iota3A : vector<16xi32>
    %add3A_2908 = arith.constant 0 : i32
    %add3A_2909 = vector.broadcast %add3A_2908 : i32 to vector<16xi32>
    %add3A_2910 = arith.addi %add3A_2909, %mul3A_2907 : vector<16xi32>
    %add3A_2911 = vector.broadcast %mul3A_2890 : i32 to vector<16xi32>
    %add3A_2912 = arith.addi %add3A_2911, %get3A_2897 : vector<16xi32>
    %mul3A_2913 = arith.constant 224 : i32
    %mul3A_2914 = vector.broadcast %mul3A_2913 : i32 to vector<16xi32>
    %mul3A_2915 = arith.muli %add3A_2912, %mul3A_2914 : vector<16xi32>
    %add3A_2916 = vector.broadcast %mul3A_68 : i32 to vector<16xi32>
    %add3A_2917 = arith.addi %add3A_2916, %mul3A_2915 : vector<16xi32>
    %add3A_2918 = arith.addi %add3A_2917, %add3A_2910 : vector<16xi32>
    %add3A_2919 = arith.addi %add3A_2918, %get3A_2904 : vector<16xi32>
    %swap3A_2920 = arith.constant 12 : i32
    %swap3A_2921 = arith.index_cast %swap3A_2920 : i32 to index
    %swap3A_2922 = arith.constant 0 : index
    %swap3A_2923 = tpu.vector_load %arg8[%swap3A_2921, %swap3A_2922] {strides = array<i32>} : memref<14x112xi32, #tpu.memory_space<vmem>>, vector<16xi32>,
    tpu.vector_store %arg8[%swap3A_2921, %swap3A_2922], %add3A_2919 {strides = array<i32>} : memref<14x112xi32, #tpu.memory_space<vmem>>, vector<16xi32>,
    %add3A_2924 = arith.constant 12 : i32
    %add3A_2925 = arith.addi %sub3A_65, %add3A_2924 : i32
    %get3A_2926 = arith.constant 0 : i32
    %get3A_2927 = arith.index_cast %get3A_2926 : i32 to index
    %get3A_2928 = arith.index_cast %add3A_2925 : i32 to index
    %get3A_2929 = arith.constant 16 : index
    %get3A_2930 = tpu.vector_load %arg9[%get3A_2927, %get3A_2928, %get3A_2929] {strides = array<i32>} : memref<2x24x112xi32, #tpu.memory_space<vmem>>, vector<16xi32>,
    %add3A_2931 = arith.constant 12 : i32
    %add3A_2932 = arith.addi %sub3A_65, %add3A_2931 : i32
    %get3A_2933 = arith.constant 1 : i32
    %get3A_2934 = arith.index_cast %get3A_2933 : i32 to index
    %get3A_2935 = arith.index_cast %add3A_2932 : i32 to index
    %get3A_2936 = arith.constant 16 : index
    %get3A_2937 = tpu.vector_load %arg9[%get3A_2934, %get3A_2935, %get3A_2936] {strides = array<i32>} : memref<2x24x112xi32, #tpu.memory_space<vmem>>, vector<16xi32>,
    %mul3A_2938 = arith.constant 2 : i32
    %mul3A_2939 = vector.broadcast %mul3A_2938 : i32 to vector<16xi32>
    %mul3A_2940 = arith.muli %mul3A_2939, %iota3A : vector<16xi32>
    %add3A_2941 = arith.constant 32 : i32
    %add3A_2942 = vector.broadcast %add3A_2941 : i32 to vector<16xi32>
    %add3A_2943 = arith.addi %add3A_2942, %mul3A_2940 : vector<16xi32>
    %add3A_2944 = vector.broadcast %mul3A_2890 : i32 to vector<16xi32>
    %add3A_2945 = arith.addi %add3A_2944, %get3A_2930 : vector<16xi32>
    %mul3A_2946 = arith.constant 224 : i32
    %mul3A_2947 = vector.broadcast %mul3A_2946 : i32 to vector<16xi32>
    %mul3A_2948 = arith.muli %add3A_2945, %mul3A_2947 : vector<16xi32>
    %add3A_2949 = vector.broadcast %mul3A_68 : i32 to vector<16xi32>
    %add3A_2950 = arith.addi %add3A_2949, %mul3A_2948 : vector<16xi32>
    %add3A_2951 = arith.addi %add3A_2950, %add3A_2943 : vector<16xi32>
    %add3A_2952 = arith.addi %add3A_2951, %get3A_2937 : vector<16xi32>
    %swap3A_2953 = arith.constant 12 : i32
    %swap3A_2954 = arith.index_cast %swap3A_2953 : i32 to index
    %swap3A_2955 = arith.constant 16 : index
    %swap3A_2956 = tpu.vector_load %arg8[%swap3A_2954, %swap3A_2955] {strides = array<i32>} : memref<14x112xi32, #tpu.memory_space<vmem>>, vector<16xi32>,
    tpu.vector_store %arg8[%swap3A_2954, %swap3A_2955], %add3A_2952 {strides = array<i32>} : memref<14x112xi32, #tpu.memory_space<vmem>>, vector<16xi32>,
    %add3A_2957 = arith.constant 12 : i32
    %add3A_2958 = arith.addi %sub3A_65, %add3A_2957 : i32
    %get3A_2959 = arith.constant 0 : i32
    %get3A_2960 = arith.index_cast %get3A_2959 : i32 to index
    %get3A_2961 = arith.index_cast %add3A_2958 : i32 to index
    %get3A_2962 = arith.constant 32 : index
    %get3A_2963 = tpu.vector_load %arg9[%get3A_2960, %get3A_2961, %get3A_2962] {strides = array<i32>} : memref<2x24x112xi32, #tpu.memory_space<vmem>>, vector<16xi32>,
    %add3A_2964 = arith.constant 12 : i32
    %add3A_2965 = arith.addi %sub3A_65, %add3A_2964 : i32
    %get3A_2966 = arith.constant 1 : i32
    %get3A_2967 = arith.index_cast %get3A_2966 : i32 to index
    %get3A_2968 = arith.index_cast %add3A_2965 : i32 to index
    %get3A_2969 = arith.constant 32 : index
    %get3A_2970 = tpu.vector_load %arg9[%get3A_2967, %get3A_2968, %get3A_2969] {strides = array<i32>} : memref<2x24x112xi32, #tpu.memory_space<vmem>>, vector<16xi32>,
    %mul3A_2971 = arith.constant 2 : i32
    %mul3A_2972 = vector.broadcast %mul3A_2971 : i32 to vector<16xi32>
    %mul3A_2973 = arith.muli %mul3A_2972, %iota3A : vector<16xi32>
    %add3A_2974 = arith.constant 64 : i32
    %add3A_2975 = vector.broadcast %add3A_2974 : i32 to vector<16xi32>
    %add3A_2976 = arith.addi %add3A_2975, %mul3A_2973 : vector<16xi32>
    %add3A_2977 = vector.broadcast %mul3A_2890 : i32 to vector<16xi32>
    %add3A_2978 = arith.addi %add3A_2977, %get3A_2963 : vector<16xi32>
    %mul3A_2979 = arith.constant 224 : i32
    %mul3A_2980 = vector.broadcast %mul3A_2979 : i32 to vector<16xi32>
    %mul3A_2981 = arith.muli %add3A_2978, %mul3A_2980 : vector<16xi32>
    %add3A_2982 = vector.broadcast %mul3A_68 : i32 to vector<16xi32>
    %add3A_2983 = arith.addi %add3A_2982, %mul3A_2981 : vector<16xi32>
    %add3A_2984 = arith.addi %add3A_2983, %add3A_2976 : vector<16xi32>
    %add3A_2985 = arith.addi %add3A_2984, %get3A_2970 : vector<16xi32>
    %swap3A_2986 = arith.constant 12 : i32
    %swap3A_2987 = arith.index_cast %swap3A_2986 : i32 to index
    %swap3A_2988 = arith.constant 32 : index
    %swap3A_2989 = tpu.vector_load %arg8[%swap3A_2987, %swap3A_2988] {strides = array<i32>} : memref<14x112xi32, #tpu.memory_space<vmem>>, vector<16xi32>,
    tpu.vector_store %arg8[%swap3A_2987, %swap3A_2988], %add3A_2985 {strides = array<i32>} : memref<14x112xi32, #tpu.memory_space<vmem>>, vector<16xi32>,
    %add3A_2990 = arith.constant 12 : i32
    %add3A_2991 = arith.addi %sub3A_65, %add3A_2990 : i32
    %get3A_2992 = arith.constant 0 : i32
    %get3A_2993 = arith.index_cast %get3A_2992 : i32 to index
    %get3A_2994 = arith.index_cast %add3A_2991 : i32 to index
    %get3A_2995 = arith.constant 48 : index
    %get3A_2996 = tpu.vector_load %arg9[%get3A_2993, %get3A_2994, %get3A_2995] {strides = array<i32>} : memref<2x24x112xi32, #tpu.memory_space<vmem>>, vector<16xi32>,
    %add3A_2997 = arith.constant 12 : i32
    %add3A_2998 = arith.addi %sub3A_65, %add3A_2997 : i32
    %get3A_2999 = arith.constant 1 : i32
    %get3A_3000 = arith.index_cast %get3A_2999 : i32 to index
    %get3A_3001 = arith.index_cast %add3A_2998 : i32 to index
    %get3A_3002 = arith.constant 48 : index
    %get3A_3003 = tpu.vector_load %arg9[%get3A_3000, %get3A_3001, %get3A_3002] {strides = array<i32>} : memref<2x24x112xi32, #tpu.memory_space<vmem>>, vector<16xi32>,
    %mul3A_3004 = arith.constant 2 : i32
    %mul3A_3005 = vector.broadcast %mul3A_3004 : i32 to vector<16xi32>
    %mul3A_3006 = arith.muli %mul3A_3005, %iota3A : vector<16xi32>
    %add3A_3007 = arith.constant 96 : i32
    %add3A_3008 = vector.broadcast %add3A_3007 : i32 to vector<16xi32>
    %add3A_3009 = arith.addi %add3A_3008, %mul3A_3006 : vector<16xi32>
    %add3A_3010 = vector.broadcast %mul3A_2890 : i32 to vector<16xi32>
    %add3A_3011 = arith.addi %add3A_3010, %get3A_2996 : vector<16xi32>
    %mul3A_3012 = arith.constant 224 : i32
    %mul3A_3013 = vector.broadcast %mul3A_3012 : i32 to vector<16xi32>
    %mul3A_3014 = arith.muli %add3A_3011, %mul3A_3013 : vector<16xi32>
    %add3A_3015 = vector.broadcast %mul3A_68 : i32 to vector<16xi32>
    %add3A_3016 = arith.addi %add3A_3015, %mul3A_3014 : vector<16xi32>
    %add3A_3017 = arith.addi %add3A_3016, %add3A_3009 : vector<16xi32>
    %add3A_3018 = arith.addi %add3A_3017, %get3A_3003 : vector<16xi32>
    %swap3A_3019 = arith.constant 12 : i32
    %swap3A_3020 = arith.index_cast %swap3A_3019 : i32 to index
    %swap3A_3021 = arith.constant 48 : index
    %swap3A_3022 = tpu.vector_load %arg8[%swap3A_3020, %swap3A_3021] {strides = array<i32>} : memref<14x112xi32, #tpu.memory_space<vmem>>, vector<16xi32>,
    tpu.vector_store %arg8[%swap3A_3020, %swap3A_3021], %add3A_3018 {strides = array<i32>} : memref<14x112xi32, #tpu.memory_space<vmem>>, vector<16xi32>,
    %add3A_3023 = arith.constant 12 : i32
    %add3A_3024 = arith.addi %sub3A_65, %add3A_3023 : i32
    %get3A_3025 = arith.constant 0 : i32
    %get3A_3026 = arith.index_cast %get3A_3025 : i32 to index
    %get3A_3027 = arith.index_cast %add3A_3024 : i32 to index
    %get3A_3028 = arith.constant 64 : index
    %get3A_3029 = tpu.vector_load %arg9[%get3A_3026, %get3A_3027, %get3A_3028] {strides = array<i32>} : memref<2x24x112xi32, #tpu.memory_space<vmem>>, vector<16xi32>,
    %add3A_3030 = arith.constant 12 : i32
    %add3A_3031 = arith.addi %sub3A_65, %add3A_3030 : i32
    %get3A_3032 = arith.constant 1 : i32
    %get3A_3033 = arith.index_cast %get3A_3032 : i32 to index
    %get3A_3034 = arith.index_cast %add3A_3031 : i32 to index
    %get3A_3035 = arith.constant 64 : index
    %get3A_3036 = tpu.vector_load %arg9[%get3A_3033, %get3A_3034, %get3A_3035] {strides = array<i32>} : memref<2x24x112xi32, #tpu.memory_space<vmem>>, vector<16xi32>,
    %mul3A_3037 = arith.constant 2 : i32
    %mul3A_3038 = vector.broadcast %mul3A_3037 : i32 to vector<16xi32>
    %mul3A_3039 = arith.muli %mul3A_3038, %iota3A : vector<16xi32>
    %add3A_3040 = arith.constant 128 : i32
    %add3A_3041 = vector.broadcast %add3A_3040 : i32 to vector<16xi32>
    %add3A_3042 = arith.addi %add3A_3041, %mul3A_3039 : vector<16xi32>
    %add3A_3043 = vector.broadcast %mul3A_2890 : i32 to vector<16xi32>
    %add3A_3044 = arith.addi %add3A_3043, %get3A_3029 : vector<16xi32>
    %mul3A_3045 = arith.constant 224 : i32
    %mul3A_3046 = vector.broadcast %mul3A_3045 : i32 to vector<16xi32>
    %mul3A_3047 = arith.muli %add3A_3044, %mul3A_3046 : vector<16xi32>
    %add3A_3048 = vector.broadcast %mul3A_68 : i32 to vector<16xi32>
    %add3A_3049 = arith.addi %add3A_3048, %mul3A_3047 : vector<16xi32>
    %add3A_3050 = arith.addi %add3A_3049, %add3A_3042 : vector<16xi32>
    %add3A_3051 = arith.addi %add3A_3050, %get3A_3036 : vector<16xi32>
    %swap3A_3052 = arith.constant 12 : i32
    %swap3A_3053 = arith.index_cast %swap3A_3052 : i32 to index
    %swap3A_3054 = arith.constant 64 : index
    %swap3A_3055 = tpu.vector_load %arg8[%swap3A_3053, %swap3A_3054] {strides = array<i32>} : memref<14x112xi32, #tpu.memory_space<vmem>>, vector<16xi32>,
    tpu.vector_store %arg8[%swap3A_3053, %swap3A_3054], %add3A_3051 {strides = array<i32>} : memref<14x112xi32, #tpu.memory_space<vmem>>, vector<16xi32>,
    %add3A_3056 = arith.constant 12 : i32
    %add3A_3057 = arith.addi %sub3A_65, %add3A_3056 : i32
    %get3A_3058 = arith.constant 0 : i32
    %get3A_3059 = arith.index_cast %get3A_3058 : i32 to index
    %get3A_3060 = arith.index_cast %add3A_3057 : i32 to index
    %get3A_3061 = arith.constant 80 : index
    %get3A_3062 = tpu.vector_load %arg9[%get3A_3059, %get3A_3060, %get3A_3061] {strides = array<i32>} : memref<2x24x112xi32, #tpu.memory_space<vmem>>, vector<16xi32>,
    %add3A_3063 = arith.constant 12 : i32
    %add3A_3064 = arith.addi %sub3A_65, %add3A_3063 : i32
    %get3A_3065 = arith.constant 1 : i32
    %get3A_3066 = arith.index_cast %get3A_3065 : i32 to index
    %get3A_3067 = arith.index_cast %add3A_3064 : i32 to index
    %get3A_3068 = arith.constant 80 : index
    %get3A_3069 = tpu.vector_load %arg9[%get3A_3066, %get3A_3067, %get3A_3068] {strides = array<i32>} : memref<2x24x112xi32, #tpu.memory_space<vmem>>, vector<16xi32>,
    %mul3A_3070 = arith.constant 2 : i32
    %mul3A_3071 = vector.broadcast %mul3A_3070 : i32 to vector<16xi32>
    %mul3A_3072 = arith.muli %mul3A_3071, %iota3A : vector<16xi32>
    %add3A_3073 = arith.constant 160 : i32
    %add3A_3074 = vector.broadcast %add3A_3073 : i32 to vector<16xi32>
    %add3A_3075 = arith.addi %add3A_3074, %mul3A_3072 : vector<16xi32>
    %add3A_3076 = vector.broadcast %mul3A_2890 : i32 to vector<16xi32>
    %add3A_3077 = arith.addi %add3A_3076, %get3A_3062 : vector<16xi32>
    %mul3A_3078 = arith.constant 224 : i32
    %mul3A_3079 = vector.broadcast %mul3A_3078 : i32 to vector<16xi32>
    %mul3A_3080 = arith.muli %add3A_3077, %mul3A_3079 : vector<16xi32>
    %add3A_3081 = vector.broadcast %mul3A_68 : i32 to vector<16xi32>
    %add3A_3082 = arith.addi %add3A_3081, %mul3A_3080 : vector<16xi32>
    %add3A_3083 = arith.addi %add3A_3082, %add3A_3075 : vector<16xi32>
    %add3A_3084 = arith.addi %add3A_3083, %get3A_3069 : vector<16xi32>
    %swap3A_3085 = arith.constant 12 : i32
    %swap3A_3086 = arith.index_cast %swap3A_3085 : i32 to index
    %swap3A_3087 = arith.constant 80 : index
    %swap3A_3088 = tpu.vector_load %arg8[%swap3A_3086, %swap3A_3087] {strides = array<i32>} : memref<14x112xi32, #tpu.memory_space<vmem>>, vector<16xi32>,
    tpu.vector_store %arg8[%swap3A_3086, %swap3A_3087], %add3A_3084 {strides = array<i32>} : memref<14x112xi32, #tpu.memory_space<vmem>>, vector<16xi32>,
    %add3A_3089 = arith.constant 12 : i32
    %add3A_3090 = arith.addi %sub3A_65, %add3A_3089 : i32
    %get3A_3091 = arith.constant 0 : i32
    %get3A_3092 = arith.index_cast %get3A_3091 : i32 to index
    %get3A_3093 = arith.index_cast %add3A_3090 : i32 to index
    %get3A_3094 = arith.constant 96 : index
    %get3A_3095 = tpu.vector_load %arg9[%get3A_3092, %get3A_3093, %get3A_3094] {strides = array<i32>} : memref<2x24x112xi32, #tpu.memory_space<vmem>>, vector<16xi32>,
    %add3A_3096 = arith.constant 12 : i32
    %add3A_3097 = arith.addi %sub3A_65, %add3A_3096 : i32
    %get3A_3098 = arith.constant 1 : i32
    %get3A_3099 = arith.index_cast %get3A_3098 : i32 to index
    %get3A_3100 = arith.index_cast %add3A_3097 : i32 to index
    %get3A_3101 = arith.constant 96 : index
    %get3A_3102 = tpu.vector_load %arg9[%get3A_3099, %get3A_3100, %get3A_3101] {strides = array<i32>} : memref<2x24x112xi32, #tpu.memory_space<vmem>>, vector<16xi32>,
    %mul3A_3103 = arith.constant 2 : i32
    %mul3A_3104 = vector.broadcast %mul3A_3103 : i32 to vector<16xi32>
    %mul3A_3105 = arith.muli %mul3A_3104, %iota3A : vector<16xi32>
    %add3A_3106 = arith.constant 192 : i32
    %add3A_3107 = vector.broadcast %add3A_3106 : i32 to vector<16xi32>
    %add3A_3108 = arith.addi %add3A_3107, %mul3A_3105 : vector<16xi32>
    %add3A_3109 = vector.broadcast %mul3A_2890 : i32 to vector<16xi32>
    %add3A_3110 = arith.addi %add3A_3109, %get3A_3095 : vector<16xi32>
    %mul3A_3111 = arith.constant 224 : i32
    %mul3A_3112 = vector.broadcast %mul3A_3111 : i32 to vector<16xi32>
    %mul3A_3113 = arith.muli %add3A_3110, %mul3A_3112 : vector<16xi32>
    %add3A_3114 = vector.broadcast %mul3A_68 : i32 to vector<16xi32>
    %add3A_3115 = arith.addi %add3A_3114, %mul3A_3113 : vector<16xi32>
    %add3A_3116 = arith.addi %add3A_3115, %add3A_3108 : vector<16xi32>
    %add3A_3117 = arith.addi %add3A_3116, %get3A_3102 : vector<16xi32>
    %swap3A_3118 = arith.constant 12 : i32
    %swap3A_3119 = arith.index_cast %swap3A_3118 : i32 to index
    %swap3A_3120 = arith.constant 96 : index
    %swap3A_3121 = tpu.vector_load %arg8[%swap3A_3119, %swap3A_3120] {strides = array<i32>} : memref<14x112xi32, #tpu.memory_space<vmem>>, vector<16xi32>,
    tpu.vector_store %arg8[%swap3A_3119, %swap3A_3120], %add3A_3117 {strides = array<i32>} : memref<14x112xi32, #tpu.memory_space<vmem>>, vector<16xi32>,
    %add3A_3122 = arith.constant 13 : i32
    %add3A_3123 = arith.addi %mul3A_32, %add3A_3122 : i32
    %mul3A_3124 = arith.constant 2 : i32
    %mul3A_3125 = arith.muli %mul3A_3124, %add3A_3123 : i32
    %add3A_3126 = arith.constant 13 : i32
    %add3A_3127 = arith.addi %sub3A_65, %add3A_3126 : i32
    %get3A_3128 = arith.constant 0 : i32
    %get3A_3129 = arith.index_cast %get3A_3128 : i32 to index
    %get3A_3130 = arith.index_cast %add3A_3127 : i32 to index
    %get3A_3131 = arith.constant 0 : index
    %get3A_3132 = tpu.vector_load %arg9[%get3A_3129, %get3A_3130, %get3A_3131] {strides = array<i32>} : memref<2x24x112xi32, #tpu.memory_space<vmem>>, vector<16xi32>,
    %add3A_3133 = arith.constant 13 : i32
    %add3A_3134 = arith.addi %sub3A_65, %add3A_3133 : i32
    %get3A_3135 = arith.constant 1 : i32
    %get3A_3136 = arith.index_cast %get3A_3135 : i32 to index
    %get3A_3137 = arith.index_cast %add3A_3134 : i32 to index
    %get3A_3138 = arith.constant 0 : index
    %get3A_3139 = tpu.vector_load %arg9[%get3A_3136, %get3A_3137, %get3A_3138] {strides = array<i32>} : memref<2x24x112xi32, #tpu.memory_space<vmem>>, vector<16xi32>,
    %mul3A_3140 = arith.constant 2 : i32
    %mul3A_3141 = vector.broadcast %mul3A_3140 : i32 to vector<16xi32>
    %mul3A_3142 = arith.muli %mul3A_3141, %iota3A : vector<16xi32>
    %add3A_3143 = arith.constant 0 : i32
    %add3A_3144 = vector.broadcast %add3A_3143 : i32 to vector<16xi32>
    %add3A_3145 = arith.addi %add3A_3144, %mul3A_3142 : vector<16xi32>
    %add3A_3146 = vector.broadcast %mul3A_3125 : i32 to vector<16xi32>
    %add3A_3147 = arith.addi %add3A_3146, %get3A_3132 : vector<16xi32>
    %mul3A_3148 = arith.constant 224 : i32
    %mul3A_3149 = vector.broadcast %mul3A_3148 : i32 to vector<16xi32>
    %mul3A_3150 = arith.muli %add3A_3147, %mul3A_3149 : vector<16xi32>
    %add3A_3151 = vector.broadcast %mul3A_68 : i32 to vector<16xi32>
    %add3A_3152 = arith.addi %add3A_3151, %mul3A_3150 : vector<16xi32>
    %add3A_3153 = arith.addi %add3A_3152, %add3A_3145 : vector<16xi32>
    %add3A_3154 = arith.addi %add3A_3153, %get3A_3139 : vector<16xi32>
    %swap3A_3155 = arith.constant 13 : i32
    %swap3A_3156 = arith.index_cast %swap3A_3155 : i32 to index
    %swap3A_3157 = arith.constant 0 : index
    %swap3A_3158 = tpu.vector_load %arg8[%swap3A_3156, %swap3A_3157] {strides = array<i32>} : memref<14x112xi32, #tpu.memory_space<vmem>>, vector<16xi32>,
    tpu.vector_store %arg8[%swap3A_3156, %swap3A_3157], %add3A_3154 {strides = array<i32>} : memref<14x112xi32, #tpu.memory_space<vmem>>, vector<16xi32>,
    %add3A_3159 = arith.constant 13 : i32
    %add3A_3160 = arith.addi %sub3A_65, %add3A_3159 : i32
    %get3A_3161 = arith.constant 0 : i32
    %get3A_3162 = arith.index_cast %get3A_3161 : i32 to index
    %get3A_3163 = arith.index_cast %add3A_3160 : i32 to index
    %get3A_3164 = arith.constant 16 : index
    %get3A_3165 = tpu.vector_load %arg9[%get3A_3162, %get3A_3163, %get3A_3164] {strides = array<i32>} : memref<2x24x112xi32, #tpu.memory_space<vmem>>, vector<16xi32>,
    %add3A_3166 = arith.constant 13 : i32
    %add3A_3167 = arith.addi %sub3A_65, %add3A_3166 : i32
    %get3A_3168 = arith.constant 1 : i32
    %get3A_3169 = arith.index_cast %get3A_3168 : i32 to index
    %get3A_3170 = arith.index_cast %add3A_3167 : i32 to index
    %get3A_3171 = arith.constant 16 : index
    %get3A_3172 = tpu.vector_load %arg9[%get3A_3169, %get3A_3170, %get3A_3171] {strides = array<i32>} : memref<2x24x112xi32, #tpu.memory_space<vmem>>, vector<16xi32>,
    %mul3A_3173 = arith.constant 2 : i32
    %mul3A_3174 = vector.broadcast %mul3A_3173 : i32 to vector<16xi32>
    %mul3A_3175 = arith.muli %mul3A_3174, %iota3A : vector<16xi32>
    %add3A_3176 = arith.constant 32 : i32
    %add3A_3177 = vector.broadcast %add3A_3176 : i32 to vector<16xi32>
    %add3A_3178 = arith.addi %add3A_3177, %mul3A_3175 : vector<16xi32>
    %add3A_3179 = vector.broadcast %mul3A_3125 : i32 to vector<16xi32>
    %add3A_3180 = arith.addi %add3A_3179, %get3A_3165 : vector<16xi32>
    %mul3A_3181 = arith.constant 224 : i32
    %mul3A_3182 = vector.broadcast %mul3A_3181 : i32 to vector<16xi32>
    %mul3A_3183 = arith.muli %add3A_3180, %mul3A_3182 : vector<16xi32>
    %add3A_3184 = vector.broadcast %mul3A_68 : i32 to vector<16xi32>
    %add3A_3185 = arith.addi %add3A_3184, %mul3A_3183 : vector<16xi32>
    %add3A_3186 = arith.addi %add3A_3185, %add3A_3178 : vector<16xi32>
    %add3A_3187 = arith.addi %add3A_3186, %get3A_3172 : vector<16xi32>
    %swap3A_3188 = arith.constant 13 : i32
    %swap3A_3189 = arith.index_cast %swap3A_3188 : i32 to index
    %swap3A_3190 = arith.constant 16 : index
    %swap3A_3191 = tpu.vector_load %arg8[%swap3A_3189, %swap3A_3190] {strides = array<i32>} : memref<14x112xi32, #tpu.memory_space<vmem>>, vector<16xi32>,
    tpu.vector_store %arg8[%swap3A_3189, %swap3A_3190], %add3A_3187 {strides = array<i32>} : memref<14x112xi32, #tpu.memory_space<vmem>>, vector<16xi32>,
    %add3A_3192 = arith.constant 13 : i32
    %add3A_3193 = arith.addi %sub3A_65, %add3A_3192 : i32
    %get3A_3194 = arith.constant 0 : i32
    %get3A_3195 = arith.index_cast %get3A_3194 : i32 to index
    %get3A_3196 = arith.index_cast %add3A_3193 : i32 to index
    %get3A_3197 = arith.constant 32 : index
    %get3A_3198 = tpu.vector_load %arg9[%get3A_3195, %get3A_3196, %get3A_3197] {strides = array<i32>} : memref<2x24x112xi32, #tpu.memory_space<vmem>>, vector<16xi32>,
    %add3A_3199 = arith.constant 13 : i32
    %add3A_3200 = arith.addi %sub3A_65, %add3A_3199 : i32
    %get3A_3201 = arith.constant 1 : i32
    %get3A_3202 = arith.index_cast %get3A_3201 : i32 to index
    %get3A_3203 = arith.index_cast %add3A_3200 : i32 to index
    %get3A_3204 = arith.constant 32 : index
    %get3A_3205 = tpu.vector_load %arg9[%get3A_3202, %get3A_3203, %get3A_3204] {strides = array<i32>} : memref<2x24x112xi32, #tpu.memory_space<vmem>>, vector<16xi32>,
    %mul3A_3206 = arith.constant 2 : i32
    %mul3A_3207 = vector.broadcast %mul3A_3206 : i32 to vector<16xi32>
    %mul3A_3208 = arith.muli %mul3A_3207, %iota3A : vector<16xi32>
    %add3A_3209 = arith.constant 64 : i32
    %add3A_3210 = vector.broadcast %add3A_3209 : i32 to vector<16xi32>
    %add3A_3211 = arith.addi %add3A_3210, %mul3A_3208 : vector<16xi32>
    %add3A_3212 = vector.broadcast %mul3A_3125 : i32 to vector<16xi32>
    %add3A_3213 = arith.addi %add3A_3212, %get3A_3198 : vector<16xi32>
    %mul3A_3214 = arith.constant 224 : i32
    %mul3A_3215 = vector.broadcast %mul3A_3214 : i32 to vector<16xi32>
    %mul3A_3216 = arith.muli %add3A_3213, %mul3A_3215 : vector<16xi32>
    %add3A_3217 = vector.broadcast %mul3A_68 : i32 to vector<16xi32>
    %add3A_3218 = arith.addi %add3A_3217, %mul3A_3216 : vector<16xi32>
    %add3A_3219 = arith.addi %add3A_3218, %add3A_3211 : vector<16xi32>
    %add3A_3220 = arith.addi %add3A_3219, %get3A_3205 : vector<16xi32>
    %swap3A_3221 = arith.constant 13 : i32
    %swap3A_3222 = arith.index_cast %swap3A_3221 : i32 to index
    %swap3A_3223 = arith.constant 32 : index
    %swap3A_3224 = tpu.vector_load %arg8[%swap3A_3222, %swap3A_3223] {strides = array<i32>} : memref<14x112xi32, #tpu.memory_space<vmem>>, vector<16xi32>,
    tpu.vector_store %arg8[%swap3A_3222, %swap3A_3223], %add3A_3220 {strides = array<i32>} : memref<14x112xi32, #tpu.memory_space<vmem>>, vector<16xi32>,
    %add3A_3225 = arith.constant 13 : i32
    %add3A_3226 = arith.addi %sub3A_65, %add3A_3225 : i32
    %get3A_3227 = arith.constant 0 : i32
    %get3A_3228 = arith.index_cast %get3A_3227 : i32 to index
    %get3A_3229 = arith.index_cast %add3A_3226 : i32 to index
    %get3A_3230 = arith.constant 48 : index
    %get3A_3231 = tpu.vector_load %arg9[%get3A_3228, %get3A_3229, %get3A_3230] {strides = array<i32>} : memref<2x24x112xi32, #tpu.memory_space<vmem>>, vector<16xi32>,
    %add3A_3232 = arith.constant 13 : i32
    %add3A_3233 = arith.addi %sub3A_65, %add3A_3232 : i32
    %get3A_3234 = arith.constant 1 : i32
    %get3A_3235 = arith.index_cast %get3A_3234 : i32 to index
    %get3A_3236 = arith.index_cast %add3A_3233 : i32 to index
    %get3A_3237 = arith.constant 48 : index
    %get3A_3238 = tpu.vector_load %arg9[%get3A_3235, %get3A_3236, %get3A_3237] {strides = array<i32>} : memref<2x24x112xi32, #tpu.memory_space<vmem>>, vector<16xi32>,
    %mul3A_3239 = arith.constant 2 : i32
    %mul3A_3240 = vector.broadcast %mul3A_3239 : i32 to vector<16xi32>
    %mul3A_3241 = arith.muli %mul3A_3240, %iota3A : vector<16xi32>
    %add3A_3242 = arith.constant 96 : i32
    %add3A_3243 = vector.broadcast %add3A_3242 : i32 to vector<16xi32>
    %add3A_3244 = arith.addi %add3A_3243, %mul3A_3241 : vector<16xi32>
    %add3A_3245 = vector.broadcast %mul3A_3125 : i32 to vector<16xi32>
    %add3A_3246 = arith.addi %add3A_3245, %get3A_3231 : vector<16xi32>
    %mul3A_3247 = arith.constant 224 : i32
    %mul3A_3248 = vector.broadcast %mul3A_3247 : i32 to vector<16xi32>
    %mul3A_3249 = arith.muli %add3A_3246, %mul3A_3248 : vector<16xi32>
    %add3A_3250 = vector.broadcast %mul3A_68 : i32 to vector<16xi32>
    %add3A_3251 = arith.addi %add3A_3250, %mul3A_3249 : vector<16xi32>
    %add3A_3252 = arith.addi %add3A_3251, %add3A_3244 : vector<16xi32>
    %add3A_3253 = arith.addi %add3A_3252, %get3A_3238 : vector<16xi32>
    %swap3A_3254 = arith.constant 13 : i32
    %swap3A_3255 = arith.index_cast %swap3A_3254 : i32 to index
    %swap3A_3256 = arith.constant 48 : index
    %swap3A_3257 = tpu.vector_load %arg8[%swap3A_3255, %swap3A_3256] {strides = array<i32>} : memref<14x112xi32, #tpu.memory_space<vmem>>, vector<16xi32>,
    tpu.vector_store %arg8[%swap3A_3255, %swap3A_3256], %add3A_3253 {strides = array<i32>} : memref<14x112xi32, #tpu.memory_space<vmem>>, vector<16xi32>,
    %add3A_3258 = arith.constant 13 : i32
    %add3A_3259 = arith.addi %sub3A_65, %add3A_3258 : i32
    %get3A_3260 = arith.constant 0 : i32
    %get3A_3261 = arith.index_cast %get3A_3260 : i32 to index
    %get3A_3262 = arith.index_cast %add3A_3259 : i32 to index
    %get3A_3263 = arith.constant 64 : index
    %get3A_3264 = tpu.vector_load %arg9[%get3A_3261, %get3A_3262, %get3A_3263] {strides = array<i32>} : memref<2x24x112xi32, #tpu.memory_space<vmem>>, vector<16xi32>,
    %add3A_3265 = arith.constant 13 : i32
    %add3A_3266 = arith.addi %sub3A_65, %add3A_3265 : i32
    %get3A_3267 = arith.constant 1 : i32
    %get3A_3268 = arith.index_cast %get3A_3267 : i32 to index
    %get3A_3269 = arith.index_cast %add3A_3266 : i32 to index
    %get3A_3270 = arith.constant 64 : index
    %get3A_3271 = tpu.vector_load %arg9[%get3A_3268, %get3A_3269, %get3A_3270] {strides = array<i32>} : memref<2x24x112xi32, #tpu.memory_space<vmem>>, vector<16xi32>,
    %mul3A_3272 = arith.constant 2 : i32
    %mul3A_3273 = vector.broadcast %mul3A_3272 : i32 to vector<16xi32>
    %mul3A_3274 = arith.muli %mul3A_3273, %iota3A : vector<16xi32>
    %add3A_3275 = arith.constant 128 : i32
    %add3A_3276 = vector.broadcast %add3A_3275 : i32 to vector<16xi32>
    %add3A_3277 = arith.addi %add3A_3276, %mul3A_3274 : vector<16xi32>
    %add3A_3278 = vector.broadcast %mul3A_3125 : i32 to vector<16xi32>
    %add3A_3279 = arith.addi %add3A_3278, %get3A_3264 : vector<16xi32>
    %mul3A_3280 = arith.constant 224 : i32
    %mul3A_3281 = vector.broadcast %mul3A_3280 : i32 to vector<16xi32>
    %mul3A_3282 = arith.muli %add3A_3279, %mul3A_3281 : vector<16xi32>
    %add3A_3283 = vector.broadcast %mul3A_68 : i32 to vector<16xi32>
    %add3A_3284 = arith.addi %add3A_3283, %mul3A_3282 : vector<16xi32>
    %add3A_3285 = arith.addi %add3A_3284, %add3A_3277 : vector<16xi32>
    %add3A_3286 = arith.addi %add3A_3285, %get3A_3271 : vector<16xi32>
    %swap3A_3287 = arith.constant 13 : i32
    %swap3A_3288 = arith.index_cast %swap3A_3287 : i32 to index
    %swap3A_3289 = arith.constant 64 : index
    %swap3A_3290 = tpu.vector_load %arg8[%swap3A_3288, %swap3A_3289] {strides = array<i32>} : memref<14x112xi32, #tpu.memory_space<vmem>>, vector<16xi32>,
    tpu.vector_store %arg8[%swap3A_3288, %swap3A_3289], %add3A_3286 {strides = array<i32>} : memref<14x112xi32, #tpu.memory_space<vmem>>, vector<16xi32>,
    %add3A_3291 = arith.constant 13 : i32
    %add3A_3292 = arith.addi %sub3A_65, %add3A_3291 : i32
    %get3A_3293 = arith.constant 0 : i32
    %get3A_3294 = arith.index_cast %get3A_3293 : i32 to index
    %get3A_3295 = arith.index_cast %add3A_3292 : i32 to index
    %get3A_3296 = arith.constant 80 : index
    %get3A_3297 = tpu.vector_load %arg9[%get3A_3294, %get3A_3295, %get3A_3296] {strides = array<i32>} : memref<2x24x112xi32, #tpu.memory_space<vmem>>, vector<16xi32>,
    %add3A_3298 = arith.constant 13 : i32
    %add3A_3299 = arith.addi %sub3A_65, %add3A_3298 : i32
    %get3A_3300 = arith.constant 1 : i32
    %get3A_3301 = arith.index_cast %get3A_3300 : i32 to index
    %get3A_3302 = arith.index_cast %add3A_3299 : i32 to index
    %get3A_3303 = arith.constant 80 : index
    %get3A_3304 = tpu.vector_load %arg9[%get3A_3301, %get3A_3302, %get3A_3303] {strides = array<i32>} : memref<2x24x112xi32, #tpu.memory_space<vmem>>, vector<16xi32>,
    %mul3A_3305 = arith.constant 2 : i32
    %mul3A_3306 = vector.broadcast %mul3A_3305 : i32 to vector<16xi32>
    %mul3A_3307 = arith.muli %mul3A_3306, %iota3A : vector<16xi32>
    %add3A_3308 = arith.constant 160 : i32
    %add3A_3309 = vector.broadcast %add3A_3308 : i32 to vector<16xi32>
    %add3A_3310 = arith.addi %add3A_3309, %mul3A_3307 : vector<16xi32>
    %add3A_3311 = vector.broadcast %mul3A_3125 : i32 to vector<16xi32>
    %add3A_3312 = arith.addi %add3A_3311, %get3A_3297 : vector<16xi32>
    %mul3A_3313 = arith.constant 224 : i32
    %mul3A_3314 = vector.broadcast %mul3A_3313 : i32 to vector<16xi32>
    %mul3A_3315 = arith.muli %add3A_3312, %mul3A_3314 : vector<16xi32>
    %add3A_3316 = vector.broadcast %mul3A_68 : i32 to vector<16xi32>
    %add3A_3317 = arith.addi %add3A_3316, %mul3A_3315 : vector<16xi32>
    %add3A_3318 = arith.addi %add3A_3317, %add3A_3310 : vector<16xi32>
    %add3A_3319 = arith.addi %add3A_3318, %get3A_3304 : vector<16xi32>
    %swap3A_3320 = arith.constant 13 : i32
    %swap3A_3321 = arith.index_cast %swap3A_3320 : i32 to index
    %swap3A_3322 = arith.constant 80 : index
    %swap3A_3323 = tpu.vector_load %arg8[%swap3A_3321, %swap3A_3322] {strides = array<i32>} : memref<14x112xi32, #tpu.memory_space<vmem>>, vector<16xi32>,
    tpu.vector_store %arg8[%swap3A_3321, %swap3A_3322], %add3A_3319 {strides = array<i32>} : memref<14x112xi32, #tpu.memory_space<vmem>>, vector<16xi32>,
    %add3A_3324 = arith.constant 13 : i32
    %add3A_3325 = arith.addi %sub3A_65, %add3A_3324 : i32
    %get3A_3326 = arith.constant 0 : i32
    %get3A_3327 = arith.index_cast %get3A_3326 : i32 to index
    %get3A_3328 = arith.index_cast %add3A_3325 : i32 to index
    %get3A_3329 = arith.constant 96 : index
    %get3A_3330 = tpu.vector_load %arg9[%get3A_3327, %get3A_3328, %get3A_3329] {strides = array<i32>} : memref<2x24x112xi32, #tpu.memory_space<vmem>>, vector<16xi32>,
    %add3A_3331 = arith.constant 13 : i32
    %add3A_3332 = arith.addi %sub3A_65, %add3A_3331 : i32
    %get3A_3333 = arith.constant 1 : i32
    %get3A_3334 = arith.index_cast %get3A_3333 : i32 to index
    %get3A_3335 = arith.index_cast %add3A_3332 : i32 to index
    %get3A_3336 = arith.constant 96 : index
    %get3A_3337 = tpu.vector_load %arg9[%get3A_3334, %get3A_3335, %get3A_3336] {strides = array<i32>} : memref<2x24x112xi32, #tpu.memory_space<vmem>>, vector<16xi32>,
    %mul3A_3338 = arith.constant 2 : i32
    %mul3A_3339 = vector.broadcast %mul3A_3338 : i32 to vector<16xi32>
    %mul3A_3340 = arith.muli %mul3A_3339, %iota3A : vector<16xi32>
    %add3A_3341 = arith.constant 192 : i32
    %add3A_3342 = vector.broadcast %add3A_3341 : i32 to vector<16xi32>
    %add3A_3343 = arith.addi %add3A_3342, %mul3A_3340 : vector<16xi32>
    %add3A_3344 = vector.broadcast %mul3A_3125 : i32 to vector<16xi32>
    %add3A_3345 = arith.addi %add3A_3344, %get3A_3330 : vector<16xi32>
    %mul3A_3346 = arith.constant 224 : i32
    %mul3A_3347 = vector.broadcast %mul3A_3346 : i32 to vector<16xi32>
    %mul3A_3348 = arith.muli %add3A_3345, %mul3A_3347 : vector<16xi32>
    %add3A_3349 = vector.broadcast %mul3A_68 : i32 to vector<16xi32>
    %add3A_3350 = arith.addi %add3A_3349, %mul3A_3348 : vector<16xi32>
    %add3A_3351 = arith.addi %add3A_3350, %add3A_3343 : vector<16xi32>
    %add3A_3352 = arith.addi %add3A_3351, %get3A_3337 : vector<16xi32>
    %swap3A_3353 = arith.constant 13 : i32
    %swap3A_3354 = arith.index_cast %swap3A_3353 : i32 to index
    %swap3A_3355 = arith.constant 96 : index
    %swap3A_3356 = tpu.vector_load %arg8[%swap3A_3354, %swap3A_3355] {strides = array<i32>} : memref<14x112xi32, #tpu.memory_space<vmem>>, vector<16xi32>,
    tpu.vector_store %arg8[%swap3A_3354, %swap3A_3355], %add3A_3352 {strides = array<i32>} : memref<14x112xi32, #tpu.memory_space<vmem>>, vector<16xi32>,
    %dma_start3A = arith.constant 0 : i32
    %dma_start3A_3357 = arith.constant 0 : i32
    %dma_start3A_3358 = tpu.memref_slice %arg8[%dma_start3A, %dma_start3A_3357] : memref<14x112xi32, #tpu.memory_space<vmem>> -> memref<1x112xi32, #tpu.memory_space<vmem>>
    %dma_start3A_3359 = tpu.memref_squeeze %dma_start3A_3358 : memref<1x112xi32, #tpu.memory_space<vmem>> -> memref<112xi32, #tpu.memory_space<vmem>>
    %dma_start3A_3360 = arith.constant 0 : i32
    %dma_start3A_3361 = arith.constant 0 : i32
    %dma_start3A_3362 = tpu.memref_slice %arg2[%dma_start3A_3360, %dma_start3A_3361] : memref<200704x384xf32, #tpu.memory_space<hbm>> -> memref<200704x384xf32, #tpu.memory_space<hbm>>
    tpu.enqueue_indirect_dma source(%dma_start3A_3362 : memref<200704x384xf32, #tpu.memory_space<hbm>>) target(%arg6 : memref<112x384xf32, #tpu.memory_space<vmem>>) offsets(%dma_start3A_3359 : memref<112xi32, #tpu.memory_space<vmem>>) semaphore(%arg10 : memref<!tpu.dma_semaphore, #tpu.memory_space<semaphore_mem>>)
    %dma_start3A_3363 = arith.constant 1 : i32
    %dma_start3A_3364 = arith.constant 0 : i32
    %dma_start3A_3365 = tpu.memref_slice %arg8[%dma_start3A_3363, %dma_start3A_3364] : memref<14x112xi32, #tpu.memory_space<vmem>> -> memref<1x112xi32, #tpu.memory_space<vmem>>
    %dma_start3A_3366 = tpu.memref_squeeze %dma_start3A_3365 : memref<1x112xi32, #tpu.memory_space<vmem>> -> memref<112xi32, #tpu.memory_space<vmem>>
    %dma_start3A_3367 = arith.constant 0 : i32
    %dma_start3A_3368 = arith.constant 0 : i32
    %dma_start3A_3369 = tpu.memref_slice %arg2[%dma_start3A_3367, %dma_start3A_3368] : memref<200704x384xf32, #tpu.memory_space<hbm>> -> memref<200704x384xf32, #tpu.memory_space<hbm>>
    tpu.enqueue_indirect_dma source(%dma_start3A_3369 : memref<200704x384xf32, #tpu.memory_space<hbm>>) target(%arg7 : memref<112x384xf32, #tpu.memory_space<vmem>>) offsets(%dma_start3A_3366 : memref<112xi32, #tpu.memory_space<vmem>>) semaphore(%arg11 : memref<!tpu.dma_semaphore, #tpu.memory_space<semaphore_mem>>)
    %dma_wait3A = arith.constant 0 : i32
    %dma_wait3A_3370 = arith.constant 0 : i32
    %dma_wait3A_3371 = tpu.memref_slice %arg8[%dma_wait3A, %dma_wait3A_3370] : memref<14x112xi32, #tpu.memory_space<vmem>> -> memref<1x112xi32, #tpu.memory_space<vmem>>
    %dma_wait3A_3372 = tpu.memref_squeeze %dma_wait3A_3371 : memref<1x112xi32, #tpu.memory_space<vmem>> -> memref<112xi32, #tpu.memory_space<vmem>>
    %dma_wait3A_3373 = arith.constant 0 : i32
    %dma_wait3A_3374 = arith.constant 0 : i32
    %dma_wait3A_3375 = tpu.memref_slice %arg2[%dma_wait3A_3373, %dma_wait3A_3374] : memref<200704x384xf32, #tpu.memory_space<hbm>> -> memref<200704x384xf32, #tpu.memory_space<hbm>>
    tpu.wait_indirect_dma semaphore(%arg10 : memref<!tpu.dma_semaphore, #tpu.memory_space<semaphore_mem>>) src(%dma_wait3A_3375 : memref<200704x384xf32, #tpu.memory_space<hbm>>) dst(%arg6 : memref<112x384xf32, #tpu.memory_space<vmem>>)
    %add3A_3376 = arith.constant 0 : i32
    %add3A_3377 = arith.addi %add3A_37, %add3A_3376 : i32
    %dma_start3A_3378 = arith.constant 0 : i32
    %dma_start3A_3379 = tpu.memref_slice %arg5[%add3A_3377, %dma_start3A_3378] : memref<50176x384xf32, #tpu.memory_space<hbm>> -> memref<112x384xf32, #tpu.memory_space<hbm>>
    %dma_start3A_3380 = arith.constant 0 : i32
    %dma_start3A_3381 = tpu.memref_slice %arg5[%add3A_3377, %dma_start3A_3380] : memref<50176x384xf32, #tpu.memory_space<hbm>> -> memref<112x384xf32, #tpu.memory_space<hbm>>
    tpu.enqueue_dma source(%arg6 : memref<112x384xf32, #tpu.memory_space<vmem>>) target(%dma_start3A_3381 : memref<112x384xf32, #tpu.memory_space<hbm>>) target_semaphore(%arg12 : memref<!tpu.dma_semaphore, #tpu.memory_space<semaphore_mem>>)
    %dma_wait3A_3382 = arith.constant 1 : i32
    %dma_wait3A_3383 = arith.constant 0 : i32
    %dma_wait3A_3384 = tpu.memref_slice %arg8[%dma_wait3A_3382, %dma_wait3A_3383] : memref<14x112xi32, #tpu.memory_space<vmem>> -> memref<1x112xi32, #tpu.memory_space<vmem>>
    %dma_wait3A_3385 = tpu.memref_squeeze %dma_wait3A_3384 : memref<1x112xi32, #tpu.memory_space<vmem>> -> memref<112xi32, #tpu.memory_space<vmem>>
    %dma_wait3A_3386 = arith.constant 0 : i32
    %dma_wait3A_3387 = arith.constant 0 : i32
    %dma_wait3A_3388 = tpu.memref_slice %arg2[%dma_wait3A_3386, %dma_wait3A_3387] : memref<200704x384xf32, #tpu.memory_space<hbm>> -> memref<200704x384xf32, #tpu.memory_space<hbm>>
    tpu.wait_indirect_dma semaphore(%arg11 : memref<!tpu.dma_semaphore, #tpu.memory_space<semaphore_mem>>) src(%dma_wait3A_3388 : memref<200704x384xf32, #tpu.memory_space<hbm>>) dst(%arg7 : memref<112x384xf32, #tpu.memory_space<vmem>>)
    %add3A_3389 = arith.constant 112 : i32
    %add3A_3390 = arith.addi %add3A_37, %add3A_3389 : i32
    %dma_start3A_3391 = arith.constant 0 : i32
    %dma_start3A_3392 = tpu.memref_slice %arg5[%add3A_3390, %dma_start3A_3391] : memref<50176x384xf32, #tpu.memory_space<hbm>> -> memref<112x384xf32, #tpu.memory_space<hbm>>
    %dma_start3A_3393 = arith.constant 0 : i32
    %dma_start3A_3394 = tpu.memref_slice %arg5[%add3A_3390, %dma_start3A_3393] : memref<50176x384xf32, #tpu.memory_space<hbm>> -> memref<112x384xf32, #tpu.memory_space<hbm>>
    tpu.enqueue_dma source(%arg7 : memref<112x384xf32, #tpu.memory_space<vmem>>) target(%dma_start3A_3394 : memref<112x384xf32, #tpu.memory_space<hbm>>) target_semaphore(%arg13 : memref<!tpu.dma_semaphore, #tpu.memory_space<semaphore_mem>>)
    %add3A_3395 = arith.constant 0 : i32
    %add3A_3396 = arith.addi %add3A_37, %add3A_3395 : i32
    %dma_wait3A_3397 = arith.constant 0 : i32
    %dma_wait3A_3398 = tpu.memref_slice %arg5[%add3A_3396, %dma_wait3A_3397] : memref<50176x384xf32, #tpu.memory_space<hbm>> -> memref<112x384xf32, #tpu.memory_space<hbm>>
    %dma_wait3A_3399 = arith.constant 0 : i32
    %dma_wait3A_3400 = tpu.memref_slice %arg5[%add3A_3396, %dma_wait3A_3399] : memref<50176x384xf32, #tpu.memory_space<hbm>> -> memref<112x384xf32, #tpu.memory_space<hbm>>
    tpu.wait_dma2 semaphore(%arg12 : memref<!tpu.dma_semaphore, #tpu.memory_space<semaphore_mem>>) src(%arg6 : memref<112x384xf32, #tpu.memory_space<vmem>>) dst(%dma_wait3A_3400 : memref<112x384xf32, #tpu.memory_space<hbm>>)
    %dma_start3A_3401 = arith.constant 2 : i32
    %dma_start3A_3402 = arith.constant 0 : i32
    %dma_start3A_3403 = tpu.memref_slice %arg8[%dma_start3A_3401, %dma_start3A_3402] : memref<14x112xi32, #tpu.memory_space<vmem>> -> memref<1x112xi32, #tpu.memory_space<vmem>>
    %dma_start3A_3404 = tpu.memref_squeeze %dma_start3A_3403 : memref<1x112xi32, #tpu.memory_space<vmem>> -> memref<112xi32, #tpu.memory_space<vmem>>
    %dma_start3A_3405 = arith.constant 0 : i32
    %dma_start3A_3406 = arith.constant 0 : i32
    %dma_start3A_3407 = tpu.memref_slice %arg2[%dma_start3A_3405, %dma_start3A_3406] : memref<200704x384xf32, #tpu.memory_space<hbm>> -> memref<200704x384xf32, #tpu.memory_space<hbm>>
    tpu.enqueue_indirect_dma source(%dma_start3A_3407 : memref<200704x384xf32, #tpu.memory_space<hbm>>) target(%arg6 : memref<112x384xf32, #tpu.memory_space<vmem>>) offsets(%dma_start3A_3404 : memref<112xi32, #tpu.memory_space<vmem>>) semaphore(%arg10 : memref<!tpu.dma_semaphore, #tpu.memory_space<semaphore_mem>>)
    %dma_wait3A_3408 = arith.constant 2 : i32
    %dma_wait3A_3409 = arith.constant 0 : i32
    %dma_wait3A_3410 = tpu.memref_slice %arg8[%dma_wait3A_3408, %dma_wait3A_3409] : memref<14x112xi32, #tpu.memory_space<vmem>> -> memref<1x112xi32, #tpu.memory_space<vmem>>
    %dma_wait3A_3411 = tpu.memref_squeeze %dma_wait3A_3410 : memref<1x112xi32, #tpu.memory_space<vmem>> -> memref<112xi32, #tpu.memory_space<vmem>>
    %dma_wait3A_3412 = arith.constant 0 : i32
    %dma_wait3A_3413 = arith.constant 0 : i32
    %dma_wait3A_3414 = tpu.memref_slice %arg2[%dma_wait3A_3412, %dma_wait3A_3413] : memref<200704x384xf32, #tpu.memory_space<hbm>> -> memref<200704x384xf32, #tpu.memory_space<hbm>>
    tpu.wait_indirect_dma semaphore(%arg10 : memref<!tpu.dma_semaphore, #tpu.memory_space<semaphore_mem>>) src(%dma_wait3A_3414 : memref<200704x384xf32, #tpu.memory_space<hbm>>) dst(%arg6 : memref<112x384xf32, #tpu.memory_space<vmem>>)
    %add3A_3415 = arith.constant 224 : i32
    %add3A_3416 = arith.addi %add3A_37, %add3A_3415 : i32
    %dma_start3A_3417 = arith.constant 0 : i32
    %dma_start3A_3418 = tpu.memref_slice %arg5[%add3A_3416, %dma_start3A_3417] : memref<50176x384xf32, #tpu.memory_space<hbm>> -> memref<112x384xf32, #tpu.memory_space<hbm>>
    %dma_start3A_3419 = arith.constant 0 : i32
    %dma_start3A_3420 = tpu.memref_slice %arg5[%add3A_3416, %dma_start3A_3419] : memref<50176x384xf32, #tpu.memory_space<hbm>> -> memref<112x384xf32, #tpu.memory_space<hbm>>
    tpu.enqueue_dma source(%arg6 : memref<112x384xf32, #tpu.memory_space<vmem>>) target(%dma_start3A_3420 : memref<112x384xf32, #tpu.memory_space<hbm>>) target_semaphore(%arg12 : memref<!tpu.dma_semaphore, #tpu.memory_space<semaphore_mem>>)
    %add3A_3421 = arith.constant 112 : i32
    %add3A_3422 = arith.addi %add3A_37, %add3A_3421 : i32
    %dma_wait3A_3423 = arith.constant 0 : i32
    %dma_wait3A_3424 = tpu.memref_slice %arg5[%add3A_3422, %dma_wait3A_3423] : memref<50176x384xf32, #tpu.memory_space<hbm>> -> memref<112x384xf32, #tpu.memory_space<hbm>>
    %dma_wait3A_3425 = arith.constant 0 : i32
    %dma_wait3A_3426 = tpu.memref_slice %arg5[%add3A_3422, %dma_wait3A_3425] : memref<50176x384xf32, #tpu.memory_space<hbm>> -> memref<112x384xf32, #tpu.memory_space<hbm>>
    tpu.wait_dma2 semaphore(%arg13 : memref<!tpu.dma_semaphore, #tpu.memory_space<semaphore_mem>>) src(%arg7 : memref<112x384xf32, #tpu.memory_space<vmem>>) dst(%dma_wait3A_3426 : memref<112x384xf32, #tpu.memory_space<hbm>>)
    %dma_start3A_3427 = arith.constant 3 : i32
    %dma_start3A_3428 = arith.constant 0 : i32
    %dma_start3A_3429 = tpu.memref_slice %arg8[%dma_start3A_3427, %dma_start3A_3428] : memref<14x112xi32, #tpu.memory_space<vmem>> -> memref<1x112xi32, #tpu.memory_space<vmem>>
    %dma_start3A_3430 = tpu.memref_squeeze %dma_start3A_3429 : memref<1x112xi32, #tpu.memory_space<vmem>> -> memref<112xi32, #tpu.memory_space<vmem>>
    %dma_start3A_3431 = arith.constant 0 : i32
    %dma_start3A_3432 = arith.constant 0 : i32
    %dma_start3A_3433 = tpu.memref_slice %arg2[%dma_start3A_3431, %dma_start3A_3432] : memref<200704x384xf32, #tpu.memory_space<hbm>> -> memref<200704x384xf32, #tpu.memory_space<hbm>>
    tpu.enqueue_indirect_dma source(%dma_start3A_3433 : memref<200704x384xf32, #tpu.memory_space<hbm>>) target(%arg7 : memref<112x384xf32, #tpu.memory_space<vmem>>) offsets(%dma_start3A_3430 : memref<112xi32, #tpu.memory_space<vmem>>) semaphore(%arg11 : memref<!tpu.dma_semaphore, #tpu.memory_space<semaphore_mem>>)
    %dma_wait3A_3434 = arith.constant 3 : i32
    %dma_wait3A_3435 = arith.constant 0 : i32
    %dma_wait3A_3436 = tpu.memref_slice %arg8[%dma_wait3A_3434, %dma_wait3A_3435] : memref<14x112xi32, #tpu.memory_space<vmem>> -> memref<1x112xi32, #tpu.memory_space<vmem>>
    %dma_wait3A_3437 = tpu.memref_squeeze %dma_wait3A_3436 : memref<1x112xi32, #tpu.memory_space<vmem>> -> memref<112xi32, #tpu.memory_space<vmem>>
    %dma_wait3A_3438 = arith.constant 0 : i32
    %dma_wait3A_3439 = arith.constant 0 : i32
    %dma_wait3A_3440 = tpu.memref_slice %arg2[%dma_wait3A_3438, %dma_wait3A_3439] : memref<200704x384xf32, #tpu.memory_space<hbm>> -> memref<200704x384xf32, #tpu.memory_space<hbm>>
    tpu.wait_indirect_dma semaphore(%arg11 : memref<!tpu.dma_semaphore, #tpu.memory_space<semaphore_mem>>) src(%dma_wait3A_3440 : memref<200704x384xf32, #tpu.memory_space<hbm>>) dst(%arg7 : memref<112x384xf32, #tpu.memory_space<vmem>>)
    %add3A_3441 = arith.constant 336 : i32
    %add3A_3442 = arith.addi %add3A_37, %add3A_3441 : i32
    %dma_start3A_3443 = arith.constant 0 : i32
    %dma_start3A_3444 = tpu.memref_slice %arg5[%add3A_3442, %dma_start3A_3443] : memref<50176x384xf32, #tpu.memory_space<hbm>> -> memref<112x384xf32, #tpu.memory_space<hbm>>
    %dma_start3A_3445 = arith.constant 0 : i32
    %dma_start3A_3446 = tpu.memref_slice %arg5[%add3A_3442, %dma_start3A_3445] : memref<50176x384xf32, #tpu.memory_space<hbm>> -> memref<112x384xf32, #tpu.memory_space<hbm>>
    tpu.enqueue_dma source(%arg7 : memref<112x384xf32, #tpu.memory_space<vmem>>) target(%dma_start3A_3446 : memref<112x384xf32, #tpu.memory_space<hbm>>) target_semaphore(%arg13 : memref<!tpu.dma_semaphore, #tpu.memory_space<semaphore_mem>>)
    %add3A_3447 = arith.constant 224 : i32
    %add3A_3448 = arith.addi %add3A_37, %add3A_3447 : i32
    %dma_wait3A_3449 = arith.constant 0 : i32
    %dma_wait3A_3450 = tpu.memref_slice %arg5[%add3A_3448, %dma_wait3A_3449] : memref<50176x384xf32, #tpu.memory_space<hbm>> -> memref<112x384xf32, #tpu.memory_space<hbm>>
    %dma_wait3A_3451 = arith.constant 0 : i32
    %dma_wait3A_3452 = tpu.memref_slice %arg5[%add3A_3448, %dma_wait3A_3451] : memref<50176x384xf32, #tpu.memory_space<hbm>> -> memref<112x384xf32, #tpu.memory_space<hbm>>
    tpu.wait_dma2 semaphore(%arg12 : memref<!tpu.dma_semaphore, #tpu.memory_space<semaphore_mem>>) src(%arg6 : memref<112x384xf32, #tpu.memory_space<vmem>>) dst(%dma_wait3A_3452 : memref<112x384xf32, #tpu.memory_space<hbm>>)
    %dma_start3A_3453 = arith.constant 4 : i32
    %dma_start3A_3454 = arith.constant 0 : i32
    %dma_start3A_3455 = tpu.memref_slice %arg8[%dma_start3A_3453, %dma_start3A_3454] : memref<14x112xi32, #tpu.memory_space<vmem>> -> memref<1x112xi32, #tpu.memory_space<vmem>>
    %dma_start3A_3456 = tpu.memref_squeeze %dma_start3A_3455 : memref<1x112xi32, #tpu.memory_space<vmem>> -> memref<112xi32, #tpu.memory_space<vmem>>
    %dma_start3A_3457 = arith.constant 0 : i32
    %dma_start3A_3458 = arith.constant 0 : i32
    %dma_start3A_3459 = tpu.memref_slice %arg2[%dma_start3A_3457, %dma_start3A_3458] : memref<200704x384xf32, #tpu.memory_space<hbm>> -> memref<200704x384xf32, #tpu.memory_space<hbm>>
    tpu.enqueue_indirect_dma source(%dma_start3A_3459 : memref<200704x384xf32, #tpu.memory_space<hbm>>) target(%arg6 : memref<112x384xf32, #tpu.memory_space<vmem>>) offsets(%dma_start3A_3456 : memref<112xi32, #tpu.memory_space<vmem>>) semaphore(%arg10 : memref<!tpu.dma_semaphore, #tpu.memory_space<semaphore_mem>>)
    %dma_wait3A_3460 = arith.constant 4 : i32
    %dma_wait3A_3461 = arith.constant 0 : i32
    %dma_wait3A_3462 = tpu.memref_slice %arg8[%dma_wait3A_3460, %dma_wait3A_3461] : memref<14x112xi32, #tpu.memory_space<vmem>> -> memref<1x112xi32, #tpu.memory_space<vmem>>
    %dma_wait3A_3463 = tpu.memref_squeeze %dma_wait3A_3462 : memref<1x112xi32, #tpu.memory_space<vmem>> -> memref<112xi32, #tpu.memory_space<vmem>>
    %dma_wait3A_3464 = arith.constant 0 : i32
    %dma_wait3A_3465 = arith.constant 0 : i32
    %dma_wait3A_3466 = tpu.memref_slice %arg2[%dma_wait3A_3464, %dma_wait3A_3465] : memref<200704x384xf32, #tpu.memory_space<hbm>> -> memref<200704x384xf32, #tpu.memory_space<hbm>>
    tpu.wait_indirect_dma semaphore(%arg10 : memref<!tpu.dma_semaphore, #tpu.memory_space<semaphore_mem>>) src(%dma_wait3A_3466 : memref<200704x384xf32, #tpu.memory_space<hbm>>) dst(%arg6 : memref<112x384xf32, #tpu.memory_space<vmem>>)
    %add3A_3467 = arith.constant 448 : i32
    %add3A_3468 = arith.addi %add3A_37, %add3A_3467 : i32
    %dma_start3A_3469 = arith.constant 0 : i32
    %dma_start3A_3470 = tpu.memref_slice %arg5[%add3A_3468, %dma_start3A_3469] : memref<50176x384xf32, #tpu.memory_space<hbm>> -> memref<112x384xf32, #tpu.memory_space<hbm>>
    %dma_start3A_3471 = arith.constant 0 : i32
    %dma_start3A_3472 = tpu.memref_slice %arg5[%add3A_3468, %dma_start3A_3471] : memref<50176x384xf32, #tpu.memory_space<hbm>> -> memref<112x384xf32, #tpu.memory_space<hbm>>
    tpu.enqueue_dma source(%arg6 : memref<112x384xf32, #tpu.memory_space<vmem>>) target(%dma_start3A_3472 : memref<112x384xf32, #tpu.memory_space<hbm>>) target_semaphore(%arg12 : memref<!tpu.dma_semaphore, #tpu.memory_space<semaphore_mem>>)
    %add3A_3473 = arith.constant 336 : i32
    %add3A_3474 = arith.addi %add3A_37, %add3A_3473 : i32
    %dma_wait3A_3475 = arith.constant 0 : i32
    %dma_wait3A_3476 = tpu.memref_slice %arg5[%add3A_3474, %dma_wait3A_3475] : memref<50176x384xf32, #tpu.memory_space<hbm>> -> memref<112x384xf32, #tpu.memory_space<hbm>>
    %dma_wait3A_3477 = arith.constant 0 : i32
    %dma_wait3A_3478 = tpu.memref_slice %arg5[%add3A_3474, %dma_wait3A_3477] : memref<50176x384xf32, #tpu.memory_space<hbm>> -> memref<112x384xf32, #tpu.memory_space<hbm>>
    tpu.wait_dma2 semaphore(%arg13 : memref<!tpu.dma_semaphore, #tpu.memory_space<semaphore_mem>>) src(%arg7 : memref<112x384xf32, #tpu.memory_space<vmem>>) dst(%dma_wait3A_3478 : memref<112x384xf32, #tpu.memory_space<hbm>>)
    %dma_start3A_3479 = arith.constant 5 : i32
    %dma_start3A_3480 = arith.constant 0 : i32
    %dma_start3A_3481 = tpu.memref_slice %arg8[%dma_start3A_3479, %dma_start3A_3480] : memref<14x112xi32, #tpu.memory_space<vmem>> -> memref<1x112xi32, #tpu.memory_space<vmem>>
    %dma_start3A_3482 = tpu.memref_squeeze %dma_start3A_3481 : memref<1x112xi32, #tpu.memory_space<vmem>> -> memref<112xi32, #tpu.memory_space<vmem>>
    %dma_start3A_3483 = arith.constant 0 : i32
    %dma_start3A_3484 = arith.constant 0 : i32
    %dma_start3A_3485 = tpu.memref_slice %arg2[%dma_start3A_3483, %dma_start3A_3484] : memref<200704x384xf32, #tpu.memory_space<hbm>> -> memref<200704x384xf32, #tpu.memory_space<hbm>>
    tpu.enqueue_indirect_dma source(%dma_start3A_3485 : memref<200704x384xf32, #tpu.memory_space<hbm>>) target(%arg7 : memref<112x384xf32, #tpu.memory_space<vmem>>) offsets(%dma_start3A_3482 : memref<112xi32, #tpu.memory_space<vmem>>) semaphore(%arg11 : memref<!tpu.dma_semaphore, #tpu.memory_space<semaphore_mem>>)
    %dma_wait3A_3486 = arith.constant 5 : i32
    %dma_wait3A_3487 = arith.constant 0 : i32
    %dma_wait3A_3488 = tpu.memref_slice %arg8[%dma_wait3A_3486, %dma_wait3A_3487] : memref<14x112xi32, #tpu.memory_space<vmem>> -> memref<1x112xi32, #tpu.memory_space<vmem>>
    %dma_wait3A_3489 = tpu.memref_squeeze %dma_wait3A_3488 : memref<1x112xi32, #tpu.memory_space<vmem>> -> memref<112xi32, #tpu.memory_space<vmem>>
    %dma_wait3A_3490 = arith.constant 0 : i32
    %dma_wait3A_3491 = arith.constant 0 : i32
    %dma_wait3A_3492 = tpu.memref_slice %arg2[%dma_wait3A_3490, %dma_wait3A_3491] : memref<200704x384xf32, #tpu.memory_space<hbm>> -> memref<200704x384xf32, #tpu.memory_space<hbm>>
    tpu.wait_indirect_dma semaphore(%arg11 : memref<!tpu.dma_semaphore, #tpu.memory_space<semaphore_mem>>) src(%dma_wait3A_3492 : memref<200704x384xf32, #tpu.memory_space<hbm>>) dst(%arg7 : memref<112x384xf32, #tpu.memory_space<vmem>>)
    %add3A_3493 = arith.constant 560 : i32
    %add3A_3494 = arith.addi %add3A_37, %add3A_3493 : i32
    %dma_start3A_3495 = arith.constant 0 : i32
    %dma_start3A_3496 = tpu.memref_slice %arg5[%add3A_3494, %dma_start3A_3495] : memref<50176x384xf32, #tpu.memory_space<hbm>> -> memref<112x384xf32, #tpu.memory_space<hbm>>
    %dma_start3A_3497 = arith.constant 0 : i32
    %dma_start3A_3498 = tpu.memref_slice %arg5[%add3A_3494, %dma_start3A_3497] : memref<50176x384xf32, #tpu.memory_space<hbm>> -> memref<112x384xf32, #tpu.memory_space<hbm>>
    tpu.enqueue_dma source(%arg7 : memref<112x384xf32, #tpu.memory_space<vmem>>) target(%dma_start3A_3498 : memref<112x384xf32, #tpu.memory_space<hbm>>) target_semaphore(%arg13 : memref<!tpu.dma_semaphore, #tpu.memory_space<semaphore_mem>>)
    %add3A_3499 = arith.constant 448 : i32
    %add3A_3500 = arith.addi %add3A_37, %add3A_3499 : i32
    %dma_wait3A_3501 = arith.constant 0 : i32
    %dma_wait3A_3502 = tpu.memref_slice %arg5[%add3A_3500, %dma_wait3A_3501] : memref<50176x384xf32, #tpu.memory_space<hbm>> -> memref<112x384xf32, #tpu.memory_space<hbm>>
    %dma_wait3A_3503 = arith.constant 0 : i32
    %dma_wait3A_3504 = tpu.memref_slice %arg5[%add3A_3500, %dma_wait3A_3503] : memref<50176x384xf32, #tpu.memory_space<hbm>> -> memref<112x384xf32, #tpu.memory_space<hbm>>
    tpu.wait_dma2 semaphore(%arg12 : memref<!tpu.dma_semaphore, #tpu.memory_space<semaphore_mem>>) src(%arg6 : memref<112x384xf32, #tpu.memory_space<vmem>>) dst(%dma_wait3A_3504 : memref<112x384xf32, #tpu.memory_space<hbm>>)
    %dma_start3A_3505 = arith.constant 6 : i32
    %dma_start3A_3506 = arith.constant 0 : i32
    %dma_start3A_3507 = tpu.memref_slice %arg8[%dma_start3A_3505, %dma_start3A_3506] : memref<14x112xi32, #tpu.memory_space<vmem>> -> memref<1x112xi32, #tpu.memory_space<vmem>>
    %dma_start3A_3508 = tpu.memref_squeeze %dma_start3A_3507 : memref<1x112xi32, #tpu.memory_space<vmem>> -> memref<112xi32, #tpu.memory_space<vmem>>
    %dma_start3A_3509 = arith.constant 0 : i32
    %dma_start3A_3510 = arith.constant 0 : i32
    %dma_start3A_3511 = tpu.memref_slice %arg2[%dma_start3A_3509, %dma_start3A_3510] : memref<200704x384xf32, #tpu.memory_space<hbm>> -> memref<200704x384xf32, #tpu.memory_space<hbm>>
    tpu.enqueue_indirect_dma source(%dma_start3A_3511 : memref<200704x384xf32, #tpu.memory_space<hbm>>) target(%arg6 : memref<112x384xf32, #tpu.memory_space<vmem>>) offsets(%dma_start3A_3508 : memref<112xi32, #tpu.memory_space<vmem>>) semaphore(%arg10 : memref<!tpu.dma_semaphore, #tpu.memory_space<semaphore_mem>>)
    %dma_wait3A_3512 = arith.constant 6 : i32
    %dma_wait3A_3513 = arith.constant 0 : i32
    %dma_wait3A_3514 = tpu.memref_slice %arg8[%dma_wait3A_3512, %dma_wait3A_3513] : memref<14x112xi32, #tpu.memory_space<vmem>> -> memref<1x112xi32, #tpu.memory_space<vmem>>
    %dma_wait3A_3515 = tpu.memref_squeeze %dma_wait3A_3514 : memref<1x112xi32, #tpu.memory_space<vmem>> -> memref<112xi32, #tpu.memory_space<vmem>>
    %dma_wait3A_3516 = arith.constant 0 : i32
    %dma_wait3A_3517 = arith.constant 0 : i32
    %dma_wait3A_3518 = tpu.memref_slice %arg2[%dma_wait3A_3516, %dma_wait3A_3517] : memref<200704x384xf32, #tpu.memory_space<hbm>> -> memref<200704x384xf32, #tpu.memory_space<hbm>>
    tpu.wait_indirect_dma semaphore(%arg10 : memref<!tpu.dma_semaphore, #tpu.memory_space<semaphore_mem>>) src(%dma_wait3A_3518 : memref<200704x384xf32, #tpu.memory_space<hbm>>) dst(%arg6 : memref<112x384xf32, #tpu.memory_space<vmem>>)
    %add3A_3519 = arith.constant 672 : i32
    %add3A_3520 = arith.addi %add3A_37, %add3A_3519 : i32
    %dma_start3A_3521 = arith.constant 0 : i32
    %dma_start3A_3522 = tpu.memref_slice %arg5[%add3A_3520, %dma_start3A_3521] : memref<50176x384xf32, #tpu.memory_space<hbm>> -> memref<112x384xf32, #tpu.memory_space<hbm>>
    %dma_start3A_3523 = arith.constant 0 : i32
    %dma_start3A_3524 = tpu.memref_slice %arg5[%add3A_3520, %dma_start3A_3523] : memref<50176x384xf32, #tpu.memory_space<hbm>> -> memref<112x384xf32, #tpu.memory_space<hbm>>
    tpu.enqueue_dma source(%arg6 : memref<112x384xf32, #tpu.memory_space<vmem>>) target(%dma_start3A_3524 : memref<112x384xf32, #tpu.memory_space<hbm>>) target_semaphore(%arg12 : memref<!tpu.dma_semaphore, #tpu.memory_space<semaphore_mem>>)
    %add3A_3525 = arith.constant 560 : i32
    %add3A_3526 = arith.addi %add3A_37, %add3A_3525 : i32
    %dma_wait3A_3527 = arith.constant 0 : i32
    %dma_wait3A_3528 = tpu.memref_slice %arg5[%add3A_3526, %dma_wait3A_3527] : memref<50176x384xf32, #tpu.memory_space<hbm>> -> memref<112x384xf32, #tpu.memory_space<hbm>>
    %dma_wait3A_3529 = arith.constant 0 : i32
    %dma_wait3A_3530 = tpu.memref_slice %arg5[%add3A_3526, %dma_wait3A_3529] : memref<50176x384xf32, #tpu.memory_space<hbm>> -> memref<112x384xf32, #tpu.memory_space<hbm>>
    tpu.wait_dma2 semaphore(%arg13 : memref<!tpu.dma_semaphore, #tpu.memory_space<semaphore_mem>>) src(%arg7 : memref<112x384xf32, #tpu.memory_space<vmem>>) dst(%dma_wait3A_3530 : memref<112x384xf32, #tpu.memory_space<hbm>>)
    %dma_start3A_3531 = arith.constant 7 : i32
    %dma_start3A_3532 = arith.constant 0 : i32
    %dma_start3A_3533 = tpu.memref_slice %arg8[%dma_start3A_3531, %dma_start3A_3532] : memref<14x112xi32, #tpu.memory_space<vmem>> -> memref<1x112xi32, #tpu.memory_space<vmem>>
    %dma_start3A_3534 = tpu.memref_squeeze %dma_start3A_3533 : memref<1x112xi32, #tpu.memory_space<vmem>> -> memref<112xi32, #tpu.memory_space<vmem>>
    %dma_start3A_3535 = arith.constant 0 : i32
    %dma_start3A_3536 = arith.constant 0 : i32
    %dma_start3A_3537 = tpu.memref_slice %arg2[%dma_start3A_3535, %dma_start3A_3536] : memref<200704x384xf32, #tpu.memory_space<hbm>> -> memref<200704x384xf32, #tpu.memory_space<hbm>>
    tpu.enqueue_indirect_dma source(%dma_start3A_3537 : memref<200704x384xf32, #tpu.memory_space<hbm>>) target(%arg7 : memref<112x384xf32, #tpu.memory_space<vmem>>) offsets(%dma_start3A_3534 : memref<112xi32, #tpu.memory_space<vmem>>) semaphore(%arg11 : memref<!tpu.dma_semaphore, #tpu.memory_space<semaphore_mem>>)
    %dma_wait3A_3538 = arith.constant 7 : i32
    %dma_wait3A_3539 = arith.constant 0 : i32
    %dma_wait3A_3540 = tpu.memref_slice %arg8[%dma_wait3A_3538, %dma_wait3A_3539] : memref<14x112xi32, #tpu.memory_space<vmem>> -> memref<1x112xi32, #tpu.memory_space<vmem>>
    %dma_wait3A_3541 = tpu.memref_squeeze %dma_wait3A_3540 : memref<1x112xi32, #tpu.memory_space<vmem>> -> memref<112xi32, #tpu.memory_space<vmem>>
    %dma_wait3A_3542 = arith.constant 0 : i32
    %dma_wait3A_3543 = arith.constant 0 : i32
    %dma_wait3A_3544 = tpu.memref_slice %arg2[%dma_wait3A_3542, %dma_wait3A_3543] : memref<200704x384xf32, #tpu.memory_space<hbm>> -> memref<200704x384xf32, #tpu.memory_space<hbm>>
    tpu.wait_indirect_dma semaphore(%arg11 : memref<!tpu.dma_semaphore, #tpu.memory_space<semaphore_mem>>) src(%dma_wait3A_3544 : memref<200704x384xf32, #tpu.memory_space<hbm>>) dst(%arg7 : memref<112x384xf32, #tpu.memory_space<vmem>>)
    %add3A_3545 = arith.constant 784 : i32
    %add3A_3546 = arith.addi %add3A_37, %add3A_3545 : i32
    %dma_start3A_3547 = arith.constant 0 : i32
    %dma_start3A_3548 = tpu.memref_slice %arg5[%add3A_3546, %dma_start3A_3547] : memref<50176x384xf32, #tpu.memory_space<hbm>> -> memref<112x384xf32, #tpu.memory_space<hbm>>
    %dma_start3A_3549 = arith.constant 0 : i32
    %dma_start3A_3550 = tpu.memref_slice %arg5[%add3A_3546, %dma_start3A_3549] : memref<50176x384xf32, #tpu.memory_space<hbm>> -> memref<112x384xf32, #tpu.memory_space<hbm>>
    tpu.enqueue_dma source(%arg7 : memref<112x384xf32, #tpu.memory_space<vmem>>) target(%dma_start3A_3550 : memref<112x384xf32, #tpu.memory_space<hbm>>) target_semaphore(%arg13 : memref<!tpu.dma_semaphore, #tpu.memory_space<semaphore_mem>>)
    %add3A_3551 = arith.constant 672 : i32
    %add3A_3552 = arith.addi %add3A_37, %add3A_3551 : i32
    %dma_wait3A_3553 = arith.constant 0 : i32
    %dma_wait3A_3554 = tpu.memref_slice %arg5[%add3A_3552, %dma_wait3A_3553] : memref<50176x384xf32, #tpu.memory_space<hbm>> -> memref<112x384xf32, #tpu.memory_space<hbm>>
    %dma_wait3A_3555 = arith.constant 0 : i32
    %dma_wait3A_3556 = tpu.memref_slice %arg5[%add3A_3552, %dma_wait3A_3555] : memref<50176x384xf32, #tpu.memory_space<hbm>> -> memref<112x384xf32, #tpu.memory_space<hbm>>
    tpu.wait_dma2 semaphore(%arg12 : memref<!tpu.dma_semaphore, #tpu.memory_space<semaphore_mem>>) src(%arg6 : memref<112x384xf32, #tpu.memory_space<vmem>>) dst(%dma_wait3A_3556 : memref<112x384xf32, #tpu.memory_space<hbm>>)
    %dma_start3A_3557 = arith.constant 8 : i32
    %dma_start3A_3558 = arith.constant 0 : i32
    %dma_start3A_3559 = tpu.memref_slice %arg8[%dma_start3A_3557, %dma_start3A_3558] : memref<14x112xi32, #tpu.memory_space<vmem>> -> memref<1x112xi32, #tpu.memory_space<vmem>>
    %dma_start3A_3560 = tpu.memref_squeeze %dma_start3A_3559 : memref<1x112xi32, #tpu.memory_space<vmem>> -> memref<112xi32, #tpu.memory_space<vmem>>
    %dma_start3A_3561 = arith.constant 0 : i32
    %dma_start3A_3562 = arith.constant 0 : i32
    %dma_start3A_3563 = tpu.memref_slice %arg2[%dma_start3A_3561, %dma_start3A_3562] : memref<200704x384xf32, #tpu.memory_space<hbm>> -> memref<200704x384xf32, #tpu.memory_space<hbm>>
    tpu.enqueue_indirect_dma source(%dma_start3A_3563 : memref<200704x384xf32, #tpu.memory_space<hbm>>) target(%arg6 : memref<112x384xf32, #tpu.memory_space<vmem>>) offsets(%dma_start3A_3560 : memref<112xi32, #tpu.memory_space<vmem>>) semaphore(%arg10 : memref<!tpu.dma_semaphore, #tpu.memory_space<semaphore_mem>>)
    %dma_wait3A_3564 = arith.constant 8 : i32
    %dma_wait3A_3565 = arith.constant 0 : i32
    %dma_wait3A_3566 = tpu.memref_slice %arg8[%dma_wait3A_3564, %dma_wait3A_3565] : memref<14x112xi32, #tpu.memory_space<vmem>> -> memref<1x112xi32, #tpu.memory_space<vmem>>
    %dma_wait3A_3567 = tpu.memref_squeeze %dma_wait3A_3566 : memref<1x112xi32, #tpu.memory_space<vmem>> -> memref<112xi32, #tpu.memory_space<vmem>>
    %dma_wait3A_3568 = arith.constant 0 : i32
    %dma_wait3A_3569 = arith.constant 0 : i32
    %dma_wait3A_3570 = tpu.memref_slice %arg2[%dma_wait3A_3568, %dma_wait3A_3569] : memref<200704x384xf32, #tpu.memory_space<hbm>> -> memref<200704x384xf32, #tpu.memory_space<hbm>>
    tpu.wait_indirect_dma semaphore(%arg10 : memref<!tpu.dma_semaphore, #tpu.memory_space<semaphore_mem>>) src(%dma_wait3A_3570 : memref<200704x384xf32, #tpu.memory_space<hbm>>) dst(%arg6 : memref<112x384xf32, #tpu.memory_space<vmem>>)
    %add3A_3571 = arith.constant 896 : i32
    %add3A_3572 = arith.addi %add3A_37, %add3A_3571 : i32
    %dma_start3A_3573 = arith.constant 0 : i32
    %dma_start3A_3574 = tpu.memref_slice %arg5[%add3A_3572, %dma_start3A_3573] : memref<50176x384xf32, #tpu.memory_space<hbm>> -> memref<112x384xf32, #tpu.memory_space<hbm>>
    %dma_start3A_3575 = arith.constant 0 : i32
    %dma_start3A_3576 = tpu.memref_slice %arg5[%add3A_3572, %dma_start3A_3575] : memref<50176x384xf32, #tpu.memory_space<hbm>> -> memref<112x384xf32, #tpu.memory_space<hbm>>
    tpu.enqueue_dma source(%arg6 : memref<112x384xf32, #tpu.memory_space<vmem>>) target(%dma_start3A_3576 : memref<112x384xf32, #tpu.memory_space<hbm>>) target_semaphore(%arg12 : memref<!tpu.dma_semaphore, #tpu.memory_space<semaphore_mem>>)
    %add3A_3577 = arith.constant 784 : i32
    %add3A_3578 = arith.addi %add3A_37, %add3A_3577 : i32
    %dma_wait3A_3579 = arith.constant 0 : i32
    %dma_wait3A_3580 = tpu.memref_slice %arg5[%add3A_3578, %dma_wait3A_3579] : memref<50176x384xf32, #tpu.memory_space<hbm>> -> memref<112x384xf32, #tpu.memory_space<hbm>>
    %dma_wait3A_3581 = arith.constant 0 : i32
    %dma_wait3A_3582 = tpu.memref_slice %arg5[%add3A_3578, %dma_wait3A_3581] : memref<50176x384xf32, #tpu.memory_space<hbm>> -> memref<112x384xf32, #tpu.memory_space<hbm>>
    tpu.wait_dma2 semaphore(%arg13 : memref<!tpu.dma_semaphore, #tpu.memory_space<semaphore_mem>>) src(%arg7 : memref<112x384xf32, #tpu.memory_space<vmem>>) dst(%dma_wait3A_3582 : memref<112x384xf32, #tpu.memory_space<hbm>>)
    %dma_start3A_3583 = arith.constant 9 : i32
    %dma_start3A_3584 = arith.constant 0 : i32
    %dma_start3A_3585 = tpu.memref_slice %arg8[%dma_start3A_3583, %dma_start3A_3584] : memref<14x112xi32, #tpu.memory_space<vmem>> -> memref<1x112xi32, #tpu.memory_space<vmem>>
    %dma_start3A_3586 = tpu.memref_squeeze %dma_start3A_3585 : memref<1x112xi32, #tpu.memory_space<vmem>> -> memref<112xi32, #tpu.memory_space<vmem>>
    %dma_start3A_3587 = arith.constant 0 : i32
    %dma_start3A_3588 = arith.constant 0 : i32
    %dma_start3A_3589 = tpu.memref_slice %arg2[%dma_start3A_3587, %dma_start3A_3588] : memref<200704x384xf32, #tpu.memory_space<hbm>> -> memref<200704x384xf32, #tpu.memory_space<hbm>>
    tpu.enqueue_indirect_dma source(%dma_start3A_3589 : memref<200704x384xf32, #tpu.memory_space<hbm>>) target(%arg7 : memref<112x384xf32, #tpu.memory_space<vmem>>) offsets(%dma_start3A_3586 : memref<112xi32, #tpu.memory_space<vmem>>) semaphore(%arg11 : memref<!tpu.dma_semaphore, #tpu.memory_space<semaphore_mem>>)
    %dma_wait3A_3590 = arith.constant 9 : i32
    %dma_wait3A_3591 = arith.constant 0 : i32
    %dma_wait3A_3592 = tpu.memref_slice %arg8[%dma_wait3A_3590, %dma_wait3A_3591] : memref<14x112xi32, #tpu.memory_space<vmem>> -> memref<1x112xi32, #tpu.memory_space<vmem>>
    %dma_wait3A_3593 = tpu.memref_squeeze %dma_wait3A_3592 : memref<1x112xi32, #tpu.memory_space<vmem>> -> memref<112xi32, #tpu.memory_space<vmem>>
    %dma_wait3A_3594 = arith.constant 0 : i32
    %dma_wait3A_3595 = arith.constant 0 : i32
    %dma_wait3A_3596 = tpu.memref_slice %arg2[%dma_wait3A_3594, %dma_wait3A_3595] : memref<200704x384xf32, #tpu.memory_space<hbm>> -> memref<200704x384xf32, #tpu.memory_space<hbm>>
    tpu.wait_indirect_dma semaphore(%arg11 : memref<!tpu.dma_semaphore, #tpu.memory_space<semaphore_mem>>) src(%dma_wait3A_3596 : memref<200704x384xf32, #tpu.memory_space<hbm>>) dst(%arg7 : memref<112x384xf32, #tpu.memory_space<vmem>>)
    %add3A_3597 = arith.constant 1008 : i32
    %add3A_3598 = arith.addi %add3A_37, %add3A_3597 : i32
    %dma_start3A_3599 = arith.constant 0 : i32
    %dma_start3A_3600 = tpu.memref_slice %arg5[%add3A_3598, %dma_start3A_3599] : memref<50176x384xf32, #tpu.memory_space<hbm>> -> memref<112x384xf32, #tpu.memory_space<hbm>>
    %dma_start3A_3601 = arith.constant 0 : i32
    %dma_start3A_3602 = tpu.memref_slice %arg5[%add3A_3598, %dma_start3A_3601] : memref<50176x384xf32, #tpu.memory_space<hbm>> -> memref<112x384xf32, #tpu.memory_space<hbm>>
    tpu.enqueue_dma source(%arg7 : memref<112x384xf32, #tpu.memory_space<vmem>>) target(%dma_start3A_3602 : memref<112x384xf32, #tpu.memory_space<hbm>>) target_semaphore(%arg13 : memref<!tpu.dma_semaphore, #tpu.memory_space<semaphore_mem>>)
    %add3A_3603 = arith.constant 896 : i32
    %add3A_3604 = arith.addi %add3A_37, %add3A_3603 : i32
    %dma_wait3A_3605 = arith.constant 0 : i32
    %dma_wait3A_3606 = tpu.memref_slice %arg5[%add3A_3604, %dma_wait3A_3605] : memref<50176x384xf32, #tpu.memory_space<hbm>> -> memref<112x384xf32, #tpu.memory_space<hbm>>
    %dma_wait3A_3607 = arith.constant 0 : i32
    %dma_wait3A_3608 = tpu.memref_slice %arg5[%add3A_3604, %dma_wait3A_3607] : memref<50176x384xf32, #tpu.memory_space<hbm>> -> memref<112x384xf32, #tpu.memory_space<hbm>>
    tpu.wait_dma2 semaphore(%arg12 : memref<!tpu.dma_semaphore, #tpu.memory_space<semaphore_mem>>) src(%arg6 : memref<112x384xf32, #tpu.memory_space<vmem>>) dst(%dma_wait3A_3608 : memref<112x384xf32, #tpu.memory_space<hbm>>)
    %dma_start3A_3609 = arith.constant 10 : i32
    %dma_start3A_3610 = arith.constant 0 : i32
    %dma_start3A_3611 = tpu.memref_slice %arg8[%dma_start3A_3609, %dma_start3A_3610] : memref<14x112xi32, #tpu.memory_space<vmem>> -> memref<1x112xi32, #tpu.memory_space<vmem>>
    %dma_start3A_3612 = tpu.memref_squeeze %dma_start3A_3611 : memref<1x112xi32, #tpu.memory_space<vmem>> -> memref<112xi32, #tpu.memory_space<vmem>>
    %dma_start3A_3613 = arith.constant 0 : i32
    %dma_start3A_3614 = arith.constant 0 : i32
    %dma_start3A_3615 = tpu.memref_slice %arg2[%dma_start3A_3613, %dma_start3A_3614] : memref<200704x384xf32, #tpu.memory_space<hbm>> -> memref<200704x384xf32, #tpu.memory_space<hbm>>
    tpu.enqueue_indirect_dma source(%dma_start3A_3615 : memref<200704x384xf32, #tpu.memory_space<hbm>>) target(%arg6 : memref<112x384xf32, #tpu.memory_space<vmem>>) offsets(%dma_start3A_3612 : memref<112xi32, #tpu.memory_space<vmem>>) semaphore(%arg10 : memref<!tpu.dma_semaphore, #tpu.memory_space<semaphore_mem>>)
    %dma_wait3A_3616 = arith.constant 10 : i32
    %dma_wait3A_3617 = arith.constant 0 : i32
    %dma_wait3A_3618 = tpu.memref_slice %arg8[%dma_wait3A_3616, %dma_wait3A_3617] : memref<14x112xi32, #tpu.memory_space<vmem>> -> memref<1x112xi32, #tpu.memory_space<vmem>>
    %dma_wait3A_3619 = tpu.memref_squeeze %dma_wait3A_3618 : memref<1x112xi32, #tpu.memory_space<vmem>> -> memref<112xi32, #tpu.memory_space<vmem>>
    %dma_wait3A_3620 = arith.constant 0 : i32
    %dma_wait3A_3621 = arith.constant 0 : i32
    %dma_wait3A_3622 = tpu.memref_slice %arg2[%dma_wait3A_3620, %dma_wait3A_3621] : memref<200704x384xf32, #tpu.memory_space<hbm>> -> memref<200704x384xf32, #tpu.memory_space<hbm>>
    tpu.wait_indirect_dma semaphore(%arg10 : memref<!tpu.dma_semaphore, #tpu.memory_space<semaphore_mem>>) src(%dma_wait3A_3622 : memref<200704x384xf32, #tpu.memory_space<hbm>>) dst(%arg6 : memref<112x384xf32, #tpu.memory_space<vmem>>)
    %add3A_3623 = arith.constant 1120 : i32
    %add3A_3624 = arith.addi %add3A_37, %add3A_3623 : i32
    %dma_start3A_3625 = arith.constant 0 : i32
    %dma_start3A_3626 = tpu.memref_slice %arg5[%add3A_3624, %dma_start3A_3625] : memref<50176x384xf32, #tpu.memory_space<hbm>> -> memref<112x384xf32, #tpu.memory_space<hbm>>
    %dma_start3A_3627 = arith.constant 0 : i32
    %dma_start3A_3628 = tpu.memref_slice %arg5[%add3A_3624, %dma_start3A_3627] : memref<50176x384xf32, #tpu.memory_space<hbm>> -> memref<112x384xf32, #tpu.memory_space<hbm>>
    tpu.enqueue_dma source(%arg6 : memref<112x384xf32, #tpu.memory_space<vmem>>) target(%dma_start3A_3628 : memref<112x384xf32, #tpu.memory_space<hbm>>) target_semaphore(%arg12 : memref<!tpu.dma_semaphore, #tpu.memory_space<semaphore_mem>>)
    %add3A_3629 = arith.constant 1008 : i32
    %add3A_3630 = arith.addi %add3A_37, %add3A_3629 : i32
    %dma_wait3A_3631 = arith.constant 0 : i32
    %dma_wait3A_3632 = tpu.memref_slice %arg5[%add3A_3630, %dma_wait3A_3631] : memref<50176x384xf32, #tpu.memory_space<hbm>> -> memref<112x384xf32, #tpu.memory_space<hbm>>
    %dma_wait3A_3633 = arith.constant 0 : i32
    %dma_wait3A_3634 = tpu.memref_slice %arg5[%add3A_3630, %dma_wait3A_3633] : memref<50176x384xf32, #tpu.memory_space<hbm>> -> memref<112x384xf32, #tpu.memory_space<hbm>>
    tpu.wait_dma2 semaphore(%arg13 : memref<!tpu.dma_semaphore, #tpu.memory_space<semaphore_mem>>) src(%arg7 : memref<112x384xf32, #tpu.memory_space<vmem>>) dst(%dma_wait3A_3634 : memref<112x384xf32, #tpu.memory_space<hbm>>)
    %dma_start3A_3635 = arith.constant 11 : i32
    %dma_start3A_3636 = arith.constant 0 : i32
    %dma_start3A_3637 = tpu.memref_slice %arg8[%dma_start3A_3635, %dma_start3A_3636] : memref<14x112xi32, #tpu.memory_space<vmem>> -> memref<1x112xi32, #tpu.memory_space<vmem>>
    %dma_start3A_3638 = tpu.memref_squeeze %dma_start3A_3637 : memref<1x112xi32, #tpu.memory_space<vmem>> -> memref<112xi32, #tpu.memory_space<vmem>>
    %dma_start3A_3639 = arith.constant 0 : i32
    %dma_start3A_3640 = arith.constant 0 : i32
    %dma_start3A_3641 = tpu.memref_slice %arg2[%dma_start3A_3639, %dma_start3A_3640] : memref<200704x384xf32, #tpu.memory_space<hbm>> -> memref<200704x384xf32, #tpu.memory_space<hbm>>
    tpu.enqueue_indirect_dma source(%dma_start3A_3641 : memref<200704x384xf32, #tpu.memory_space<hbm>>) target(%arg7 : memref<112x384xf32, #tpu.memory_space<vmem>>) offsets(%dma_start3A_3638 : memref<112xi32, #tpu.memory_space<vmem>>) semaphore(%arg11 : memref<!tpu.dma_semaphore, #tpu.memory_space<semaphore_mem>>)
    %dma_wait3A_3642 = arith.constant 11 : i32
    %dma_wait3A_3643 = arith.constant 0 : i32
    %dma_wait3A_3644 = tpu.memref_slice %arg8[%dma_wait3A_3642, %dma_wait3A_3643] : memref<14x112xi32, #tpu.memory_space<vmem>> -> memref<1x112xi32, #tpu.memory_space<vmem>>
    %dma_wait3A_3645 = tpu.memref_squeeze %dma_wait3A_3644 : memref<1x112xi32, #tpu.memory_space<vmem>> -> memref<112xi32, #tpu.memory_space<vmem>>
    %dma_wait3A_3646 = arith.constant 0 : i32
    %dma_wait3A_3647 = arith.constant 0 : i32
    %dma_wait3A_3648 = tpu.memref_slice %arg2[%dma_wait3A_3646, %dma_wait3A_3647] : memref<200704x384xf32, #tpu.memory_space<hbm>> -> memref<200704x384xf32, #tpu.memory_space<hbm>>
    tpu.wait_indirect_dma semaphore(%arg11 : memref<!tpu.dma_semaphore, #tpu.memory_space<semaphore_mem>>) src(%dma_wait3A_3648 : memref<200704x384xf32, #tpu.memory_space<hbm>>) dst(%arg7 : memref<112x384xf32, #tpu.memory_space<vmem>>)
    %add3A_3649 = arith.constant 1232 : i32
    %add3A_3650 = arith.addi %add3A_37, %add3A_3649 : i32
    %dma_start3A_3651 = arith.constant 0 : i32
    %dma_start3A_3652 = tpu.memref_slice %arg5[%add3A_3650, %dma_start3A_3651] : memref<50176x384xf32, #tpu.memory_space<hbm>> -> memref<112x384xf32, #tpu.memory_space<hbm>>
    %dma_start3A_3653 = arith.constant 0 : i32
    %dma_start3A_3654 = tpu.memref_slice %arg5[%add3A_3650, %dma_start3A_3653] : memref<50176x384xf32, #tpu.memory_space<hbm>> -> memref<112x384xf32, #tpu.memory_space<hbm>>
    tpu.enqueue_dma source(%arg7 : memref<112x384xf32, #tpu.memory_space<vmem>>) target(%dma_start3A_3654 : memref<112x384xf32, #tpu.memory_space<hbm>>) target_semaphore(%arg13 : memref<!tpu.dma_semaphore, #tpu.memory_space<semaphore_mem>>)
    %add3A_3655 = arith.constant 1120 : i32
    %add3A_3656 = arith.addi %add3A_37, %add3A_3655 : i32
    %dma_wait3A_3657 = arith.constant 0 : i32
    %dma_wait3A_3658 = tpu.memref_slice %arg5[%add3A_3656, %dma_wait3A_3657] : memref<50176x384xf32, #tpu.memory_space<hbm>> -> memref<112x384xf32, #tpu.memory_space<hbm>>
    %dma_wait3A_3659 = arith.constant 0 : i32
    %dma_wait3A_3660 = tpu.memref_slice %arg5[%add3A_3656, %dma_wait3A_3659] : memref<50176x384xf32, #tpu.memory_space<hbm>> -> memref<112x384xf32, #tpu.memory_space<hbm>>
    tpu.wait_dma2 semaphore(%arg12 : memref<!tpu.dma_semaphore, #tpu.memory_space<semaphore_mem>>) src(%arg6 : memref<112x384xf32, #tpu.memory_space<vmem>>) dst(%dma_wait3A_3660 : memref<112x384xf32, #tpu.memory_space<hbm>>)
    %dma_start3A_3661 = arith.constant 12 : i32
    %dma_start3A_3662 = arith.constant 0 : i32
    %dma_start3A_3663 = tpu.memref_slice %arg8[%dma_start3A_3661, %dma_start3A_3662] : memref<14x112xi32, #tpu.memory_space<vmem>> -> memref<1x112xi32, #tpu.memory_space<vmem>>
    %dma_start3A_3664 = tpu.memref_squeeze %dma_start3A_3663 : memref<1x112xi32, #tpu.memory_space<vmem>> -> memref<112xi32, #tpu.memory_space<vmem>>
    %dma_start3A_3665 = arith.constant 0 : i32
    %dma_start3A_3666 = arith.constant 0 : i32
    %dma_start3A_3667 = tpu.memref_slice %arg2[%dma_start3A_3665, %dma_start3A_3666] : memref<200704x384xf32, #tpu.memory_space<hbm>> -> memref<200704x384xf32, #tpu.memory_space<hbm>>
    tpu.enqueue_indirect_dma source(%dma_start3A_3667 : memref<200704x384xf32, #tpu.memory_space<hbm>>) target(%arg6 : memref<112x384xf32, #tpu.memory_space<vmem>>) offsets(%dma_start3A_3664 : memref<112xi32, #tpu.memory_space<vmem>>) semaphore(%arg10 : memref<!tpu.dma_semaphore, #tpu.memory_space<semaphore_mem>>)
    %dma_wait3A_3668 = arith.constant 12 : i32
    %dma_wait3A_3669 = arith.constant 0 : i32
    %dma_wait3A_3670 = tpu.memref_slice %arg8[%dma_wait3A_3668, %dma_wait3A_3669] : memref<14x112xi32, #tpu.memory_space<vmem>> -> memref<1x112xi32, #tpu.memory_space<vmem>>
    %dma_wait3A_3671 = tpu.memref_squeeze %dma_wait3A_3670 : memref<1x112xi32, #tpu.memory_space<vmem>> -> memref<112xi32, #tpu.memory_space<vmem>>
    %dma_wait3A_3672 = arith.constant 0 : i32
    %dma_wait3A_3673 = arith.constant 0 : i32
    %dma_wait3A_3674 = tpu.memref_slice %arg2[%dma_wait3A_3672, %dma_wait3A_3673] : memref<200704x384xf32, #tpu.memory_space<hbm>> -> memref<200704x384xf32, #tpu.memory_space<hbm>>
    tpu.wait_indirect_dma semaphore(%arg10 : memref<!tpu.dma_semaphore, #tpu.memory_space<semaphore_mem>>) src(%dma_wait3A_3674 : memref<200704x384xf32, #tpu.memory_space<hbm>>) dst(%arg6 : memref<112x384xf32, #tpu.memory_space<vmem>>)
    %add3A_3675 = arith.constant 1344 : i32
    %add3A_3676 = arith.addi %add3A_37, %add3A_3675 : i32
    %dma_start3A_3677 = arith.constant 0 : i32
    %dma_start3A_3678 = tpu.memref_slice %arg5[%add3A_3676, %dma_start3A_3677] : memref<50176x384xf32, #tpu.memory_space<hbm>> -> memref<112x384xf32, #tpu.memory_space<hbm>>
    %dma_start3A_3679 = arith.constant 0 : i32
    %dma_start3A_3680 = tpu.memref_slice %arg5[%add3A_3676, %dma_start3A_3679] : memref<50176x384xf32, #tpu.memory_space<hbm>> -> memref<112x384xf32, #tpu.memory_space<hbm>>
    tpu.enqueue_dma source(%arg6 : memref<112x384xf32, #tpu.memory_space<vmem>>) target(%dma_start3A_3680 : memref<112x384xf32, #tpu.memory_space<hbm>>) target_semaphore(%arg12 : memref<!tpu.dma_semaphore, #tpu.memory_space<semaphore_mem>>)
    %add3A_3681 = arith.constant 1232 : i32
    %add3A_3682 = arith.addi %add3A_37, %add3A_3681 : i32
    %dma_wait3A_3683 = arith.constant 0 : i32
    %dma_wait3A_3684 = tpu.memref_slice %arg5[%add3A_3682, %dma_wait3A_3683] : memref<50176x384xf32, #tpu.memory_space<hbm>> -> memref<112x384xf32, #tpu.memory_space<hbm>>
    %dma_wait3A_3685 = arith.constant 0 : i32
    %dma_wait3A_3686 = tpu.memref_slice %arg5[%add3A_3682, %dma_wait3A_3685] : memref<50176x384xf32, #tpu.memory_space<hbm>> -> memref<112x384xf32, #tpu.memory_space<hbm>>
    tpu.wait_dma2 semaphore(%arg13 : memref<!tpu.dma_semaphore, #tpu.memory_space<semaphore_mem>>) src(%arg7 : memref<112x384xf32, #tpu.memory_space<vmem>>) dst(%dma_wait3A_3686 : memref<112x384xf32, #tpu.memory_space<hbm>>)
    %dma_start3A_3687 = arith.constant 13 : i32
    %dma_start3A_3688 = arith.constant 0 : i32
    %dma_start3A_3689 = tpu.memref_slice %arg8[%dma_start3A_3687, %dma_start3A_3688] : memref<14x112xi32, #tpu.memory_space<vmem>> -> memref<1x112xi32, #tpu.memory_space<vmem>>
    %dma_start3A_3690 = tpu.memref_squeeze %dma_start3A_3689 : memref<1x112xi32, #tpu.memory_space<vmem>> -> memref<112xi32, #tpu.memory_space<vmem>>
    %dma_start3A_3691 = arith.constant 0 : i32
    %dma_start3A_3692 = arith.constant 0 : i32
    %dma_start3A_3693 = tpu.memref_slice %arg2[%dma_start3A_3691, %dma_start3A_3692] : memref<200704x384xf32, #tpu.memory_space<hbm>> -> memref<200704x384xf32, #tpu.memory_space<hbm>>
    tpu.enqueue_indirect_dma source(%dma_start3A_3693 : memref<200704x384xf32, #tpu.memory_space<hbm>>) target(%arg7 : memref<112x384xf32, #tpu.memory_space<vmem>>) offsets(%dma_start3A_3690 : memref<112xi32, #tpu.memory_space<vmem>>) semaphore(%arg11 : memref<!tpu.dma_semaphore, #tpu.memory_space<semaphore_mem>>)
    %dma_wait3A_3694 = arith.constant 13 : i32
    %dma_wait3A_3695 = arith.constant 0 : i32
    %dma_wait3A_3696 = tpu.memref_slice %arg8[%dma_wait3A_3694, %dma_wait3A_3695] : memref<14x112xi32, #tpu.memory_space<vmem>> -> memref<1x112xi32, #tpu.memory_space<vmem>>
    %dma_wait3A_3697 = tpu.memref_squeeze %dma_wait3A_3696 : memref<1x112xi32, #tpu.memory_space<vmem>> -> memref<112xi32, #tpu.memory_space<vmem>>
    %dma_wait3A_3698 = arith.constant 0 : i32
    %dma_wait3A_3699 = arith.constant 0 : i32
    %dma_wait3A_3700 = tpu.memref_slice %arg2[%dma_wait3A_3698, %dma_wait3A_3699] : memref<200704x384xf32, #tpu.memory_space<hbm>> -> memref<200704x384xf32, #tpu.memory_space<hbm>>
    tpu.wait_indirect_dma semaphore(%arg11 : memref<!tpu.dma_semaphore, #tpu.memory_space<semaphore_mem>>) src(%dma_wait3A_3700 : memref<200704x384xf32, #tpu.memory_space<hbm>>) dst(%arg7 : memref<112x384xf32, #tpu.memory_space<vmem>>)
    %add3A_3701 = arith.constant 1456 : i32
    %add3A_3702 = arith.addi %add3A_37, %add3A_3701 : i32
    %dma_start3A_3703 = arith.constant 0 : i32
    %dma_start3A_3704 = tpu.memref_slice %arg5[%add3A_3702, %dma_start3A_3703] : memref<50176x384xf32, #tpu.memory_space<hbm>> -> memref<112x384xf32, #tpu.memory_space<hbm>>
    %dma_start3A_3705 = arith.constant 0 : i32
    %dma_start3A_3706 = tpu.memref_slice %arg5[%add3A_3702, %dma_start3A_3705] : memref<50176x384xf32, #tpu.memory_space<hbm>> -> memref<112x384xf32, #tpu.memory_space<hbm>>
    tpu.enqueue_dma source(%arg7 : memref<112x384xf32, #tpu.memory_space<vmem>>) target(%dma_start3A_3706 : memref<112x384xf32, #tpu.memory_space<hbm>>) target_semaphore(%arg13 : memref<!tpu.dma_semaphore, #tpu.memory_space<semaphore_mem>>)
    %add3A_3707 = arith.constant 1456 : i32
    %add3A_3708 = arith.addi %add3A_37, %add3A_3707 : i32
    %dma_wait3A_3709 = arith.constant 0 : i32
    %dma_wait3A_3710 = tpu.memref_slice %arg5[%add3A_3708, %dma_wait3A_3709] : memref<50176x384xf32, #tpu.memory_space<hbm>> -> memref<112x384xf32, #tpu.memory_space<hbm>>
    %dma_wait3A_3711 = arith.constant 0 : i32
    %dma_wait3A_3712 = tpu.memref_slice %arg5[%add3A_3708, %dma_wait3A_3711] : memref<50176x384xf32, #tpu.memory_space<hbm>> -> memref<112x384xf32, #tpu.memory_space<hbm>>
    tpu.wait_dma2 semaphore(%arg13 : memref<!tpu.dma_semaphore, #tpu.memory_space<semaphore_mem>>) src(%arg7 : memref<112x384xf32, #tpu.memory_space<vmem>>) dst(%dma_wait3A_3712 : memref<112x384xf32, #tpu.memory_space<hbm>>)
    return
  }
}

</mosaic_0001>

<sc_bundles>
// kernel: kernel.3.cloned.1.call-start
scs
__scs_entry_jumppad:
0x0: {  	(pc) =	sbr.rel $0x88, $3  }
0x1: {  	(tag) =	ssettag $0x0;
	lr =	simm.s32 $0x1  }
0x2: {  	[smem:$0x3F9E] =	sst lr;
	_ =	strace $0xD0000000  }
0x3: {  	_ = 	snop  }
0x4: {  	_ = 	snop  }
0x5: {  	_ = 	snop  }
0x6: {  	_ = 	snop  }
0x7: {  	_ = 	snop  }
__scs_overlays_trampoline_lowered:
0x8: {  	[smem:$0x3FAD] =	sst s0  }
0x9: {  	[smem:$0x3FAE] =	sst s1  }
0xa: {  	[smem:$0x3FAF] =	sst s2  }
0xb: {  	[smem:$0x3FB0] =	sst s3  }
0xc: {  	[smem:$0x3FB1] =	sst s4  }
0xd: {  	[smem:$0x3FB2] =	sst s5  }
0xe: {  	[smem:$0x3FB3] =	sst s6  }
0xf: {  	[smem:$0x3FB4] =	sst s7  }
0x10: {  	[smem:$0x3FB5] =	sst s8  }
0x11: {  	[smem:$0x3FB6] =	sst s9;
	s0 =	simm.s32 @!p0 $0x0  }
0x12: {  	s1 =	sld [smem:$0x3F9C];
	s0 =	simm.s32 @p0 $0x1  }
0x13: {  	[smem:$0x3FB7] =	sst s0;
	s0 =	simm.s32 @!p1 $0x0  }
0x14: {  	s2 =	sld [smem:$0x3F9B];
	s0 =	simm.s32 @p1 $0x1  }
0x15: {  	[smem:$0x3FB8] =	sst s0;
	s0 =	simm.s32 @!p2 $0x0  }
0x16: {  	s3 =	sld [smem:$0x3FDB];
	s0 =	simm.s32 @p2 $0x1  }
0x17: {  	s4 =	simm.s32 $0x1BF5;
	[smem:$0x3FBA] =	sst s0  }
0x18: {  	s0 =	sld [smem:$0x3F9D];
	_ =	swait.ge [sflag:s4], $0x0  }
0x19: {  	s7 =	sld [smem:$0x3F9E]  }
0x1a: {  	s8 =	sadd.s32 $0xFFFFE003, lr  }
0x1b: {  	s9 =	sadd.s32 $0xFFFFFEF7, lr;
	s5 =	simm.s32 $0xFFFFFFFF;
	p2 =	slt.u32 s8, $0xFFFFF086  }
0x1c: {  	p1 =	slt.u32 s9, $0xF7A;
	s5 =	simm.s32 @!p2 $0x0  }
0x1d: {  	s5 =	simm.s32 @p1 $0x1;
	p0 =	seq.s32 s7, s2  }
0x1e: {  	s7 =	smul.u32 @!p0 $0xF7A, s2;
	p2 =	seq.s32 @!p0 s5, $0x0  }
0x1f: {  	s9 =	smul.u32 $0xF7A, s1;
	s8 =	simm.s32 @!p0 $0x1BF5;
	p2 =	por !p2, p0  }
0x20: {  	[sflag:s8] =	ssyncset.s32 @!p0 $0xFFFFF086;
	s6 =	sadd.s32 @!p0 s3, s7;
	s7 =	simm.s32 @!p0 $0x108  }
0x21: {  	s3 =	sadd.s32 s3, s9;
	s6 =	sadd.s32 @!p0 $0x88, s6;
	s7 =	simm.s32 @p2 $0x1082  }
0x22: {  	[simem:s7], [sflag:s8] =	dma.local @!p0 [hbm:s6], $0xF7A  }
0x23: {  	s9 =	sor.u32 $0xD0000000, s2;
	s6 =	simm.s32 $0x108;
	_ =	swait.ge @!p0 [sflag:s8], $0x0  }
0x24: {  	s3 =	sadd.s32 $0x88, s3;
	s6 =	simm.s32 @!p1 $0x1082;
	[sflag:s4] =	ssyncset.s32 $0xFFFFF086  }
0x25: {  	[simem:s6], [sflag:s4] =	dma.local [hbm:s3], $0xF7A  }
0x26: {  	[smem:$0x3F9E] =	sst s1;
	(tag) =	ssettag s2;
	_ =	strace s9  }
0x27: {  	s1 =	sld [smem:$0x3FAE]  }
0x28: {  	s2 =	sld [smem:$0x3FAF]  }
0x29: {  	s4 =	sld [smem:$0x3FB1]  }
0x2a: {  	p0 =	seq.s32 s5, $0x0;
	s5 =	sld [smem:$0x3FB2]  }
0x2b: {  	s6 =	sld [smem:$0x3FB3]  }
0x2c: {  	s7 =	sld [smem:$0x3FB4]  }
0x2d: {  	s3 =	simm.s32 $0x108;
	s8 =	sld [smem:$0x3FB5]  }
0x2e: {  	s3 =	simm.s32 @!p0 $0x1082;
	s9 =	sld [smem:$0x3FB6]  }
0x2f: {  	lr =	sadd.s32 s0, s3;
	s0 =	sld [smem:$0x3FAD]  }
0x30: {  	s3 =	sld [smem:$0x3FB0]  }
0x31: {  	[smem:$0x3FB9] =	sst s10  }
0x32: {  	s10 =	sld [smem:$0x3FB7];
	_ =	sdelay $0x3  }
0x33: {  	p0 =	seq.s32 s10, $0x1;
	s10 =	sld [smem:$0x3FB9];
	_ =	sdelay $0x3  }
0x34: {  	[smem:$0x3FB9] =	sst s10  }
0x35: {  	s10 =	sld [smem:$0x3FB8];
	_ =	sdelay $0x3  }
0x36: {  	p1 =	seq.s32 s10, $0x1;
	s10 =	sld [smem:$0x3FB9];
	_ =	sdelay $0x3  }
0x37: {  	[smem:$0x3FB9] =	sst s10  }
0x38: {  	s10 =	sld [smem:$0x3FBA]  }
0x39: {  	_ = 	snop;
	(pc) =	sbr.ind lr, $3  }
0x3a: {  	_ = 	snop  }
0x3b: {  	_ = 	snop  }
0x3c: {  	p2 =	seq.s32 s10, $0x1;
	s10 =	sld [smem:$0x3FB9]  }
0x3d: {  	_ =	shalt  }
0x3e: {  	_ =	shalt  }
0x3f: {  	_ =	shalt  }
0x40: {  	_ =	shalt  }
0x41: {  	_ =	shalt  }
0x42: {  	_ =	shalt  }
0x43: {  	_ =	shalt  }
0x44: {  	_ =	shalt  }
0x45: {  	_ =	shalt  }
0x46: {  	_ =	shalt  }
0x47: {  	_ =	shalt  }
0x48: {  	_ =	shalt  }
0x49: {  	_ =	shalt  }
0x4a: {  	_ =	shalt  }
0x4b: {  	_ =	shalt  }
0x4c: {  	_ =	shalt  }
0x4d: {  	_ =	shalt  }
0x4e: {  	_ =	shalt  }
0x4f: {  	_ =	shalt  }
0x50: {  	_ =	shalt  }
0x51: {  	_ =	shalt  }
0x52: {  	_ =	shalt  }
0x53: {  	_ =	shalt  }
0x54: {  	_ =	shalt  }
0x55: {  	_ =	shalt  }
0x56: {  	_ =	shalt  }
0x57: {  	_ =	shalt  }
0x58: {  	_ =	shalt  }
0x59: {  	_ =	shalt  }
0x5a: {  	_ =	shalt  }
0x5b: {  	_ =	shalt  }
0x5c: {  	_ =	shalt  }
0x5d: {  	_ =	shalt  }
0x5e: {  	_ =	shalt  }
0x5f: {  	_ =	shalt  }
0x60: {  	_ =	shalt  }
0x61: {  	_ =	shalt  }
0x62: {  	_ =	shalt  }
0x63: {  	_ =	shalt  }
0x64: {  	_ =	shalt  }
0x65: {  	_ =	shalt  }
0x66: {  	_ =	shalt  }
0x67: {  	_ =	shalt  }
0x68: {  	_ =	shalt  }
0x69: {  	_ =	shalt  }
0x6a: {  	_ =	shalt  }
0x6b: {  	_ =	shalt  }
0x6c: {  	_ =	shalt  }
0x6d: {  	_ =	shalt  }
0x6e: {  	_ =	shalt  }
0x6f: {  	_ =	shalt  }
0x70: {  	_ =	shalt  }
0x71: {  	_ =	shalt  }
0x72: {  	_ =	shalt  }
0x73: {  	_ =	shalt  }
0x74: {  	_ =	shalt  }
0x75: {  	_ =	shalt  }
0x76: {  	_ =	shalt  }
0x77: {  	_ =	shalt  }
0x78: {  	_ =	shalt  }
0x79: {  	_ =	shalt  }
0x7a: {  	_ =	shalt  }
0x7b: {  	_ =	shalt  }
0x7c: {  	_ =	shalt  }
0x7d: {  	_ =	shalt  }
0x7e: {  	_ =	shalt  }
0x7f: {  	_ =	shalt  }
0x80: {  	_ =	shalt  }
0x81: {  	_ =	shalt  }
0x82: {  	_ =	shalt  }
0x83: {  	_ =	shalt  }
0x84: {  	_ =	shalt  }
0x85: {  	_ =	shalt  }
0x86: {  	_ =	shalt  }
0x87: {  	_ =	shalt  }
.Lfunc_end0:
.L_simem_size_0:
called_computation_lowered:
.L_overlay_start_0:
0x88: {  	s2 =	sld [smem:$0x3FD9]  }
0x89: {  	s3 =	sld [smem:$0x3FFE];
	_ =	sdelay $0x1  }
0x8a: {  	s1 =	srdreg.scid  }
0x8b: {  	s0 =	sand.u32 $0x1, s1  }
0x8c: {  	s18 =	sshll.u32 s0, $0xA;
	s2 =	sadd.s32 s3, s2  }
0x8d: {  	s2 =	sadd.s32 s2, s18  }
0x8e: {  	[smem:$0x3FC5] =	sst s2  }
0x8f: {  	_ = 	snop  }
0x90: {  	s2 =	sld [smem:$0x3FC9]  }
0x91: {  	s19 =	sld [smem:$0x3FC8]  }
0x92: {  	s4 =	sld [smem:$0x3FC7]  }
0x93: {  	s5 =	sld [smem:$0x3FD0];
	(tm) =	ssettm $0x1  }
0x94: {  	s6 =	sld [smem:$0x3FFB];
	_ =	sdelay $0x3  }
0x95: {  	_ =	strace s6  }
0x96: {  	s6 =	sld [smem:$0x3FFC];
	_ =	sdelay $0x3  }
0x97: {  	_ =	strace s6  }
0x98: {  	s6 =	sld [smem:$0x3FFD];
	_ =	sdelay $0x3  }
0x99: {  	_ =	strace s6  }
0x9a: {  	_ =	strace $0x8FFFFFFF  }
0x9b: {  	s20 =	sld [smem:$0x3FDB];
	_ =	sdelay $0x1  }
0x9c: {  	s7 =	simm.s32 $_scs_section_size  }
0x9d: {  	s8 =	simm.s32 $_size__tile_overlayer_lowered;
	s9 =	simm.s32 $_tile_overlayer_lowered  }
0x9e: {  	s23 =	simm.s32 $0x1BFF;
	s22 =	sshll.u32 s9, $0x1;
	s6 =	sadd.s32 s7, s20  }
0x9f: {  	s10 =	simm.s32 $0x0;
	s21 =	sshll.u32 s8, $0x1;
	s8 =	sadd.s32 s22, s6  }
0xa0: {  	[timem:s10], [sflag:s23] =	dma.local [hbm:s8], s21  }
0xa1: {  	_ =	swait.ge [sflag:s23], s21  }
0xa2: {  	s7 =	ssub.s32 $0x0, s21;
	[sflag:s23] =	ssyncset.done $0x0  }
0xa3: {  	[sflag:s23] =	ssyncadd.s32 s7;
	_ =	sdelay $0x1  }
0xa4: {  	s24 =	simm.s32 $0x1B8B  }
0xa5: {  	_ =	swait.ge [sflag:s24], $0x1  }
0xa6: {  	[sflag:s24] =	ssyncset.done $0x0  }
0xa7: {  	s25 =	simm.s32 $0x1B8E;
	[sflag:s24] =	ssyncadd.s32 $0xFFFFFFFF  }
0xa8: {  	s26 =	simm.s32 $execute0_lowered;
	[smem:$0x3FD2] =	sst s25  }
0xa9: {  	s7 =	sshll.u32 s26, $0x1;
	_ =	strace $0x80000046;
	[dreg:$0x1] =	wrdreg $0xFFFFFFFF  }
0xaa: {  	s28 =	simm.s32 $_size_execute0_lowered;
	s6 =	sadd.s32 s6, s7;
	[dreg:$0x0] =	wrdreg $0x0  }
0xab: {  	s7 =	sshll.u32 s28, $0x1;
	[dreg:$0x2] =	wrdreg s6  }
0xac: {  	[dreg:$0x3] =	wrdreg s7  }
0xad: {  	[dreg:$0x4] =	wrdreg $0xC0  }
0xae: {  	_ =	task [dreg:s10], $0x5FFFF  }
0xaf: {  	[dreg:$0x1] =	wrdreg $0xFFFFFFFF  }
0xb0: {  	[dreg:$0x0] =	wrdreg $0x60  }
0xb1: {  	[dreg:$0x2] =	wrdreg s2  }
0xb2: {  	[dreg:$0x3] =	wrdreg s19  }
0xb3: {  	[dreg:$0x4] =	wrdreg s4  }
0xb4: {  	[dreg:$0x5] =	wrdreg s5  }
0xb5: {  	[dreg:$0x6] =	wrdreg $0x9  }
0xb6: {  	_ =	task.clear_ibuf [dreg:s10], $0x7FFFF;
	_ =	strace $0x90000046  }
0xb7: {  	s29 =	simm.s32 $0x9;
	_ =	strace $0x80000048  }
0xb8: {  	_ =	swait.ge [sflag:s29], $0x1  }
0xb9: {  	[sflag:s29] =	ssyncadd.s32 $0xFFFFFFFF  }
0xba: {  	_ =	strace $0x90000048  }
0xbb: {  	_ =	sfence  }
0xbc: {  	s30 =	sld [smem:$0x0];
	_ =	sdelay $0x2  }
0xbd: {  	s31 =	sshll.u32 s1, $0xD;
	s1 =	sshrl.u32 s1, $0x2  }
0xbe: {  	s3 =	sand.u32 $0x4000, s31;
	s1 =	sadd.s32 s1, s30  }
0xbf: {  	s0 =	sor.u32 s3, s0;
	s1 =	sshll.u32 s1, $0x11  }
0xc0: {  	s0 =	sor.u32 s1, s0  }
0xc1: {  	s0 =	sadd.s32 $0x8F2B, s0  }
0xc2: {  	[sflag:s0] =	ssyncadd.remote.s32 $0x1  }
0xc3: {  	_ =	sfence.sel $0xFFFF  }
0xc4: {  	[dreg:$0x0] =	wrdreg $0xFFFFFFFF;
	(pc) =	sbr.abs _section_cstart, $3  }
0xc5: {  	[dreg:$0x1] =	wrdreg $0xFFFFFFFF  }
0xc6: {  	_ =	task.clear_ibuf [dreg:s10], $0x2FFFF;
	_ =	strace $0x9FFFFFFF  }
0xc7: {  	(tm) =	ssettm $0x7FFFFFFF  }
tec
execute0_lowered:
.L_overlay_start_1:
0x0: {  	(tag) =	ssettag $0x1  }
0x1: {  	s3 =	stileid.u32;
	s1 =	rddreg [dreg:$0x0]  }
0x2: {  	s0 =	srdreg.scid;
	s4 =	rddreg [dreg:$0x1];
	s2 =	sshll.u32 s3, $0x1  }
0x3: {  	s0 =	sand.u32 $0x1, s0;
	s8 =	sshrl.u32 s3, $0x2;
	s2 =	sand.u32 $0x6, s2  }
0x4: {  	s5 =	rddreg [dreg:$0x2];
	s9 =	smul.u32 $0x3100, s8;
	s2 =	sor.u32 s0, s2  }
0x5: {  	s6 =	rddreg [dreg:$0x3];
	s3 =	simm.s32 $0x0;
	s7 =	smul.u32 $0xE, s2  }
0x6: {  	[smem:$0x7FF] =	sst s3;
	s12 =	smul.u32 $0x620, s2  }
0x7: {  	s11 =	smul.u32 $0x3800, s8;
	s0 =	ssub.s32 $0x2, s0;
	_ =	strace $0x80000047  }
0x8: {  	s14 =	sshrl.u32 s0, $0x1;
	s10 =	sand.u32 $0x78, s7;
	s29 =	sadd.s32 s9, s12  }
0x9: {  	s17 =	ssub.s32 s0, s14;
	s10 =	smin.u32 s10, $0x58;
	s0 =	sshrl.u32 s29, $0x3  }
0xa: {  	s29 =	simm.s32 $0x15800;
	s13 =	sshll.u32 s10, $0x7;
	s0 =	smul.u32 $0x180, s0  }
0xb: {  	s7 =	ssub.s32 s7, s10;
	s10 =	smul.u32 $0x1C, s2;
	s11 =	sadd.s32 s11, s13  }
0xc: {  	[dreg:$0x14] =	wrdreg s29;
	s30 =	sshrl.u32 s11, $0x3;
	s18 =	sadd.s32 s6, s0  }
0xd: {  	s2 =	smul.u32 $0xC400, s8;
	s4 =	sadd.s32 s4, s30;
	[dreg:$0x16] =	wrdreg s18  }
0xe: {  	s9 =	sor.u32 $0x2, s10;
	s31 =	sadd.s32 s5, s30;
	[dreg:$0x5] =	wrdreg s4  }
0xf: {  	s5 =	sshll.u32 s7, $0x9;
	s7 =	sadd.s32 $0x1500, s18;
	[dreg:$0x6] =	wrdreg s31  }
0x10: {  	s0 =	sadd.s32 $0x4, s10;
	s8 =	sadd.s32 $0x2A00, s18;
	[dreg:$0x7] =	wrdreg s7  }
0x11: {  	s25 =	sadd.s32 $0x6, s10;
	s11 =	sadd.s32 $0x3F00, s18;
	[dreg:$0x8] =	wrdreg s8  }
0x12: {  	s24 =	sadd.s32 $0x8, s10;
	s13 =	sadd.s32 $0x5400, s18;
	[dreg:$0x9] =	wrdreg s11  }
0x13: {  	v23 =	vlaneseq.u32;
	vm0 =	vmmov $0xffff;
	s12 =	sadd.s32 $0xA, s10;
	s16 =	sadd.s32 $0x9300, s18;
	[dreg:$0xa] =	wrdreg s13  }
0x14: {  	vm1 =	vmmov $0xff;
	v6 =	vmul.u32 $0x2, v23;
	v22 =	vshrl.u32 v23, $0x3;
	s14 =	sadd.s32 $0xC, s10;
	s19 =	sadd.s32 $0xA800, s18;
	[dreg:$0xd] =	wrdreg s16  }
0x15: {  	v21 =	vand.u32 $0x7, v23;
	v23 =	vor.u32 $0x8, v23;
	v22 =	vmul.u32 $0x8, v22;
	s15 =	sadd.s32 $0x12, s10;
	s20 =	sadd.s32 $0xBD00, s18;
	[dreg:$0xe] =	wrdreg s19  }
0x16: {  	v2 =	vor.u32 $0x20, v6;
	v3 =	vor.u32 $0x40, v6;
	v4 =	vor.u32 $0x60, v6;
	s21 =	sadd.s32 $0x18, s10;
	s6 =	sadd.s32 $0xD200, s18;
	[dreg:$0xf] =	wrdreg s20  }
0x17: {  	v5 =	vor.u32 $0x80, v6;
	v7 =	vor.u32 $0xA0, v6;
	v8 =	vor.u32 $0xC0, v6;
	s23 =	sadd.s32 $0x1A, s10;
	s22 =	sadd.s32 $0xE700, s18;
	[dreg:$0x10] =	wrdreg s6  }
0x18: {  	v0 =	vmov s10;
	v1 =	vor.u32 s2, v6;
	v2 =	vor.u32 s2, v2;
	s26 =	sadd.s32 $0xFC00, s18;
	s28 =	sadd.s32 $0x11100, s18;
	[dreg:$0x11] =	wrdreg s22  }
0x19: {  	v3 =	vor.u32 s2, v3;
	v4 =	vor.u32 s2, v4;
	s30 =	simm.s32 $0x16400;
	v13 =	vmov s14;
	s14 =	simm.s32 $0x1;
	[dreg:$0x12] =	wrdreg s26  }
0x1a: {  	v5 =	vor.u32 s2, v5;
	v6 =	vor.u32 s2, v7;
	v7 =	vor.u32 s2, v8;
	s4 =	sshra.s32 s5, $0x2;
	s11 =	sadd.s32 $0x6900, s18;
	[dreg:$0x13] =	wrdreg s28  }
0x1b: {  	v8 =	vmov s9;
	v9 =	vmov s0;
	v10 =	vmov s25;
	s13 =	sadd.s32 $0xE, s10;
	s7 =	sadd.s32 $0x7E00, s18;
	[dreg:$0x15] =	wrdreg s30  }
0x1c: {  	v11 =	vmov s24;
	v12 =	vmov s12;
	v16 =	vmov s15;
	s31 =	sadd.s32 $0x14, s10;
	s16 =	sadd.s32 $0x16, s10;
	[dreg:$0xb] =	wrdreg s11  }
0x1d: {  	v19 =	vmov s21;
	v20 =	vmov s23;
	s6 =	sadd.s32 $0x100, s1;
	s11 =	sadd.s32 $0x10, s10;
	[dreg:$0xc] =	wrdreg s7;
	v14 =	vmov s13  }
0x1e: {  	s7 =	smax.u32 s17, $0x1;
	v17 =	vmov s31;
	v18 =	vmov s16;
	s16 =	simm.s32 $0x2;
	s13 =	simm.s32 $0x3;
	v15 =	vmov s11  }
.LBB2_1:
0x1f: {  	[dreg:$0x17] =	wrdreg s7  }
0x20: {  	s17 =	rddreg [dreg:$0x5]  }
0x21: {  	s18 =	rddreg [dreg:$0x14];
	s19 =	simm.s32 $0x5  }
0x22: {  	[tilespmem:s18], [sflag:$0x5] =	stream.linear.gather [hbm4b:s17+s3], $0xC00, $0x38;
	[tilespmem:$0x17000] =	vst v63  }
0x23: {  	_ =	swait.ge [sflag:s19], $0xC00  }
0x24: {  	s21 =	rddreg [dreg:$0x6];
	[sflag:s19] =	ssyncset.done $0x0  }
0x25: {  	s22 =	rddreg [dreg:$0x15];
	[sflag:s19] =	ssyncadd.s32 $0xFFFFF400  }
0x26: {  	[tilespmem:s22], [sflag:$0x5] =	stream.linear.gather [hbm4b:s21+s3], $0xC00, $0x38;
	[tilespmem:$0x17000] =	vst v63  }
0x27: {  	_ =	swait.ge [sflag:s19], $0xC00  }
0x28: {  	[sflag:s19] =	ssyncset.done $0x0  }
0x29: {  	[sflag:s19] =	ssyncadd.s32 $0xFFFFF400  }
0x2a: {  	v24 =	vld [tilespmem:s4+$0x15800];
	_ =	sdelay $0x1  }
0x2b: {  	v25 =	vld [tilespmem:s4+$0x16400];
	_ =	sdelay $0x2  }
0x2c: {  	v24 =	vadd.s32 v0, v24  }
0x2d: {  	v26 =	vmul.u32 $0xE0, v24  }
0x2e: {  	v24 =	vadd.s32 v25, v1  }
0x2f: {  	v25 =	vadd.s32 v26, v24  }
0x30: {  	[tilespmem:$0x15000] =	vst v25  }
0x31: {  	v34 =	vld [tilespmem:s4+$0x15810];
	_ =	sdelay $0x1  }
0x32: {  	v27 =	vld [tilespmem:s4+$0x16410];
	_ =	sdelay $0x2  }
0x33: {  	v26 =	vadd.s32 v0, v34  }
0x34: {  	v26 =	vmul.u32 $0xE0, v26  }
0x35: {  	v27 =	vadd.s32 v27, v2  }
0x36: {  	v26 =	vadd.s32 v26, v27  }
0x37: {  	[tilespmem:$0x15010] =	vst v26  }
0x38: {  	v26 =	vld [tilespmem:s4+$0x15820];
	_ =	sdelay $0x1  }
0x39: {  	v35 =	vld [tilespmem:s4+$0x16420];
	_ =	sdelay $0x2  }
0x3a: {  	v26 =	vadd.s32 v0, v26  }
0x3b: {  	v26 =	vmul.u32 $0xE0, v26  }
0x3c: {  	v27 =	vadd.s32 v35, v3  }
0x3d: {  	v26 =	vadd.s32 v26, v27  }
0x3e: {  	[tilespmem:$0x15020] =	vst v26  }
0x3f: {  	v26 =	vld [tilespmem:s4+$0x15830];
	_ =	sdelay $0x1  }
0x40: {  	v36 =	vld [tilespmem:s4+$0x16430];
	_ =	sdelay $0x2  }
0x41: {  	v26 =	vadd.s32 v0, v26  }
0x42: {  	v26 =	vmul.u32 $0xE0, v26  }
0x43: {  	v27 =	vadd.s32 v36, v4  }
0x44: {  	v26 =	vadd.s32 v26, v27  }
0x45: {  	[tilespmem:$0x15030] =	vst v26  }
0x46: {  	v26 =	vld [tilespmem:s4+$0x15840];
	_ =	sdelay $0x1  }
0x47: {  	v37 =	vld [tilespmem:s4+$0x16440];
	_ =	sdelay $0x2  }
0x48: {  	v26 =	vadd.s32 v0, v26  }
0x49: {  	v26 =	vmul.u32 $0xE0, v26  }
0x4a: {  	v27 =	vadd.s32 v37, v5  }
0x4b: {  	v26 =	vadd.s32 v26, v27  }
0x4c: {  	[tilespmem:$0x15040] =	vst v26  }
0x4d: {  	v26 =	vld [tilespmem:s4+$0x15850];
	_ =	sdelay $0x1  }
0x4e: {  	v38 =	vld [tilespmem:s4+$0x16450];
	_ =	sdelay $0x2  }
0x4f: {  	v26 =	vadd.s32 v0, v26  }
0x50: {  	v26 =	vmul.u32 $0xE0, v26  }
0x51: {  	v27 =	vadd.s32 v38, v6  }
0x52: {  	v26 =	vadd.s32 v26, v27  }
0x53: {  	[tilespmem:$0x15050] =	vst v26  }
0x54: {  	v26 =	vld [tilespmem:s4+$0x15860];
	_ =	sdelay $0x1  }
0x55: {  	v39 =	vld [tilespmem:s4+$0x16460];
	_ =	sdelay $0x2  }
0x56: {  	v26 =	vadd.s32 v0, v26  }
0x57: {  	v26 =	vmul.u32 $0xE0, v26  }
0x58: {  	v27 =	vadd.s32 v39, v7  }
0x59: {  	v26 =	vadd.s32 v26, v27  }
0x5a: {  	[tilespmem:$0x15060] =	vst v26  }
0x5b: {  	v26 =	vld [tilespmem:s4+$0x15880];
	_ =	sdelay $0x1  }
0x5c: {  	v40 =	vld [tilespmem:s4+$0x16480];
	_ =	sdelay $0x2  }
0x5d: {  	v26 =	vadd.s32 v8, v26  }
0x5e: {  	v26 =	vmul.u32 $0xE0, v26  }
0x5f: {  	v27 =	vadd.s32 v40, v1  }
0x60: {  	v26 =	vadd.s32 v26, v27  }
0x61: {  	[tilespmem:$0x15080] =	vst v26  }
0x62: {  	v26 =	vld [tilespmem:s4+$0x15890];
	_ =	sdelay $0x1  }
0x63: {  	v41 =	vld [tilespmem:s4+$0x16490];
	_ =	sdelay $0x2  }
0x64: {  	v26 =	vadd.s32 v8, v26  }
0x65: {  	v26 =	vmul.u32 $0xE0, v26  }
0x66: {  	v27 =	vadd.s32 v41, v2  }
0x67: {  	v26 =	vadd.s32 v26, v27  }
0x68: {  	[tilespmem:$0x15090] =	vst v26  }
0x69: {  	v26 =	vld [tilespmem:s4+$0x158A0];
	_ =	sdelay $0x1  }
0x6a: {  	v42 =	vld [tilespmem:s4+$0x164A0];
	_ =	sdelay $0x2  }
0x6b: {  	v26 =	vadd.s32 v8, v26  }
0x6c: {  	v26 =	vmul.u32 $0xE0, v26  }
0x6d: {  	v27 =	vadd.s32 v42, v3  }
0x6e: {  	v26 =	vadd.s32 v26, v27  }
0x6f: {  	[tilespmem:$0x150A0] =	vst v26  }
0x70: {  	v26 =	vld [tilespmem:s4+$0x158B0];
	_ =	sdelay $0x1  }
0x71: {  	v43 =	vld [tilespmem:s4+$0x164B0];
	_ =	sdelay $0x2  }
0x72: {  	v26 =	vadd.s32 v8, v26  }
0x73: {  	v26 =	vmul.u32 $0xE0, v26  }
0x74: {  	v27 =	vadd.s32 v43, v4  }
0x75: {  	v26 =	vadd.s32 v26, v27  }
0x76: {  	[tilespmem:$0x150B0] =	vst v26  }
0x77: {  	v26 =	vld [tilespmem:s4+$0x158C0];
	_ =	sdelay $0x1  }
0x78: {  	v44 =	vld [tilespmem:s4+$0x164C0];
	_ =	sdelay $0x2  }
0x79: {  	v26 =	vadd.s32 v8, v26  }
0x7a: {  	v26 =	vmul.u32 $0xE0, v26  }
0x7b: {  	v27 =	vadd.s32 v44, v5  }
0x7c: {  	v26 =	vadd.s32 v26, v27  }
0x7d: {  	[tilespmem:$0x150C0] =	vst v26  }
0x7e: {  	v26 =	vld [tilespmem:s4+$0x158D0];
	_ =	sdelay $0x1  }
0x7f: {  	v45 =	vld [tilespmem:s4+$0x164D0];
	_ =	sdelay $0x2  }
0x80: {  	v26 =	vadd.s32 v8, v26  }
0x81: {  	v26 =	vmul.u32 $0xE0, v26  }
0x82: {  	v27 =	vadd.s32 v45, v6  }
0x83: {  	v26 =	vadd.s32 v26, v27  }
0x84: {  	[tilespmem:$0x150D0] =	vst v26  }
0x85: {  	v26 =	vld [tilespmem:s4+$0x158E0];
	_ =	sdelay $0x1  }
0x86: {  	v46 =	vld [tilespmem:s4+$0x164E0];
	_ =	sdelay $0x2  }
0x87: {  	v26 =	vadd.s32 v8, v26  }
0x88: {  	v26 =	vmul.u32 $0xE0, v26  }
0x89: {  	v27 =	vadd.s32 v46, v7  }
0x8a: {  	v26 =	vadd.s32 v26, v27  }
0x8b: {  	[tilespmem:$0x150E0] =	vst v26  }
0x8c: {  	v26 =	vld [tilespmem:s4+$0x15900];
	_ =	sdelay $0x1  }
0x8d: {  	v47 =	vld [tilespmem:s4+$0x16500];
	_ =	sdelay $0x2  }
0x8e: {  	v26 =	vadd.s32 v9, v26  }
0x8f: {  	v26 =	vmul.u32 $0xE0, v26  }
0x90: {  	v27 =	vadd.s32 v47, v1  }
0x91: {  	v26 =	vadd.s32 v26, v27  }
0x92: {  	[tilespmem:$0x15100] =	vst v26  }
0x93: {  	v26 =	vld [tilespmem:s4+$0x15910];
	_ =	sdelay $0x1  }
0x94: {  	v48 =	vld [tilespmem:s4+$0x16510];
	_ =	sdelay $0x2  }
0x95: {  	v26 =	vadd.s32 v9, v26  }
0x96: {  	v26 =	vmul.u32 $0xE0, v26  }
0x97: {  	v27 =	vadd.s32 v48, v2  }
0x98: {  	v26 =	vadd.s32 v26, v27  }
0x99: {  	[tilespmem:$0x15110] =	vst v26  }
0x9a: {  	v26 =	vld [tilespmem:s4+$0x15920];
	_ =	sdelay $0x1  }
0x9b: {  	v49 =	vld [tilespmem:s4+$0x16520];
	_ =	sdelay $0x2  }
0x9c: {  	v26 =	vadd.s32 v9, v26  }
0x9d: {  	v26 =	vmul.u32 $0xE0, v26  }
0x9e: {  	v27 =	vadd.s32 v49, v3  }
0x9f: {  	v26 =	vadd.s32 v26, v27  }
0xa0: {  	[tilespmem:$0x15120] =	vst v26  }
0xa1: {  	v26 =	vld [tilespmem:s4+$0x15930];
	_ =	sdelay $0x1  }
0xa2: {  	v50 =	vld [tilespmem:s4+$0x16530];
	_ =	sdelay $0x2  }
0xa3: {  	v26 =	vadd.s32 v9, v26  }
0xa4: {  	v26 =	vmul.u32 $0xE0, v26  }
0xa5: {  	v27 =	vadd.s32 v50, v4  }
0xa6: {  	v26 =	vadd.s32 v26, v27  }
0xa7: {  	[tilespmem:$0x15130] =	vst v26  }
0xa8: {  	v26 =	vld [tilespmem:s4+$0x15940];
	_ =	sdelay $0x1  }
0xa9: {  	v51 =	vld [tilespmem:s4+$0x16540];
	_ =	sdelay $0x2  }
0xaa: {  	v26 =	vadd.s32 v9, v26  }
0xab: {  	v26 =	vmul.u32 $0xE0, v26  }
0xac: {  	v27 =	vadd.s32 v51, v5  }
0xad: {  	v26 =	vadd.s32 v26, v27  }
0xae: {  	[tilespmem:$0x15140] =	vst v26  }
0xaf: {  	v26 =	vld [tilespmem:s4+$0x15950];
	_ =	sdelay $0x1  }
0xb0: {  	v52 =	vld [tilespmem:s4+$0x16550];
	_ =	sdelay $0x2  }
0xb1: {  	v26 =	vadd.s32 v9, v26  }
0xb2: {  	v26 =	vmul.u32 $0xE0, v26  }
0xb3: {  	v27 =	vadd.s32 v52, v6  }
0xb4: {  	v26 =	vadd.s32 v26, v27  }
0xb5: {  	[tilespmem:$0x15150] =	vst v26  }
0xb6: {  	v26 =	vld [tilespmem:s4+$0x15960];
	_ =	sdelay $0x1  }
0xb7: {  	v53 =	vld [tilespmem:s4+$0x16560];
	_ =	sdelay $0x2  }
0xb8: {  	v26 =	vadd.s32 v9, v26  }
0xb9: {  	v26 =	vmul.u32 $0xE0, v26  }
0xba: {  	v27 =	vadd.s32 v53, v7  }
0xbb: {  	v26 =	vadd.s32 v26, v27  }
0xbc: {  	[tilespmem:$0x15160] =	vst v26  }
0xbd: {  	v26 =	vld [tilespmem:s4+$0x15980];
	_ =	sdelay $0x1  }
0xbe: {  	v54 =	vld [tilespmem:s4+$0x16580];
	_ =	sdelay $0x2  }
0xbf: {  	v26 =	vadd.s32 v10, v26  }
0xc0: {  	v26 =	vmul.u32 $0xE0, v26  }
0xc1: {  	v27 =	vadd.s32 v54, v1  }
0xc2: {  	v26 =	vadd.s32 v26, v27  }
0xc3: {  	[tilespmem:$0x15180] =	vst v26  }
0xc4: {  	v26 =	vld [tilespmem:s4+$0x15990];
	_ =	sdelay $0x1  }
0xc5: {  	v55 =	vld [tilespmem:s4+$0x16590];
	_ =	sdelay $0x2  }
0xc6: {  	v26 =	vadd.s32 v10, v26  }
0xc7: {  	v26 =	vmul.u32 $0xE0, v26  }
0xc8: {  	v27 =	vadd.s32 v55, v2  }
0xc9: {  	v26 =	vadd.s32 v26, v27  }
0xca: {  	[tilespmem:$0x15190] =	vst v26  }
0xcb: {  	v26 =	vld [tilespmem:s4+$0x159A0];
	_ =	sdelay $0x1  }
0xcc: {  	v56 =	vld [tilespmem:s4+$0x165A0];
	_ =	sdelay $0x2  }
0xcd: {  	v26 =	vadd.s32 v10, v26  }
0xce: {  	v26 =	vmul.u32 $0xE0, v26  }
0xcf: {  	v27 =	vadd.s32 v56, v3  }
0xd0: {  	v26 =	vadd.s32 v26, v27  }
0xd1: {  	[tilespmem:$0x151A0] =	vst v26  }
0xd2: {  	v26 =	vld [tilespmem:s4+$0x159B0];
	_ =	sdelay $0x1  }
0xd3: {  	v57 =	vld [tilespmem:s4+$0x165B0];
	_ =	sdelay $0x2  }
0xd4: {  	v26 =	vadd.s32 v10, v26  }
0xd5: {  	v26 =	vmul.u32 $0xE0, v26  }
0xd6: {  	v27 =	vadd.s32 v57, v4  }
0xd7: {  	v26 =	vadd.s32 v26, v27  }
0xd8: {  	[tilespmem:$0x151B0] =	vst v26  }
0xd9: {  	v26 =	vld [tilespmem:s4+$0x159C0];
	_ =	sdelay $0x1  }
0xda: {  	v58 =	vld [tilespmem:s4+$0x165C0];
	_ =	sdelay $0x2  }
0xdb: {  	v26 =	vadd.s32 v10, v26  }
0xdc: {  	v26 =	vmul.u32 $0xE0, v26  }
0xdd: {  	v27 =	vadd.s32 v58, v5  }
0xde: {  	v26 =	vadd.s32 v26, v27  }
0xdf: {  	[tilespmem:$0x151C0] =	vst v26  }
0xe0: {  	v26 =	vld [tilespmem:s4+$0x159D0];
	_ =	sdelay $0x1  }
0xe1: {  	v59 =	vld [tilespmem:s4+$0x165D0];
	_ =	sdelay $0x2  }
0xe2: {  	v26 =	vadd.s32 v10, v26  }
0xe3: {  	v26 =	vmul.u32 $0xE0, v26  }
0xe4: {  	v27 =	vadd.s32 v59, v6  }
0xe5: {  	v26 =	vadd.s32 v26, v27  }
0xe6: {  	[tilespmem:$0x151D0] =	vst v26  }
0xe7: {  	v26 =	vld [tilespmem:s4+$0x159E0];
	_ =	sdelay $0x1  }
0xe8: {  	v60 =	vld [tilespmem:s4+$0x165E0];
	_ =	sdelay $0x2  }
0xe9: {  	v26 =	vadd.s32 v10, v26  }
0xea: {  	v26 =	vmul.u32 $0xE0, v26  }
0xeb: {  	v27 =	vadd.s32 v60, v7  }
0xec: {  	v26 =	vadd.s32 v26, v27  }
0xed: {  	[tilespmem:$0x151E0] =	vst v26  }
0xee: {  	v26 =	vld [tilespmem:s4+$0x15A00];
	_ =	sdelay $0x1  }
0xef: {  	v61 =	vld [tilespmem:s4+$0x16600];
	_ =	sdelay $0x2  }
0xf0: {  	v26 =	vadd.s32 v11, v26  }
0xf1: {  	v26 =	vmul.u32 $0xE0, v26  }
0xf2: {  	v27 =	vadd.s32 v61, v1  }
0xf3: {  	v26 =	vadd.s32 v26, v27  }
0xf4: {  	[tilespmem:$0x15200] =	vst v26  }
0xf5: {  	v26 =	vld [tilespmem:s4+$0x15A10];
	_ =	sdelay $0x1  }
0xf6: {  	v62 =	vld [tilespmem:s4+$0x16610];
	_ =	sdelay $0x2  }
0xf7: {  	v26 =	vadd.s32 v11, v26  }
0xf8: {  	v26 =	vmul.u32 $0xE0, v26  }
0xf9: {  	v27 =	vadd.s32 v62, v2  }
0xfa: {  	v26 =	vadd.s32 v26, v27  }
0xfb: {  	[tilespmem:$0x15210] =	vst v26  }
0xfc: {  	v26 =	vld [tilespmem:s4+$0x15A20];
	_ =	sdelay $0x1  }
0xfd: {  	v63 =	vld [tilespmem:s4+$0x16620];
	_ =	sdelay $0x2  }
0xfe: {  	v26 =	vadd.s32 v11, v26  }
0xff: {  	v26 =	vmul.u32 $0xE0, v26  }
0x100: {  	v27 =	vadd.s32 v63, v3  }
0x101: {  	v26 =	vadd.s32 v26, v27  }
0x102: {  	[tilespmem:$0x15220] =	vst v26  }
0x103: {  	v26 =	vld [tilespmem:s4+$0x15A30];
	_ =	sdelay $0x1  }
0x104: {  	v30 =	vld [tilespmem:s4+$0x16630];
	_ =	sdelay $0x2  }
0x105: {  	v26 =	vadd.s32 v11, v26  }
0x106: {  	v26 =	vmul.u32 $0xE0, v26  }
0x107: {  	v27 =	vadd.s32 v30, v4  }
0x108: {  	v26 =	vadd.s32 v26, v27  }
0x109: {  	[tilespmem:$0x15230] =	vst v26  }
0x10a: {  	v26 =	vld [tilespmem:s4+$0x15A40];
	_ =	sdelay $0x1  }
0x10b: {  	v31 =	vld [tilespmem:s4+$0x16640];
	_ =	sdelay $0x2  }
0x10c: {  	v26 =	vadd.s32 v11, v26  }
0x10d: {  	v26 =	vmul.u32 $0xE0, v26  }
0x10e: {  	v27 =	vadd.s32 v31, v5  }
0x10f: {  	v26 =	vadd.s32 v26, v27  }
0x110: {  	[tilespmem:$0x15240] =	vst v26  }
0x111: {  	v26 =	vld [tilespmem:s4+$0x15A50];
	_ =	sdelay $0x1  }
0x112: {  	v32 =	vld [tilespmem:s4+$0x16650];
	_ =	sdelay $0x2  }
0x113: {  	v26 =	vadd.s32 v11, v26  }
0x114: {  	v26 =	vmul.u32 $0xE0, v26  }
0x115: {  	v27 =	vadd.s32 v32, v6  }
0x116: {  	v26 =	vadd.s32 v26, v27  }
0x117: {  	[tilespmem:$0x15250] =	vst v26  }
0x118: {  	v26 =	vld [tilespmem:s4+$0x15A60];
	_ =	sdelay $0x1  }
0x119: {  	v33 =	vld [tilespmem:s4+$0x16660];
	_ =	sdelay $0x2  }
0x11a: {  	v26 =	vadd.s32 v11, v26  }
0x11b: {  	v26 =	vmul.u32 $0xE0, v26  }
0x11c: {  	v27 =	vadd.s32 v33, v7  }
0x11d: {  	v26 =	vadd.s32 v26, v27  }
0x11e: {  	[tilespmem:$0x15260] =	vst v26  }
0x11f: {  	v26 =	vld [tilespmem:s4+$0x15A80];
	_ =	sdelay $0x1  }
0x120: {  	v34 =	vld [tilespmem:s4+$0x16680];
	_ =	sdelay $0x2  }
0x121: {  	v26 =	vadd.s32 v12, v26  }
0x122: {  	v26 =	vmul.u32 $0xE0, v26  }
0x123: {  	v27 =	vadd.s32 v34, v1  }
0x124: {  	v26 =	vadd.s32 v26, v27  }
0x125: {  	[tilespmem:$0x15280] =	vst v26  }
0x126: {  	v26 =	vld [tilespmem:s4+$0x15A90];
	_ =	sdelay $0x1  }
0x127: {  	v35 =	vld [tilespmem:s4+$0x16690];
	_ =	sdelay $0x2  }
0x128: {  	v26 =	vadd.s32 v12, v26  }
0x129: {  	v26 =	vmul.u32 $0xE0, v26  }
0x12a: {  	v27 =	vadd.s32 v35, v2  }
0x12b: {  	v26 =	vadd.s32 v26, v27  }
0x12c: {  	[tilespmem:$0x15290] =	vst v26  }
0x12d: {  	v26 =	vld [tilespmem:s4+$0x15AA0];
	_ =	sdelay $0x1  }
0x12e: {  	v36 =	vld [tilespmem:s4+$0x166A0];
	_ =	sdelay $0x2  }
0x12f: {  	v26 =	vadd.s32 v12, v26  }
0x130: {  	v26 =	vmul.u32 $0xE0, v26  }
0x131: {  	v27 =	vadd.s32 v36, v3  }
0x132: {  	v26 =	vadd.s32 v26, v27  }
0x133: {  	[tilespmem:$0x152A0] =	vst v26  }
0x134: {  	v26 =	vld [tilespmem:s4+$0x15AB0];
	_ =	sdelay $0x1  }
0x135: {  	v37 =	vld [tilespmem:s4+$0x166B0];
	_ =	sdelay $0x2  }
0x136: {  	v26 =	vadd.s32 v12, v26  }
0x137: {  	v26 =	vmul.u32 $0xE0, v26  }
0x138: {  	v27 =	vadd.s32 v37, v4  }
0x139: {  	v26 =	vadd.s32 v26, v27  }
0x13a: {  	[tilespmem:$0x152B0] =	vst v26  }
0x13b: {  	v26 =	vld [tilespmem:s4+$0x15AC0];
	_ =	sdelay $0x1  }
0x13c: {  	v38 =	vld [tilespmem:s4+$0x166C0];
	_ =	sdelay $0x2  }
0x13d: {  	v26 =	vadd.s32 v12, v26  }
0x13e: {  	v26 =	vmul.u32 $0xE0, v26  }
0x13f: {  	v27 =	vadd.s32 v38, v5  }
0x140: {  	v26 =	vadd.s32 v26, v27  }
0x141: {  	[tilespmem:$0x152C0] =	vst v26  }
0x142: {  	v26 =	vld [tilespmem:s4+$0x15AD0];
	_ =	sdelay $0x1  }
0x143: {  	v39 =	vld [tilespmem:s4+$0x166D0];
	_ =	sdelay $0x2  }
0x144: {  	v26 =	vadd.s32 v12, v26  }
0x145: {  	v26 =	vmul.u32 $0xE0, v26  }
0x146: {  	v27 =	vadd.s32 v39, v6  }
0x147: {  	v26 =	vadd.s32 v26, v27  }
0x148: {  	[tilespmem:$0x152D0] =	vst v26  }
0x149: {  	v26 =	vld [tilespmem:s4+$0x15AE0];
	_ =	sdelay $0x1  }
0x14a: {  	v40 =	vld [tilespmem:s4+$0x166E0];
	_ =	sdelay $0x2  }
0x14b: {  	v26 =	vadd.s32 v12, v26  }
0x14c: {  	v26 =	vmul.u32 $0xE0, v26  }
0x14d: {  	v27 =	vadd.s32 v40, v7  }
0x14e: {  	v26 =	vadd.s32 v26, v27  }
0x14f: {  	[tilespmem:$0x152E0] =	vst v26  }
0x150: {  	v26 =	vld [tilespmem:s4+$0x15B00];
	_ =	sdelay $0x1  }
0x151: {  	v41 =	vld [tilespmem:s4+$0x16700];
	_ =	sdelay $0x2  }
0x152: {  	v26 =	vadd.s32 v13, v26  }
0x153: {  	v26 =	vmul.u32 $0xE0, v26  }
0x154: {  	v27 =	vadd.s32 v41, v1  }
0x155: {  	v26 =	vadd.s32 v26, v27  }
0x156: {  	[tilespmem:$0x15300] =	vst v26  }
0x157: {  	v26 =	vld [tilespmem:s4+$0x15B10];
	_ =	sdelay $0x1  }
0x158: {  	v42 =	vld [tilespmem:s4+$0x16710];
	_ =	sdelay $0x2  }
0x159: {  	v26 =	vadd.s32 v13, v26  }
0x15a: {  	v26 =	vmul.u32 $0xE0, v26  }
0x15b: {  	v27 =	vadd.s32 v42, v2  }
0x15c: {  	v26 =	vadd.s32 v26, v27  }
0x15d: {  	[tilespmem:$0x15310] =	vst v26  }
0x15e: {  	v26 =	vld [tilespmem:s4+$0x15B20];
	_ =	sdelay $0x1  }
0x15f: {  	v43 =	vld [tilespmem:s4+$0x16720];
	_ =	sdelay $0x2  }
0x160: {  	v26 =	vadd.s32 v13, v26  }
0x161: {  	v26 =	vmul.u32 $0xE0, v26  }
0x162: {  	v27 =	vadd.s32 v43, v3  }
0x163: {  	v26 =	vadd.s32 v26, v27  }
0x164: {  	[tilespmem:$0x15320] =	vst v26  }
0x165: {  	v26 =	vld [tilespmem:s4+$0x15B30];
	_ =	sdelay $0x1  }
0x166: {  	v44 =	vld [tilespmem:s4+$0x16730];
	_ =	sdelay $0x2  }
0x167: {  	v26 =	vadd.s32 v13, v26  }
0x168: {  	v26 =	vmul.u32 $0xE0, v26  }
0x169: {  	v27 =	vadd.s32 v44, v4  }
0x16a: {  	v26 =	vadd.s32 v26, v27  }
0x16b: {  	[tilespmem:$0x15330] =	vst v26  }
0x16c: {  	v26 =	vld [tilespmem:s4+$0x15B40];
	_ =	sdelay $0x1  }
0x16d: {  	v45 =	vld [tilespmem:s4+$0x16740];
	_ =	sdelay $0x2  }
0x16e: {  	v26 =	vadd.s32 v13, v26  }
0x16f: {  	v26 =	vmul.u32 $0xE0, v26  }
0x170: {  	v27 =	vadd.s32 v45, v5  }
0x171: {  	v26 =	vadd.s32 v26, v27  }
0x172: {  	[tilespmem:$0x15340] =	vst v26  }
0x173: {  	v26 =	vld [tilespmem:s4+$0x15B50];
	_ =	sdelay $0x1  }
0x174: {  	v46 =	vld [tilespmem:s4+$0x16750];
	_ =	sdelay $0x2  }
0x175: {  	v26 =	vadd.s32 v13, v26  }
0x176: {  	v26 =	vmul.u32 $0xE0, v26  }
0x177: {  	v27 =	vadd.s32 v46, v6  }
0x178: {  	v26 =	vadd.s32 v26, v27  }
0x179: {  	[tilespmem:$0x15350] =	vst v26  }
0x17a: {  	v26 =	vld [tilespmem:s4+$0x15B60];
	_ =	sdelay $0x1  }
0x17b: {  	v47 =	vld [tilespmem:s4+$0x16760];
	_ =	sdelay $0x2  }
0x17c: {  	v26 =	vadd.s32 v13, v26  }
0x17d: {  	v26 =	vmul.u32 $0xE0, v26  }
0x17e: {  	v27 =	vadd.s32 v47, v7  }
0x17f: {  	v26 =	vadd.s32 v26, v27  }
0x180: {  	[tilespmem:$0x15360] =	vst v26  }
0x181: {  	v26 =	vld [tilespmem:s4+$0x15B80];
	_ =	sdelay $0x1  }
0x182: {  	v48 =	vld [tilespmem:s4+$0x16780];
	_ =	sdelay $0x2  }
0x183: {  	v26 =	vadd.s32 v14, v26  }
0x184: {  	v26 =	vmul.u32 $0xE0, v26  }
0x185: {  	v27 =	vadd.s32 v48, v1  }
0x186: {  	v26 =	vadd.s32 v26, v27  }
0x187: {  	[tilespmem:$0x15380] =	vst v26  }
0x188: {  	v26 =	vld [tilespmem:s4+$0x15B90];
	_ =	sdelay $0x1  }
0x189: {  	v49 =	vld [tilespmem:s4+$0x16790];
	_ =	sdelay $0x2  }
0x18a: {  	v26 =	vadd.s32 v14, v26  }
0x18b: {  	v26 =	vmul.u32 $0xE0, v26  }
0x18c: {  	v27 =	vadd.s32 v49, v2  }
0x18d: {  	v26 =	vadd.s32 v26, v27  }
0x18e: {  	[tilespmem:$0x15390] =	vst v26  }
0x18f: {  	v26 =	vld [tilespmem:s4+$0x15BA0];
	_ =	sdelay $0x1  }
0x190: {  	v50 =	vld [tilespmem:s4+$0x167A0];
	_ =	sdelay $0x2  }
0x191: {  	v26 =	vadd.s32 v14, v26  }
0x192: {  	v26 =	vmul.u32 $0xE0, v26  }
0x193: {  	v27 =	vadd.s32 v50, v3  }
0x194: {  	v26 =	vadd.s32 v26, v27  }
0x195: {  	[tilespmem:$0x153A0] =	vst v26  }
0x196: {  	v26 =	vld [tilespmem:s4+$0x15BB0];
	_ =	sdelay $0x1  }
0x197: {  	v51 =	vld [tilespmem:s4+$0x167B0];
	_ =	sdelay $0x2  }
0x198: {  	v26 =	vadd.s32 v14, v26  }
0x199: {  	v26 =	vmul.u32 $0xE0, v26  }
0x19a: {  	v27 =	vadd.s32 v51, v4  }
0x19b: {  	v26 =	vadd.s32 v26, v27  }
0x19c: {  	[tilespmem:$0x153B0] =	vst v26  }
0x19d: {  	v26 =	vld [tilespmem:s4+$0x15BC0];
	_ =	sdelay $0x1  }
0x19e: {  	v52 =	vld [tilespmem:s4+$0x167C0];
	_ =	sdelay $0x2  }
0x19f: {  	v26 =	vadd.s32 v14, v26  }
0x1a0: {  	v26 =	vmul.u32 $0xE0, v26  }
0x1a1: {  	v27 =	vadd.s32 v52, v5  }
0x1a2: {  	v26 =	vadd.s32 v26, v27  }
0x1a3: {  	[tilespmem:$0x153C0] =	vst v26  }
0x1a4: {  	v26 =	vld [tilespmem:s4+$0x15BD0];
	_ =	sdelay $0x1  }
0x1a5: {  	v53 =	vld [tilespmem:s4+$0x167D0];
	_ =	sdelay $0x2  }
0x1a6: {  	v26 =	vadd.s32 v14, v26  }
0x1a7: {  	v26 =	vmul.u32 $0xE0, v26  }
0x1a8: {  	v27 =	vadd.s32 v53, v6  }
0x1a9: {  	v26 =	vadd.s32 v26, v27  }
0x1aa: {  	[tilespmem:$0x153D0] =	vst v26  }
0x1ab: {  	v26 =	vld [tilespmem:s4+$0x15BE0];
	_ =	sdelay $0x1  }
0x1ac: {  	v54 =	vld [tilespmem:s4+$0x167E0];
	_ =	sdelay $0x2  }
0x1ad: {  	v26 =	vadd.s32 v14, v26  }
0x1ae: {  	v26 =	vmul.u32 $0xE0, v26  }
0x1af: {  	v27 =	vadd.s32 v54, v7  }
0x1b0: {  	v26 =	vadd.s32 v26, v27  }
0x1b1: {  	[tilespmem:$0x153E0] =	vst v26  }
0x1b2: {  	v26 =	vld [tilespmem:s4+$0x15C00];
	_ =	sdelay $0x1  }
0x1b3: {  	v55 =	vld [tilespmem:s4+$0x16800];
	_ =	sdelay $0x2  }
0x1b4: {  	v26 =	vadd.s32 v15, v26  }
0x1b5: {  	v26 =	vmul.u32 $0xE0, v26  }
0x1b6: {  	v27 =	vadd.s32 v55, v1  }
0x1b7: {  	v26 =	vadd.s32 v26, v27  }
0x1b8: {  	[tilespmem:$0x15400] =	vst v26  }
0x1b9: {  	v26 =	vld [tilespmem:s4+$0x15C10];
	_ =	sdelay $0x1  }
0x1ba: {  	v56 =	vld [tilespmem:s4+$0x16810];
	_ =	sdelay $0x2  }
0x1bb: {  	v26 =	vadd.s32 v15, v26  }
0x1bc: {  	v26 =	vmul.u32 $0xE0, v26  }
0x1bd: {  	v27 =	vadd.s32 v56, v2  }
0x1be: {  	v26 =	vadd.s32 v26, v27  }
0x1bf: {  	[tilespmem:$0x15410] =	vst v26  }
0x1c0: {  	v26 =	vld [tilespmem:s4+$0x15C20];
	_ =	sdelay $0x1  }
0x1c1: {  	v57 =	vld [tilespmem:s4+$0x16820];
	_ =	sdelay $0x2  }
0x1c2: {  	v26 =	vadd.s32 v15, v26  }
0x1c3: {  	v26 =	vmul.u32 $0xE0, v26  }
0x1c4: {  	v27 =	vadd.s32 v57, v3  }
0x1c5: {  	v26 =	vadd.s32 v26, v27  }
0x1c6: {  	[tilespmem:$0x15420] =	vst v26  }
0x1c7: {  	v26 =	vld [tilespmem:s4+$0x15C30];
	_ =	sdelay $0x1  }
0x1c8: {  	v58 =	vld [tilespmem:s4+$0x16830];
	_ =	sdelay $0x2  }
0x1c9: {  	v26 =	vadd.s32 v15, v26  }
0x1ca: {  	v26 =	vmul.u32 $0xE0, v26  }
0x1cb: {  	v27 =	vadd.s32 v58, v4  }
0x1cc: {  	v26 =	vadd.s32 v26, v27  }
0x1cd: {  	[tilespmem:$0x15430] =	vst v26  }
0x1ce: {  	v26 =	vld [tilespmem:s4+$0x15C40];
	_ =	sdelay $0x1  }
0x1cf: {  	v59 =	vld [tilespmem:s4+$0x16840];
	_ =	sdelay $0x2  }
0x1d0: {  	v26 =	vadd.s32 v15, v26  }
0x1d1: {  	v26 =	vmul.u32 $0xE0, v26  }
0x1d2: {  	v27 =	vadd.s32 v59, v5  }
0x1d3: {  	v26 =	vadd.s32 v26, v27  }
0x1d4: {  	[tilespmem:$0x15440] =	vst v26  }
0x1d5: {  	v26 =	vld [tilespmem:s4+$0x15C50];
	_ =	sdelay $0x1  }
0x1d6: {  	v60 =	vld [tilespmem:s4+$0x16850];
	_ =	sdelay $0x2  }
0x1d7: {  	v26 =	vadd.s32 v15, v26  }
0x1d8: {  	v26 =	vmul.u32 $0xE0, v26  }
0x1d9: {  	v27 =	vadd.s32 v60, v6  }
0x1da: {  	v26 =	vadd.s32 v26, v27  }
0x1db: {  	[tilespmem:$0x15450] =	vst v26  }
0x1dc: {  	v26 =	vld [tilespmem:s4+$0x15C60];
	_ =	sdelay $0x1  }
0x1dd: {  	v61 =	vld [tilespmem:s4+$0x16860];
	_ =	sdelay $0x2  }
0x1de: {  	v26 =	vadd.s32 v15, v26  }
0x1df: {  	v26 =	vmul.u32 $0xE0, v26  }
0x1e0: {  	v27 =	vadd.s32 v61, v7  }
0x1e1: {  	v26 =	vadd.s32 v26, v27  }
0x1e2: {  	[tilespmem:$0x15460] =	vst v26  }
0x1e3: {  	v26 =	vld [tilespmem:s4+$0x15C80];
	_ =	sdelay $0x1  }
0x1e4: {  	v62 =	vld [tilespmem:s4+$0x16880];
	_ =	sdelay $0x2  }
0x1e5: {  	v26 =	vadd.s32 v16, v26  }
0x1e6: {  	v26 =	vmul.u32 $0xE0, v26  }
0x1e7: {  	v27 =	vadd.s32 v62, v1  }
0x1e8: {  	v26 =	vadd.s32 v26, v27  }
0x1e9: {  	[tilespmem:$0x15480] =	vst v26  }
0x1ea: {  	v26 =	vld [tilespmem:s4+$0x15C90];
	_ =	sdelay $0x1  }
0x1eb: {  	v63 =	vld [tilespmem:s4+$0x16890];
	_ =	sdelay $0x2  }
0x1ec: {  	v26 =	vadd.s32 v16, v26  }
0x1ed: {  	v26 =	vmul.u32 $0xE0, v26  }
0x1ee: {  	v27 =	vadd.s32 v63, v2  }
0x1ef: {  	v26 =	vadd.s32 v26, v27  }
0x1f0: {  	[tilespmem:$0x15490] =	vst v26  }
0x1f1: {  	v26 =	vld [tilespmem:s4+$0x15CA0];
	_ =	sdelay $0x1  }
0x1f2: {  	v30 =	vld [tilespmem:s4+$0x168A0];
	_ =	sdelay $0x2  }
0x1f3: {  	v26 =	vadd.s32 v16, v26  }
0x1f4: {  	v26 =	vmul.u32 $0xE0, v26  }
0x1f5: {  	v27 =	vadd.s32 v30, v3  }
0x1f6: {  	v26 =	vadd.s32 v26, v27  }
0x1f7: {  	[tilespmem:$0x154A0] =	vst v26  }
0x1f8: {  	v26 =	vld [tilespmem:s4+$0x15CB0];
	_ =	sdelay $0x1  }
0x1f9: {  	v31 =	vld [tilespmem:s4+$0x168B0];
	_ =	sdelay $0x2  }
0x1fa: {  	v26 =	vadd.s32 v16, v26  }
0x1fb: {  	v26 =	vmul.u32 $0xE0, v26  }
0x1fc: {  	v27 =	vadd.s32 v31, v4  }
0x1fd: {  	v26 =	vadd.s32 v26, v27  }
0x1fe: {  	[tilespmem:$0x154B0] =	vst v26  }
0x1ff: {  	v26 =	vld [tilespmem:s4+$0x15CC0];
	_ =	sdelay $0x1  }
0x200: {  	v32 =	vld [tilespmem:s4+$0x168C0];
	_ =	sdelay $0x2  }
0x201: {  	v26 =	vadd.s32 v16, v26  }
0x202: {  	v26 =	vmul.u32 $0xE0, v26  }
0x203: {  	v27 =	vadd.s32 v32, v5  }
0x204: {  	v26 =	vadd.s32 v26, v27  }
0x205: {  	[tilespmem:$0x154C0] =	vst v26  }
0x206: {  	v26 =	vld [tilespmem:s4+$0x15CD0];
	_ =	sdelay $0x1  }
0x207: {  	v33 =	vld [tilespmem:s4+$0x168D0];
	_ =	sdelay $0x2  }
0x208: {  	v26 =	vadd.s32 v16, v26  }
0x209: {  	v26 =	vmul.u32 $0xE0, v26  }
0x20a: {  	v27 =	vadd.s32 v33, v6  }
0x20b: {  	v26 =	vadd.s32 v26, v27  }
0x20c: {  	[tilespmem:$0x154D0] =	vst v26  }
0x20d: {  	v26 =	vld [tilespmem:s4+$0x15CE0];
	_ =	sdelay $0x1  }
0x20e: {  	v34 =	vld [tilespmem:s4+$0x168E0];
	_ =	sdelay $0x2  }
0x20f: {  	v26 =	vadd.s32 v16, v26  }
0x210: {  	v26 =	vmul.u32 $0xE0, v26  }
0x211: {  	v27 =	vadd.s32 v34, v7  }
0x212: {  	v26 =	vadd.s32 v26, v27  }
0x213: {  	[tilespmem:$0x154E0] =	vst v26  }
0x214: {  	v26 =	vld [tilespmem:s4+$0x15D00];
	_ =	sdelay $0x1  }
0x215: {  	v35 =	vld [tilespmem:s4+$0x16900];
	_ =	sdelay $0x2  }
0x216: {  	v26 =	vadd.s32 v17, v26  }
0x217: {  	v26 =	vmul.u32 $0xE0, v26  }
0x218: {  	v27 =	vadd.s32 v35, v1  }
0x219: {  	v26 =	vadd.s32 v26, v27  }
0x21a: {  	[tilespmem:$0x15500] =	vst v26  }
0x21b: {  	v26 =	vld [tilespmem:s4+$0x15D10];
	_ =	sdelay $0x1  }
0x21c: {  	v36 =	vld [tilespmem:s4+$0x16910];
	_ =	sdelay $0x2  }
0x21d: {  	v26 =	vadd.s32 v17, v26  }
0x21e: {  	v26 =	vmul.u32 $0xE0, v26  }
0x21f: {  	v27 =	vadd.s32 v36, v2  }
0x220: {  	v26 =	vadd.s32 v26, v27  }
0x221: {  	[tilespmem:$0x15510] =	vst v26  }
0x222: {  	v26 =	vld [tilespmem:s4+$0x15D20];
	_ =	sdelay $0x1  }
0x223: {  	v37 =	vld [tilespmem:s4+$0x16920];
	_ =	sdelay $0x2  }
0x224: {  	v26 =	vadd.s32 v17, v26  }
0x225: {  	v26 =	vmul.u32 $0xE0, v26  }
0x226: {  	v27 =	vadd.s32 v37, v3  }
0x227: {  	v26 =	vadd.s32 v26, v27  }
0x228: {  	[tilespmem:$0x15520] =	vst v26  }
0x229: {  	v26 =	vld [tilespmem:s4+$0x15D30];
	_ =	sdelay $0x1  }
0x22a: {  	v38 =	vld [tilespmem:s4+$0x16930];
	_ =	sdelay $0x2  }
0x22b: {  	v26 =	vadd.s32 v17, v26  }
0x22c: {  	v26 =	vmul.u32 $0xE0, v26  }
0x22d: {  	v27 =	vadd.s32 v38, v4  }
0x22e: {  	v26 =	vadd.s32 v26, v27  }
0x22f: {  	[tilespmem:$0x15530] =	vst v26  }
0x230: {  	v26 =	vld [tilespmem:s4+$0x15D40];
	_ =	sdelay $0x1  }
0x231: {  	v39 =	vld [tilespmem:s4+$0x16940];
	_ =	sdelay $0x2  }
0x232: {  	v26 =	vadd.s32 v17, v26  }
0x233: {  	v26 =	vmul.u32 $0xE0, v26  }
0x234: {  	v27 =	vadd.s32 v39, v5  }
0x235: {  	v26 =	vadd.s32 v26, v27  }
0x236: {  	[tilespmem:$0x15540] =	vst v26  }
0x237: {  	v26 =	vld [tilespmem:s4+$0x15D50];
	_ =	sdelay $0x1  }
0x238: {  	v40 =	vld [tilespmem:s4+$0x16950];
	_ =	sdelay $0x2  }
0x239: {  	v26 =	vadd.s32 v17, v26  }
0x23a: {  	v26 =	vmul.u32 $0xE0, v26  }
0x23b: {  	v27 =	vadd.s32 v40, v6  }
0x23c: {  	v26 =	vadd.s32 v26, v27  }
0x23d: {  	[tilespmem:$0x15550] =	vst v26  }
0x23e: {  	v26 =	vld [tilespmem:s4+$0x15D60];
	_ =	sdelay $0x1  }
0x23f: {  	v41 =	vld [tilespmem:s4+$0x16960];
	_ =	sdelay $0x2  }
0x240: {  	v26 =	vadd.s32 v17, v26  }
0x241: {  	v26 =	vmul.u32 $0xE0, v26  }
0x242: {  	v27 =	vadd.s32 v41, v7  }
0x243: {  	v26 =	vadd.s32 v26, v27  }
0x244: {  	[tilespmem:$0x15560] =	vst v26  }
0x245: {  	v26 =	vld [tilespmem:s4+$0x15D80];
	_ =	sdelay $0x1  }
0x246: {  	v42 =	vld [tilespmem:s4+$0x16980];
	_ =	sdelay $0x2  }
0x247: {  	v26 =	vadd.s32 v18, v26  }
0x248: {  	v26 =	vmul.u32 $0xE0, v26  }
0x249: {  	v27 =	vadd.s32 v42, v1  }
0x24a: {  	v26 =	vadd.s32 v26, v27  }
0x24b: {  	[tilespmem:$0x15580] =	vst v26  }
0x24c: {  	v26 =	vld [tilespmem:s4+$0x15D90];
	_ =	sdelay $0x1  }
0x24d: {  	v43 =	vld [tilespmem:s4+$0x16990];
	_ =	sdelay $0x2  }
0x24e: {  	v26 =	vadd.s32 v18, v26  }
0x24f: {  	v26 =	vmul.u32 $0xE0, v26  }
0x250: {  	v27 =	vadd.s32 v43, v2  }
0x251: {  	v26 =	vadd.s32 v26, v27  }
0x252: {  	[tilespmem:$0x15590] =	vst v26  }
0x253: {  	v26 =	vld [tilespmem:s4+$0x15DA0];
	_ =	sdelay $0x1  }
0x254: {  	v44 =	vld [tilespmem:s4+$0x169A0];
	_ =	sdelay $0x2  }
0x255: {  	v26 =	vadd.s32 v18, v26  }
0x256: {  	v26 =	vmul.u32 $0xE0, v26  }
0x257: {  	v27 =	vadd.s32 v44, v3  }
0x258: {  	v26 =	vadd.s32 v26, v27  }
0x259: {  	[tilespmem:$0x155A0] =	vst v26  }
0x25a: {  	v26 =	vld [tilespmem:s4+$0x15DB0];
	_ =	sdelay $0x1  }
0x25b: {  	v45 =	vld [tilespmem:s4+$0x169B0];
	_ =	sdelay $0x2  }
0x25c: {  	v26 =	vadd.s32 v18, v26  }
0x25d: {  	v26 =	vmul.u32 $0xE0, v26  }
0x25e: {  	v27 =	vadd.s32 v45, v4  }
0x25f: {  	v26 =	vadd.s32 v26, v27  }
0x260: {  	[tilespmem:$0x155B0] =	vst v26  }
0x261: {  	v26 =	vld [tilespmem:s4+$0x15DC0];
	_ =	sdelay $0x1  }
0x262: {  	v46 =	vld [tilespmem:s4+$0x169C0];
	_ =	sdelay $0x2  }
0x263: {  	v26 =	vadd.s32 v18, v26  }
0x264: {  	v26 =	vmul.u32 $0xE0, v26  }
0x265: {  	v27 =	vadd.s32 v46, v5  }
0x266: {  	v26 =	vadd.s32 v26, v27  }
0x267: {  	[tilespmem:$0x155C0] =	vst v26  }
0x268: {  	v26 =	vld [tilespmem:s4+$0x15DD0];
	_ =	sdelay $0x1  }
0x269: {  	v47 =	vld [tilespmem:s4+$0x169D0];
	_ =	sdelay $0x2  }
0x26a: {  	v26 =	vadd.s32 v18, v26  }
0x26b: {  	v26 =	vmul.u32 $0xE0, v26  }
0x26c: {  	v27 =	vadd.s32 v47, v6  }
0x26d: {  	v26 =	vadd.s32 v26, v27  }
0x26e: {  	[tilespmem:$0x155D0] =	vst v26  }
0x26f: {  	v26 =	vld [tilespmem:s4+$0x15DE0];
	_ =	sdelay $0x1  }
0x270: {  	v48 =	vld [tilespmem:s4+$0x169E0];
	_ =	sdelay $0x2  }
0x271: {  	v26 =	vadd.s32 v18, v26  }
0x272: {  	v26 =	vmul.u32 $0xE0, v26  }
0x273: {  	v27 =	vadd.s32 v48, v7  }
0x274: {  	v26 =	vadd.s32 v26, v27  }
0x275: {  	[tilespmem:$0x155E0] =	vst v26  }
0x276: {  	v26 =	vld [tilespmem:s4+$0x15E00];
	_ =	sdelay $0x1  }
0x277: {  	v49 =	vld [tilespmem:s4+$0x16A00];
	_ =	sdelay $0x2  }
0x278: {  	v26 =	vadd.s32 v19, v26  }
0x279: {  	v26 =	vmul.u32 $0xE0, v26  }
0x27a: {  	v27 =	vadd.s32 v49, v1  }
0x27b: {  	v26 =	vadd.s32 v26, v27  }
0x27c: {  	[tilespmem:$0x15600] =	vst v26  }
0x27d: {  	v26 =	vld [tilespmem:s4+$0x15E10];
	_ =	sdelay $0x1  }
0x27e: {  	v50 =	vld [tilespmem:s4+$0x16A10];
	_ =	sdelay $0x2  }
0x27f: {  	v26 =	vadd.s32 v19, v26  }
0x280: {  	v26 =	vmul.u32 $0xE0, v26  }
0x281: {  	v27 =	vadd.s32 v50, v2  }
0x282: {  	v26 =	vadd.s32 v26, v27  }
0x283: {  	[tilespmem:$0x15610] =	vst v26  }
0x284: {  	v26 =	vld [tilespmem:s4+$0x15E20];
	_ =	sdelay $0x1  }
0x285: {  	v51 =	vld [tilespmem:s4+$0x16A20];
	_ =	sdelay $0x2  }
0x286: {  	v26 =	vadd.s32 v19, v26  }
0x287: {  	v26 =	vmul.u32 $0xE0, v26  }
0x288: {  	v27 =	vadd.s32 v51, v3  }
0x289: {  	v26 =	vadd.s32 v26, v27  }
0x28a: {  	[tilespmem:$0x15620] =	vst v26  }
0x28b: {  	v26 =	vld [tilespmem:s4+$0x15E30];
	_ =	sdelay $0x1  }
0x28c: {  	v52 =	vld [tilespmem:s4+$0x16A30];
	_ =	sdelay $0x2  }
0x28d: {  	v26 =	vadd.s32 v19, v26  }
0x28e: {  	v26 =	vmul.u32 $0xE0, v26  }
0x28f: {  	v27 =	vadd.s32 v52, v4  }
0x290: {  	v26 =	vadd.s32 v26, v27  }
0x291: {  	[tilespmem:$0x15630] =	vst v26  }
0x292: {  	v26 =	vld [tilespmem:s4+$0x15E40];
	_ =	sdelay $0x1  }
0x293: {  	v53 =	vld [tilespmem:s4+$0x16A40];
	_ =	sdelay $0x2  }
0x294: {  	v26 =	vadd.s32 v19, v26  }
0x295: {  	v26 =	vmul.u32 $0xE0, v26  }
0x296: {  	v27 =	vadd.s32 v53, v5  }
0x297: {  	v26 =	vadd.s32 v26, v27  }
0x298: {  	[tilespmem:$0x15640] =	vst v26  }
0x299: {  	v26 =	vld [tilespmem:s4+$0x15E50];
	_ =	sdelay $0x1  }
0x29a: {  	v54 =	vld [tilespmem:s4+$0x16A50];
	_ =	sdelay $0x2  }
0x29b: {  	v26 =	vadd.s32 v19, v26  }
0x29c: {  	v26 =	vmul.u32 $0xE0, v26  }
0x29d: {  	v27 =	vadd.s32 v54, v6  }
0x29e: {  	v26 =	vadd.s32 v26, v27  }
0x29f: {  	[tilespmem:$0x15650] =	vst v26  }
0x2a0: {  	v26 =	vld [tilespmem:s4+$0x15E60];
	_ =	sdelay $0x1  }
0x2a1: {  	v55 =	vld [tilespmem:s4+$0x16A60];
	_ =	sdelay $0x2  }
0x2a2: {  	v26 =	vadd.s32 v19, v26  }
0x2a3: {  	v26 =	vmul.u32 $0xE0, v26  }
0x2a4: {  	v27 =	vadd.s32 v55, v7  }
0x2a5: {  	v26 =	vadd.s32 v26, v27  }
0x2a6: {  	[tilespmem:$0x15660] =	vst v26  }
0x2a7: {  	v26 =	vld [tilespmem:s4+$0x15E80];
	_ =	sdelay $0x1  }
0x2a8: {  	v56 =	vld [tilespmem:s4+$0x16A80];
	_ =	sdelay $0x2  }
0x2a9: {  	v26 =	vadd.s32 v20, v26  }
0x2aa: {  	v26 =	vmul.u32 $0xE0, v26  }
0x2ab: {  	v27 =	vadd.s32 v56, v1  }
0x2ac: {  	v26 =	vadd.s32 v26, v27  }
0x2ad: {  	[tilespmem:$0x15680] =	vst v26  }
0x2ae: {  	v26 =	vld [tilespmem:s4+$0x15E90];
	_ =	sdelay $0x1  }
0x2af: {  	v57 =	vld [tilespmem:s4+$0x16A90];
	_ =	sdelay $0x2  }
0x2b0: {  	v26 =	vadd.s32 v20, v26  }
0x2b1: {  	v26 =	vmul.u32 $0xE0, v26  }
0x2b2: {  	v27 =	vadd.s32 v57, v2  }
0x2b3: {  	v26 =	vadd.s32 v26, v27  }
0x2b4: {  	[tilespmem:$0x15690] =	vst v26  }
0x2b5: {  	v26 =	vld [tilespmem:s4+$0x15EA0];
	_ =	sdelay $0x1  }
0x2b6: {  	v58 =	vld [tilespmem:s4+$0x16AA0];
	_ =	sdelay $0x2  }
0x2b7: {  	v26 =	vadd.s32 v20, v26  }
0x2b8: {  	v26 =	vmul.u32 $0xE0, v26  }
0x2b9: {  	v27 =	vadd.s32 v58, v3  }
0x2ba: {  	v26 =	vadd.s32 v26, v27  }
0x2bb: {  	[tilespmem:$0x156A0] =	vst v26  }
0x2bc: {  	v26 =	vld [tilespmem:s4+$0x15EB0];
	_ =	sdelay $0x1  }
0x2bd: {  	v59 =	vld [tilespmem:s4+$0x16AB0];
	_ =	sdelay $0x2  }
0x2be: {  	v26 =	vadd.s32 v20, v26  }
0x2bf: {  	v26 =	vmul.u32 $0xE0, v26  }
0x2c0: {  	v27 =	vadd.s32 v59, v4  }
0x2c1: {  	v26 =	vadd.s32 v26, v27  }
0x2c2: {  	[tilespmem:$0x156B0] =	vst v26  }
0x2c3: {  	v26 =	vld [tilespmem:s4+$0x15EC0];
	_ =	sdelay $0x1  }
0x2c4: {  	v60 =	vld [tilespmem:s4+$0x16AC0];
	_ =	sdelay $0x2  }
0x2c5: {  	v26 =	vadd.s32 v20, v26  }
0x2c6: {  	v26 =	vmul.u32 $0xE0, v26  }
0x2c7: {  	v27 =	vadd.s32 v60, v5  }
0x2c8: {  	v26 =	vadd.s32 v26, v27  }
0x2c9: {  	[tilespmem:$0x156C0] =	vst v26  }
0x2ca: {  	v26 =	vld [tilespmem:s4+$0x15ED0];
	_ =	sdelay $0x1  }
0x2cb: {  	v61 =	vld [tilespmem:s4+$0x16AD0];
	_ =	sdelay $0x2  }
0x2cc: {  	v26 =	vadd.s32 v20, v26  }
0x2cd: {  	v26 =	vmul.u32 $0xE0, v26  }
0x2ce: {  	v27 =	vadd.s32 v61, v6  }
0x2cf: {  	v26 =	vadd.s32 v26, v27  }
0x2d0: {  	v25 =	vshrl.u32 v25, $0x3;
	[tilespmem:$0x156D0] =	vst v26  }
0x2d1: {  	v25 =	vmul.u32 $0x18, v25;
	v26 =	vld [tilespmem:s4+$0x15EE0]  }
0x2d2: {  	v24 =	vand.u32 $0x7, v24  }
0x2d3: {  	v24 =	vor.u32 v24, v25;
	v62 =	vld [tilespmem:s4+$0x16AE0]  }
0x2d4: {  	v25 =	vperm.xlane v24, v21;
	_ =	sdelay $0x1  }
0x2d5: {  	v25 =	vadd.s32 v22, v25;
	v26 =	vadd.s32 v20, v26  }
0x2d6: {  	v26 =	vmul.u32 $0xE0, v26  }
0x2d7: {  	v24 =	vperm.xlane v24, v23;
	v27 =	vadd.s32 v62, v7  }
0x2d8: {  	v26 =	vadd.s32 v26, v27  }
0x2d9: {  	v24 =	vadd.s32 v22, v24;
	[tilespmem:$0x156E0] =	vst v26  }
0x2da: {  	[tilespmem:s3], [sflag:$0x1] =	stream.indirect_vreg.gather [hbm4b:s1+s3], $0x80, v25, vm0, $0xb8;
	[tilespmem:$0x17000] =	vst v63  }
0x2db: {  	s0 =	simm.s32 $0x800  }
0x2dc: {  	[tilespmem:s0], [sflag:$0x1] =	stream.indirect_vreg.gather [hbm4b:s6+s3], $0x80, v25, vm1, $0xb8;
	[tilespmem:$0x17000] =	vst v63  }
0x2dd: {  	s23 =	simm.s32 $0xC00  }
0x2de: {  	[tilespmem:s23], [sflag:$0x1] =	stream.indirect_vreg.gather [hbm4b:s1+s3], $0x80, v24, vm0, $0xb8;
	[tilespmem:$0x17000] =	vst v63  }
0x2df: {  	s24 =	simm.s32 $0x1400  }
0x2e0: {  	[tilespmem:s24], [sflag:$0x1] =	stream.indirect_vreg.gather [hbm4b:s6+s3], $0x80, v24, vm1, $0xb8;
	[tilespmem:$0x17000] =	vst v63  }
0x2e1: {  	v24 =	vld [tilespmem:$0x15010];
	_ =	sdelay $0x4  }
0x2e2: {  	v63 =	vshrl.u32 v24, $0x3  }
0x2e3: {  	v25 =	vmul.u32 $0x18, v63  }
0x2e4: {  	v24 =	vand.u32 $0x7, v24  }
0x2e5: {  	v24 =	vor.u32 v24, v25  }
0x2e6: {  	v25 =	vperm.xlane v24, v21;
	_ =	sdelay $0x1  }
0x2e7: {  	v25 =	vadd.s32 v22, v25;
	_ =	sdelay $0x1  }
0x2e8: {  	v24 =	vperm.xlane v24, v23;
	_ =	sdelay $0x1  }
0x2e9: {  	s25 =	simm.s32 $0x1800;
	v24 =	vadd.s32 v22, v24  }
0x2ea: {  	[tilespmem:s25], [sflag:$0x1] =	stream.indirect_vreg.gather [hbm4b:s1+s3], $0x80, v25, vm0, $0xb8;
	[tilespmem:$0x17000] =	vst v63  }
0x2eb: {  	s26 =	simm.s32 $0x2000  }
0x2ec: {  	[tilespmem:s26], [sflag:$0x1] =	stream.indirect_vreg.gather [hbm4b:s6+s3], $0x80, v25, vm1, $0xb8;
	[tilespmem:$0x17000] =	vst v63  }
0x2ed: {  	s28 =	simm.s32 $0x2400  }
0x2ee: {  	[tilespmem:s28], [sflag:$0x1] =	stream.indirect_vreg.gather [hbm4b:s1+s3], $0x80, v24, vm0, $0xb8;
	[tilespmem:$0x17000] =	vst v63  }
0x2ef: {  	s29 =	simm.s32 $0x2C00  }
0x2f0: {  	[tilespmem:s29], [sflag:$0x1] =	stream.indirect_vreg.gather [hbm4b:s6+s3], $0x80, v24, vm1, $0xb8;
	[tilespmem:$0x17000] =	vst v63  }
0x2f1: {  	v24 =	vld [tilespmem:$0x15020];
	_ =	sdelay $0x4  }
0x2f2: {  	v28 =	vshrl.u32 v24, $0x3  }
0x2f3: {  	v25 =	vmul.u32 $0x18, v28  }
0x2f4: {  	v24 =	vand.u32 $0x7, v24  }
0x2f5: {  	v24 =	vor.u32 v24, v25  }
0x2f6: {  	v25 =	vperm.xlane v24, v21;
	_ =	sdelay $0x1  }
0x2f7: {  	v25 =	vadd.s32 v22, v25;
	_ =	sdelay $0x1  }
0x2f8: {  	v24 =	vperm.xlane v24, v23;
	_ =	sdelay $0x1  }
0x2f9: {  	s30 =	simm.s32 $0x3000;
	v24 =	vadd.s32 v22, v24  }
0x2fa: {  	[tilespmem:s30], [sflag:$0x1] =	stream.indirect_vreg.gather [hbm4b:s1+s3], $0x80, v25, vm0, $0xb8;
	[tilespmem:$0x17000] =	vst v63  }
0x2fb: {  	s31 =	simm.s32 $0x3800  }
0x2fc: {  	[tilespmem:s31], [sflag:$0x1] =	stream.indirect_vreg.gather [hbm4b:s6+s3], $0x80, v25, vm1, $0xb8;
	[tilespmem:$0x17000] =	vst v63  }
0x2fd: {  	s2 =	simm.s32 $0x3C00  }
0x2fe: {  	[tilespmem:s2], [sflag:$0x1] =	stream.indirect_vreg.gather [hbm4b:s1+s3], $0x80, v24, vm0, $0xb8;
	[tilespmem:$0x17000] =	vst v63  }
0x2ff: {  	s7 =	simm.s32 $0x4400  }
0x300: {  	[tilespmem:s7], [sflag:$0x1] =	stream.indirect_vreg.gather [hbm4b:s6+s3], $0x80, v24, vm1, $0xb8;
	[tilespmem:$0x17000] =	vst v63  }
0x301: {  	v24 =	vld [tilespmem:$0x15030];
	_ =	sdelay $0x4  }
0x302: {  	v29 =	vshrl.u32 v24, $0x3  }
0x303: {  	v25 =	vmul.u32 $0x18, v29  }
0x304: {  	v24 =	vand.u32 $0x7, v24  }
0x305: {  	v24 =	vor.u32 v24, v25  }
0x306: {  	v25 =	vperm.xlane v24, v21;
	_ =	sdelay $0x1  }
0x307: {  	v25 =	vadd.s32 v22, v25;
	_ =	sdelay $0x1  }
0x308: {  	v24 =	vperm.xlane v24, v23;
	_ =	sdelay $0x1  }
0x309: {  	s8 =	simm.s32 $0x4800;
	v24 =	vadd.s32 v22, v24  }
0x30a: {  	[tilespmem:s8], [sflag:$0x1] =	stream.indirect_vreg.gather [hbm4b:s1+s3], $0x80, v25, vm0, $0xb8;
	[tilespmem:$0x17000] =	vst v63  }
0x30b: {  	s9 =	simm.s32 $0x5000  }
0x30c: {  	[tilespmem:s9], [sflag:$0x1] =	stream.indirect_vreg.gather [hbm4b:s6+s3], $0x80, v25, vm1, $0xb8;
	[tilespmem:$0x17000] =	vst v63  }
0x30d: {  	s10 =	simm.s32 $0x5400  }
0x30e: {  	[tilespmem:s10], [sflag:$0x1] =	stream.indirect_vreg.gather [hbm4b:s1+s3], $0x80, v24, vm0, $0xb8;
	[tilespmem:$0x17000] =	vst v63  }
0x30f: {  	s11 =	simm.s32 $0x5C00  }
0x310: {  	[tilespmem:s11], [sflag:$0x1] =	stream.indirect_vreg.gather [hbm4b:s6+s3], $0x80, v24, vm1, $0xb8;
	[tilespmem:$0x17000] =	vst v63  }
0x311: {  	v24 =	vld [tilespmem:$0x15040];
	_ =	sdelay $0x4  }
0x312: {  	v30 =	vshrl.u32 v24, $0x3  }
0x313: {  	v25 =	vmul.u32 $0x18, v30  }
0x314: {  	v24 =	vand.u32 $0x7, v24  }
0x315: {  	v24 =	vor.u32 v24, v25  }
0x316: {  	v25 =	vperm.xlane v24, v21;
	_ =	sdelay $0x1  }
0x317: {  	v25 =	vadd.s32 v22, v25;
	_ =	sdelay $0x1  }
0x318: {  	v24 =	vperm.xlane v24, v23;
	_ =	sdelay $0x1  }
0x319: {  	s12 =	simm.s32 $0x6000;
	v24 =	vadd.s32 v22, v24  }
0x31a: {  	[tilespmem:s12], [sflag:$0x1] =	stream.indirect_vreg.gather [hbm4b:s1+s3], $0x80, v25, vm0, $0xb8;
	[tilespmem:$0x17000] =	vst v63  }
0x31b: {  	s15 =	simm.s32 $0x6800  }
0x31c: {  	[tilespmem:s15], [sflag:$0x1] =	stream.indirect_vreg.gather [hbm4b:s6+s3], $0x80, v25, vm1, $0xb8;
	[tilespmem:$0x17000] =	vst v63  }
0x31d: {  	s17 =	simm.s32 $0x6C00  }
0x31e: {  	[tilespmem:s17], [sflag:$0x1] =	stream.indirect_vreg.gather [hbm4b:s1+s3], $0x80, v24, vm0, $0xb8;
	[tilespmem:$0x17000] =	vst v63  }
0x31f: {  	s18 =	simm.s32 $0x7400  }
0x320: {  	[tilespmem:s18], [sflag:$0x1] =	stream.indirect_vreg.gather [hbm4b:s6+s3], $0x80, v24, vm1, $0xb8;
	[tilespmem:$0x17000] =	vst v63  }
0x321: {  	v24 =	vld [tilespmem:$0x15050];
	_ =	sdelay $0x4  }
0x322: {  	v31 =	vshrl.u32 v24, $0x3  }
0x323: {  	v25 =	vmul.u32 $0x18, v31  }
0x324: {  	v24 =	vand.u32 $0x7, v24  }
0x325: {  	v24 =	vor.u32 v24, v25  }
0x326: {  	v25 =	vperm.xlane v24, v21;
	_ =	sdelay $0x1  }
0x327: {  	v25 =	vadd.s32 v22, v25;
	_ =	sdelay $0x1  }
0x328: {  	v24 =	vperm.xlane v24, v23;
	_ =	sdelay $0x1  }
0x329: {  	s19 =	simm.s32 $0x7800;
	v24 =	vadd.s32 v22, v24  }
0x32a: {  	[tilespmem:s19], [sflag:$0x1] =	stream.indirect_vreg.gather [hbm4b:s1+s3], $0x80, v25, vm0, $0xb8;
	[tilespmem:$0x17000] =	vst v63  }
0x32b: {  	s20 =	simm.s32 $0x8000  }
0x32c: {  	[tilespmem:s20], [sflag:$0x1] =	stream.indirect_vreg.gather [hbm4b:s6+s3], $0x80, v25, vm1, $0xb8;
	[tilespmem:$0x17000] =	vst v63  }
0x32d: {  	s22 =	simm.s32 $0x8400  }
0x32e: {  	[tilespmem:s22], [sflag:$0x1] =	stream.indirect_vreg.gather [hbm4b:s1+s3], $0x80, v24, vm0, $0xb8;
	[tilespmem:$0x17000] =	vst v63  }
0x32f: {  	s23 =	simm.s32 $0x8C00  }
0x330: {  	[tilespmem:s23], [sflag:$0x1] =	stream.indirect_vreg.gather [hbm4b:s6+s3], $0x80, v24, vm1, $0xb8;
	[tilespmem:$0x17000] =	vst v63  }
0x331: {  	v24 =	vld [tilespmem:$0x15060];
	_ =	sdelay $0x4  }
0x332: {  	v32 =	vshrl.u32 v24, $0x3  }
0x333: {  	v25 =	vmul.u32 $0x18, v32  }
0x334: {  	v24 =	vand.u32 $0x7, v24  }
0x335: {  	v24 =	vor.u32 v24, v25  }
0x336: {  	v25 =	vperm.xlane v24, v21;
	_ =	sdelay $0x1  }
0x337: {  	v25 =	vadd.s32 v22, v25;
	_ =	sdelay $0x1  }
0x338: {  	v24 =	vperm.xlane v24, v23;
	_ =	sdelay $0x1  }
0x339: {  	s25 =	simm.s32 $0x9000;
	v24 =	vadd.s32 v22, v24  }
0x33a: {  	[tilespmem:s25], [sflag:$0x1] =	stream.indirect_vreg.gather [hbm4b:s1+s3], $0x80, v25, vm0, $0xb8;
	[tilespmem:$0x17000] =	vst v63  }
0x33b: {  	s26 =	simm.s32 $0x9800  }
0x33c: {  	[tilespmem:s26], [sflag:$0x1] =	stream.indirect_vreg.gather [hbm4b:s6+s3], $0x80, v25, vm1, $0xb8;
	[tilespmem:$0x17000] =	vst v63  }
0x33d: {  	s28 =	simm.s32 $0x9C00  }
0x33e: {  	[tilespmem:s28], [sflag:$0x1] =	stream.indirect_vreg.gather [hbm4b:s1+s3], $0x80, v24, vm0, $0xb8;
	[tilespmem:$0x17000] =	vst v63  }
0x33f: {  	s29 =	simm.s32 $0xA400  }
0x340: {  	[tilespmem:s29], [sflag:$0x1] =	stream.indirect_vreg.gather [hbm4b:s6+s3], $0x80, v24, vm1, $0xb8;
	[tilespmem:$0x17000] =	vst v63  }
0x341: {  	v24 =	vld [tilespmem:$0x15080];
	_ =	sdelay $0x4  }
0x342: {  	v33 =	vshrl.u32 v24, $0x3  }
0x343: {  	v25 =	vmul.u32 $0x18, v33  }
0x344: {  	v24 =	vand.u32 $0x7, v24  }
0x345: {  	v24 =	vor.u32 v24, v25  }
0x346: {  	v25 =	vperm.xlane v24, v21;
	_ =	sdelay $0x1  }
0x347: {  	v25 =	vadd.s32 v22, v25;
	_ =	sdelay $0x1  }
0x348: {  	v24 =	vperm.xlane v24, v23;
	_ =	sdelay $0x1  }
0x349: {  	s18 =	simm.s32 $0xA800;
	v24 =	vadd.s32 v22, v24  }
0x34a: {  	[tilespmem:s18], [sflag:$0x2] =	stream.indirect_vreg.gather [hbm4b:s1+s3], $0x80, v25, vm0, $0xb8;
	[tilespmem:$0x17000] =	vst v63  }
0x34b: {  	s30 =	simm.s32 $0xB000  }
0x34c: {  	[tilespmem:s30], [sflag:$0x2] =	stream.indirect_vreg.gather [hbm4b:s6+s3], $0x80, v25, vm1, $0xb8;
	[tilespmem:$0x17000] =	vst v63  }
0x34d: {  	s31 =	simm.s32 $0xB400  }
0x34e: {  	[tilespmem:s31], [sflag:$0x2] =	stream.indirect_vreg.gather [hbm4b:s1+s3], $0x80, v24, vm0, $0xb8;
	[tilespmem:$0x17000] =	vst v63  }
0x34f: {  	s2 =	simm.s32 $0xBC00  }
0x350: {  	[tilespmem:s2], [sflag:$0x2] =	stream.indirect_vreg.gather [hbm4b:s6+s3], $0x80, v24, vm1, $0xb8;
	[tilespmem:$0x17000] =	vst v63  }
0x351: {  	v24 =	vld [tilespmem:$0x15090];
	_ =	sdelay $0x4  }
0x352: {  	v34 =	vshrl.u32 v24, $0x3  }
0x353: {  	v25 =	vmul.u32 $0x18, v34  }
0x354: {  	v24 =	vand.u32 $0x7, v24  }
0x355: {  	v24 =	vor.u32 v24, v25  }
0x356: {  	v25 =	vperm.xlane v24, v21;
	_ =	sdelay $0x1  }
0x357: {  	v25 =	vadd.s32 v22, v25;
	_ =	sdelay $0x1  }
0x358: {  	v24 =	vperm.xlane v24, v23;
	_ =	sdelay $0x1  }
0x359: {  	s11 =	simm.s32 $0xC000;
	v24 =	vadd.s32 v22, v24  }
0x35a: {  	[tilespmem:s11], [sflag:$0x2] =	stream.indirect_vreg.gather [hbm4b:s1+s3], $0x80, v25, vm0, $0xb8;
	[tilespmem:$0x17000] =	vst v63  }
0x35b: {  	s12 =	simm.s32 $0xC800  }
0x35c: {  	[tilespmem:s12], [sflag:$0x2] =	stream.indirect_vreg.gather [hbm4b:s6+s3], $0x80, v25, vm1, $0xb8;
	[tilespmem:$0x17000] =	vst v63  }
0x35d: {  	s15 =	simm.s32 $0xCC00  }
0x35e: {  	[tilespmem:s15], [sflag:$0x2] =	stream.indirect_vreg.gather [hbm4b:s1+s3], $0x80, v24, vm0, $0xb8;
	[tilespmem:$0x17000] =	vst v63  }
0x35f: {  	s20 =	simm.s32 $0xD400  }
0x360: {  	[tilespmem:s20], [sflag:$0x2] =	stream.indirect_vreg.gather [hbm4b:s6+s3], $0x80, v24, vm1, $0xb8;
	[tilespmem:$0x17000] =	vst v63  }
0x361: {  	v24 =	vld [tilespmem:$0x150A0];
	_ =	sdelay $0x4  }
0x362: {  	v35 =	vshrl.u32 v24, $0x3  }
0x363: {  	v25 =	vmul.u32 $0x18, v35  }
0x364: {  	v24 =	vand.u32 $0x7, v24  }
0x365: {  	v24 =	vor.u32 v24, v25  }
0x366: {  	v25 =	vperm.xlane v24, v21;
	_ =	sdelay $0x1  }
0x367: {  	v25 =	vadd.s32 v22, v25;
	_ =	sdelay $0x1  }
0x368: {  	v24 =	vperm.xlane v24, v23;
	_ =	sdelay $0x1  }
0x369: {  	s22 =	simm.s32 $0xD800;
	v24 =	vadd.s32 v22, v24  }
0x36a: {  	[tilespmem:s22], [sflag:$0x2] =	stream.indirect_vreg.gather [hbm4b:s1+s3], $0x80, v25, vm0, $0xb8;
	[tilespmem:$0x17000] =	vst v63  }
0x36b: {  	s23 =	simm.s32 $0xE000  }
0x36c: {  	[tilespmem:s23], [sflag:$0x2] =	stream.indirect_vreg.gather [hbm4b:s6+s3], $0x80, v25, vm1, $0xb8;
	[tilespmem:$0x17000] =	vst v63  }
0x36d: {  	s25 =	simm.s32 $0xE400  }
0x36e: {  	[tilespmem:s25], [sflag:$0x2] =	stream.indirect_vreg.gather [hbm4b:s1+s3], $0x80, v24, vm0, $0xb8;
	[tilespmem:$0x17000] =	vst v63  }
0x36f: {  	s26 =	simm.s32 $0xEC00  }
0x370: {  	[tilespmem:s26], [sflag:$0x2] =	stream.indirect_vreg.gather [hbm4b:s6+s3], $0x80, v24, vm1, $0xb8;
	[tilespmem:$0x17000] =	vst v63  }
0x371: {  	v24 =	vld [tilespmem:$0x150B0];
	_ =	sdelay $0x4  }
0x372: {  	v36 =	vshrl.u32 v24, $0x3  }
0x373: {  	v25 =	vmul.u32 $0x18, v36  }
0x374: {  	v24 =	vand.u32 $0x7, v24  }
0x375: {  	v24 =	vor.u32 v24, v25  }
0x376: {  	v25 =	vperm.xlane v24, v21;
	_ =	sdelay $0x1  }
0x377: {  	v25 =	vadd.s32 v22, v25;
	_ =	sdelay $0x1  }
0x378: {  	v24 =	vperm.xlane v24, v23;
	_ =	sdelay $0x1  }
0x379: {  	s28 =	simm.s32 $0xF000;
	v24 =	vadd.s32 v22, v24  }
0x37a: {  	[tilespmem:s28], [sflag:$0x2] =	stream.indirect_vreg.gather [hbm4b:s1+s3], $0x80, v25, vm0, $0xb8;
	[tilespmem:$0x17000] =	vst v63  }
0x37b: {  	s29 =	simm.s32 $0xF800  }
0x37c: {  	[tilespmem:s29], [sflag:$0x2] =	stream.indirect_vreg.gather [hbm4b:s6+s3], $0x80, v25, vm1, $0xb8;
	[tilespmem:$0x17000] =	vst v63  }
0x37d: {  	s30 =	simm.s32 $0xFC00  }
0x37e: {  	[tilespmem:s30], [sflag:$0x2] =	stream.indirect_vreg.gather [hbm4b:s1+s3], $0x80, v24, vm0, $0xb8;
	[tilespmem:$0x17000] =	vst v63  }
0x37f: {  	s31 =	simm.s32 $0x10400  }
0x380: {  	[tilespmem:s31], [sflag:$0x2] =	stream.indirect_vreg.gather [hbm4b:s6+s3], $0x80, v24, vm1, $0xb8;
	[tilespmem:$0x17000] =	vst v63  }
0x381: {  	v24 =	vld [tilespmem:$0x150C0];
	_ =	sdelay $0x4  }
0x382: {  	v37 =	vshrl.u32 v24, $0x3  }
0x383: {  	v25 =	vmul.u32 $0x18, v37  }
0x384: {  	v24 =	vand.u32 $0x7, v24  }
0x385: {  	v24 =	vor.u32 v24, v25  }
0x386: {  	v25 =	vperm.xlane v24, v21;
	_ =	sdelay $0x1  }
0x387: {  	v25 =	vadd.s32 v22, v25;
	_ =	sdelay $0x1  }
0x388: {  	v24 =	vperm.xlane v24, v23;
	_ =	sdelay $0x1  }
0x389: {  	s2 =	simm.s32 $0x10800;
	v24 =	vadd.s32 v22, v24  }
0x38a: {  	[tilespmem:s2], [sflag:$0x2] =	stream.indirect_vreg.gather [hbm4b:s1+s3], $0x80, v25, vm0, $0xb8;
	[tilespmem:$0x17000] =	vst v63  }
0x38b: {  	s11 =	simm.s32 $0x11000  }
0x38c: {  	[tilespmem:s11], [sflag:$0x2] =	stream.indirect_vreg.gather [hbm4b:s6+s3], $0x80, v25, vm1, $0xb8;
	[tilespmem:$0x17000] =	vst v63  }
0x38d: {  	s12 =	simm.s32 $0x11400  }
0x38e: {  	[tilespmem:s12], [sflag:$0x2] =	stream.indirect_vreg.gather [hbm4b:s1+s3], $0x80, v24, vm0, $0xb8;
	[tilespmem:$0x17000] =	vst v63  }
0x38f: {  	s15 =	simm.s32 $0x11C00  }
0x390: {  	[tilespmem:s15], [sflag:$0x2] =	stream.indirect_vreg.gather [hbm4b:s6+s3], $0x80, v24, vm1, $0xb8;
	[tilespmem:$0x17000] =	vst v63  }
0x391: {  	v24 =	vld [tilespmem:$0x150D0];
	_ =	sdelay $0x4  }
0x392: {  	v38 =	vshrl.u32 v24, $0x3  }
0x393: {  	v25 =	vmul.u32 $0x18, v38  }
0x394: {  	v24 =	vand.u32 $0x7, v24  }
0x395: {  	v24 =	vor.u32 v24, v25  }
0x396: {  	v25 =	vperm.xlane v24, v21;
	_ =	sdelay $0x1  }
0x397: {  	v25 =	vadd.s32 v22, v25;
	_ =	sdelay $0x1  }
0x398: {  	v24 =	vperm.xlane v24, v23;
	_ =	sdelay $0x1  }
0x399: {  	s20 =	simm.s32 $0x12000;
	v24 =	vadd.s32 v22, v24  }
0x39a: {  	[tilespmem:s20], [sflag:$0x2] =	stream.indirect_vreg.gather [hbm4b:s1+s3], $0x80, v25, vm0, $0xb8;
	[tilespmem:$0x17000] =	vst v63  }
0x39b: {  	s22 =	simm.s32 $0x12800  }
0x39c: {  	[tilespmem:s22], [sflag:$0x2] =	stream.indirect_vreg.gather [hbm4b:s6+s3], $0x80, v25, vm1, $0xb8;
	[tilespmem:$0x17000] =	vst v63  }
0x39d: {  	s23 =	simm.s32 $0x12C00  }
0x39e: {  	[tilespmem:s23], [sflag:$0x2] =	stream.indirect_vreg.gather [hbm4b:s1+s3], $0x80, v24, vm0, $0xb8;
	[tilespmem:$0x17000] =	vst v63  }
0x39f: {  	s25 =	simm.s32 $0x13400  }
0x3a0: {  	[tilespmem:s25], [sflag:$0x2] =	stream.indirect_vreg.gather [hbm4b:s6+s3], $0x80, v24, vm1, $0xb8;
	[tilespmem:$0x17000] =	vst v63  }
0x3a1: {  	v24 =	vld [tilespmem:$0x150E0];
	_ =	sdelay $0x4  }
0x3a2: {  	v39 =	vshrl.u32 v24, $0x3  }
0x3a3: {  	v25 =	vmul.u32 $0x18, v39  }
0x3a4: {  	v24 =	vand.u32 $0x7, v24  }
0x3a5: {  	v24 =	vor.u32 v24, v25  }
0x3a6: {  	v25 =	vperm.xlane v24, v21;
	_ =	sdelay $0x1  }
0x3a7: {  	v25 =	vadd.s32 v22, v25;
	_ =	sdelay $0x1  }
0x3a8: {  	v24 =	vperm.xlane v24, v23;
	_ =	sdelay $0x1  }
0x3a9: {  	s26 =	simm.s32 $0x13800;
	v24 =	vadd.s32 v22, v24  }
0x3aa: {  	[tilespmem:s26], [sflag:$0x2] =	stream.indirect_vreg.gather [hbm4b:s1+s3], $0x80, v25, vm0, $0xb8;
	[tilespmem:$0x17000] =	vst v63  }
0x3ab: {  	s28 =	simm.s32 $0x14000  }
0x3ac: {  	[tilespmem:s28], [sflag:$0x2] =	stream.indirect_vreg.gather [hbm4b:s6+s3], $0x80, v25, vm1, $0xb8;
	[tilespmem:$0x17000] =	vst v63  }
0x3ad: {  	s29 =	simm.s32 $0x14400  }
0x3ae: {  	[tilespmem:s29], [sflag:$0x2] =	stream.indirect_vreg.gather [hbm4b:s1+s3], $0x80, v24, vm0, $0xb8;
	[tilespmem:$0x17000] =	vst v63  }
0x3af: {  	s30 =	simm.s32 $0x14C00  }
0x3b0: {  	[tilespmem:s30], [sflag:$0x2] =	stream.indirect_vreg.gather [hbm4b:s6+s3], $0x80, v24, vm1, $0xb8;
	[tilespmem:$0x17000] =	vst v63  }
0x3b1: {  	_ =	swait.ge [sflag:s14], $0xA800  }
0x3b2: {  	[sflag:s14] =	ssyncset.done $0x0  }
0x3b3: {  	s31 =	rddreg [dreg:$0x16];
	[sflag:s14] =	ssyncadd.s32 $0xFFFF5800  }
0x3b4: {  	[hbm4b:s31+s3] =	stream.linear.scatter [tilespmem:s3], [sflag:$0x3], $0xA800, $0x38;
	[tilespmem:$0x17000] =	vst v63  }
0x3b5: {  	_ =	swait.ge [sflag:s16], $0xA800  }
0x3b6: {  	[sflag:s16] =	ssyncset.done $0x0  }
0x3b7: {  	s2 =	rddreg [dreg:$0x7];
	[sflag:s16] =	ssyncadd.s32 $0xFFFF5800  }
0x3b8: {  	[hbm4b:s2+s3] =	stream.linear.scatter [tilespmem:s18], [sflag:$0x4], $0xA800, $0x38;
	[tilespmem:$0x17000] =	vst v63  }
0x3b9: {  	_ =	swait.ge [sflag:s13], $0xA800  }
0x3ba: {  	[sflag:s13] =	ssyncset.done $0x0  }
0x3bb: {  	[sflag:s13] =	ssyncadd.s32 $0xFFFF5800  }
0x3bc: {  	v40 =	vld [tilespmem:$0x15100];
	_ =	sdelay $0x4  }
0x3bd: {  	v41 =	vshrl.u32 v40, $0x3  }
0x3be: {  	v25 =	vmul.u32 $0x18, v41  }
0x3bf: {  	v24 =	vand.u32 $0x7, v40  }
0x3c0: {  	v24 =	vor.u32 v24, v25  }
0x3c1: {  	v25 =	vperm.xlane v24, v21;
	_ =	sdelay $0x1  }
0x3c2: {  	v25 =	vadd.s32 v22, v25;
	_ =	sdelay $0x1  }
0x3c3: {  	v24 =	vperm.xlane v24, v23;
	_ =	sdelay $0x1  }
0x3c4: {  	v24 =	vadd.s32 v22, v24  }
0x3c5: {  	[tilespmem:s3], [sflag:$0x1] =	stream.indirect_vreg.gather [hbm4b:s1+s3], $0x80, v25, vm0, $0xb8;
	[tilespmem:$0x17000] =	vst v63  }
0x3c6: {  	s2 =	simm.s32 $0x800  }
0x3c7: {  	[tilespmem:s2], [sflag:$0x1] =	stream.indirect_vreg.gather [hbm4b:s6+s3], $0x80, v25, vm1, $0xb8;
	[tilespmem:$0x17000] =	vst v63  }
0x3c8: {  	s11 =	simm.s32 $0xC00  }
0x3c9: {  	[tilespmem:s11], [sflag:$0x1] =	stream.indirect_vreg.gather [hbm4b:s1+s3], $0x80, v24, vm0, $0xb8;
	[tilespmem:$0x17000] =	vst v63  }
0x3ca: {  	s5 =	simm.s32 $0x1400  }
0x3cb: {  	[tilespmem:s5], [sflag:$0x1] =	stream.indirect_vreg.gather [hbm4b:s6+s3], $0x80, v24, vm1, $0xb8;
	[tilespmem:$0x17000] =	vst v63  }
0x3cc: {  	v24 =	vld [tilespmem:$0x15110];
	_ =	sdelay $0x4  }
0x3cd: {  	v42 =	vshrl.u32 v24, $0x3  }
0x3ce: {  	v25 =	vmul.u32 $0x18, v42  }
0x3cf: {  	v24 =	vand.u32 $0x7, v24  }
0x3d0: {  	v24 =	vor.u32 v24, v25  }
0x3d1: {  	v25 =	vperm.xlane v24, v21;
	_ =	sdelay $0x1  }
0x3d2: {  	v25 =	vadd.s32 v22, v25;
	_ =	sdelay $0x1  }
0x3d3: {  	v24 =	vperm.xlane v24, v23;
	_ =	sdelay $0x1  }
0x3d4: {  	s12 =	simm.s32 $0x1800;
	v24 =	vadd.s32 v22, v24  }
0x3d5: {  	[tilespmem:s12], [sflag:$0x1] =	stream.indirect_vreg.gather [hbm4b:s1+s3], $0x80, v25, vm0, $0xb8;
	[tilespmem:$0x17000] =	vst v63  }
0x3d6: {  	s15 =	simm.s32 $0x2000  }
0x3d7: {  	[tilespmem:s15], [sflag:$0x1] =	stream.indirect_vreg.gather [hbm4b:s6+s3], $0x80, v25, vm1, $0xb8;
	[tilespmem:$0x17000] =	vst v63  }
0x3d8: {  	s20 =	simm.s32 $0x2400  }
0x3d9: {  	[tilespmem:s20], [sflag:$0x1] =	stream.indirect_vreg.gather [hbm4b:s1+s3], $0x80, v24, vm0, $0xb8;
	[tilespmem:$0x17000] =	vst v63  }
0x3da: {  	s21 =	simm.s32 $0x2C00  }
0x3db: {  	[tilespmem:s21], [sflag:$0x1] =	stream.indirect_vreg.gather [hbm4b:s6+s3], $0x80, v24, vm1, $0xb8;
	[tilespmem:$0x17000] =	vst v63  }
0x3dc: {  	v24 =	vld [tilespmem:$0x15120];
	_ =	sdelay $0x4  }
0x3dd: {  	v43 =	vshrl.u32 v24, $0x3  }
0x3de: {  	v25 =	vmul.u32 $0x18, v43  }
0x3df: {  	v24 =	vand.u32 $0x7, v24  }
0x3e0: {  	v24 =	vor.u32 v24, v25  }
0x3e1: {  	v25 =	vperm.xlane v24, v21;
	_ =	sdelay $0x1  }
0x3e2: {  	v25 =	vadd.s32 v22, v25;
	_ =	sdelay $0x1  }
0x3e3: {  	v24 =	vperm.xlane v24, v23;
	_ =	sdelay $0x1  }
0x3e4: {  	s21 =	simm.s32 $0x3000;
	v24 =	vadd.s32 v22, v24  }
0x3e5: {  	[tilespmem:s21], [sflag:$0x1] =	stream.indirect_vreg.gather [hbm4b:s1+s3], $0x80, v25, vm0, $0xb8;
	[tilespmem:$0x17000] =	vst v63  }
0x3e6: {  	s22 =	simm.s32 $0x3800  }
0x3e7: {  	[tilespmem:s22], [sflag:$0x1] =	stream.indirect_vreg.gather [hbm4b:s6+s3], $0x80, v25, vm1, $0xb8;
	[tilespmem:$0x17000] =	vst v63  }
0x3e8: {  	s23 =	simm.s32 $0x3C00  }
0x3e9: {  	[tilespmem:s23], [sflag:$0x1] =	stream.indirect_vreg.gather [hbm4b:s1+s3], $0x80, v24, vm0, $0xb8;
	[tilespmem:$0x17000] =	vst v63  }
0x3ea: {  	s24 =	simm.s32 $0x4400  }
0x3eb: {  	[tilespmem:s24], [sflag:$0x1] =	stream.indirect_vreg.gather [hbm4b:s6+s3], $0x80, v24, vm1, $0xb8;
	[tilespmem:$0x17000] =	vst v63  }
0x3ec: {  	v24 =	vld [tilespmem:$0x15130];
	_ =	sdelay $0x4  }
0x3ed: {  	v44 =	vshrl.u32 v24, $0x3  }
0x3ee: {  	v25 =	vmul.u32 $0x18, v44  }
0x3ef: {  	v24 =	vand.u32 $0x7, v24  }
0x3f0: {  	v24 =	vor.u32 v24, v25  }
0x3f1: {  	v25 =	vperm.xlane v24, v21;
	_ =	sdelay $0x1  }
0x3f2: {  	v25 =	vadd.s32 v22, v25;
	_ =	sdelay $0x1  }
0x3f3: {  	v24 =	vperm.xlane v24, v23;
	_ =	sdelay $0x1  }
0x3f4: {  	s24 =	simm.s32 $0x4800;
	v24 =	vadd.s32 v22, v24  }
0x3f5: {  	[tilespmem:s24], [sflag:$0x1] =	stream.indirect_vreg.gather [hbm4b:s1+s3], $0x80, v25, vm0, $0xb8;
	[tilespmem:$0x17000] =	vst v63  }
0x3f6: {  	s25 =	simm.s32 $0x5000  }
0x3f7: {  	[tilespmem:s25], [sflag:$0x1] =	stream.indirect_vreg.gather [hbm4b:s6+s3], $0x80, v25, vm1, $0xb8;
	[tilespmem:$0x17000] =	vst v63  }
0x3f8: {  	s26 =	simm.s32 $0x5400  }
0x3f9: {  	[tilespmem:s26], [sflag:$0x1] =	stream.indirect_vreg.gather [hbm4b:s1+s3], $0x80, v24, vm0, $0xb8;
	[tilespmem:$0x17000] =	vst v63  }
0x3fa: {  	s10 =	simm.s32 $0x5C00  }
0x3fb: {  	[tilespmem:s10], [sflag:$0x1] =	stream.indirect_vreg.gather [hbm4b:s6+s3], $0x80, v24, vm1, $0xb8;
	[tilespmem:$0x17000] =	vst v63  }
0x3fc: {  	v24 =	vld [tilespmem:$0x15140];
	_ =	sdelay $0x4  }
0x3fd: {  	v45 =	vshrl.u32 v24, $0x3  }
0x3fe: {  	v25 =	vmul.u32 $0x18, v45  }
0x3ff: {  	v24 =	vand.u32 $0x7, v24  }
0x400: {  	v24 =	vor.u32 v24, v25  }
0x401: {  	v25 =	vperm.xlane v24, v21;
	_ =	sdelay $0x1  }
0x402: {  	v25 =	vadd.s32 v22, v25;
	_ =	sdelay $0x1  }
0x403: {  	v24 =	vperm.xlane v24, v23;
	_ =	sdelay $0x1  }
0x404: {  	s28 =	simm.s32 $0x6000;
	v24 =	vadd.s32 v22, v24  }
0x405: {  	[tilespmem:s28], [sflag:$0x1] =	stream.indirect_vreg.gather [hbm4b:s1+s3], $0x80, v25, vm0, $0xb8;
	[tilespmem:$0x17000] =	vst v63  }
0x406: {  	s29 =	simm.s32 $0x6800  }
0x407: {  	[tilespmem:s29], [sflag:$0x1] =	stream.indirect_vreg.gather [hbm4b:s6+s3], $0x80, v25, vm1, $0xb8;
	[tilespmem:$0x17000] =	vst v63  }
0x408: {  	s5 =	simm.s32 $0x6C00  }
0x409: {  	[tilespmem:s5], [sflag:$0x1] =	stream.indirect_vreg.gather [hbm4b:s1+s3], $0x80, v24, vm0, $0xb8;
	[tilespmem:$0x17000] =	vst v63  }
0x40a: {  	s30 =	simm.s32 $0x7400  }
0x40b: {  	[tilespmem:s30], [sflag:$0x1] =	stream.indirect_vreg.gather [hbm4b:s6+s3], $0x80, v24, vm1, $0xb8;
	[tilespmem:$0x17000] =	vst v63  }
0x40c: {  	v24 =	vld [tilespmem:$0x15150];
	_ =	sdelay $0x4  }
0x40d: {  	v46 =	vshrl.u32 v24, $0x3  }
0x40e: {  	v25 =	vmul.u32 $0x18, v46  }
0x40f: {  	v24 =	vand.u32 $0x7, v24  }
0x410: {  	v24 =	vor.u32 v24, v25  }
0x411: {  	v25 =	vperm.xlane v24, v21;
	_ =	sdelay $0x1  }
0x412: {  	v25 =	vadd.s32 v22, v25;
	_ =	sdelay $0x1  }
0x413: {  	v24 =	vperm.xlane v24, v23;
	_ =	sdelay $0x1  }
0x414: {  	s31 =	simm.s32 $0x7800;
	v24 =	vadd.s32 v22, v24  }
0x415: {  	[tilespmem:s31], [sflag:$0x1] =	stream.indirect_vreg.gather [hbm4b:s1+s3], $0x80, v25, vm0, $0xb8;
	[tilespmem:$0x17000] =	vst v63  }
0x416: {  	s7 =	simm.s32 $0x8000  }
0x417: {  	[tilespmem:s7], [sflag:$0x1] =	stream.indirect_vreg.gather [hbm4b:s6+s3], $0x80, v25, vm1, $0xb8;
	[tilespmem:$0x17000] =	vst v63  }
0x418: {  	s8 =	simm.s32 $0x8400  }
0x419: {  	[tilespmem:s8], [sflag:$0x1] =	stream.indirect_vreg.gather [hbm4b:s1+s3], $0x80, v24, vm0, $0xb8;
	[tilespmem:$0x17000] =	vst v63  }
0x41a: {  	s9 =	simm.s32 $0x8C00  }
0x41b: {  	[tilespmem:s9], [sflag:$0x1] =	stream.indirect_vreg.gather [hbm4b:s6+s3], $0x80, v24, vm1, $0xb8;
	[tilespmem:$0x17000] =	vst v63  }
0x41c: {  	v24 =	vld [tilespmem:$0x15160];
	_ =	sdelay $0x4  }
0x41d: {  	v47 =	vshrl.u32 v24, $0x3  }
0x41e: {  	v25 =	vmul.u32 $0x18, v47  }
0x41f: {  	v24 =	vand.u32 $0x7, v24  }
0x420: {  	v24 =	vor.u32 v24, v25  }
0x421: {  	v25 =	vperm.xlane v24, v21;
	_ =	sdelay $0x1  }
0x422: {  	v25 =	vadd.s32 v22, v25;
	_ =	sdelay $0x1  }
0x423: {  	v24 =	vperm.xlane v24, v23;
	_ =	sdelay $0x1  }
0x424: {  	s8 =	simm.s32 $0x9000;
	v24 =	vadd.s32 v22, v24  }
0x425: {  	[tilespmem:s8], [sflag:$0x1] =	stream.indirect_vreg.gather [hbm4b:s1+s3], $0x80, v25, vm0, $0xb8;
	[tilespmem:$0x17000] =	vst v63  }
0x426: {  	s9 =	simm.s32 $0x9800  }
0x427: {  	[tilespmem:s9], [sflag:$0x1] =	stream.indirect_vreg.gather [hbm4b:s6+s3], $0x80, v25, vm1, $0xb8;
	[tilespmem:$0x17000] =	vst v63  }
0x428: {  	s10 =	simm.s32 $0x9C00  }
0x429: {  	[tilespmem:s10], [sflag:$0x1] =	stream.indirect_vreg.gather [hbm4b:s1+s3], $0x80, v24, vm0, $0xb8;
	[tilespmem:$0x17000] =	vst v63  }
0x42a: {  	s0 =	simm.s32 $0xA400  }
0x42b: {  	[tilespmem:s0], [sflag:$0x1] =	stream.indirect_vreg.gather [hbm4b:s6+s3], $0x80, v24, vm1, $0xb8;
	[tilespmem:$0x17000] =	vst v63  }
0x42c: {  	_ =	swait.ge [sflag:s14], $0xA800  }
0x42d: {  	[sflag:s14] =	ssyncset.done $0x0  }
0x42e: {  	s0 =	simm.s32 $0x4;
	s7 =	rddreg [dreg:$0x8];
	[sflag:s14] =	ssyncadd.s32 $0xFFFF5800  }
0x42f: {  	[hbm4b:s7+s3] =	stream.linear.scatter [tilespmem:s3], [sflag:$0x3], $0xA800, $0x38;
	[tilespmem:$0x17000] =	vst v63  }
0x430: {  	_ =	swait.ge [sflag:s0], $0xA800  }
0x431: {  	[sflag:s0] =	ssyncset.done $0x0  }
0x432: {  	[sflag:s0] =	ssyncadd.s32 $0xFFFF5800  }
0x433: {  	v48 =	vld [tilespmem:$0x15180];
	_ =	sdelay $0x4  }
0x434: {  	v49 =	vshrl.u32 v48, $0x3  }
0x435: {  	v25 =	vmul.u32 $0x18, v49  }
0x436: {  	v24 =	vand.u32 $0x7, v48  }
0x437: {  	v24 =	vor.u32 v24, v25  }
0x438: {  	v25 =	vperm.xlane v24, v21;
	_ =	sdelay $0x1  }
0x439: {  	v25 =	vadd.s32 v22, v25;
	_ =	sdelay $0x1  }
0x43a: {  	v24 =	vperm.xlane v24, v23;
	_ =	sdelay $0x1  }
0x43b: {  	v24 =	vadd.s32 v22, v24  }
0x43c: {  	[tilespmem:s18], [sflag:$0x2] =	stream.indirect_vreg.gather [hbm4b:s1+s3], $0x80, v25, vm0, $0xb8;
	[tilespmem:$0x17000] =	vst v63  }
0x43d: {  	s19 =	simm.s32 $0xB000  }
0x43e: {  	[tilespmem:s19], [sflag:$0x2] =	stream.indirect_vreg.gather [hbm4b:s6+s3], $0x80, v25, vm1, $0xb8;
	[tilespmem:$0x17000] =	vst v63  }
0x43f: {  	s19 =	simm.s32 $0xB400  }
0x440: {  	[tilespmem:s19], [sflag:$0x2] =	stream.indirect_vreg.gather [hbm4b:s1+s3], $0x80, v24, vm0, $0xb8;
	[tilespmem:$0x17000] =	vst v63  }
0x441: {  	s17 =	simm.s32 $0xBC00  }
0x442: {  	[tilespmem:s17], [sflag:$0x2] =	stream.indirect_vreg.gather [hbm4b:s6+s3], $0x80, v24, vm1, $0xb8;
	[tilespmem:$0x17000] =	vst v63  }
0x443: {  	v24 =	vld [tilespmem:$0x15190];
	_ =	sdelay $0x4  }
0x444: {  	v50 =	vshrl.u32 v24, $0x3  }
0x445: {  	v25 =	vmul.u32 $0x18, v50  }
0x446: {  	v24 =	vand.u32 $0x7, v24  }
0x447: {  	v24 =	vor.u32 v24, v25  }
0x448: {  	v25 =	vperm.xlane v24, v21;
	_ =	sdelay $0x1  }
0x449: {  	v25 =	vadd.s32 v22, v25;
	_ =	sdelay $0x1  }
0x44a: {  	v24 =	vperm.xlane v24, v23;
	_ =	sdelay $0x1  }
0x44b: {  	s17 =	simm.s32 $0xC000;
	v24 =	vadd.s32 v22, v24  }
0x44c: {  	[tilespmem:s17], [sflag:$0x2] =	stream.indirect_vreg.gather [hbm4b:s1+s3], $0x80, v25, vm0, $0xb8;
	[tilespmem:$0x17000] =	vst v63  }
0x44d: {  	s17 =	simm.s32 $0xC800  }
0x44e: {  	[tilespmem:s17], [sflag:$0x2] =	stream.indirect_vreg.gather [hbm4b:s6+s3], $0x80, v25, vm1, $0xb8;
	[tilespmem:$0x17000] =	vst v63  }
0x44f: {  	s17 =	simm.s32 $0xCC00  }
0x450: {  	[tilespmem:s17], [sflag:$0x2] =	stream.indirect_vreg.gather [hbm4b:s1+s3], $0x80, v24, vm0, $0xb8;
	[tilespmem:$0x17000] =	vst v63  }
0x451: {  	s17 =	simm.s32 $0xD400  }
0x452: {  	[tilespmem:s17], [sflag:$0x2] =	stream.indirect_vreg.gather [hbm4b:s6+s3], $0x80, v24, vm1, $0xb8;
	[tilespmem:$0x17000] =	vst v63  }
0x453: {  	v24 =	vld [tilespmem:$0x151A0];
	_ =	sdelay $0x4  }
0x454: {  	v51 =	vshrl.u32 v24, $0x3  }
0x455: {  	v25 =	vmul.u32 $0x18, v51  }
0x456: {  	v24 =	vand.u32 $0x7, v24  }
0x457: {  	v24 =	vor.u32 v24, v25  }
0x458: {  	v25 =	vperm.xlane v24, v21;
	_ =	sdelay $0x1  }
0x459: {  	v25 =	vadd.s32 v22, v25;
	_ =	sdelay $0x1  }
0x45a: {  	v24 =	vperm.xlane v24, v23;
	_ =	sdelay $0x1  }
0x45b: {  	s17 =	simm.s32 $0xD800;
	v24 =	vadd.s32 v22, v24  }
0x45c: {  	[tilespmem:s17], [sflag:$0x2] =	stream.indirect_vreg.gather [hbm4b:s1+s3], $0x80, v25, vm0, $0xb8;
	[tilespmem:$0x17000] =	vst v63  }
0x45d: {  	s17 =	simm.s32 $0xE000  }
0x45e: {  	[tilespmem:s17], [sflag:$0x2] =	stream.indirect_vreg.gather [hbm4b:s6+s3], $0x80, v25, vm1, $0xb8;
	[tilespmem:$0x17000] =	vst v63  }
0x45f: {  	s17 =	simm.s32 $0xE400  }
0x460: {  	[tilespmem:s17], [sflag:$0x2] =	stream.indirect_vreg.gather [hbm4b:s1+s3], $0x80, v24, vm0, $0xb8;
	[tilespmem:$0x17000] =	vst v63  }
0x461: {  	s17 =	simm.s32 $0xEC00  }
0x462: {  	[tilespmem:s17], [sflag:$0x2] =	stream.indirect_vreg.gather [hbm4b:s6+s3], $0x80, v24, vm1, $0xb8;
	[tilespmem:$0x17000] =	vst v63  }
0x463: {  	v24 =	vld [tilespmem:$0x151B0];
	_ =	sdelay $0x4  }
0x464: {  	v52 =	vshrl.u32 v24, $0x3  }
0x465: {  	v25 =	vmul.u32 $0x18, v52  }
0x466: {  	v24 =	vand.u32 $0x7, v24  }
0x467: {  	v24 =	vor.u32 v24, v25  }
0x468: {  	v25 =	vperm.xlane v24, v21;
	_ =	sdelay $0x1  }
0x469: {  	v25 =	vadd.s32 v22, v25;
	_ =	sdelay $0x1  }
0x46a: {  	v24 =	vperm.xlane v24, v23;
	_ =	sdelay $0x1  }
0x46b: {  	s17 =	simm.s32 $0xF000;
	v24 =	vadd.s32 v22, v24  }
0x46c: {  	[tilespmem:s17], [sflag:$0x2] =	stream.indirect_vreg.gather [hbm4b:s1+s3], $0x80, v25, vm0, $0xb8;
	[tilespmem:$0x17000] =	vst v63  }
0x46d: {  	s17 =	simm.s32 $0xF800  }
0x46e: {  	[tilespmem:s17], [sflag:$0x2] =	stream.indirect_vreg.gather [hbm4b:s6+s3], $0x80, v25, vm1, $0xb8;
	[tilespmem:$0x17000] =	vst v63  }
0x46f: {  	s17 =	simm.s32 $0xFC00  }
0x470: {  	[tilespmem:s17], [sflag:$0x2] =	stream.indirect_vreg.gather [hbm4b:s1+s3], $0x80, v24, vm0, $0xb8;
	[tilespmem:$0x17000] =	vst v63  }
0x471: {  	s17 =	simm.s32 $0x10400  }
0x472: {  	[tilespmem:s17], [sflag:$0x2] =	stream.indirect_vreg.gather [hbm4b:s6+s3], $0x80, v24, vm1, $0xb8;
	[tilespmem:$0x17000] =	vst v63  }
0x473: {  	v24 =	vld [tilespmem:$0x151C0];
	_ =	sdelay $0x4  }
0x474: {  	v53 =	vshrl.u32 v24, $0x3  }
0x475: {  	v25 =	vmul.u32 $0x18, v53  }
0x476: {  	v24 =	vand.u32 $0x7, v24  }
0x477: {  	v24 =	vor.u32 v24, v25  }
0x478: {  	v25 =	vperm.xlane v24, v21;
	_ =	sdelay $0x1  }
0x479: {  	v25 =	vadd.s32 v22, v25;
	_ =	sdelay $0x1  }
0x47a: {  	v24 =	vperm.xlane v24, v23;
	_ =	sdelay $0x1  }
0x47b: {  	s17 =	simm.s32 $0x10800;
	v24 =	vadd.s32 v22, v24  }
0x47c: {  	[tilespmem:s17], [sflag:$0x2] =	stream.indirect_vreg.gather [hbm4b:s1+s3], $0x80, v25, vm0, $0xb8;
	[tilespmem:$0x17000] =	vst v63  }
0x47d: {  	s17 =	simm.s32 $0x11000  }
0x47e: {  	[tilespmem:s17], [sflag:$0x2] =	stream.indirect_vreg.gather [hbm4b:s6+s3], $0x80, v25, vm1, $0xb8;
	[tilespmem:$0x17000] =	vst v63  }
0x47f: {  	s17 =	simm.s32 $0x11400  }
0x480: {  	[tilespmem:s17], [sflag:$0x2] =	stream.indirect_vreg.gather [hbm4b:s1+s3], $0x80, v24, vm0, $0xb8;
	[tilespmem:$0x17000] =	vst v63  }
0x481: {  	s17 =	simm.s32 $0x11C00  }
0x482: {  	[tilespmem:s17], [sflag:$0x2] =	stream.indirect_vreg.gather [hbm4b:s6+s3], $0x80, v24, vm1, $0xb8;
	[tilespmem:$0x17000] =	vst v63  }
0x483: {  	v24 =	vld [tilespmem:$0x151D0];
	_ =	sdelay $0x4  }
0x484: {  	v54 =	vshrl.u32 v24, $0x3  }
0x485: {  	v25 =	vmul.u32 $0x18, v54  }
0x486: {  	v24 =	vand.u32 $0x7, v24  }
0x487: {  	v24 =	vor.u32 v24, v25  }
0x488: {  	v25 =	vperm.xlane v24, v21;
	_ =	sdelay $0x1  }
0x489: {  	v25 =	vadd.s32 v22, v25;
	_ =	sdelay $0x1  }
0x48a: {  	v24 =	vperm.xlane v24, v23;
	_ =	sdelay $0x1  }
0x48b: {  	s17 =	simm.s32 $0x12000;
	v24 =	vadd.s32 v22, v24  }
0x48c: {  	[tilespmem:s17], [sflag:$0x2] =	stream.indirect_vreg.gather [hbm4b:s1+s3], $0x80, v25, vm0, $0xb8;
	[tilespmem:$0x17000] =	vst v63  }
0x48d: {  	s17 =	simm.s32 $0x12800  }
0x48e: {  	[tilespmem:s17], [sflag:$0x2] =	stream.indirect_vreg.gather [hbm4b:s6+s3], $0x80, v25, vm1, $0xb8;
	[tilespmem:$0x17000] =	vst v63  }
0x48f: {  	s17 =	simm.s32 $0x12C00  }
0x490: {  	[tilespmem:s17], [sflag:$0x2] =	stream.indirect_vreg.gather [hbm4b:s1+s3], $0x80, v24, vm0, $0xb8;
	[tilespmem:$0x17000] =	vst v63  }
0x491: {  	s17 =	simm.s32 $0x13400  }
0x492: {  	[tilespmem:s17], [sflag:$0x2] =	stream.indirect_vreg.gather [hbm4b:s6+s3], $0x80, v24, vm1, $0xb8;
	[tilespmem:$0x17000] =	vst v63  }
0x493: {  	v24 =	vld [tilespmem:$0x151E0];
	_ =	sdelay $0x4  }
0x494: {  	v55 =	vshrl.u32 v24, $0x3  }
0x495: {  	v25 =	vmul.u32 $0x18, v55  }
0x496: {  	v24 =	vand.u32 $0x7, v24  }
0x497: {  	v24 =	vor.u32 v24, v25  }
0x498: {  	v25 =	vperm.xlane v24, v21;
	_ =	sdelay $0x1  }
0x499: {  	v25 =	vadd.s32 v22, v25;
	_ =	sdelay $0x1  }
0x49a: {  	v24 =	vperm.xlane v24, v23;
	_ =	sdelay $0x1  }
0x49b: {  	s17 =	simm.s32 $0x13800;
	v24 =	vadd.s32 v22, v24  }
0x49c: {  	[tilespmem:s17], [sflag:$0x2] =	stream.indirect_vreg.gather [hbm4b:s1+s3], $0x80, v25, vm0, $0xb8;
	[tilespmem:$0x17000] =	vst v63  }
0x49d: {  	s17 =	simm.s32 $0x14000  }
0x49e: {  	[tilespmem:s17], [sflag:$0x2] =	stream.indirect_vreg.gather [hbm4b:s6+s3], $0x80, v25, vm1, $0xb8;
	[tilespmem:$0x17000] =	vst v63  }
0x49f: {  	s17 =	simm.s32 $0x14400  }
0x4a0: {  	[tilespmem:s17], [sflag:$0x2] =	stream.indirect_vreg.gather [hbm4b:s1+s3], $0x80, v24, vm0, $0xb8;
	[tilespmem:$0x17000] =	vst v63  }
0x4a1: {  	s17 =	simm.s32 $0x14C00  }
0x4a2: {  	[tilespmem:s17], [sflag:$0x2] =	stream.indirect_vreg.gather [hbm4b:s6+s3], $0x80, v24, vm1, $0xb8;
	[tilespmem:$0x17000] =	vst v63  }
0x4a3: {  	_ =	swait.ge [sflag:s16], $0xA800  }
0x4a4: {  	[sflag:s16] =	ssyncset.done $0x0  }
0x4a5: {  	s17 =	rddreg [dreg:$0x9];
	[sflag:s16] =	ssyncadd.s32 $0xFFFF5800  }
0x4a6: {  	[hbm4b:s17+s3] =	stream.linear.scatter [tilespmem:s18], [sflag:$0x4], $0xA800, $0x38;
	[tilespmem:$0x17000] =	vst v63  }
0x4a7: {  	_ =	swait.ge [sflag:s13], $0xA800  }
0x4a8: {  	[sflag:s13] =	ssyncset.done $0x0  }
0x4a9: {  	[sflag:s13] =	ssyncadd.s32 $0xFFFF5800  }
0x4aa: {  	v56 =	vld [tilespmem:$0x15200];
	_ =	sdelay $0x4  }
0x4ab: {  	v57 =	vshrl.u32 v56, $0x3  }
0x4ac: {  	v25 =	vmul.u32 $0x18, v57  }
0x4ad: {  	v24 =	vand.u32 $0x7, v56  }
0x4ae: {  	v24 =	vor.u32 v24, v25  }
0x4af: {  	v25 =	vperm.xlane v24, v21;
	_ =	sdelay $0x1  }
0x4b0: {  	v25 =	vadd.s32 v22, v25;
	_ =	sdelay $0x1  }
0x4b1: {  	v24 =	vperm.xlane v24, v23;
	_ =	sdelay $0x1  }
0x4b2: {  	v24 =	vadd.s32 v22, v24  }
0x4b3: {  	[tilespmem:s3], [sflag:$0x1] =	stream.indirect_vreg.gather [hbm4b:s1+s3], $0x80, v25, vm0, $0xb8;
	[tilespmem:$0x17000] =	vst v63  }
0x4b4: {  	_ = 	snop  }
0x4b5: {  	[tilespmem:s2], [sflag:$0x1] =	stream.indirect_vreg.gather [hbm4b:s6+s3], $0x80, v25, vm1, $0xb8;
	[tilespmem:$0x17000] =	vst v63  }
0x4b6: {  	_ = 	snop  }
0x4b7: {  	[tilespmem:s11], [sflag:$0x1] =	stream.indirect_vreg.gather [hbm4b:s1+s3], $0x80, v24, vm0, $0xb8;
	[tilespmem:$0x17000] =	vst v63  }
0x4b8: {  	s17 =	simm.s32 $0x1400  }
0x4b9: {  	[tilespmem:s17], [sflag:$0x1] =	stream.indirect_vreg.gather [hbm4b:s6+s3], $0x80, v24, vm1, $0xb8;
	[tilespmem:$0x17000] =	vst v63  }
0x4ba: {  	v24 =	vld [tilespmem:$0x15210];
	_ =	sdelay $0x4  }
0x4bb: {  	v58 =	vshrl.u32 v24, $0x3  }
0x4bc: {  	v25 =	vmul.u32 $0x18, v58  }
0x4bd: {  	v24 =	vand.u32 $0x7, v24  }
0x4be: {  	v24 =	vor.u32 v24, v25  }
0x4bf: {  	v25 =	vperm.xlane v24, v21;
	_ =	sdelay $0x1  }
0x4c0: {  	v25 =	vadd.s32 v22, v25;
	_ =	sdelay $0x1  }
0x4c1: {  	v24 =	vperm.xlane v24, v23;
	_ =	sdelay $0x1  }
0x4c2: {  	v24 =	vadd.s32 v22, v24  }
0x4c3: {  	[tilespmem:s12], [sflag:$0x1] =	stream.indirect_vreg.gather [hbm4b:s1+s3], $0x80, v25, vm0, $0xb8;
	[tilespmem:$0x17000] =	vst v63  }
0x4c4: {  	_ = 	snop  }
0x4c5: {  	[tilespmem:s15], [sflag:$0x1] =	stream.indirect_vreg.gather [hbm4b:s6+s3], $0x80, v25, vm1, $0xb8;
	[tilespmem:$0x17000] =	vst v63  }
0x4c6: {  	_ = 	snop  }
0x4c7: {  	[tilespmem:s20], [sflag:$0x1] =	stream.indirect_vreg.gather [hbm4b:s1+s3], $0x80, v24, vm0, $0xb8;
	[tilespmem:$0x17000] =	vst v63  }
0x4c8: {  	s17 =	simm.s32 $0x2C00  }
0x4c9: {  	[tilespmem:s17], [sflag:$0x1] =	stream.indirect_vreg.gather [hbm4b:s6+s3], $0x80, v24, vm1, $0xb8;
	[tilespmem:$0x17000] =	vst v63  }
0x4ca: {  	v24 =	vld [tilespmem:$0x15220];
	_ =	sdelay $0x4  }
0x4cb: {  	v59 =	vshrl.u32 v24, $0x3  }
0x4cc: {  	v25 =	vmul.u32 $0x18, v59  }
0x4cd: {  	v24 =	vand.u32 $0x7, v24  }
0x4ce: {  	v24 =	vor.u32 v24, v25  }
0x4cf: {  	v25 =	vperm.xlane v24, v21;
	_ =	sdelay $0x1  }
0x4d0: {  	v25 =	vadd.s32 v22, v25;
	_ =	sdelay $0x1  }
0x4d1: {  	v24 =	vperm.xlane v24, v23;
	_ =	sdelay $0x1  }
0x4d2: {  	v24 =	vadd.s32 v22, v24  }
0x4d3: {  	[tilespmem:s21], [sflag:$0x1] =	stream.indirect_vreg.gather [hbm4b:s1+s3], $0x80, v25, vm0, $0xb8;
	[tilespmem:$0x17000] =	vst v63  }
0x4d4: {  	_ = 	snop  }
0x4d5: {  	[tilespmem:s22], [sflag:$0x1] =	stream.indirect_vreg.gather [hbm4b:s6+s3], $0x80, v25, vm1, $0xb8;
	[tilespmem:$0x17000] =	vst v63  }
0x4d6: {  	_ = 	snop  }
0x4d7: {  	[tilespmem:s23], [sflag:$0x1] =	stream.indirect_vreg.gather [hbm4b:s1+s3], $0x80, v24, vm0, $0xb8;
	[tilespmem:$0x17000] =	vst v63  }
0x4d8: {  	s17 =	simm.s32 $0x4400  }
0x4d9: {  	[tilespmem:s17], [sflag:$0x1] =	stream.indirect_vreg.gather [hbm4b:s6+s3], $0x80, v24, vm1, $0xb8;
	[tilespmem:$0x17000] =	vst v63  }
0x4da: {  	v24 =	vld [tilespmem:$0x15230];
	_ =	sdelay $0x4  }
0x4db: {  	v60 =	vshrl.u32 v24, $0x3  }
0x4dc: {  	v25 =	vmul.u32 $0x18, v60  }
0x4dd: {  	v24 =	vand.u32 $0x7, v24  }
0x4de: {  	v24 =	vor.u32 v24, v25  }
0x4df: {  	v25 =	vperm.xlane v24, v21;
	_ =	sdelay $0x1  }
0x4e0: {  	v25 =	vadd.s32 v22, v25;
	_ =	sdelay $0x1  }
0x4e1: {  	v24 =	vperm.xlane v24, v23;
	_ =	sdelay $0x1  }
0x4e2: {  	v24 =	vadd.s32 v22, v24  }
0x4e3: {  	[tilespmem:s24], [sflag:$0x1] =	stream.indirect_vreg.gather [hbm4b:s1+s3], $0x80, v25, vm0, $0xb8;
	[tilespmem:$0x17000] =	vst v63  }
0x4e4: {  	_ = 	snop  }
0x4e5: {  	[tilespmem:s25], [sflag:$0x1] =	stream.indirect_vreg.gather [hbm4b:s6+s3], $0x80, v25, vm1, $0xb8;
	[tilespmem:$0x17000] =	vst v63  }
0x4e6: {  	_ = 	snop  }
0x4e7: {  	[tilespmem:s26], [sflag:$0x1] =	stream.indirect_vreg.gather [hbm4b:s1+s3], $0x80, v24, vm0, $0xb8;
	[tilespmem:$0x17000] =	vst v63  }
0x4e8: {  	s17 =	simm.s32 $0x5C00  }
0x4e9: {  	[tilespmem:s17], [sflag:$0x1] =	stream.indirect_vreg.gather [hbm4b:s6+s3], $0x80, v24, vm1, $0xb8;
	[tilespmem:$0x17000] =	vst v63  }
0x4ea: {  	v24 =	vld [tilespmem:$0x15240];
	_ =	sdelay $0x4  }
0x4eb: {  	v61 =	vshrl.u32 v24, $0x3  }
0x4ec: {  	v25 =	vmul.u32 $0x18, v61  }
0x4ed: {  	v24 =	vand.u32 $0x7, v24  }
0x4ee: {  	v24 =	vor.u32 v24, v25  }
0x4ef: {  	v25 =	vperm.xlane v24, v21;
	_ =	sdelay $0x1  }
0x4f0: {  	v25 =	vadd.s32 v22, v25;
	_ =	sdelay $0x1  }
0x4f1: {  	v24 =	vperm.xlane v24, v23;
	_ =	sdelay $0x1  }
0x4f2: {  	v24 =	vadd.s32 v22, v24  }
0x4f3: {  	[tilespmem:s28], [sflag:$0x1] =	stream.indirect_vreg.gather [hbm4b:s1+s3], $0x80, v25, vm0, $0xb8;
	[tilespmem:$0x17000] =	vst v63  }
0x4f4: {  	_ = 	snop  }
0x4f5: {  	[tilespmem:s29], [sflag:$0x1] =	stream.indirect_vreg.gather [hbm4b:s6+s3], $0x80, v25, vm1, $0xb8;
	[tilespmem:$0x17000] =	vst v63  }
0x4f6: {  	_ = 	snop  }
0x4f7: {  	[tilespmem:s5], [sflag:$0x1] =	stream.indirect_vreg.gather [hbm4b:s1+s3], $0x80, v24, vm0, $0xb8;
	[tilespmem:$0x17000] =	vst v63  }
0x4f8: {  	_ = 	snop  }
0x4f9: {  	[tilespmem:s30], [sflag:$0x1] =	stream.indirect_vreg.gather [hbm4b:s6+s3], $0x80, v24, vm1, $0xb8;
	[tilespmem:$0x17000] =	vst v63  }
0x4fa: {  	v24 =	vld [tilespmem:$0x15250];
	_ =	sdelay $0x4  }
0x4fb: {  	v62 =	vshrl.u32 v24, $0x3  }
0x4fc: {  	v25 =	vmul.u32 $0x18, v62  }
0x4fd: {  	v24 =	vand.u32 $0x7, v24  }
0x4fe: {  	v24 =	vor.u32 v24, v25  }
0x4ff: {  	v25 =	vperm.xlane v24, v21;
	_ =	sdelay $0x1  }
0x500: {  	v25 =	vadd.s32 v22, v25;
	_ =	sdelay $0x1  }
0x501: {  	v24 =	vperm.xlane v24, v23;
	_ =	sdelay $0x1  }
0x502: {  	v24 =	vadd.s32 v22, v24  }
0x503: {  	[tilespmem:s31], [sflag:$0x1] =	stream.indirect_vreg.gather [hbm4b:s1+s3], $0x80, v25, vm0, $0xb8;
	[tilespmem:$0x17000] =	vst v63  }
0x504: {  	s17 =	simm.s32 $0x8000  }
0x505: {  	[tilespmem:s17], [sflag:$0x1] =	stream.indirect_vreg.gather [hbm4b:s6+s3], $0x80, v25, vm1, $0xb8;
	[tilespmem:$0x17000] =	vst v63  }
0x506: {  	s17 =	simm.s32 $0x8400  }
0x507: {  	[tilespmem:s17], [sflag:$0x1] =	stream.indirect_vreg.gather [hbm4b:s1+s3], $0x80, v24, vm0, $0xb8;
	[tilespmem:$0x17000] =	vst v63  }
0x508: {  	s17 =	simm.s32 $0x8C00  }
0x509: {  	[tilespmem:s17], [sflag:$0x1] =	stream.indirect_vreg.gather [hbm4b:s6+s3], $0x80, v24, vm1, $0xb8;
	[tilespmem:$0x17000] =	vst v63  }
0x50a: {  	v24 =	vld [tilespmem:$0x15260];
	_ =	sdelay $0x4  }
0x50b: {  	v63 =	vshrl.u32 v24, $0x3  }
0x50c: {  	v25 =	vmul.u32 $0x18, v63  }
0x50d: {  	v24 =	vand.u32 $0x7, v24  }
0x50e: {  	v24 =	vor.u32 v24, v25  }
0x50f: {  	v25 =	vperm.xlane v24, v21;
	_ =	sdelay $0x1  }
0x510: {  	v25 =	vadd.s32 v22, v25;
	_ =	sdelay $0x1  }
0x511: {  	v24 =	vperm.xlane v24, v23;
	_ =	sdelay $0x1  }
0x512: {  	v24 =	vadd.s32 v22, v24  }
0x513: {  	[tilespmem:s8], [sflag:$0x1] =	stream.indirect_vreg.gather [hbm4b:s1+s3], $0x80, v25, vm0, $0xb8;
	[tilespmem:$0x17000] =	vst v63  }
0x514: {  	_ = 	snop  }
0x515: {  	[tilespmem:s9], [sflag:$0x1] =	stream.indirect_vreg.gather [hbm4b:s6+s3], $0x80, v25, vm1, $0xb8;
	[tilespmem:$0x17000] =	vst v63  }
0x516: {  	_ = 	snop  }
0x517: {  	[tilespmem:s10], [sflag:$0x1] =	stream.indirect_vreg.gather [hbm4b:s1+s3], $0x80, v24, vm0, $0xb8;
	[tilespmem:$0x17000] =	vst v63  }
0x518: {  	s17 =	simm.s32 $0xA400  }
0x519: {  	[tilespmem:s17], [sflag:$0x1] =	stream.indirect_vreg.gather [hbm4b:s6+s3], $0x80, v24, vm1, $0xb8;
	[tilespmem:$0x17000] =	vst v63  }
0x51a: {  	_ =	swait.ge [sflag:s14], $0xA800  }
0x51b: {  	[sflag:s14] =	ssyncset.done $0x0  }
0x51c: {  	s17 =	rddreg [dreg:$0xa];
	[sflag:s14] =	ssyncadd.s32 $0xFFFF5800  }
0x51d: {  	[hbm4b:s17+s3] =	stream.linear.scatter [tilespmem:s3], [sflag:$0x3], $0xA800, $0x38;
	[tilespmem:$0x17000] =	vst v63  }
0x51e: {  	_ =	swait.ge [sflag:s0], $0xA800  }
0x51f: {  	[sflag:s0] =	ssyncset.done $0x0  }
0x520: {  	[sflag:s0] =	ssyncadd.s32 $0xFFFF5800  }
0x521: {  	v28 =	vld [tilespmem:$0x15280];
	_ =	sdelay $0x4  }
0x522: {  	v29 =	vshrl.u32 v28, $0x3  }
0x523: {  	v25 =	vmul.u32 $0x18, v29  }
0x524: {  	v24 =	vand.u32 $0x7, v28  }
0x525: {  	v24 =	vor.u32 v24, v25  }
0x526: {  	v25 =	vperm.xlane v24, v21;
	_ =	sdelay $0x1  }
0x527: {  	v25 =	vadd.s32 v22, v25;
	_ =	sdelay $0x1  }
0x528: {  	v24 =	vperm.xlane v24, v23;
	_ =	sdelay $0x1  }
0x529: {  	v24 =	vadd.s32 v22, v24  }
0x52a: {  	[tilespmem:s18], [sflag:$0x2] =	stream.indirect_vreg.gather [hbm4b:s1+s3], $0x80, v25, vm0, $0xb8;
	[tilespmem:$0x17000] =	vst v63  }
0x52b: {  	s7 =	simm.s32 $0xB000  }
0x52c: {  	[tilespmem:s7], [sflag:$0x2] =	stream.indirect_vreg.gather [hbm4b:s6+s3], $0x80, v25, vm1, $0xb8;
	[tilespmem:$0x17000] =	vst v63  }
0x52d: {  	s19 =	simm.s32 $0xB400  }
0x52e: {  	[tilespmem:s19], [sflag:$0x2] =	stream.indirect_vreg.gather [hbm4b:s1+s3], $0x80, v24, vm0, $0xb8;
	[tilespmem:$0x17000] =	vst v63  }
0x52f: {  	s17 =	simm.s32 $0xBC00  }
0x530: {  	[tilespmem:s17], [sflag:$0x2] =	stream.indirect_vreg.gather [hbm4b:s6+s3], $0x80, v24, vm1, $0xb8;
	[tilespmem:$0x17000] =	vst v63  }
0x531: {  	v24 =	vld [tilespmem:$0x15290];
	_ =	sdelay $0x4  }
0x532: {  	v30 =	vshrl.u32 v24, $0x3  }
0x533: {  	v25 =	vmul.u32 $0x18, v30  }
0x534: {  	v24 =	vand.u32 $0x7, v24  }
0x535: {  	v24 =	vor.u32 v24, v25  }
0x536: {  	v25 =	vperm.xlane v24, v21;
	_ =	sdelay $0x1  }
0x537: {  	v25 =	vadd.s32 v22, v25;
	_ =	sdelay $0x1  }
0x538: {  	v24 =	vperm.xlane v24, v23;
	_ =	sdelay $0x1  }
0x539: {  	s17 =	simm.s32 $0xC000;
	v24 =	vadd.s32 v22, v24  }
0x53a: {  	[tilespmem:s17], [sflag:$0x2] =	stream.indirect_vreg.gather [hbm4b:s1+s3], $0x80, v25, vm0, $0xb8;
	[tilespmem:$0x17000] =	vst v63  }
0x53b: {  	s17 =	simm.s32 $0xC800  }
0x53c: {  	[tilespmem:s17], [sflag:$0x2] =	stream.indirect_vreg.gather [hbm4b:s6+s3], $0x80, v25, vm1, $0xb8;
	[tilespmem:$0x17000] =	vst v63  }
0x53d: {  	s17 =	simm.s32 $0xCC00  }
0x53e: {  	[tilespmem:s17], [sflag:$0x2] =	stream.indirect_vreg.gather [hbm4b:s1+s3], $0x80, v24, vm0, $0xb8;
	[tilespmem:$0x17000] =	vst v63  }
0x53f: {  	s17 =	simm.s32 $0xD400  }
0x540: {  	[tilespmem:s17], [sflag:$0x2] =	stream.indirect_vreg.gather [hbm4b:s6+s3], $0x80, v24, vm1, $0xb8;
	[tilespmem:$0x17000] =	vst v63  }
0x541: {  	v24 =	vld [tilespmem:$0x152A0];
	_ =	sdelay $0x4  }
0x542: {  	v31 =	vshrl.u32 v24, $0x3  }
0x543: {  	v25 =	vmul.u32 $0x18, v31  }
0x544: {  	v24 =	vand.u32 $0x7, v24  }
0x545: {  	v24 =	vor.u32 v24, v25  }
0x546: {  	v25 =	vperm.xlane v24, v21;
	_ =	sdelay $0x1  }
0x547: {  	v25 =	vadd.s32 v22, v25;
	_ =	sdelay $0x1  }
0x548: {  	v24 =	vperm.xlane v24, v23;
	_ =	sdelay $0x1  }
0x549: {  	s17 =	simm.s32 $0xD800;
	v24 =	vadd.s32 v22, v24  }
0x54a: {  	[tilespmem:s17], [sflag:$0x2] =	stream.indirect_vreg.gather [hbm4b:s1+s3], $0x80, v25, vm0, $0xb8;
	[tilespmem:$0x17000] =	vst v63  }
0x54b: {  	s17 =	simm.s32 $0xE000  }
0x54c: {  	[tilespmem:s17], [sflag:$0x2] =	stream.indirect_vreg.gather [hbm4b:s6+s3], $0x80, v25, vm1, $0xb8;
	[tilespmem:$0x17000] =	vst v63  }
0x54d: {  	s17 =	simm.s32 $0xE400  }
0x54e: {  	[tilespmem:s17], [sflag:$0x2] =	stream.indirect_vreg.gather [hbm4b:s1+s3], $0x80, v24, vm0, $0xb8;
	[tilespmem:$0x17000] =	vst v63  }
0x54f: {  	s17 =	simm.s32 $0xEC00  }
0x550: {  	[tilespmem:s17], [sflag:$0x2] =	stream.indirect_vreg.gather [hbm4b:s6+s3], $0x80, v24, vm1, $0xb8;
	[tilespmem:$0x17000] =	vst v63  }
0x551: {  	v24 =	vld [tilespmem:$0x152B0];
	_ =	sdelay $0x4  }
0x552: {  	v32 =	vshrl.u32 v24, $0x3  }
0x553: {  	v25 =	vmul.u32 $0x18, v32  }
0x554: {  	v24 =	vand.u32 $0x7, v24  }
0x555: {  	v24 =	vor.u32 v24, v25  }
0x556: {  	v25 =	vperm.xlane v24, v21;
	_ =	sdelay $0x1  }
0x557: {  	v25 =	vadd.s32 v22, v25;
	_ =	sdelay $0x1  }
0x558: {  	v24 =	vperm.xlane v24, v23;
	_ =	sdelay $0x1  }
0x559: {  	s17 =	simm.s32 $0xF000;
	v24 =	vadd.s32 v22, v24  }
0x55a: {  	[tilespmem:s17], [sflag:$0x2] =	stream.indirect_vreg.gather [hbm4b:s1+s3], $0x80, v25, vm0, $0xb8;
	[tilespmem:$0x17000] =	vst v63  }
0x55b: {  	s17 =	simm.s32 $0xF800  }
0x55c: {  	[tilespmem:s17], [sflag:$0x2] =	stream.indirect_vreg.gather [hbm4b:s6+s3], $0x80, v25, vm1, $0xb8;
	[tilespmem:$0x17000] =	vst v63  }
0x55d: {  	s17 =	simm.s32 $0xFC00  }
0x55e: {  	[tilespmem:s17], [sflag:$0x2] =	stream.indirect_vreg.gather [hbm4b:s1+s3], $0x80, v24, vm0, $0xb8;
	[tilespmem:$0x17000] =	vst v63  }
0x55f: {  	s17 =	simm.s32 $0x10400  }
0x560: {  	[tilespmem:s17], [sflag:$0x2] =	stream.indirect_vreg.gather [hbm4b:s6+s3], $0x80, v24, vm1, $0xb8;
	[tilespmem:$0x17000] =	vst v63  }
0x561: {  	v24 =	vld [tilespmem:$0x152C0];
	_ =	sdelay $0x4  }
0x562: {  	v33 =	vshrl.u32 v24, $0x3  }
0x563: {  	v25 =	vmul.u32 $0x18, v33  }
0x564: {  	v24 =	vand.u32 $0x7, v24  }
0x565: {  	v24 =	vor.u32 v24, v25  }
0x566: {  	v25 =	vperm.xlane v24, v21;
	_ =	sdelay $0x1  }
0x567: {  	v25 =	vadd.s32 v22, v25;
	_ =	sdelay $0x1  }
0x568: {  	v24 =	vperm.xlane v24, v23;
	_ =	sdelay $0x1  }
0x569: {  	s17 =	simm.s32 $0x10800;
	v24 =	vadd.s32 v22, v24  }
0x56a: {  	[tilespmem:s17], [sflag:$0x2] =	stream.indirect_vreg.gather [hbm4b:s1+s3], $0x80, v25, vm0, $0xb8;
	[tilespmem:$0x17000] =	vst v63  }
0x56b: {  	s17 =	simm.s32 $0x11000  }
0x56c: {  	[tilespmem:s17], [sflag:$0x2] =	stream.indirect_vreg.gather [hbm4b:s6+s3], $0x80, v25, vm1, $0xb8;
	[tilespmem:$0x17000] =	vst v63  }
0x56d: {  	s17 =	simm.s32 $0x11400  }
0x56e: {  	[tilespmem:s17], [sflag:$0x2] =	stream.indirect_vreg.gather [hbm4b:s1+s3], $0x80, v24, vm0, $0xb8;
	[tilespmem:$0x17000] =	vst v63  }
0x56f: {  	s17 =	simm.s32 $0x11C00  }
0x570: {  	[tilespmem:s17], [sflag:$0x2] =	stream.indirect_vreg.gather [hbm4b:s6+s3], $0x80, v24, vm1, $0xb8;
	[tilespmem:$0x17000] =	vst v63  }
0x571: {  	v24 =	vld [tilespmem:$0x152D0];
	_ =	sdelay $0x4  }
0x572: {  	v34 =	vshrl.u32 v24, $0x3  }
0x573: {  	v25 =	vmul.u32 $0x18, v34  }
0x574: {  	v24 =	vand.u32 $0x7, v24  }
0x575: {  	v24 =	vor.u32 v24, v25  }
0x576: {  	v25 =	vperm.xlane v24, v21;
	_ =	sdelay $0x1  }
0x577: {  	v25 =	vadd.s32 v22, v25;
	_ =	sdelay $0x1  }
0x578: {  	v24 =	vperm.xlane v24, v23;
	_ =	sdelay $0x1  }
0x579: {  	s17 =	simm.s32 $0x12000;
	v24 =	vadd.s32 v22, v24  }
0x57a: {  	[tilespmem:s17], [sflag:$0x2] =	stream.indirect_vreg.gather [hbm4b:s1+s3], $0x80, v25, vm0, $0xb8;
	[tilespmem:$0x17000] =	vst v63  }
0x57b: {  	s17 =	simm.s32 $0x12800  }
0x57c: {  	[tilespmem:s17], [sflag:$0x2] =	stream.indirect_vreg.gather [hbm4b:s6+s3], $0x80, v25, vm1, $0xb8;
	[tilespmem:$0x17000] =	vst v63  }
0x57d: {  	s17 =	simm.s32 $0x12C00  }
0x57e: {  	[tilespmem:s17], [sflag:$0x2] =	stream.indirect_vreg.gather [hbm4b:s1+s3], $0x80, v24, vm0, $0xb8;
	[tilespmem:$0x17000] =	vst v63  }
0x57f: {  	s17 =	simm.s32 $0x13400  }
0x580: {  	[tilespmem:s17], [sflag:$0x2] =	stream.indirect_vreg.gather [hbm4b:s6+s3], $0x80, v24, vm1, $0xb8;
	[tilespmem:$0x17000] =	vst v63  }
0x581: {  	v24 =	vld [tilespmem:$0x152E0];
	_ =	sdelay $0x4  }
0x582: {  	v35 =	vshrl.u32 v24, $0x3  }
0x583: {  	v25 =	vmul.u32 $0x18, v35  }
0x584: {  	v24 =	vand.u32 $0x7, v24  }
0x585: {  	v24 =	vor.u32 v24, v25  }
0x586: {  	v25 =	vperm.xlane v24, v21;
	_ =	sdelay $0x1  }
0x587: {  	v25 =	vadd.s32 v22, v25;
	_ =	sdelay $0x1  }
0x588: {  	v24 =	vperm.xlane v24, v23;
	_ =	sdelay $0x1  }
0x589: {  	s17 =	simm.s32 $0x13800;
	v24 =	vadd.s32 v22, v24  }
0x58a: {  	[tilespmem:s17], [sflag:$0x2] =	stream.indirect_vreg.gather [hbm4b:s1+s3], $0x80, v25, vm0, $0xb8;
	[tilespmem:$0x17000] =	vst v63  }
0x58b: {  	s17 =	simm.s32 $0x14000  }
0x58c: {  	[tilespmem:s17], [sflag:$0x2] =	stream.indirect_vreg.gather [hbm4b:s6+s3], $0x80, v25, vm1, $0xb8;
	[tilespmem:$0x17000] =	vst v63  }
0x58d: {  	s17 =	simm.s32 $0x14400  }
0x58e: {  	[tilespmem:s17], [sflag:$0x2] =	stream.indirect_vreg.gather [hbm4b:s1+s3], $0x80, v24, vm0, $0xb8;
	[tilespmem:$0x17000] =	vst v63  }
0x58f: {  	s17 =	simm.s32 $0x14C00  }
0x590: {  	[tilespmem:s17], [sflag:$0x2] =	stream.indirect_vreg.gather [hbm4b:s6+s3], $0x80, v24, vm1, $0xb8;
	[tilespmem:$0x17000] =	vst v63  }
0x591: {  	_ =	swait.ge [sflag:s16], $0xA800  }
0x592: {  	[sflag:s16] =	ssyncset.done $0x0  }
0x593: {  	s17 =	rddreg [dreg:$0xb];
	[sflag:s16] =	ssyncadd.s32 $0xFFFF5800  }
0x594: {  	[hbm4b:s17+s3] =	stream.linear.scatter [tilespmem:s18], [sflag:$0x4], $0xA800, $0x38;
	[tilespmem:$0x17000] =	vst v63  }
0x595: {  	_ =	swait.ge [sflag:s13], $0xA800  }
0x596: {  	[sflag:s13] =	ssyncset.done $0x0  }
0x597: {  	[sflag:s13] =	ssyncadd.s32 $0xFFFF5800  }
0x598: {  	v36 =	vld [tilespmem:$0x15300];
	_ =	sdelay $0x4  }
0x599: {  	v37 =	vshrl.u32 v36, $0x3  }
0x59a: {  	v25 =	vmul.u32 $0x18, v37  }
0x59b: {  	v24 =	vand.u32 $0x7, v36  }
0x59c: {  	v24 =	vor.u32 v24, v25  }
0x59d: {  	v25 =	vperm.xlane v24, v21;
	_ =	sdelay $0x1  }
0x59e: {  	v25 =	vadd.s32 v22, v25;
	_ =	sdelay $0x1  }
0x59f: {  	v24 =	vperm.xlane v24, v23;
	_ =	sdelay $0x1  }
0x5a0: {  	v24 =	vadd.s32 v22, v24  }
0x5a1: {  	[tilespmem:s3], [sflag:$0x1] =	stream.indirect_vreg.gather [hbm4b:s1+s3], $0x80, v25, vm0, $0xb8;
	[tilespmem:$0x17000] =	vst v63  }
0x5a2: {  	s2 =	simm.s32 $0x800  }
0x5a3: {  	[tilespmem:s2], [sflag:$0x1] =	stream.indirect_vreg.gather [hbm4b:s6+s3], $0x80, v25, vm1, $0xb8;
	[tilespmem:$0x17000] =	vst v63  }
0x5a4: {  	s11 =	simm.s32 $0xC00  }
0x5a5: {  	[tilespmem:s11], [sflag:$0x1] =	stream.indirect_vreg.gather [hbm4b:s1+s3], $0x80, v24, vm0, $0xb8;
	[tilespmem:$0x17000] =	vst v63  }
0x5a6: {  	s17 =	simm.s32 $0x1400  }
0x5a7: {  	[tilespmem:s17], [sflag:$0x1] =	stream.indirect_vreg.gather [hbm4b:s6+s3], $0x80, v24, vm1, $0xb8;
	[tilespmem:$0x17000] =	vst v63  }
0x5a8: {  	v24 =	vld [tilespmem:$0x15310];
	_ =	sdelay $0x4  }
0x5a9: {  	v38 =	vshrl.u32 v24, $0x3  }
0x5aa: {  	v25 =	vmul.u32 $0x18, v38  }
0x5ab: {  	v24 =	vand.u32 $0x7, v24  }
0x5ac: {  	v24 =	vor.u32 v24, v25  }
0x5ad: {  	v25 =	vperm.xlane v24, v21;
	_ =	sdelay $0x1  }
0x5ae: {  	v25 =	vadd.s32 v22, v25;
	_ =	sdelay $0x1  }
0x5af: {  	v24 =	vperm.xlane v24, v23;
	_ =	sdelay $0x1  }
0x5b0: {  	s12 =	simm.s32 $0x1800;
	v24 =	vadd.s32 v22, v24  }
0x5b1: {  	[tilespmem:s12], [sflag:$0x1] =	stream.indirect_vreg.gather [hbm4b:s1+s3], $0x80, v25, vm0, $0xb8;
	[tilespmem:$0x17000] =	vst v63  }
0x5b2: {  	s15 =	simm.s32 $0x2000  }
0x5b3: {  	[tilespmem:s15], [sflag:$0x1] =	stream.indirect_vreg.gather [hbm4b:s6+s3], $0x80, v25, vm1, $0xb8;
	[tilespmem:$0x17000] =	vst v63  }
0x5b4: {  	s20 =	simm.s32 $0x2400  }
0x5b5: {  	[tilespmem:s20], [sflag:$0x1] =	stream.indirect_vreg.gather [hbm4b:s1+s3], $0x80, v24, vm0, $0xb8;
	[tilespmem:$0x17000] =	vst v63  }
0x5b6: {  	s17 =	simm.s32 $0x2C00  }
0x5b7: {  	[tilespmem:s17], [sflag:$0x1] =	stream.indirect_vreg.gather [hbm4b:s6+s3], $0x80, v24, vm1, $0xb8;
	[tilespmem:$0x17000] =	vst v63  }
0x5b8: {  	v24 =	vld [tilespmem:$0x15320];
	_ =	sdelay $0x4  }
0x5b9: {  	v39 =	vshrl.u32 v24, $0x3  }
0x5ba: {  	v25 =	vmul.u32 $0x18, v39  }
0x5bb: {  	v24 =	vand.u32 $0x7, v24  }
0x5bc: {  	v24 =	vor.u32 v24, v25  }
0x5bd: {  	v25 =	vperm.xlane v24, v21;
	_ =	sdelay $0x1  }
0x5be: {  	v25 =	vadd.s32 v22, v25;
	_ =	sdelay $0x1  }
0x5bf: {  	v24 =	vperm.xlane v24, v23;
	_ =	sdelay $0x1  }
0x5c0: {  	s21 =	simm.s32 $0x3000;
	v24 =	vadd.s32 v22, v24  }
0x5c1: {  	[tilespmem:s21], [sflag:$0x1] =	stream.indirect_vreg.gather [hbm4b:s1+s3], $0x80, v25, vm0, $0xb8;
	[tilespmem:$0x17000] =	vst v63  }
0x5c2: {  	s22 =	simm.s32 $0x3800  }
0x5c3: {  	[tilespmem:s22], [sflag:$0x1] =	stream.indirect_vreg.gather [hbm4b:s6+s3], $0x80, v25, vm1, $0xb8;
	[tilespmem:$0x17000] =	vst v63  }
0x5c4: {  	s23 =	simm.s32 $0x3C00  }
0x5c5: {  	[tilespmem:s23], [sflag:$0x1] =	stream.indirect_vreg.gather [hbm4b:s1+s3], $0x80, v24, vm0, $0xb8;
	[tilespmem:$0x17000] =	vst v63  }
0x5c6: {  	s17 =	simm.s32 $0x4400  }
0x5c7: {  	[tilespmem:s17], [sflag:$0x1] =	stream.indirect_vreg.gather [hbm4b:s6+s3], $0x80, v24, vm1, $0xb8;
	[tilespmem:$0x17000] =	vst v63  }
0x5c8: {  	v24 =	vld [tilespmem:$0x15330];
	_ =	sdelay $0x4  }
0x5c9: {  	v40 =	vshrl.u32 v24, $0x3  }
0x5ca: {  	v25 =	vmul.u32 $0x18, v40  }
0x5cb: {  	v24 =	vand.u32 $0x7, v24  }
0x5cc: {  	v24 =	vor.u32 v24, v25  }
0x5cd: {  	v25 =	vperm.xlane v24, v21;
	_ =	sdelay $0x1  }
0x5ce: {  	v25 =	vadd.s32 v22, v25;
	_ =	sdelay $0x1  }
0x5cf: {  	v24 =	vperm.xlane v24, v23;
	_ =	sdelay $0x1  }
0x5d0: {  	s24 =	simm.s32 $0x4800;
	v24 =	vadd.s32 v22, v24  }
0x5d1: {  	[tilespmem:s24], [sflag:$0x1] =	stream.indirect_vreg.gather [hbm4b:s1+s3], $0x80, v25, vm0, $0xb8;
	[tilespmem:$0x17000] =	vst v63  }
0x5d2: {  	s25 =	simm.s32 $0x5000  }
0x5d3: {  	[tilespmem:s25], [sflag:$0x1] =	stream.indirect_vreg.gather [hbm4b:s6+s3], $0x80, v25, vm1, $0xb8;
	[tilespmem:$0x17000] =	vst v63  }
0x5d4: {  	s26 =	simm.s32 $0x5400  }
0x5d5: {  	[tilespmem:s26], [sflag:$0x1] =	stream.indirect_vreg.gather [hbm4b:s1+s3], $0x80, v24, vm0, $0xb8;
	[tilespmem:$0x17000] =	vst v63  }
0x5d6: {  	s17 =	simm.s32 $0x5C00  }
0x5d7: {  	[tilespmem:s17], [sflag:$0x1] =	stream.indirect_vreg.gather [hbm4b:s6+s3], $0x80, v24, vm1, $0xb8;
	[tilespmem:$0x17000] =	vst v63  }
0x5d8: {  	v24 =	vld [tilespmem:$0x15340];
	_ =	sdelay $0x4  }
0x5d9: {  	v41 =	vshrl.u32 v24, $0x3  }
0x5da: {  	v25 =	vmul.u32 $0x18, v41  }
0x5db: {  	v24 =	vand.u32 $0x7, v24  }
0x5dc: {  	v24 =	vor.u32 v24, v25  }
0x5dd: {  	v25 =	vperm.xlane v24, v21;
	_ =	sdelay $0x1  }
0x5de: {  	v25 =	vadd.s32 v22, v25;
	_ =	sdelay $0x1  }
0x5df: {  	v24 =	vperm.xlane v24, v23;
	_ =	sdelay $0x1  }
0x5e0: {  	s28 =	simm.s32 $0x6000;
	v24 =	vadd.s32 v22, v24  }
0x5e1: {  	[tilespmem:s28], [sflag:$0x1] =	stream.indirect_vreg.gather [hbm4b:s1+s3], $0x80, v25, vm0, $0xb8;
	[tilespmem:$0x17000] =	vst v63  }
0x5e2: {  	s29 =	simm.s32 $0x6800  }
0x5e3: {  	[tilespmem:s29], [sflag:$0x1] =	stream.indirect_vreg.gather [hbm4b:s6+s3], $0x80, v25, vm1, $0xb8;
	[tilespmem:$0x17000] =	vst v63  }
0x5e4: {  	s5 =	simm.s32 $0x6C00  }
0x5e5: {  	[tilespmem:s5], [sflag:$0x1] =	stream.indirect_vreg.gather [hbm4b:s1+s3], $0x80, v24, vm0, $0xb8;
	[tilespmem:$0x17000] =	vst v63  }
0x5e6: {  	s30 =	simm.s32 $0x7400  }
0x5e7: {  	[tilespmem:s30], [sflag:$0x1] =	stream.indirect_vreg.gather [hbm4b:s6+s3], $0x80, v24, vm1, $0xb8;
	[tilespmem:$0x17000] =	vst v63  }
0x5e8: {  	v24 =	vld [tilespmem:$0x15350];
	_ =	sdelay $0x4  }
0x5e9: {  	v42 =	vshrl.u32 v24, $0x3  }
0x5ea: {  	v25 =	vmul.u32 $0x18, v42  }
0x5eb: {  	v24 =	vand.u32 $0x7, v24  }
0x5ec: {  	v24 =	vor.u32 v24, v25  }
0x5ed: {  	v25 =	vperm.xlane v24, v21;
	_ =	sdelay $0x1  }
0x5ee: {  	v25 =	vadd.s32 v22, v25;
	_ =	sdelay $0x1  }
0x5ef: {  	v24 =	vperm.xlane v24, v23;
	_ =	sdelay $0x1  }
0x5f0: {  	s31 =	simm.s32 $0x7800;
	v24 =	vadd.s32 v22, v24  }
0x5f1: {  	[tilespmem:s31], [sflag:$0x1] =	stream.indirect_vreg.gather [hbm4b:s1+s3], $0x80, v25, vm0, $0xb8;
	[tilespmem:$0x17000] =	vst v63  }
0x5f2: {  	s17 =	simm.s32 $0x8000  }
0x5f3: {  	[tilespmem:s17], [sflag:$0x1] =	stream.indirect_vreg.gather [hbm4b:s6+s3], $0x80, v25, vm1, $0xb8;
	[tilespmem:$0x17000] =	vst v63  }
0x5f4: {  	s17 =	simm.s32 $0x8400  }
0x5f5: {  	[tilespmem:s17], [sflag:$0x1] =	stream.indirect_vreg.gather [hbm4b:s1+s3], $0x80, v24, vm0, $0xb8;
	[tilespmem:$0x17000] =	vst v63  }
0x5f6: {  	s17 =	simm.s32 $0x8C00  }
0x5f7: {  	[tilespmem:s17], [sflag:$0x1] =	stream.indirect_vreg.gather [hbm4b:s6+s3], $0x80, v24, vm1, $0xb8;
	[tilespmem:$0x17000] =	vst v63  }
0x5f8: {  	v24 =	vld [tilespmem:$0x15360];
	_ =	sdelay $0x4  }
0x5f9: {  	v43 =	vshrl.u32 v24, $0x3  }
0x5fa: {  	v25 =	vmul.u32 $0x18, v43  }
0x5fb: {  	v24 =	vand.u32 $0x7, v24  }
0x5fc: {  	v24 =	vor.u32 v24, v25  }
0x5fd: {  	v25 =	vperm.xlane v24, v21;
	_ =	sdelay $0x1  }
0x5fe: {  	v25 =	vadd.s32 v22, v25;
	_ =	sdelay $0x1  }
0x5ff: {  	v24 =	vperm.xlane v24, v23;
	_ =	sdelay $0x1  }
0x600: {  	s8 =	simm.s32 $0x9000;
	v24 =	vadd.s32 v22, v24  }
0x601: {  	[tilespmem:s8], [sflag:$0x1] =	stream.indirect_vreg.gather [hbm4b:s1+s3], $0x80, v25, vm0, $0xb8;
	[tilespmem:$0x17000] =	vst v63  }
0x602: {  	s9 =	simm.s32 $0x9800  }
0x603: {  	[tilespmem:s9], [sflag:$0x1] =	stream.indirect_vreg.gather [hbm4b:s6+s3], $0x80, v25, vm1, $0xb8;
	[tilespmem:$0x17000] =	vst v63  }
0x604: {  	s10 =	simm.s32 $0x9C00  }
0x605: {  	[tilespmem:s10], [sflag:$0x1] =	stream.indirect_vreg.gather [hbm4b:s1+s3], $0x80, v24, vm0, $0xb8;
	[tilespmem:$0x17000] =	vst v63  }
0x606: {  	s17 =	simm.s32 $0xA400  }
0x607: {  	[tilespmem:s17], [sflag:$0x1] =	stream.indirect_vreg.gather [hbm4b:s6+s3], $0x80, v24, vm1, $0xb8;
	[tilespmem:$0x17000] =	vst v63  }
0x608: {  	_ =	swait.ge [sflag:s14], $0xA800  }
0x609: {  	[sflag:s14] =	ssyncset.done $0x0  }
0x60a: {  	s17 =	rddreg [dreg:$0xc];
	[sflag:s14] =	ssyncadd.s32 $0xFFFF5800  }
0x60b: {  	[hbm4b:s17+s3] =	stream.linear.scatter [tilespmem:s3], [sflag:$0x3], $0xA800, $0x38;
	[tilespmem:$0x17000] =	vst v63  }
0x60c: {  	_ =	swait.ge [sflag:s0], $0xA800  }
0x60d: {  	[sflag:s0] =	ssyncset.done $0x0  }
0x60e: {  	[sflag:s0] =	ssyncadd.s32 $0xFFFF5800  }
0x60f: {  	v44 =	vld [tilespmem:$0x15380];
	_ =	sdelay $0x4  }
0x610: {  	v45 =	vshrl.u32 v44, $0x3  }
0x611: {  	v25 =	vmul.u32 $0x18, v45  }
0x612: {  	v24 =	vand.u32 $0x7, v44  }
0x613: {  	v24 =	vor.u32 v24, v25  }
0x614: {  	v25 =	vperm.xlane v24, v21;
	_ =	sdelay $0x1  }
0x615: {  	v25 =	vadd.s32 v22, v25;
	_ =	sdelay $0x1  }
0x616: {  	v24 =	vperm.xlane v24, v23;
	_ =	sdelay $0x1  }
0x617: {  	v24 =	vadd.s32 v22, v24  }
0x618: {  	[tilespmem:s18], [sflag:$0x2] =	stream.indirect_vreg.gather [hbm4b:s1+s3], $0x80, v25, vm0, $0xb8;
	[tilespmem:$0x17000] =	vst v63  }
0x619: {  	s7 =	simm.s32 $0xB000  }
0x61a: {  	[tilespmem:s7], [sflag:$0x2] =	stream.indirect_vreg.gather [hbm4b:s6+s3], $0x80, v25, vm1, $0xb8;
	[tilespmem:$0x17000] =	vst v63  }
0x61b: {  	s19 =	simm.s32 $0xB400  }
0x61c: {  	[tilespmem:s19], [sflag:$0x2] =	stream.indirect_vreg.gather [hbm4b:s1+s3], $0x80, v24, vm0, $0xb8;
	[tilespmem:$0x17000] =	vst v63  }
0x61d: {  	s17 =	simm.s32 $0xBC00  }
0x61e: {  	[tilespmem:s17], [sflag:$0x2] =	stream.indirect_vreg.gather [hbm4b:s6+s3], $0x80, v24, vm1, $0xb8;
	[tilespmem:$0x17000] =	vst v63  }
0x61f: {  	v24 =	vld [tilespmem:$0x15390];
	_ =	sdelay $0x4  }
0x620: {  	v46 =	vshrl.u32 v24, $0x3  }
0x621: {  	v25 =	vmul.u32 $0x18, v46  }
0x622: {  	v24 =	vand.u32 $0x7, v24  }
0x623: {  	v24 =	vor.u32 v24, v25  }
0x624: {  	v25 =	vperm.xlane v24, v21;
	_ =	sdelay $0x1  }
0x625: {  	v25 =	vadd.s32 v22, v25;
	_ =	sdelay $0x1  }
0x626: {  	v24 =	vperm.xlane v24, v23;
	_ =	sdelay $0x1  }
0x627: {  	s17 =	simm.s32 $0xC000;
	v24 =	vadd.s32 v22, v24  }
0x628: {  	[tilespmem:s17], [sflag:$0x2] =	stream.indirect_vreg.gather [hbm4b:s1+s3], $0x80, v25, vm0, $0xb8;
	[tilespmem:$0x17000] =	vst v63  }
0x629: {  	s17 =	simm.s32 $0xC800  }
0x62a: {  	[tilespmem:s17], [sflag:$0x2] =	stream.indirect_vreg.gather [hbm4b:s6+s3], $0x80, v25, vm1, $0xb8;
	[tilespmem:$0x17000] =	vst v63  }
0x62b: {  	s17 =	simm.s32 $0xCC00  }
0x62c: {  	[tilespmem:s17], [sflag:$0x2] =	stream.indirect_vreg.gather [hbm4b:s1+s3], $0x80, v24, vm0, $0xb8;
	[tilespmem:$0x17000] =	vst v63  }
0x62d: {  	s17 =	simm.s32 $0xD400  }
0x62e: {  	[tilespmem:s17], [sflag:$0x2] =	stream.indirect_vreg.gather [hbm4b:s6+s3], $0x80, v24, vm1, $0xb8;
	[tilespmem:$0x17000] =	vst v63  }
0x62f: {  	v24 =	vld [tilespmem:$0x153A0];
	_ =	sdelay $0x4  }
0x630: {  	v47 =	vshrl.u32 v24, $0x3  }
0x631: {  	v25 =	vmul.u32 $0x18, v47  }
0x632: {  	v24 =	vand.u32 $0x7, v24  }
0x633: {  	v24 =	vor.u32 v24, v25  }
0x634: {  	v25 =	vperm.xlane v24, v21;
	_ =	sdelay $0x1  }
0x635: {  	v25 =	vadd.s32 v22, v25;
	_ =	sdelay $0x1  }
0x636: {  	v24 =	vperm.xlane v24, v23;
	_ =	sdelay $0x1  }
0x637: {  	s17 =	simm.s32 $0xD800;
	v24 =	vadd.s32 v22, v24  }
0x638: {  	[tilespmem:s17], [sflag:$0x2] =	stream.indirect_vreg.gather [hbm4b:s1+s3], $0x80, v25, vm0, $0xb8;
	[tilespmem:$0x17000] =	vst v63  }
0x639: {  	s17 =	simm.s32 $0xE000  }
0x63a: {  	[tilespmem:s17], [sflag:$0x2] =	stream.indirect_vreg.gather [hbm4b:s6+s3], $0x80, v25, vm1, $0xb8;
	[tilespmem:$0x17000] =	vst v63  }
0x63b: {  	s17 =	simm.s32 $0xE400  }
0x63c: {  	[tilespmem:s17], [sflag:$0x2] =	stream.indirect_vreg.gather [hbm4b:s1+s3], $0x80, v24, vm0, $0xb8;
	[tilespmem:$0x17000] =	vst v63  }
0x63d: {  	s17 =	simm.s32 $0xEC00  }
0x63e: {  	[tilespmem:s17], [sflag:$0x2] =	stream.indirect_vreg.gather [hbm4b:s6+s3], $0x80, v24, vm1, $0xb8;
	[tilespmem:$0x17000] =	vst v63  }
0x63f: {  	v24 =	vld [tilespmem:$0x153B0];
	_ =	sdelay $0x4  }
0x640: {  	v48 =	vshrl.u32 v24, $0x3  }
0x641: {  	v25 =	vmul.u32 $0x18, v48  }
0x642: {  	v24 =	vand.u32 $0x7, v24  }
0x643: {  	v24 =	vor.u32 v24, v25  }
0x644: {  	v25 =	vperm.xlane v24, v21;
	_ =	sdelay $0x1  }
0x645: {  	v25 =	vadd.s32 v22, v25;
	_ =	sdelay $0x1  }
0x646: {  	v24 =	vperm.xlane v24, v23;
	_ =	sdelay $0x1  }
0x647: {  	s17 =	simm.s32 $0xF000;
	v24 =	vadd.s32 v22, v24  }
0x648: {  	[tilespmem:s17], [sflag:$0x2] =	stream.indirect_vreg.gather [hbm4b:s1+s3], $0x80, v25, vm0, $0xb8;
	[tilespmem:$0x17000] =	vst v63  }
0x649: {  	s17 =	simm.s32 $0xF800  }
0x64a: {  	[tilespmem:s17], [sflag:$0x2] =	stream.indirect_vreg.gather [hbm4b:s6+s3], $0x80, v25, vm1, $0xb8;
	[tilespmem:$0x17000] =	vst v63  }
0x64b: {  	s17 =	simm.s32 $0xFC00  }
0x64c: {  	[tilespmem:s17], [sflag:$0x2] =	stream.indirect_vreg.gather [hbm4b:s1+s3], $0x80, v24, vm0, $0xb8;
	[tilespmem:$0x17000] =	vst v63  }
0x64d: {  	s17 =	simm.s32 $0x10400  }
0x64e: {  	[tilespmem:s17], [sflag:$0x2] =	stream.indirect_vreg.gather [hbm4b:s6+s3], $0x80, v24, vm1, $0xb8;
	[tilespmem:$0x17000] =	vst v63  }
0x64f: {  	v24 =	vld [tilespmem:$0x153C0];
	_ =	sdelay $0x4  }
0x650: {  	v49 =	vshrl.u32 v24, $0x3  }
0x651: {  	v25 =	vmul.u32 $0x18, v49  }
0x652: {  	v24 =	vand.u32 $0x7, v24  }
0x653: {  	v24 =	vor.u32 v24, v25  }
0x654: {  	v25 =	vperm.xlane v24, v21;
	_ =	sdelay $0x1  }
0x655: {  	v25 =	vadd.s32 v22, v25;
	_ =	sdelay $0x1  }
0x656: {  	v24 =	vperm.xlane v24, v23;
	_ =	sdelay $0x1  }
0x657: {  	s17 =	simm.s32 $0x10800;
	v24 =	vadd.s32 v22, v24  }
0x658: {  	[tilespmem:s17], [sflag:$0x2] =	stream.indirect_vreg.gather [hbm4b:s1+s3], $0x80, v25, vm0, $0xb8;
	[tilespmem:$0x17000] =	vst v63  }
0x659: {  	s17 =	simm.s32 $0x11000  }
0x65a: {  	[tilespmem:s17], [sflag:$0x2] =	stream.indirect_vreg.gather [hbm4b:s6+s3], $0x80, v25, vm1, $0xb8;
	[tilespmem:$0x17000] =	vst v63  }
0x65b: {  	s17 =	simm.s32 $0x11400  }
0x65c: {  	[tilespmem:s17], [sflag:$0x2] =	stream.indirect_vreg.gather [hbm4b:s1+s3], $0x80, v24, vm0, $0xb8;
	[tilespmem:$0x17000] =	vst v63  }
0x65d: {  	s17 =	simm.s32 $0x11C00  }
0x65e: {  	[tilespmem:s17], [sflag:$0x2] =	stream.indirect_vreg.gather [hbm4b:s6+s3], $0x80, v24, vm1, $0xb8;
	[tilespmem:$0x17000] =	vst v63  }
0x65f: {  	v24 =	vld [tilespmem:$0x153D0];
	_ =	sdelay $0x4  }
0x660: {  	v50 =	vshrl.u32 v24, $0x3  }
0x661: {  	v25 =	vmul.u32 $0x18, v50  }
0x662: {  	v24 =	vand.u32 $0x7, v24  }
0x663: {  	v24 =	vor.u32 v24, v25  }
0x664: {  	v25 =	vperm.xlane v24, v21;
	_ =	sdelay $0x1  }
0x665: {  	v25 =	vadd.s32 v22, v25;
	_ =	sdelay $0x1  }
0x666: {  	v24 =	vperm.xlane v24, v23;
	_ =	sdelay $0x1  }
0x667: {  	s17 =	simm.s32 $0x12000;
	v24 =	vadd.s32 v22, v24  }
0x668: {  	[tilespmem:s17], [sflag:$0x2] =	stream.indirect_vreg.gather [hbm4b:s1+s3], $0x80, v25, vm0, $0xb8;
	[tilespmem:$0x17000] =	vst v63  }
0x669: {  	s17 =	simm.s32 $0x12800  }
0x66a: {  	[tilespmem:s17], [sflag:$0x2] =	stream.indirect_vreg.gather [hbm4b:s6+s3], $0x80, v25, vm1, $0xb8;
	[tilespmem:$0x17000] =	vst v63  }
0x66b: {  	s17 =	simm.s32 $0x12C00  }
0x66c: {  	[tilespmem:s17], [sflag:$0x2] =	stream.indirect_vreg.gather [hbm4b:s1+s3], $0x80, v24, vm0, $0xb8;
	[tilespmem:$0x17000] =	vst v63  }
0x66d: {  	s17 =	simm.s32 $0x13400  }
0x66e: {  	[tilespmem:s17], [sflag:$0x2] =	stream.indirect_vreg.gather [hbm4b:s6+s3], $0x80, v24, vm1, $0xb8;
	[tilespmem:$0x17000] =	vst v63  }
0x66f: {  	v24 =	vld [tilespmem:$0x153E0];
	_ =	sdelay $0x4  }
0x670: {  	v51 =	vshrl.u32 v24, $0x3  }
0x671: {  	v25 =	vmul.u32 $0x18, v51  }
0x672: {  	v24 =	vand.u32 $0x7, v24  }
0x673: {  	v24 =	vor.u32 v24, v25  }
0x674: {  	v25 =	vperm.xlane v24, v21;
	_ =	sdelay $0x1  }
0x675: {  	v25 =	vadd.s32 v22, v25;
	_ =	sdelay $0x1  }
0x676: {  	v24 =	vperm.xlane v24, v23;
	_ =	sdelay $0x1  }
0x677: {  	s17 =	simm.s32 $0x13800;
	v24 =	vadd.s32 v22, v24  }
0x678: {  	[tilespmem:s17], [sflag:$0x2] =	stream.indirect_vreg.gather [hbm4b:s1+s3], $0x80, v25, vm0, $0xb8;
	[tilespmem:$0x17000] =	vst v63  }
0x679: {  	s17 =	simm.s32 $0x14000  }
0x67a: {  	[tilespmem:s17], [sflag:$0x2] =	stream.indirect_vreg.gather [hbm4b:s6+s3], $0x80, v25, vm1, $0xb8;
	[tilespmem:$0x17000] =	vst v63  }
0x67b: {  	s17 =	simm.s32 $0x14400  }
0x67c: {  	[tilespmem:s17], [sflag:$0x2] =	stream.indirect_vreg.gather [hbm4b:s1+s3], $0x80, v24, vm0, $0xb8;
	[tilespmem:$0x17000] =	vst v63  }
0x67d: {  	s17 =	simm.s32 $0x14C00  }
0x67e: {  	[tilespmem:s17], [sflag:$0x2] =	stream.indirect_vreg.gather [hbm4b:s6+s3], $0x80, v24, vm1, $0xb8;
	[tilespmem:$0x17000] =	vst v63  }
0x67f: {  	_ =	swait.ge [sflag:s16], $0xA800  }
0x680: {  	[sflag:s16] =	ssyncset.done $0x0  }
0x681: {  	s17 =	rddreg [dreg:$0xd];
	[sflag:s16] =	ssyncadd.s32 $0xFFFF5800  }
0x682: {  	[hbm4b:s17+s3] =	stream.linear.scatter [tilespmem:s18], [sflag:$0x4], $0xA800, $0x38;
	[tilespmem:$0x17000] =	vst v63  }
0x683: {  	_ =	swait.ge [sflag:s13], $0xA800  }
0x684: {  	[sflag:s13] =	ssyncset.done $0x0  }
0x685: {  	[sflag:s13] =	ssyncadd.s32 $0xFFFF5800  }
0x686: {  	v52 =	vld [tilespmem:$0x15400];
	_ =	sdelay $0x4  }
0x687: {  	v53 =	vshrl.u32 v52, $0x3  }
0x688: {  	v25 =	vmul.u32 $0x18, v53  }
0x689: {  	v24 =	vand.u32 $0x7, v52  }
0x68a: {  	v24 =	vor.u32 v24, v25  }
0x68b: {  	v25 =	vperm.xlane v24, v21;
	_ =	sdelay $0x1  }
0x68c: {  	v25 =	vadd.s32 v22, v25;
	_ =	sdelay $0x1  }
0x68d: {  	v24 =	vperm.xlane v24, v23;
	_ =	sdelay $0x1  }
0x68e: {  	v24 =	vadd.s32 v22, v24  }
0x68f: {  	[tilespmem:s3], [sflag:$0x1] =	stream.indirect_vreg.gather [hbm4b:s1+s3], $0x80, v25, vm0, $0xb8;
	[tilespmem:$0x17000] =	vst v63  }
0x690: {  	s2 =	simm.s32 $0x800  }
0x691: {  	[tilespmem:s2], [sflag:$0x1] =	stream.indirect_vreg.gather [hbm4b:s6+s3], $0x80, v25, vm1, $0xb8;
	[tilespmem:$0x17000] =	vst v63  }
0x692: {  	s11 =	simm.s32 $0xC00  }
0x693: {  	[tilespmem:s11], [sflag:$0x1] =	stream.indirect_vreg.gather [hbm4b:s1+s3], $0x80, v24, vm0, $0xb8;
	[tilespmem:$0x17000] =	vst v63  }
0x694: {  	s17 =	simm.s32 $0x1400  }
0x695: {  	[tilespmem:s17], [sflag:$0x1] =	stream.indirect_vreg.gather [hbm4b:s6+s3], $0x80, v24, vm1, $0xb8;
	[tilespmem:$0x17000] =	vst v63  }
0x696: {  	v24 =	vld [tilespmem:$0x15410];
	_ =	sdelay $0x4  }
0x697: {  	v54 =	vshrl.u32 v24, $0x3  }
0x698: {  	v25 =	vmul.u32 $0x18, v54  }
0x699: {  	v24 =	vand.u32 $0x7, v24  }
0x69a: {  	v24 =	vor.u32 v24, v25  }
0x69b: {  	v25 =	vperm.xlane v24, v21;
	_ =	sdelay $0x1  }
0x69c: {  	v25 =	vadd.s32 v22, v25;
	_ =	sdelay $0x1  }
0x69d: {  	v24 =	vperm.xlane v24, v23;
	_ =	sdelay $0x1  }
0x69e: {  	s12 =	simm.s32 $0x1800;
	v24 =	vadd.s32 v22, v24  }
0x69f: {  	[tilespmem:s12], [sflag:$0x1] =	stream.indirect_vreg.gather [hbm4b:s1+s3], $0x80, v25, vm0, $0xb8;
	[tilespmem:$0x17000] =	vst v63  }
0x6a0: {  	s15 =	simm.s32 $0x2000  }
0x6a1: {  	[tilespmem:s15], [sflag:$0x1] =	stream.indirect_vreg.gather [hbm4b:s6+s3], $0x80, v25, vm1, $0xb8;
	[tilespmem:$0x17000] =	vst v63  }
0x6a2: {  	s20 =	simm.s32 $0x2400  }
0x6a3: {  	[tilespmem:s20], [sflag:$0x1] =	stream.indirect_vreg.gather [hbm4b:s1+s3], $0x80, v24, vm0, $0xb8;
	[tilespmem:$0x17000] =	vst v63  }
0x6a4: {  	s17 =	simm.s32 $0x2C00  }
0x6a5: {  	[tilespmem:s17], [sflag:$0x1] =	stream.indirect_vreg.gather [hbm4b:s6+s3], $0x80, v24, vm1, $0xb8;
	[tilespmem:$0x17000] =	vst v63  }
0x6a6: {  	v24 =	vld [tilespmem:$0x15420];
	_ =	sdelay $0x4  }
0x6a7: {  	v55 =	vshrl.u32 v24, $0x3  }
0x6a8: {  	v25 =	vmul.u32 $0x18, v55  }
0x6a9: {  	v24 =	vand.u32 $0x7, v24  }
0x6aa: {  	v24 =	vor.u32 v24, v25  }
0x6ab: {  	v25 =	vperm.xlane v24, v21;
	_ =	sdelay $0x1  }
0x6ac: {  	v25 =	vadd.s32 v22, v25;
	_ =	sdelay $0x1  }
0x6ad: {  	v24 =	vperm.xlane v24, v23;
	_ =	sdelay $0x1  }
0x6ae: {  	s21 =	simm.s32 $0x3000;
	v24 =	vadd.s32 v22, v24  }
0x6af: {  	[tilespmem:s21], [sflag:$0x1] =	stream.indirect_vreg.gather [hbm4b:s1+s3], $0x80, v25, vm0, $0xb8;
	[tilespmem:$0x17000] =	vst v63  }
0x6b0: {  	s22 =	simm.s32 $0x3800  }
0x6b1: {  	[tilespmem:s22], [sflag:$0x1] =	stream.indirect_vreg.gather [hbm4b:s6+s3], $0x80, v25, vm1, $0xb8;
	[tilespmem:$0x17000] =	vst v63  }
0x6b2: {  	s23 =	simm.s32 $0x3C00  }
0x6b3: {  	[tilespmem:s23], [sflag:$0x1] =	stream.indirect_vreg.gather [hbm4b:s1+s3], $0x80, v24, vm0, $0xb8;
	[tilespmem:$0x17000] =	vst v63  }
0x6b4: {  	s17 =	simm.s32 $0x4400  }
0x6b5: {  	[tilespmem:s17], [sflag:$0x1] =	stream.indirect_vreg.gather [hbm4b:s6+s3], $0x80, v24, vm1, $0xb8;
	[tilespmem:$0x17000] =	vst v63  }
0x6b6: {  	v24 =	vld [tilespmem:$0x15430];
	_ =	sdelay $0x4  }
0x6b7: {  	v56 =	vshrl.u32 v24, $0x3  }
0x6b8: {  	v25 =	vmul.u32 $0x18, v56  }
0x6b9: {  	v24 =	vand.u32 $0x7, v24  }
0x6ba: {  	v24 =	vor.u32 v24, v25  }
0x6bb: {  	v25 =	vperm.xlane v24, v21;
	_ =	sdelay $0x1  }
0x6bc: {  	v25 =	vadd.s32 v22, v25;
	_ =	sdelay $0x1  }
0x6bd: {  	v24 =	vperm.xlane v24, v23;
	_ =	sdelay $0x1  }
0x6be: {  	s24 =	simm.s32 $0x4800;
	v24 =	vadd.s32 v22, v24  }
0x6bf: {  	[tilespmem:s24], [sflag:$0x1] =	stream.indirect_vreg.gather [hbm4b:s1+s3], $0x80, v25, vm0, $0xb8;
	[tilespmem:$0x17000] =	vst v63  }
0x6c0: {  	s25 =	simm.s32 $0x5000  }
0x6c1: {  	[tilespmem:s25], [sflag:$0x1] =	stream.indirect_vreg.gather [hbm4b:s6+s3], $0x80, v25, vm1, $0xb8;
	[tilespmem:$0x17000] =	vst v63  }
0x6c2: {  	s26 =	simm.s32 $0x5400  }
0x6c3: {  	[tilespmem:s26], [sflag:$0x1] =	stream.indirect_vreg.gather [hbm4b:s1+s3], $0x80, v24, vm0, $0xb8;
	[tilespmem:$0x17000] =	vst v63  }
0x6c4: {  	s17 =	simm.s32 $0x5C00  }
0x6c5: {  	[tilespmem:s17], [sflag:$0x1] =	stream.indirect_vreg.gather [hbm4b:s6+s3], $0x80, v24, vm1, $0xb8;
	[tilespmem:$0x17000] =	vst v63  }
0x6c6: {  	v24 =	vld [tilespmem:$0x15440];
	_ =	sdelay $0x4  }
0x6c7: {  	v57 =	vshrl.u32 v24, $0x3  }
0x6c8: {  	v25 =	vmul.u32 $0x18, v57  }
0x6c9: {  	v24 =	vand.u32 $0x7, v24  }
0x6ca: {  	v24 =	vor.u32 v24, v25  }
0x6cb: {  	v25 =	vperm.xlane v24, v21;
	_ =	sdelay $0x1  }
0x6cc: {  	v25 =	vadd.s32 v22, v25;
	_ =	sdelay $0x1  }
0x6cd: {  	v24 =	vperm.xlane v24, v23;
	_ =	sdelay $0x1  }
0x6ce: {  	s28 =	simm.s32 $0x6000;
	v24 =	vadd.s32 v22, v24  }
0x6cf: {  	[tilespmem:s28], [sflag:$0x1] =	stream.indirect_vreg.gather [hbm4b:s1+s3], $0x80, v25, vm0, $0xb8;
	[tilespmem:$0x17000] =	vst v63  }
0x6d0: {  	s29 =	simm.s32 $0x6800  }
0x6d1: {  	[tilespmem:s29], [sflag:$0x1] =	stream.indirect_vreg.gather [hbm4b:s6+s3], $0x80, v25, vm1, $0xb8;
	[tilespmem:$0x17000] =	vst v63  }
0x6d2: {  	s5 =	simm.s32 $0x6C00  }
0x6d3: {  	[tilespmem:s5], [sflag:$0x1] =	stream.indirect_vreg.gather [hbm4b:s1+s3], $0x80, v24, vm0, $0xb8;
	[tilespmem:$0x17000] =	vst v63  }
0x6d4: {  	s30 =	simm.s32 $0x7400  }
0x6d5: {  	[tilespmem:s30], [sflag:$0x1] =	stream.indirect_vreg.gather [hbm4b:s6+s3], $0x80, v24, vm1, $0xb8;
	[tilespmem:$0x17000] =	vst v63  }
0x6d6: {  	v24 =	vld [tilespmem:$0x15450];
	_ =	sdelay $0x4  }
0x6d7: {  	v58 =	vshrl.u32 v24, $0x3  }
0x6d8: {  	v25 =	vmul.u32 $0x18, v58  }
0x6d9: {  	v24 =	vand.u32 $0x7, v24  }
0x6da: {  	v24 =	vor.u32 v24, v25  }
0x6db: {  	v25 =	vperm.xlane v24, v21;
	_ =	sdelay $0x1  }
0x6dc: {  	v25 =	vadd.s32 v22, v25;
	_ =	sdelay $0x1  }
0x6dd: {  	v24 =	vperm.xlane v24, v23;
	_ =	sdelay $0x1  }
0x6de: {  	s31 =	simm.s32 $0x7800;
	v24 =	vadd.s32 v22, v24  }
0x6df: {  	[tilespmem:s31], [sflag:$0x1] =	stream.indirect_vreg.gather [hbm4b:s1+s3], $0x80, v25, vm0, $0xb8;
	[tilespmem:$0x17000] =	vst v63  }
0x6e0: {  	s17 =	simm.s32 $0x8000  }
0x6e1: {  	[tilespmem:s17], [sflag:$0x1] =	stream.indirect_vreg.gather [hbm4b:s6+s3], $0x80, v25, vm1, $0xb8;
	[tilespmem:$0x17000] =	vst v63  }
0x6e2: {  	s17 =	simm.s32 $0x8400  }
0x6e3: {  	[tilespmem:s17], [sflag:$0x1] =	stream.indirect_vreg.gather [hbm4b:s1+s3], $0x80, v24, vm0, $0xb8;
	[tilespmem:$0x17000] =	vst v63  }
0x6e4: {  	s17 =	simm.s32 $0x8C00  }
0x6e5: {  	[tilespmem:s17], [sflag:$0x1] =	stream.indirect_vreg.gather [hbm4b:s6+s3], $0x80, v24, vm1, $0xb8;
	[tilespmem:$0x17000] =	vst v63  }
0x6e6: {  	v24 =	vld [tilespmem:$0x15460];
	_ =	sdelay $0x4  }
0x6e7: {  	v59 =	vshrl.u32 v24, $0x3  }
0x6e8: {  	v25 =	vmul.u32 $0x18, v59  }
0x6e9: {  	v24 =	vand.u32 $0x7, v24  }
0x6ea: {  	v24 =	vor.u32 v24, v25  }
0x6eb: {  	v25 =	vperm.xlane v24, v21;
	_ =	sdelay $0x1  }
0x6ec: {  	v25 =	vadd.s32 v22, v25;
	_ =	sdelay $0x1  }
0x6ed: {  	v24 =	vperm.xlane v24, v23;
	_ =	sdelay $0x1  }
0x6ee: {  	s8 =	simm.s32 $0x9000;
	v24 =	vadd.s32 v22, v24  }
0x6ef: {  	[tilespmem:s8], [sflag:$0x1] =	stream.indirect_vreg.gather [hbm4b:s1+s3], $0x80, v25, vm0, $0xb8;
	[tilespmem:$0x17000] =	vst v63  }
0x6f0: {  	s9 =	simm.s32 $0x9800  }
0x6f1: {  	[tilespmem:s9], [sflag:$0x1] =	stream.indirect_vreg.gather [hbm4b:s6+s3], $0x80, v25, vm1, $0xb8;
	[tilespmem:$0x17000] =	vst v63  }
0x6f2: {  	s10 =	simm.s32 $0x9C00  }
0x6f3: {  	[tilespmem:s10], [sflag:$0x1] =	stream.indirect_vreg.gather [hbm4b:s1+s3], $0x80, v24, vm0, $0xb8;
	[tilespmem:$0x17000] =	vst v63  }
0x6f4: {  	s17 =	simm.s32 $0xA400  }
0x6f5: {  	[tilespmem:s17], [sflag:$0x1] =	stream.indirect_vreg.gather [hbm4b:s6+s3], $0x80, v24, vm1, $0xb8;
	[tilespmem:$0x17000] =	vst v63  }
0x6f6: {  	_ =	swait.ge [sflag:s14], $0xA800  }
0x6f7: {  	[sflag:s14] =	ssyncset.done $0x0  }
0x6f8: {  	s17 =	rddreg [dreg:$0xe];
	[sflag:s14] =	ssyncadd.s32 $0xFFFF5800  }
0x6f9: {  	[hbm4b:s17+s3] =	stream.linear.scatter [tilespmem:s3], [sflag:$0x3], $0xA800, $0x38;
	[tilespmem:$0x17000] =	vst v63  }
0x6fa: {  	_ =	swait.ge [sflag:s0], $0xA800  }
0x6fb: {  	[sflag:s0] =	ssyncset.done $0x0  }
0x6fc: {  	[sflag:s0] =	ssyncadd.s32 $0xFFFF5800  }
0x6fd: {  	v60 =	vld [tilespmem:$0x15480];
	_ =	sdelay $0x4  }
0x6fe: {  	v61 =	vshrl.u32 v60, $0x3  }
0x6ff: {  	v25 =	vmul.u32 $0x18, v61  }
0x700: {  	v24 =	vand.u32 $0x7, v60  }
0x701: {  	v24 =	vor.u32 v24, v25  }
0x702: {  	v25 =	vperm.xlane v24, v21;
	_ =	sdelay $0x1  }
0x703: {  	v25 =	vadd.s32 v22, v25;
	_ =	sdelay $0x1  }
0x704: {  	v24 =	vperm.xlane v24, v23;
	_ =	sdelay $0x1  }
0x705: {  	v24 =	vadd.s32 v22, v24  }
0x706: {  	[tilespmem:s18], [sflag:$0x2] =	stream.indirect_vreg.gather [hbm4b:s1+s3], $0x80, v25, vm0, $0xb8;
	[tilespmem:$0x17000] =	vst v63  }
0x707: {  	s7 =	simm.s32 $0xB000  }
0x708: {  	[tilespmem:s7], [sflag:$0x2] =	stream.indirect_vreg.gather [hbm4b:s6+s3], $0x80, v25, vm1, $0xb8;
	[tilespmem:$0x17000] =	vst v63  }
0x709: {  	s19 =	simm.s32 $0xB400  }
0x70a: {  	[tilespmem:s19], [sflag:$0x2] =	stream.indirect_vreg.gather [hbm4b:s1+s3], $0x80, v24, vm0, $0xb8;
	[tilespmem:$0x17000] =	vst v63  }
0x70b: {  	s19 =	simm.s32 $0xBC00  }
0x70c: {  	[tilespmem:s19], [sflag:$0x2] =	stream.indirect_vreg.gather [hbm4b:s6+s3], $0x80, v24, vm1, $0xb8;
	[tilespmem:$0x17000] =	vst v63  }
0x70d: {  	v24 =	vld [tilespmem:$0x15490];
	_ =	sdelay $0x4  }
0x70e: {  	v62 =	vshrl.u32 v24, $0x3  }
0x70f: {  	v25 =	vmul.u32 $0x18, v62  }
0x710: {  	v24 =	vand.u32 $0x7, v24  }
0x711: {  	v24 =	vor.u32 v24, v25  }
0x712: {  	v25 =	vperm.xlane v24, v21;
	_ =	sdelay $0x1  }
0x713: {  	v25 =	vadd.s32 v22, v25;
	_ =	sdelay $0x1  }
0x714: {  	v24 =	vperm.xlane v24, v23;
	_ =	sdelay $0x1  }
0x715: {  	s17 =	simm.s32 $0xC000;
	v24 =	vadd.s32 v22, v24  }
0x716: {  	[tilespmem:s17], [sflag:$0x2] =	stream.indirect_vreg.gather [hbm4b:s1+s3], $0x80, v25, vm0, $0xb8;
	[tilespmem:$0x17000] =	vst v63  }
0x717: {  	s19 =	simm.s32 $0xC800  }
0x718: {  	[tilespmem:s19], [sflag:$0x2] =	stream.indirect_vreg.gather [hbm4b:s6+s3], $0x80, v25, vm1, $0xb8;
	[tilespmem:$0x17000] =	vst v63  }
0x719: {  	s17 =	simm.s32 $0xCC00  }
0x71a: {  	[tilespmem:s17], [sflag:$0x2] =	stream.indirect_vreg.gather [hbm4b:s1+s3], $0x80, v24, vm0, $0xb8;
	[tilespmem:$0x17000] =	vst v63  }
0x71b: {  	s19 =	simm.s32 $0xD400  }
0x71c: {  	[tilespmem:s19], [sflag:$0x2] =	stream.indirect_vreg.gather [hbm4b:s6+s3], $0x80, v24, vm1, $0xb8;
	[tilespmem:$0x17000] =	vst v63  }
0x71d: {  	v24 =	vld [tilespmem:$0x154A0];
	_ =	sdelay $0x4  }
0x71e: {  	v63 =	vshrl.u32 v24, $0x3  }
0x71f: {  	v25 =	vmul.u32 $0x18, v63  }
0x720: {  	v24 =	vand.u32 $0x7, v24  }
0x721: {  	v24 =	vor.u32 v24, v25  }
0x722: {  	v25 =	vperm.xlane v24, v21;
	_ =	sdelay $0x1  }
0x723: {  	v25 =	vadd.s32 v22, v25;
	_ =	sdelay $0x1  }
0x724: {  	v24 =	vperm.xlane v24, v23;
	_ =	sdelay $0x1  }
0x725: {  	s17 =	simm.s32 $0xD800;
	v24 =	vadd.s32 v22, v24  }
0x726: {  	[tilespmem:s17], [sflag:$0x2] =	stream.indirect_vreg.gather [hbm4b:s1+s3], $0x80, v25, vm0, $0xb8;
	[tilespmem:$0x17000] =	vst v63  }
0x727: {  	s19 =	simm.s32 $0xE000  }
0x728: {  	[tilespmem:s19], [sflag:$0x2] =	stream.indirect_vreg.gather [hbm4b:s6+s3], $0x80, v25, vm1, $0xb8;
	[tilespmem:$0x17000] =	vst v63  }
0x729: {  	s17 =	simm.s32 $0xE400  }
0x72a: {  	[tilespmem:s17], [sflag:$0x2] =	stream.indirect_vreg.gather [hbm4b:s1+s3], $0x80, v24, vm0, $0xb8;
	[tilespmem:$0x17000] =	vst v63  }
0x72b: {  	s19 =	simm.s32 $0xEC00  }
0x72c: {  	[tilespmem:s19], [sflag:$0x2] =	stream.indirect_vreg.gather [hbm4b:s6+s3], $0x80, v24, vm1, $0xb8;
	[tilespmem:$0x17000] =	vst v63  }
0x72d: {  	v24 =	vld [tilespmem:$0x154B0];
	_ =	sdelay $0x4  }
0x72e: {  	v28 =	vshrl.u32 v24, $0x3  }
0x72f: {  	v25 =	vmul.u32 $0x18, v28  }
0x730: {  	v24 =	vand.u32 $0x7, v24  }
0x731: {  	v24 =	vor.u32 v24, v25  }
0x732: {  	v25 =	vperm.xlane v24, v21;
	_ =	sdelay $0x1  }
0x733: {  	v25 =	vadd.s32 v22, v25;
	_ =	sdelay $0x1  }
0x734: {  	v24 =	vperm.xlane v24, v23;
	_ =	sdelay $0x1  }
0x735: {  	s17 =	simm.s32 $0xF000;
	v24 =	vadd.s32 v22, v24  }
0x736: {  	[tilespmem:s17], [sflag:$0x2] =	stream.indirect_vreg.gather [hbm4b:s1+s3], $0x80, v25, vm0, $0xb8;
	[tilespmem:$0x17000] =	vst v63  }
0x737: {  	s19 =	simm.s32 $0xF800  }
0x738: {  	[tilespmem:s19], [sflag:$0x2] =	stream.indirect_vreg.gather [hbm4b:s6+s3], $0x80, v25, vm1, $0xb8;
	[tilespmem:$0x17000] =	vst v63  }
0x739: {  	s17 =	simm.s32 $0xFC00  }
0x73a: {  	[tilespmem:s17], [sflag:$0x2] =	stream.indirect_vreg.gather [hbm4b:s1+s3], $0x80, v24, vm0, $0xb8;
	[tilespmem:$0x17000] =	vst v63  }
0x73b: {  	s19 =	simm.s32 $0x10400  }
0x73c: {  	[tilespmem:s19], [sflag:$0x2] =	stream.indirect_vreg.gather [hbm4b:s6+s3], $0x80, v24, vm1, $0xb8;
	[tilespmem:$0x17000] =	vst v63  }
0x73d: {  	v24 =	vld [tilespmem:$0x154C0];
	_ =	sdelay $0x4  }
0x73e: {  	v29 =	vshrl.u32 v24, $0x3  }
0x73f: {  	v25 =	vmul.u32 $0x18, v29  }
0x740: {  	v24 =	vand.u32 $0x7, v24  }
0x741: {  	v24 =	vor.u32 v24, v25  }
0x742: {  	v25 =	vperm.xlane v24, v21;
	_ =	sdelay $0x1  }
0x743: {  	v25 =	vadd.s32 v22, v25;
	_ =	sdelay $0x1  }
0x744: {  	v24 =	vperm.xlane v24, v23;
	_ =	sdelay $0x1  }
0x745: {  	s17 =	simm.s32 $0x10800;
	v24 =	vadd.s32 v22, v24  }
0x746: {  	[tilespmem:s17], [sflag:$0x2] =	stream.indirect_vreg.gather [hbm4b:s1+s3], $0x80, v25, vm0, $0xb8;
	[tilespmem:$0x17000] =	vst v63  }
0x747: {  	s19 =	simm.s32 $0x11000  }
0x748: {  	[tilespmem:s19], [sflag:$0x2] =	stream.indirect_vreg.gather [hbm4b:s6+s3], $0x80, v25, vm1, $0xb8;
	[tilespmem:$0x17000] =	vst v63  }
0x749: {  	s17 =	simm.s32 $0x11400  }
0x74a: {  	[tilespmem:s17], [sflag:$0x2] =	stream.indirect_vreg.gather [hbm4b:s1+s3], $0x80, v24, vm0, $0xb8;
	[tilespmem:$0x17000] =	vst v63  }
0x74b: {  	s19 =	simm.s32 $0x11C00  }
0x74c: {  	[tilespmem:s19], [sflag:$0x2] =	stream.indirect_vreg.gather [hbm4b:s6+s3], $0x80, v24, vm1, $0xb8;
	[tilespmem:$0x17000] =	vst v63  }
0x74d: {  	v24 =	vld [tilespmem:$0x154D0];
	_ =	sdelay $0x4  }
0x74e: {  	v30 =	vshrl.u32 v24, $0x3  }
0x74f: {  	v25 =	vmul.u32 $0x18, v30  }
0x750: {  	v24 =	vand.u32 $0x7, v24  }
0x751: {  	v24 =	vor.u32 v24, v25  }
0x752: {  	v25 =	vperm.xlane v24, v21;
	_ =	sdelay $0x1  }
0x753: {  	v25 =	vadd.s32 v22, v25;
	_ =	sdelay $0x1  }
0x754: {  	v24 =	vperm.xlane v24, v23;
	_ =	sdelay $0x1  }
0x755: {  	s17 =	simm.s32 $0x12000;
	v24 =	vadd.s32 v22, v24  }
0x756: {  	[tilespmem:s17], [sflag:$0x2] =	stream.indirect_vreg.gather [hbm4b:s1+s3], $0x80, v25, vm0, $0xb8;
	[tilespmem:$0x17000] =	vst v63  }
0x757: {  	s19 =	simm.s32 $0x12800  }
0x758: {  	[tilespmem:s19], [sflag:$0x2] =	stream.indirect_vreg.gather [hbm4b:s6+s3], $0x80, v25, vm1, $0xb8;
	[tilespmem:$0x17000] =	vst v63  }
0x759: {  	s17 =	simm.s32 $0x12C00  }
0x75a: {  	[tilespmem:s17], [sflag:$0x2] =	stream.indirect_vreg.gather [hbm4b:s1+s3], $0x80, v24, vm0, $0xb8;
	[tilespmem:$0x17000] =	vst v63  }
0x75b: {  	s19 =	simm.s32 $0x13400  }
0x75c: {  	[tilespmem:s19], [sflag:$0x2] =	stream.indirect_vreg.gather [hbm4b:s6+s3], $0x80, v24, vm1, $0xb8;
	[tilespmem:$0x17000] =	vst v63  }
0x75d: {  	v24 =	vld [tilespmem:$0x154E0];
	_ =	sdelay $0x4  }
0x75e: {  	v31 =	vshrl.u32 v24, $0x3  }
0x75f: {  	v25 =	vmul.u32 $0x18, v31  }
0x760: {  	v24 =	vand.u32 $0x7, v24  }
0x761: {  	v24 =	vor.u32 v24, v25  }
0x762: {  	v25 =	vperm.xlane v24, v21;
	_ =	sdelay $0x1  }
0x763: {  	v25 =	vadd.s32 v22, v25;
	_ =	sdelay $0x1  }
0x764: {  	v24 =	vperm.xlane v24, v23;
	_ =	sdelay $0x1  }
0x765: {  	s17 =	simm.s32 $0x13800;
	v24 =	vadd.s32 v22, v24  }
0x766: {  	[tilespmem:s17], [sflag:$0x2] =	stream.indirect_vreg.gather [hbm4b:s1+s3], $0x80, v25, vm0, $0xb8;
	[tilespmem:$0x17000] =	vst v63  }
0x767: {  	s19 =	simm.s32 $0x14000  }
0x768: {  	[tilespmem:s19], [sflag:$0x2] =	stream.indirect_vreg.gather [hbm4b:s6+s3], $0x80, v25, vm1, $0xb8;
	[tilespmem:$0x17000] =	vst v63  }
0x769: {  	s17 =	simm.s32 $0x14400  }
0x76a: {  	[tilespmem:s17], [sflag:$0x2] =	stream.indirect_vreg.gather [hbm4b:s1+s3], $0x80, v24, vm0, $0xb8;
	[tilespmem:$0x17000] =	vst v63  }
0x76b: {  	s19 =	simm.s32 $0x14C00  }
0x76c: {  	[tilespmem:s19], [sflag:$0x2] =	stream.indirect_vreg.gather [hbm4b:s6+s3], $0x80, v24, vm1, $0xb8;
	[tilespmem:$0x17000] =	vst v63  }
0x76d: {  	_ =	swait.ge [sflag:s16], $0xA800  }
0x76e: {  	[sflag:s16] =	ssyncset.done $0x0  }
0x76f: {  	s7 =	rddreg [dreg:$0xf];
	[sflag:s16] =	ssyncadd.s32 $0xFFFF5800  }
0x770: {  	[hbm4b:s7+s3] =	stream.linear.scatter [tilespmem:s18], [sflag:$0x4], $0xA800, $0x38;
	[tilespmem:$0x17000] =	vst v63  }
0x771: {  	_ =	swait.ge [sflag:s13], $0xA800  }
0x772: {  	[sflag:s13] =	ssyncset.done $0x0  }
0x773: {  	[sflag:s13] =	ssyncadd.s32 $0xFFFF5800  }
0x774: {  	v32 =	vld [tilespmem:$0x15500];
	_ =	sdelay $0x4  }
0x775: {  	v33 =	vshrl.u32 v32, $0x3  }
0x776: {  	v25 =	vmul.u32 $0x18, v33  }
0x777: {  	v24 =	vand.u32 $0x7, v32  }
0x778: {  	v24 =	vor.u32 v24, v25  }
0x779: {  	v25 =	vperm.xlane v24, v21;
	_ =	sdelay $0x1  }
0x77a: {  	v25 =	vadd.s32 v22, v25;
	_ =	sdelay $0x1  }
0x77b: {  	v24 =	vperm.xlane v24, v23;
	_ =	sdelay $0x1  }
0x77c: {  	v24 =	vadd.s32 v22, v24  }
0x77d: {  	[tilespmem:s3], [sflag:$0x1] =	stream.indirect_vreg.gather [hbm4b:s1+s3], $0x80, v25, vm0, $0xb8;
	[tilespmem:$0x17000] =	vst v63  }
0x77e: {  	s2 =	simm.s32 $0x800  }
0x77f: {  	[tilespmem:s2], [sflag:$0x1] =	stream.indirect_vreg.gather [hbm4b:s6+s3], $0x80, v25, vm1, $0xb8;
	[tilespmem:$0x17000] =	vst v63  }
0x780: {  	s11 =	simm.s32 $0xC00  }
0x781: {  	[tilespmem:s11], [sflag:$0x1] =	stream.indirect_vreg.gather [hbm4b:s1+s3], $0x80, v24, vm0, $0xb8;
	[tilespmem:$0x17000] =	vst v63  }
0x782: {  	s19 =	simm.s32 $0x1400  }
0x783: {  	[tilespmem:s19], [sflag:$0x1] =	stream.indirect_vreg.gather [hbm4b:s6+s3], $0x80, v24, vm1, $0xb8;
	[tilespmem:$0x17000] =	vst v63  }
0x784: {  	v24 =	vld [tilespmem:$0x15510];
	_ =	sdelay $0x4  }
0x785: {  	v34 =	vshrl.u32 v24, $0x3  }
0x786: {  	v25 =	vmul.u32 $0x18, v34  }
0x787: {  	v24 =	vand.u32 $0x7, v24  }
0x788: {  	v24 =	vor.u32 v24, v25  }
0x789: {  	v25 =	vperm.xlane v24, v21;
	_ =	sdelay $0x1  }
0x78a: {  	v25 =	vadd.s32 v22, v25;
	_ =	sdelay $0x1  }
0x78b: {  	v24 =	vperm.xlane v24, v23;
	_ =	sdelay $0x1  }
0x78c: {  	s12 =	simm.s32 $0x1800;
	v24 =	vadd.s32 v22, v24  }
0x78d: {  	[tilespmem:s12], [sflag:$0x1] =	stream.indirect_vreg.gather [hbm4b:s1+s3], $0x80, v25, vm0, $0xb8;
	[tilespmem:$0x17000] =	vst v63  }
0x78e: {  	s15 =	simm.s32 $0x2000  }
0x78f: {  	[tilespmem:s15], [sflag:$0x1] =	stream.indirect_vreg.gather [hbm4b:s6+s3], $0x80, v25, vm1, $0xb8;
	[tilespmem:$0x17000] =	vst v63  }
0x790: {  	s20 =	simm.s32 $0x2400  }
0x791: {  	[tilespmem:s20], [sflag:$0x1] =	stream.indirect_vreg.gather [hbm4b:s1+s3], $0x80, v24, vm0, $0xb8;
	[tilespmem:$0x17000] =	vst v63  }
0x792: {  	s20 =	simm.s32 $0x2C00  }
0x793: {  	[tilespmem:s20], [sflag:$0x1] =	stream.indirect_vreg.gather [hbm4b:s6+s3], $0x80, v24, vm1, $0xb8;
	[tilespmem:$0x17000] =	vst v63  }
0x794: {  	v24 =	vld [tilespmem:$0x15520];
	_ =	sdelay $0x4  }
0x795: {  	v35 =	vshrl.u32 v24, $0x3  }
0x796: {  	v25 =	vmul.u32 $0x18, v35  }
0x797: {  	v24 =	vand.u32 $0x7, v24  }
0x798: {  	v24 =	vor.u32 v24, v25  }
0x799: {  	v25 =	vperm.xlane v24, v21;
	_ =	sdelay $0x1  }
0x79a: {  	v25 =	vadd.s32 v22, v25;
	_ =	sdelay $0x1  }
0x79b: {  	v24 =	vperm.xlane v24, v23;
	_ =	sdelay $0x1  }
0x79c: {  	s21 =	simm.s32 $0x3000;
	v24 =	vadd.s32 v22, v24  }
0x79d: {  	[tilespmem:s21], [sflag:$0x1] =	stream.indirect_vreg.gather [hbm4b:s1+s3], $0x80, v25, vm0, $0xb8;
	[tilespmem:$0x17000] =	vst v63  }
0x79e: {  	s22 =	simm.s32 $0x3800  }
0x79f: {  	[tilespmem:s22], [sflag:$0x1] =	stream.indirect_vreg.gather [hbm4b:s6+s3], $0x80, v25, vm1, $0xb8;
	[tilespmem:$0x17000] =	vst v63  }
0x7a0: {  	s23 =	simm.s32 $0x3C00  }
0x7a1: {  	[tilespmem:s23], [sflag:$0x1] =	stream.indirect_vreg.gather [hbm4b:s1+s3], $0x80, v24, vm0, $0xb8;
	[tilespmem:$0x17000] =	vst v63  }
0x7a2: {  	s23 =	simm.s32 $0x4400  }
0x7a3: {  	[tilespmem:s23], [sflag:$0x1] =	stream.indirect_vreg.gather [hbm4b:s6+s3], $0x80, v24, vm1, $0xb8;
	[tilespmem:$0x17000] =	vst v63  }
0x7a4: {  	v24 =	vld [tilespmem:$0x15530];
	_ =	sdelay $0x4  }
0x7a5: {  	v36 =	vshrl.u32 v24, $0x3  }
0x7a6: {  	v25 =	vmul.u32 $0x18, v36  }
0x7a7: {  	v24 =	vand.u32 $0x7, v24  }
0x7a8: {  	v24 =	vor.u32 v24, v25  }
0x7a9: {  	v25 =	vperm.xlane v24, v21;
	_ =	sdelay $0x1  }
0x7aa: {  	v25 =	vadd.s32 v22, v25;
	_ =	sdelay $0x1  }
0x7ab: {  	v24 =	vperm.xlane v24, v23;
	_ =	sdelay $0x1  }
0x7ac: {  	s24 =	simm.s32 $0x4800;
	v24 =	vadd.s32 v22, v24  }
0x7ad: {  	[tilespmem:s24], [sflag:$0x1] =	stream.indirect_vreg.gather [hbm4b:s1+s3], $0x80, v25, vm0, $0xb8;
	[tilespmem:$0x17000] =	vst v63  }
0x7ae: {  	s25 =	simm.s32 $0x5000  }
0x7af: {  	[tilespmem:s25], [sflag:$0x1] =	stream.indirect_vreg.gather [hbm4b:s6+s3], $0x80, v25, vm1, $0xb8;
	[tilespmem:$0x17000] =	vst v63  }
0x7b0: {  	s26 =	simm.s32 $0x5400  }
0x7b1: {  	[tilespmem:s26], [sflag:$0x1] =	stream.indirect_vreg.gather [hbm4b:s1+s3], $0x80, v24, vm0, $0xb8;
	[tilespmem:$0x17000] =	vst v63  }
0x7b2: {  	s26 =	simm.s32 $0x5C00  }
0x7b3: {  	[tilespmem:s26], [sflag:$0x1] =	stream.indirect_vreg.gather [hbm4b:s6+s3], $0x80, v24, vm1, $0xb8;
	[tilespmem:$0x17000] =	vst v63  }
0x7b4: {  	v24 =	vld [tilespmem:$0x15540];
	_ =	sdelay $0x4  }
0x7b5: {  	v37 =	vshrl.u32 v24, $0x3  }
0x7b6: {  	v25 =	vmul.u32 $0x18, v37  }
0x7b7: {  	v24 =	vand.u32 $0x7, v24  }
0x7b8: {  	v24 =	vor.u32 v24, v25  }
0x7b9: {  	v25 =	vperm.xlane v24, v21;
	_ =	sdelay $0x1  }
0x7ba: {  	v25 =	vadd.s32 v22, v25;
	_ =	sdelay $0x1  }
0x7bb: {  	v24 =	vperm.xlane v24, v23;
	_ =	sdelay $0x1  }
0x7bc: {  	s28 =	simm.s32 $0x6000;
	v24 =	vadd.s32 v22, v24  }
0x7bd: {  	[tilespmem:s28], [sflag:$0x1] =	stream.indirect_vreg.gather [hbm4b:s1+s3], $0x80, v25, vm0, $0xb8;
	[tilespmem:$0x17000] =	vst v63  }
0x7be: {  	s29 =	simm.s32 $0x6800  }
0x7bf: {  	[tilespmem:s29], [sflag:$0x1] =	stream.indirect_vreg.gather [hbm4b:s6+s3], $0x80, v25, vm1, $0xb8;
	[tilespmem:$0x17000] =	vst v63  }
0x7c0: {  	s5 =	simm.s32 $0x6C00  }
0x7c1: {  	[tilespmem:s5], [sflag:$0x1] =	stream.indirect_vreg.gather [hbm4b:s1+s3], $0x80, v24, vm0, $0xb8;
	[tilespmem:$0x17000] =	vst v63  }
0x7c2: {  	s30 =	simm.s32 $0x7400  }
0x7c3: {  	[tilespmem:s30], [sflag:$0x1] =	stream.indirect_vreg.gather [hbm4b:s6+s3], $0x80, v24, vm1, $0xb8;
	[tilespmem:$0x17000] =	vst v63  }
0x7c4: {  	v24 =	vld [tilespmem:$0x15550];
	_ =	sdelay $0x4  }
0x7c5: {  	v38 =	vshrl.u32 v24, $0x3  }
0x7c6: {  	v25 =	vmul.u32 $0x18, v38  }
0x7c7: {  	v24 =	vand.u32 $0x7, v24  }
0x7c8: {  	v24 =	vor.u32 v24, v25  }
0x7c9: {  	v25 =	vperm.xlane v24, v21;
	_ =	sdelay $0x1  }
0x7ca: {  	v25 =	vadd.s32 v22, v25;
	_ =	sdelay $0x1  }
0x7cb: {  	v24 =	vperm.xlane v24, v23;
	_ =	sdelay $0x1  }
0x7cc: {  	s31 =	simm.s32 $0x7800;
	v24 =	vadd.s32 v22, v24  }
0x7cd: {  	[tilespmem:s31], [sflag:$0x1] =	stream.indirect_vreg.gather [hbm4b:s1+s3], $0x80, v25, vm0, $0xb8;
	[tilespmem:$0x17000] =	vst v63  }
0x7ce: {  	s17 =	simm.s32 $0x8000  }
0x7cf: {  	[tilespmem:s17], [sflag:$0x1] =	stream.indirect_vreg.gather [hbm4b:s6+s3], $0x80, v25, vm1, $0xb8;
	[tilespmem:$0x17000] =	vst v63  }
0x7d0: {  	s31 =	simm.s32 $0x8400  }
0x7d1: {  	[tilespmem:s31], [sflag:$0x1] =	stream.indirect_vreg.gather [hbm4b:s1+s3], $0x80, v24, vm0, $0xb8;
	[tilespmem:$0x17000] =	vst v63  }
0x7d2: {  	s17 =	simm.s32 $0x8C00  }
0x7d3: {  	[tilespmem:s17], [sflag:$0x1] =	stream.indirect_vreg.gather [hbm4b:s6+s3], $0x80, v24, vm1, $0xb8;
	[tilespmem:$0x17000] =	vst v63  }
0x7d4: {  	v24 =	vld [tilespmem:$0x15560];
	_ =	sdelay $0x4  }
0x7d5: {  	v39 =	vshrl.u32 v24, $0x3  }
0x7d6: {  	v25 =	vmul.u32 $0x18, v39  }
0x7d7: {  	v24 =	vand.u32 $0x7, v24  }
0x7d8: {  	v24 =	vor.u32 v24, v25  }
0x7d9: {  	v25 =	vperm.xlane v24, v21;
	_ =	sdelay $0x1  }
0x7da: {  	v25 =	vadd.s32 v22, v25;
	_ =	sdelay $0x1  }
0x7db: {  	v24 =	vperm.xlane v24, v23;
	_ =	sdelay $0x1  }
0x7dc: {  	s8 =	simm.s32 $0x9000;
	v24 =	vadd.s32 v22, v24  }
0x7dd: {  	[tilespmem:s8], [sflag:$0x1] =	stream.indirect_vreg.gather [hbm4b:s1+s3], $0x80, v25, vm0, $0xb8;
	[tilespmem:$0x17000] =	vst v63  }
0x7de: {  	s9 =	simm.s32 $0x9800  }
0x7df: {  	[tilespmem:s9], [sflag:$0x1] =	stream.indirect_vreg.gather [hbm4b:s6+s3], $0x80, v25, vm1, $0xb8;
	[tilespmem:$0x17000] =	vst v63  }
0x7e0: {  	s10 =	simm.s32 $0x9C00  }
0x7e1: {  	[tilespmem:s10], [sflag:$0x1] =	stream.indirect_vreg.gather [hbm4b:s1+s3], $0x80, v24, vm0, $0xb8;
	[tilespmem:$0x17000] =	vst v63  }
0x7e2: {  	s31 =	simm.s32 $0xA400  }
0x7e3: {  	[tilespmem:s31], [sflag:$0x1] =	stream.indirect_vreg.gather [hbm4b:s6+s3], $0x80, v24, vm1, $0xb8;
	[tilespmem:$0x17000] =	vst v63  }
0x7e4: {  	_ =	swait.ge [sflag:s14], $0xA800  }
0x7e5: {  	[sflag:s14] =	ssyncset.done $0x0  }
0x7e6: {  	s10 =	rddreg [dreg:$0x10];
	[sflag:s14] =	ssyncadd.s32 $0xFFFF5800  }
0x7e7: {  	[hbm4b:s10+s3] =	stream.linear.scatter [tilespmem:s3], [sflag:$0x3], $0xA800, $0x38;
	[tilespmem:$0x17000] =	vst v63  }
0x7e8: {  	_ =	swait.ge [sflag:s0], $0xA800  }
0x7e9: {  	[sflag:s0] =	ssyncset.done $0x0  }
0x7ea: {  	[sflag:s0] =	ssyncadd.s32 $0xFFFF5800  }
0x7eb: {  	v40 =	vld [tilespmem:$0x15580];
	_ =	sdelay $0x4  }
0x7ec: {  	v41 =	vshrl.u32 v40, $0x3  }
0x7ed: {  	v25 =	vmul.u32 $0x18, v41  }
0x7ee: {  	v24 =	vand.u32 $0x7, v40  }
0x7ef: {  	v24 =	vor.u32 v24, v25  }
0x7f0: {  	v25 =	vperm.xlane v24, v21;
	_ =	sdelay $0x1  }
0x7f1: {  	v25 =	vadd.s32 v22, v25;
	_ =	sdelay $0x1  }
0x7f2: {  	v24 =	vperm.xlane v24, v23;
	_ =	sdelay $0x1  }
0x7f3: {  	v24 =	vadd.s32 v22, v24  }
0x7f4: {  	[tilespmem:s18], [sflag:$0x2] =	stream.indirect_vreg.gather [hbm4b:s1+s3], $0x80, v25, vm0, $0xb8;
	[tilespmem:$0x17000] =	vst v63  }
0x7f5: {  	s17 =	simm.s32 $0xB000  }
0x7f6: {  	[tilespmem:s17], [sflag:$0x2] =	stream.indirect_vreg.gather [hbm4b:s6+s3], $0x80, v25, vm1, $0xb8;
	[tilespmem:$0x17000] =	vst v63  }
0x7f7: {  	s31 =	simm.s32 $0xB400  }
0x7f8: {  	[tilespmem:s31], [sflag:$0x2] =	stream.indirect_vreg.gather [hbm4b:s1+s3], $0x80, v24, vm0, $0xb8;
	[tilespmem:$0x17000] =	vst v63  }
0x7f9: {  	s17 =	simm.s32 $0xBC00  }
0x7fa: {  	[tilespmem:s17], [sflag:$0x2] =	stream.indirect_vreg.gather [hbm4b:s6+s3], $0x80, v24, vm1, $0xb8;
	[tilespmem:$0x17000] =	vst v63  }
0x7fb: {  	v24 =	vld [tilespmem:$0x15590];
	_ =	sdelay $0x4  }
0x7fc: {  	v42 =	vshrl.u32 v24, $0x3  }
0x7fd: {  	v25 =	vmul.u32 $0x18, v42  }
0x7fe: {  	v24 =	vand.u32 $0x7, v24  }
0x7ff: {  	v24 =	vor.u32 v24, v25  }
0x800: {  	v25 =	vperm.xlane v24, v21;
	_ =	sdelay $0x1  }
0x801: {  	v25 =	vadd.s32 v22, v25;
	_ =	sdelay $0x1  }
0x802: {  	v24 =	vperm.xlane v24, v23;
	_ =	sdelay $0x1  }
0x803: {  	s17 =	simm.s32 $0xC000;
	v24 =	vadd.s32 v22, v24  }
0x804: {  	[tilespmem:s17], [sflag:$0x2] =	stream.indirect_vreg.gather [hbm4b:s1+s3], $0x80, v25, vm0, $0xb8;
	[tilespmem:$0x17000] =	vst v63  }
0x805: {  	s17 =	simm.s32 $0xC800  }
0x806: {  	[tilespmem:s17], [sflag:$0x2] =	stream.indirect_vreg.gather [hbm4b:s6+s3], $0x80, v25, vm1, $0xb8;
	[tilespmem:$0x17000] =	vst v63  }
0x807: {  	s17 =	simm.s32 $0xCC00  }
0x808: {  	[tilespmem:s17], [sflag:$0x2] =	stream.indirect_vreg.gather [hbm4b:s1+s3], $0x80, v24, vm0, $0xb8;
	[tilespmem:$0x17000] =	vst v63  }
0x809: {  	s17 =	simm.s32 $0xD400  }
0x80a: {  	[tilespmem:s17], [sflag:$0x2] =	stream.indirect_vreg.gather [hbm4b:s6+s3], $0x80, v24, vm1, $0xb8;
	[tilespmem:$0x17000] =	vst v63  }
0x80b: {  	v24 =	vld [tilespmem:$0x155A0];
	_ =	sdelay $0x4  }
0x80c: {  	v43 =	vshrl.u32 v24, $0x3  }
0x80d: {  	v25 =	vmul.u32 $0x18, v43  }
0x80e: {  	v24 =	vand.u32 $0x7, v24  }
0x80f: {  	v24 =	vor.u32 v24, v25  }
0x810: {  	v25 =	vperm.xlane v24, v21;
	_ =	sdelay $0x1  }
0x811: {  	v25 =	vadd.s32 v22, v25;
	_ =	sdelay $0x1  }
0x812: {  	v24 =	vperm.xlane v24, v23;
	_ =	sdelay $0x1  }
0x813: {  	s17 =	simm.s32 $0xD800;
	v24 =	vadd.s32 v22, v24  }
0x814: {  	[tilespmem:s17], [sflag:$0x2] =	stream.indirect_vreg.gather [hbm4b:s1+s3], $0x80, v25, vm0, $0xb8;
	[tilespmem:$0x17000] =	vst v63  }
0x815: {  	s17 =	simm.s32 $0xE000  }
0x816: {  	[tilespmem:s17], [sflag:$0x2] =	stream.indirect_vreg.gather [hbm4b:s6+s3], $0x80, v25, vm1, $0xb8;
	[tilespmem:$0x17000] =	vst v63  }
0x817: {  	s17 =	simm.s32 $0xE400  }
0x818: {  	[tilespmem:s17], [sflag:$0x2] =	stream.indirect_vreg.gather [hbm4b:s1+s3], $0x80, v24, vm0, $0xb8;
	[tilespmem:$0x17000] =	vst v63  }
0x819: {  	s17 =	simm.s32 $0xEC00  }
0x81a: {  	[tilespmem:s17], [sflag:$0x2] =	stream.indirect_vreg.gather [hbm4b:s6+s3], $0x80, v24, vm1, $0xb8;
	[tilespmem:$0x17000] =	vst v63  }
0x81b: {  	v24 =	vld [tilespmem:$0x155B0];
	_ =	sdelay $0x4  }
0x81c: {  	v44 =	vshrl.u32 v24, $0x3  }
0x81d: {  	v25 =	vmul.u32 $0x18, v44  }
0x81e: {  	v24 =	vand.u32 $0x7, v24  }
0x81f: {  	v24 =	vor.u32 v24, v25  }
0x820: {  	v25 =	vperm.xlane v24, v21;
	_ =	sdelay $0x1  }
0x821: {  	v25 =	vadd.s32 v22, v25;
	_ =	sdelay $0x1  }
0x822: {  	v24 =	vperm.xlane v24, v23;
	_ =	sdelay $0x1  }
0x823: {  	s17 =	simm.s32 $0xF000;
	v24 =	vadd.s32 v22, v24  }
0x824: {  	[tilespmem:s17], [sflag:$0x2] =	stream.indirect_vreg.gather [hbm4b:s1+s3], $0x80, v25, vm0, $0xb8;
	[tilespmem:$0x17000] =	vst v63  }
0x825: {  	s17 =	simm.s32 $0xF800  }
0x826: {  	[tilespmem:s17], [sflag:$0x2] =	stream.indirect_vreg.gather [hbm4b:s6+s3], $0x80, v25, vm1, $0xb8;
	[tilespmem:$0x17000] =	vst v63  }
0x827: {  	s17 =	simm.s32 $0xFC00  }
0x828: {  	[tilespmem:s17], [sflag:$0x2] =	stream.indirect_vreg.gather [hbm4b:s1+s3], $0x80, v24, vm0, $0xb8;
	[tilespmem:$0x17000] =	vst v63  }
0x829: {  	s17 =	simm.s32 $0x10400  }
0x82a: {  	[tilespmem:s17], [sflag:$0x2] =	stream.indirect_vreg.gather [hbm4b:s6+s3], $0x80, v24, vm1, $0xb8;
	[tilespmem:$0x17000] =	vst v63  }
0x82b: {  	v24 =	vld [tilespmem:$0x155C0];
	_ =	sdelay $0x4  }
0x82c: {  	v45 =	vshrl.u32 v24, $0x3  }
0x82d: {  	v25 =	vmul.u32 $0x18, v45  }
0x82e: {  	v24 =	vand.u32 $0x7, v24  }
0x82f: {  	v24 =	vor.u32 v24, v25  }
0x830: {  	v25 =	vperm.xlane v24, v21;
	_ =	sdelay $0x1  }
0x831: {  	v25 =	vadd.s32 v22, v25;
	_ =	sdelay $0x1  }
0x832: {  	v24 =	vperm.xlane v24, v23;
	_ =	sdelay $0x1  }
0x833: {  	s17 =	simm.s32 $0x10800;
	v24 =	vadd.s32 v22, v24  }
0x834: {  	[tilespmem:s17], [sflag:$0x2] =	stream.indirect_vreg.gather [hbm4b:s1+s3], $0x80, v25, vm0, $0xb8;
	[tilespmem:$0x17000] =	vst v63  }
0x835: {  	s17 =	simm.s32 $0x11000  }
0x836: {  	[tilespmem:s17], [sflag:$0x2] =	stream.indirect_vreg.gather [hbm4b:s6+s3], $0x80, v25, vm1, $0xb8;
	[tilespmem:$0x17000] =	vst v63  }
0x837: {  	s17 =	simm.s32 $0x11400  }
0x838: {  	[tilespmem:s17], [sflag:$0x2] =	stream.indirect_vreg.gather [hbm4b:s1+s3], $0x80, v24, vm0, $0xb8;
	[tilespmem:$0x17000] =	vst v63  }
0x839: {  	s17 =	simm.s32 $0x11C00  }
0x83a: {  	[tilespmem:s17], [sflag:$0x2] =	stream.indirect_vreg.gather [hbm4b:s6+s3], $0x80, v24, vm1, $0xb8;
	[tilespmem:$0x17000] =	vst v63  }
0x83b: {  	v24 =	vld [tilespmem:$0x155D0];
	_ =	sdelay $0x4  }
0x83c: {  	v46 =	vshrl.u32 v24, $0x3  }
0x83d: {  	v25 =	vmul.u32 $0x18, v46  }
0x83e: {  	v24 =	vand.u32 $0x7, v24  }
0x83f: {  	v24 =	vor.u32 v24, v25  }
0x840: {  	v25 =	vperm.xlane v24, v21;
	_ =	sdelay $0x1  }
0x841: {  	v25 =	vadd.s32 v22, v25;
	_ =	sdelay $0x1  }
0x842: {  	v24 =	vperm.xlane v24, v23;
	_ =	sdelay $0x1  }
0x843: {  	s17 =	simm.s32 $0x12000;
	v24 =	vadd.s32 v22, v24  }
0x844: {  	[tilespmem:s17], [sflag:$0x2] =	stream.indirect_vreg.gather [hbm4b:s1+s3], $0x80, v25, vm0, $0xb8;
	[tilespmem:$0x17000] =	vst v63  }
0x845: {  	s17 =	simm.s32 $0x12800  }
0x846: {  	[tilespmem:s17], [sflag:$0x2] =	stream.indirect_vreg.gather [hbm4b:s6+s3], $0x80, v25, vm1, $0xb8;
	[tilespmem:$0x17000] =	vst v63  }
0x847: {  	s17 =	simm.s32 $0x12C00  }
0x848: {  	[tilespmem:s17], [sflag:$0x2] =	stream.indirect_vreg.gather [hbm4b:s1+s3], $0x80, v24, vm0, $0xb8;
	[tilespmem:$0x17000] =	vst v63  }
0x849: {  	s17 =	simm.s32 $0x13400  }
0x84a: {  	[tilespmem:s17], [sflag:$0x2] =	stream.indirect_vreg.gather [hbm4b:s6+s3], $0x80, v24, vm1, $0xb8;
	[tilespmem:$0x17000] =	vst v63  }
0x84b: {  	v24 =	vld [tilespmem:$0x155E0];
	_ =	sdelay $0x4  }
0x84c: {  	v47 =	vshrl.u32 v24, $0x3  }
0x84d: {  	v25 =	vmul.u32 $0x18, v47  }
0x84e: {  	v24 =	vand.u32 $0x7, v24  }
0x84f: {  	v24 =	vor.u32 v24, v25  }
0x850: {  	v25 =	vperm.xlane v24, v21;
	_ =	sdelay $0x1  }
0x851: {  	v25 =	vadd.s32 v22, v25;
	_ =	sdelay $0x1  }
0x852: {  	v24 =	vperm.xlane v24, v23;
	_ =	sdelay $0x1  }
0x853: {  	s17 =	simm.s32 $0x13800;
	v24 =	vadd.s32 v22, v24  }
0x854: {  	[tilespmem:s17], [sflag:$0x2] =	stream.indirect_vreg.gather [hbm4b:s1+s3], $0x80, v25, vm0, $0xb8;
	[tilespmem:$0x17000] =	vst v63  }
0x855: {  	s17 =	simm.s32 $0x14000  }
0x856: {  	[tilespmem:s17], [sflag:$0x2] =	stream.indirect_vreg.gather [hbm4b:s6+s3], $0x80, v25, vm1, $0xb8;
	[tilespmem:$0x17000] =	vst v63  }
0x857: {  	s17 =	simm.s32 $0x14400  }
0x858: {  	[tilespmem:s17], [sflag:$0x2] =	stream.indirect_vreg.gather [hbm4b:s1+s3], $0x80, v24, vm0, $0xb8;
	[tilespmem:$0x17000] =	vst v63  }
0x859: {  	s17 =	simm.s32 $0x14C00  }
0x85a: {  	[tilespmem:s17], [sflag:$0x2] =	stream.indirect_vreg.gather [hbm4b:s6+s3], $0x80, v24, vm1, $0xb8;
	[tilespmem:$0x17000] =	vst v63  }
0x85b: {  	_ =	swait.ge [sflag:s16], $0xA800  }
0x85c: {  	[sflag:s16] =	ssyncset.done $0x0  }
0x85d: {  	s17 =	rddreg [dreg:$0x11];
	[sflag:s16] =	ssyncadd.s32 $0xFFFF5800  }
0x85e: {  	[hbm4b:s17+s3] =	stream.linear.scatter [tilespmem:s18], [sflag:$0x4], $0xA800, $0x38;
	[tilespmem:$0x17000] =	vst v63  }
0x85f: {  	_ =	swait.ge [sflag:s13], $0xA800  }
0x860: {  	[sflag:s13] =	ssyncset.done $0x0  }
0x861: {  	[sflag:s13] =	ssyncadd.s32 $0xFFFF5800  }
0x862: {  	v48 =	vld [tilespmem:$0x15600];
	_ =	sdelay $0x4  }
0x863: {  	v49 =	vshrl.u32 v48, $0x3  }
0x864: {  	v25 =	vmul.u32 $0x18, v49  }
0x865: {  	v24 =	vand.u32 $0x7, v48  }
0x866: {  	v24 =	vor.u32 v24, v25  }
0x867: {  	v25 =	vperm.xlane v24, v21;
	_ =	sdelay $0x1  }
0x868: {  	v25 =	vadd.s32 v22, v25;
	_ =	sdelay $0x1  }
0x869: {  	v24 =	vperm.xlane v24, v23;
	_ =	sdelay $0x1  }
0x86a: {  	v24 =	vadd.s32 v22, v24  }
0x86b: {  	[tilespmem:s3], [sflag:$0x1] =	stream.indirect_vreg.gather [hbm4b:s1+s3], $0x80, v25, vm0, $0xb8;
	[tilespmem:$0x17000] =	vst v63  }
0x86c: {  	s7 =	simm.s32 $0x800  }
0x86d: {  	[tilespmem:s7], [sflag:$0x1] =	stream.indirect_vreg.gather [hbm4b:s6+s3], $0x80, v25, vm1, $0xb8;
	[tilespmem:$0x17000] =	vst v63  }
0x86e: {  	s2 =	simm.s32 $0xC00  }
0x86f: {  	[tilespmem:s2], [sflag:$0x1] =	stream.indirect_vreg.gather [hbm4b:s1+s3], $0x80, v24, vm0, $0xb8;
	[tilespmem:$0x17000] =	vst v63  }
0x870: {  	s7 =	simm.s32 $0x1400  }
0x871: {  	[tilespmem:s7], [sflag:$0x1] =	stream.indirect_vreg.gather [hbm4b:s6+s3], $0x80, v24, vm1, $0xb8;
	[tilespmem:$0x17000] =	vst v63  }
0x872: {  	v24 =	vld [tilespmem:$0x15610];
	_ =	sdelay $0x4  }
0x873: {  	v50 =	vshrl.u32 v24, $0x3  }
0x874: {  	v25 =	vmul.u32 $0x18, v50  }
0x875: {  	v24 =	vand.u32 $0x7, v24  }
0x876: {  	v24 =	vor.u32 v24, v25  }
0x877: {  	v25 =	vperm.xlane v24, v21;
	_ =	sdelay $0x1  }
0x878: {  	v25 =	vadd.s32 v22, v25;
	_ =	sdelay $0x1  }
0x879: {  	v24 =	vperm.xlane v24, v23;
	_ =	sdelay $0x1  }
0x87a: {  	s11 =	simm.s32 $0x1800;
	v24 =	vadd.s32 v22, v24  }
0x87b: {  	[tilespmem:s11], [sflag:$0x1] =	stream.indirect_vreg.gather [hbm4b:s1+s3], $0x80, v25, vm0, $0xb8;
	[tilespmem:$0x17000] =	vst v63  }
0x87c: {  	s12 =	simm.s32 $0x2000  }
0x87d: {  	[tilespmem:s12], [sflag:$0x1] =	stream.indirect_vreg.gather [hbm4b:s6+s3], $0x80, v25, vm1, $0xb8;
	[tilespmem:$0x17000] =	vst v63  }
0x87e: {  	s15 =	simm.s32 $0x2400  }
0x87f: {  	[tilespmem:s15], [sflag:$0x1] =	stream.indirect_vreg.gather [hbm4b:s1+s3], $0x80, v24, vm0, $0xb8;
	[tilespmem:$0x17000] =	vst v63  }
0x880: {  	s12 =	simm.s32 $0x2C00  }
0x881: {  	[tilespmem:s12], [sflag:$0x1] =	stream.indirect_vreg.gather [hbm4b:s6+s3], $0x80, v24, vm1, $0xb8;
	[tilespmem:$0x17000] =	vst v63  }
0x882: {  	v24 =	vld [tilespmem:$0x15620];
	_ =	sdelay $0x4  }
0x883: {  	v51 =	vshrl.u32 v24, $0x3  }
0x884: {  	v25 =	vmul.u32 $0x18, v51  }
0x885: {  	v24 =	vand.u32 $0x7, v24  }
0x886: {  	v24 =	vor.u32 v24, v25  }
0x887: {  	v25 =	vperm.xlane v24, v21;
	_ =	sdelay $0x1  }
0x888: {  	v25 =	vadd.s32 v22, v25;
	_ =	sdelay $0x1  }
0x889: {  	v24 =	vperm.xlane v24, v23;
	_ =	sdelay $0x1  }
0x88a: {  	s20 =	simm.s32 $0x3000;
	v24 =	vadd.s32 v22, v24  }
0x88b: {  	[tilespmem:s20], [sflag:$0x1] =	stream.indirect_vreg.gather [hbm4b:s1+s3], $0x80, v25, vm0, $0xb8;
	[tilespmem:$0x17000] =	vst v63  }
0x88c: {  	s21 =	simm.s32 $0x3800  }
0x88d: {  	[tilespmem:s21], [sflag:$0x1] =	stream.indirect_vreg.gather [hbm4b:s6+s3], $0x80, v25, vm1, $0xb8;
	[tilespmem:$0x17000] =	vst v63  }
0x88e: {  	s22 =	simm.s32 $0x3C00  }
0x88f: {  	[tilespmem:s22], [sflag:$0x1] =	stream.indirect_vreg.gather [hbm4b:s1+s3], $0x80, v24, vm0, $0xb8;
	[tilespmem:$0x17000] =	vst v63  }
0x890: {  	s15 =	simm.s32 $0x4400  }
0x891: {  	[tilespmem:s15], [sflag:$0x1] =	stream.indirect_vreg.gather [hbm4b:s6+s3], $0x80, v24, vm1, $0xb8;
	[tilespmem:$0x17000] =	vst v63  }
0x892: {  	v24 =	vld [tilespmem:$0x15630];
	_ =	sdelay $0x4  }
0x893: {  	v52 =	vshrl.u32 v24, $0x3  }
0x894: {  	v25 =	vmul.u32 $0x18, v52  }
0x895: {  	v24 =	vand.u32 $0x7, v24  }
0x896: {  	v24 =	vor.u32 v24, v25  }
0x897: {  	v25 =	vperm.xlane v24, v21;
	_ =	sdelay $0x1  }
0x898: {  	v25 =	vadd.s32 v22, v25;
	_ =	sdelay $0x1  }
0x899: {  	v24 =	vperm.xlane v24, v23;
	_ =	sdelay $0x1  }
0x89a: {  	s23 =	simm.s32 $0x4800;
	v24 =	vadd.s32 v22, v24  }
0x89b: {  	[tilespmem:s23], [sflag:$0x1] =	stream.indirect_vreg.gather [hbm4b:s1+s3], $0x80, v25, vm0, $0xb8;
	[tilespmem:$0x17000] =	vst v63  }
0x89c: {  	s24 =	simm.s32 $0x5000  }
0x89d: {  	[tilespmem:s24], [sflag:$0x1] =	stream.indirect_vreg.gather [hbm4b:s6+s3], $0x80, v25, vm1, $0xb8;
	[tilespmem:$0x17000] =	vst v63  }
0x89e: {  	s25 =	simm.s32 $0x5400  }
0x89f: {  	[tilespmem:s25], [sflag:$0x1] =	stream.indirect_vreg.gather [hbm4b:s1+s3], $0x80, v24, vm0, $0xb8;
	[tilespmem:$0x17000] =	vst v63  }
0x8a0: {  	s17 =	simm.s32 $0x5C00  }
0x8a1: {  	[tilespmem:s17], [sflag:$0x1] =	stream.indirect_vreg.gather [hbm4b:s6+s3], $0x80, v24, vm1, $0xb8;
	[tilespmem:$0x17000] =	vst v63  }
0x8a2: {  	v24 =	vld [tilespmem:$0x15640];
	_ =	sdelay $0x4  }
0x8a3: {  	v53 =	vshrl.u32 v24, $0x3  }
0x8a4: {  	v25 =	vmul.u32 $0x18, v53  }
0x8a5: {  	v24 =	vand.u32 $0x7, v24  }
0x8a6: {  	v24 =	vor.u32 v24, v25  }
0x8a7: {  	v25 =	vperm.xlane v24, v21;
	_ =	sdelay $0x1  }
0x8a8: {  	v25 =	vadd.s32 v22, v25;
	_ =	sdelay $0x1  }
0x8a9: {  	v24 =	vperm.xlane v24, v23;
	_ =	sdelay $0x1  }
0x8aa: {  	s26 =	simm.s32 $0x6000;
	v24 =	vadd.s32 v22, v24  }
0x8ab: {  	[tilespmem:s26], [sflag:$0x1] =	stream.indirect_vreg.gather [hbm4b:s1+s3], $0x80, v25, vm0, $0xb8;
	[tilespmem:$0x17000] =	vst v63  }
0x8ac: {  	s28 =	simm.s32 $0x6800  }
0x8ad: {  	[tilespmem:s28], [sflag:$0x1] =	stream.indirect_vreg.gather [hbm4b:s6+s3], $0x80, v25, vm1, $0xb8;
	[tilespmem:$0x17000] =	vst v63  }
0x8ae: {  	s29 =	simm.s32 $0x6C00  }
0x8af: {  	[tilespmem:s29], [sflag:$0x1] =	stream.indirect_vreg.gather [hbm4b:s1+s3], $0x80, v24, vm0, $0xb8;
	[tilespmem:$0x17000] =	vst v63  }
0x8b0: {  	s19 =	simm.s32 $0x7400  }
0x8b1: {  	[tilespmem:s19], [sflag:$0x1] =	stream.indirect_vreg.gather [hbm4b:s6+s3], $0x80, v24, vm1, $0xb8;
	[tilespmem:$0x17000] =	vst v63  }
0x8b2: {  	v24 =	vld [tilespmem:$0x15650];
	_ =	sdelay $0x4  }
0x8b3: {  	v54 =	vshrl.u32 v24, $0x3  }
0x8b4: {  	v25 =	vmul.u32 $0x18, v54  }
0x8b5: {  	v24 =	vand.u32 $0x7, v24  }
0x8b6: {  	v24 =	vor.u32 v24, v25  }
0x8b7: {  	v25 =	vperm.xlane v24, v21;
	_ =	sdelay $0x1  }
0x8b8: {  	v25 =	vadd.s32 v22, v25;
	_ =	sdelay $0x1  }
0x8b9: {  	v24 =	vperm.xlane v24, v23;
	_ =	sdelay $0x1  }
0x8ba: {  	s30 =	simm.s32 $0x7800;
	v24 =	vadd.s32 v22, v24  }
0x8bb: {  	[tilespmem:s30], [sflag:$0x1] =	stream.indirect_vreg.gather [hbm4b:s1+s3], $0x80, v25, vm0, $0xb8;
	[tilespmem:$0x17000] =	vst v63  }
0x8bc: {  	s20 =	simm.s32 $0x8000  }
0x8bd: {  	[tilespmem:s20], [sflag:$0x1] =	stream.indirect_vreg.gather [hbm4b:s6+s3], $0x80, v25, vm1, $0xb8;
	[tilespmem:$0x17000] =	vst v63  }
0x8be: {  	s21 =	simm.s32 $0x8400  }
0x8bf: {  	[tilespmem:s21], [sflag:$0x1] =	stream.indirect_vreg.gather [hbm4b:s1+s3], $0x80, v24, vm0, $0xb8;
	[tilespmem:$0x17000] =	vst v63  }
0x8c0: {  	s22 =	simm.s32 $0x8C00  }
0x8c1: {  	[tilespmem:s22], [sflag:$0x1] =	stream.indirect_vreg.gather [hbm4b:s6+s3], $0x80, v24, vm1, $0xb8;
	[tilespmem:$0x17000] =	vst v63  }
0x8c2: {  	v24 =	vld [tilespmem:$0x15660];
	_ =	sdelay $0x4  }
0x8c3: {  	v55 =	vshrl.u32 v24, $0x3  }
0x8c4: {  	v25 =	vmul.u32 $0x18, v55  }
0x8c5: {  	v24 =	vand.u32 $0x7, v24  }
0x8c6: {  	v24 =	vor.u32 v24, v25  }
0x8c7: {  	v25 =	vperm.xlane v24, v21;
	_ =	sdelay $0x1  }
0x8c8: {  	v25 =	vadd.s32 v22, v25;
	_ =	sdelay $0x1  }
0x8c9: {  	v24 =	vperm.xlane v24, v23;
	_ =	sdelay $0x1  }
0x8ca: {  	s5 =	simm.s32 $0x9000;
	v24 =	vadd.s32 v22, v24  }
0x8cb: {  	[tilespmem:s5], [sflag:$0x1] =	stream.indirect_vreg.gather [hbm4b:s1+s3], $0x80, v25, vm0, $0xb8;
	[tilespmem:$0x17000] =	vst v63  }
0x8cc: {  	s8 =	simm.s32 $0x9800  }
0x8cd: {  	[tilespmem:s8], [sflag:$0x1] =	stream.indirect_vreg.gather [hbm4b:s6+s3], $0x80, v25, vm1, $0xb8;
	[tilespmem:$0x17000] =	vst v63  }
0x8ce: {  	s9 =	simm.s32 $0x9C00  }
0x8cf: {  	[tilespmem:s9], [sflag:$0x1] =	stream.indirect_vreg.gather [hbm4b:s1+s3], $0x80, v24, vm0, $0xb8;
	[tilespmem:$0x17000] =	vst v63  }
0x8d0: {  	s23 =	simm.s32 $0xA400  }
0x8d1: {  	[tilespmem:s23], [sflag:$0x1] =	stream.indirect_vreg.gather [hbm4b:s6+s3], $0x80, v24, vm1, $0xb8;
	[tilespmem:$0x17000] =	vst v63  }
0x8d2: {  	s7 =	rddreg [dreg:$0x17];
	_ =	swait.ge [sflag:s14], $0xA800  }
0x8d3: {  	[sflag:s14] =	ssyncset.done $0x0  }
0x8d4: {  	s24 =	rddreg [dreg:$0x12];
	[sflag:s14] =	ssyncadd.s32 $0xFFFF5800  }
0x8d5: {  	[hbm4b:s24+s3] =	stream.linear.scatter [tilespmem:s3], [sflag:$0x3], $0xA800, $0x38;
	[tilespmem:$0x17000] =	vst v63  }
0x8d6: {  	_ =	swait.ge [sflag:s0], $0xA800  }
0x8d7: {  	[sflag:s0] =	ssyncset.done $0x0  }
0x8d8: {  	[sflag:s0] =	ssyncadd.s32 $0xFFFF5800  }
0x8d9: {  	v56 =	vld [tilespmem:$0x15680];
	_ =	sdelay $0x4  }
0x8da: {  	v57 =	vshrl.u32 v56, $0x3  }
0x8db: {  	v25 =	vmul.u32 $0x18, v57  }
0x8dc: {  	v24 =	vand.u32 $0x7, v56  }
0x8dd: {  	v24 =	vor.u32 v24, v25  }
0x8de: {  	v25 =	vperm.xlane v24, v21;
	_ =	sdelay $0x1  }
0x8df: {  	v25 =	vadd.s32 v22, v25;
	_ =	sdelay $0x1  }
0x8e0: {  	v24 =	vperm.xlane v24, v23;
	_ =	sdelay $0x1  }
0x8e1: {  	v24 =	vadd.s32 v22, v24  }
0x8e2: {  	[tilespmem:s18], [sflag:$0x2] =	stream.indirect_vreg.gather [hbm4b:s1+s3], $0x80, v25, vm0, $0xb8;
	[tilespmem:$0x17000] =	vst v63  }
0x8e3: {  	s10 =	simm.s32 $0xB000  }
0x8e4: {  	[tilespmem:s10], [sflag:$0x2] =	stream.indirect_vreg.gather [hbm4b:s6+s3], $0x80, v25, vm1, $0xb8;
	[tilespmem:$0x17000] =	vst v63  }
0x8e5: {  	s31 =	simm.s32 $0xB400  }
0x8e6: {  	[tilespmem:s31], [sflag:$0x2] =	stream.indirect_vreg.gather [hbm4b:s1+s3], $0x80, v24, vm0, $0xb8;
	[tilespmem:$0x17000] =	vst v63  }
0x8e7: {  	s25 =	simm.s32 $0xBC00  }
0x8e8: {  	[tilespmem:s25], [sflag:$0x2] =	stream.indirect_vreg.gather [hbm4b:s6+s3], $0x80, v24, vm1, $0xb8;
	[tilespmem:$0x17000] =	vst v63  }
0x8e9: {  	v24 =	vld [tilespmem:$0x15690];
	_ =	sdelay $0x4  }
0x8ea: {  	v58 =	vshrl.u32 v24, $0x3  }
0x8eb: {  	v25 =	vmul.u32 $0x18, v58  }
0x8ec: {  	v24 =	vand.u32 $0x7, v24  }
0x8ed: {  	v24 =	vor.u32 v24, v25  }
0x8ee: {  	v25 =	vperm.xlane v24, v21;
	_ =	sdelay $0x1  }
0x8ef: {  	v25 =	vadd.s32 v22, v25;
	_ =	sdelay $0x1  }
0x8f0: {  	v24 =	vperm.xlane v24, v23;
	_ =	sdelay $0x1  }
0x8f1: {  	s26 =	simm.s32 $0xC000;
	v24 =	vadd.s32 v22, v24  }
0x8f2: {  	[tilespmem:s26], [sflag:$0x2] =	stream.indirect_vreg.gather [hbm4b:s1+s3], $0x80, v25, vm0, $0xb8;
	[tilespmem:$0x17000] =	vst v63  }
0x8f3: {  	s28 =	simm.s32 $0xC800  }
0x8f4: {  	[tilespmem:s28], [sflag:$0x2] =	stream.indirect_vreg.gather [hbm4b:s6+s3], $0x80, v25, vm1, $0xb8;
	[tilespmem:$0x17000] =	vst v63  }
0x8f5: {  	s29 =	simm.s32 $0xCC00  }
0x8f6: {  	[tilespmem:s29], [sflag:$0x2] =	stream.indirect_vreg.gather [hbm4b:s1+s3], $0x80, v24, vm0, $0xb8;
	[tilespmem:$0x17000] =	vst v63  }
0x8f7: {  	s30 =	simm.s32 $0xD400  }
0x8f8: {  	[tilespmem:s30], [sflag:$0x2] =	stream.indirect_vreg.gather [hbm4b:s6+s3], $0x80, v24, vm1, $0xb8;
	[tilespmem:$0x17000] =	vst v63  }
0x8f9: {  	v24 =	vld [tilespmem:$0x156A0];
	_ =	sdelay $0x4  }
0x8fa: {  	v59 =	vshrl.u32 v24, $0x3  }
0x8fb: {  	v25 =	vmul.u32 $0x18, v59  }
0x8fc: {  	v24 =	vand.u32 $0x7, v24  }
0x8fd: {  	v24 =	vor.u32 v24, v25  }
0x8fe: {  	v25 =	vperm.xlane v24, v21;
	_ =	sdelay $0x1  }
0x8ff: {  	v25 =	vadd.s32 v22, v25;
	_ =	sdelay $0x1  }
0x900: {  	v24 =	vperm.xlane v24, v23;
	_ =	sdelay $0x1  }
0x901: {  	s31 =	simm.s32 $0xD800;
	v24 =	vadd.s32 v22, v24  }
0x902: {  	[tilespmem:s31], [sflag:$0x2] =	stream.indirect_vreg.gather [hbm4b:s1+s3], $0x80, v25, vm0, $0xb8;
	[tilespmem:$0x17000] =	vst v63  }
0x903: {  	s5 =	simm.s32 $0xE000  }
0x904: {  	[tilespmem:s5], [sflag:$0x2] =	stream.indirect_vreg.gather [hbm4b:s6+s3], $0x80, v25, vm1, $0xb8;
	[tilespmem:$0x17000] =	vst v63  }
0x905: {  	s8 =	simm.s32 $0xE400  }
0x906: {  	[tilespmem:s8], [sflag:$0x2] =	stream.indirect_vreg.gather [hbm4b:s1+s3], $0x80, v24, vm0, $0xb8;
	[tilespmem:$0x17000] =	vst v63  }
0x907: {  	s9 =	simm.s32 $0xEC00  }
0x908: {  	[tilespmem:s9], [sflag:$0x2] =	stream.indirect_vreg.gather [hbm4b:s6+s3], $0x80, v24, vm1, $0xb8;
	[tilespmem:$0x17000] =	vst v63  }
0x909: {  	v24 =	vld [tilespmem:$0x156B0];
	_ =	sdelay $0x4  }
0x90a: {  	v60 =	vshrl.u32 v24, $0x3  }
0x90b: {  	v25 =	vmul.u32 $0x18, v60  }
0x90c: {  	v24 =	vand.u32 $0x7, v24  }
0x90d: {  	v24 =	vor.u32 v24, v25  }
0x90e: {  	v25 =	vperm.xlane v24, v21;
	_ =	sdelay $0x1  }
0x90f: {  	v25 =	vadd.s32 v22, v25;
	_ =	sdelay $0x1  }
0x910: {  	v24 =	vperm.xlane v24, v23;
	_ =	sdelay $0x1  }
0x911: {  	s10 =	simm.s32 $0xF000;
	v24 =	vadd.s32 v22, v24  }
0x912: {  	[tilespmem:s10], [sflag:$0x2] =	stream.indirect_vreg.gather [hbm4b:s1+s3], $0x80, v25, vm0, $0xb8;
	[tilespmem:$0x17000] =	vst v63  }
0x913: {  	s11 =	simm.s32 $0xF800  }
0x914: {  	[tilespmem:s11], [sflag:$0x2] =	stream.indirect_vreg.gather [hbm4b:s6+s3], $0x80, v25, vm1, $0xb8;
	[tilespmem:$0x17000] =	vst v63  }
0x915: {  	s12 =	simm.s32 $0xFC00  }
0x916: {  	[tilespmem:s12], [sflag:$0x2] =	stream.indirect_vreg.gather [hbm4b:s1+s3], $0x80, v24, vm0, $0xb8;
	[tilespmem:$0x17000] =	vst v63  }
0x917: {  	s15 =	simm.s32 $0x10400  }
0x918: {  	[tilespmem:s15], [sflag:$0x2] =	stream.indirect_vreg.gather [hbm4b:s6+s3], $0x80, v24, vm1, $0xb8;
	[tilespmem:$0x17000] =	vst v63  }
0x919: {  	v24 =	vld [tilespmem:$0x156C0];
	_ =	sdelay $0x4  }
0x91a: {  	v61 =	vshrl.u32 v24, $0x3  }
0x91b: {  	v25 =	vmul.u32 $0x18, v61  }
0x91c: {  	v24 =	vand.u32 $0x7, v24  }
0x91d: {  	v24 =	vor.u32 v24, v25  }
0x91e: {  	v25 =	vperm.xlane v24, v21;
	_ =	sdelay $0x1  }
0x91f: {  	v25 =	vadd.s32 v22, v25;
	_ =	sdelay $0x1  }
0x920: {  	v24 =	vperm.xlane v24, v23;
	_ =	sdelay $0x1  }
0x921: {  	s17 =	simm.s32 $0x10800;
	v24 =	vadd.s32 v22, v24  }
0x922: {  	[tilespmem:s17], [sflag:$0x2] =	stream.indirect_vreg.gather [hbm4b:s1+s3], $0x80, v25, vm0, $0xb8;
	[tilespmem:$0x17000] =	vst v63  }
0x923: {  	s19 =	simm.s32 $0x11000  }
0x924: {  	[tilespmem:s19], [sflag:$0x2] =	stream.indirect_vreg.gather [hbm4b:s6+s3], $0x80, v25, vm1, $0xb8;
	[tilespmem:$0x17000] =	vst v63  }
0x925: {  	s20 =	simm.s32 $0x11400  }
0x926: {  	[tilespmem:s20], [sflag:$0x2] =	stream.indirect_vreg.gather [hbm4b:s1+s3], $0x80, v24, vm0, $0xb8;
	[tilespmem:$0x17000] =	vst v63  }
0x927: {  	s21 =	simm.s32 $0x11C00  }
0x928: {  	[tilespmem:s21], [sflag:$0x2] =	stream.indirect_vreg.gather [hbm4b:s6+s3], $0x80, v24, vm1, $0xb8;
	[tilespmem:$0x17000] =	vst v63  }
0x929: {  	v24 =	vld [tilespmem:$0x156D0];
	_ =	sdelay $0x4  }
0x92a: {  	v62 =	vshrl.u32 v24, $0x3  }
0x92b: {  	v25 =	vmul.u32 $0x18, v62  }
0x92c: {  	v24 =	vand.u32 $0x7, v24  }
0x92d: {  	v24 =	vor.u32 v24, v25  }
0x92e: {  	v25 =	vperm.xlane v24, v21;
	_ =	sdelay $0x1  }
0x92f: {  	v25 =	vadd.s32 v22, v25;
	_ =	sdelay $0x1  }
0x930: {  	v24 =	vperm.xlane v24, v23;
	_ =	sdelay $0x1  }
0x931: {  	s22 =	simm.s32 $0x12000;
	v24 =	vadd.s32 v22, v24  }
0x932: {  	[tilespmem:s22], [sflag:$0x2] =	stream.indirect_vreg.gather [hbm4b:s1+s3], $0x80, v25, vm0, $0xb8;
	[tilespmem:$0x17000] =	vst v63  }
0x933: {  	s23 =	simm.s32 $0x12800  }
0x934: {  	[tilespmem:s23], [sflag:$0x2] =	stream.indirect_vreg.gather [hbm4b:s6+s3], $0x80, v25, vm1, $0xb8;
	[tilespmem:$0x17000] =	vst v63  }
0x935: {  	s24 =	simm.s32 $0x12C00  }
0x936: {  	[tilespmem:s24], [sflag:$0x2] =	stream.indirect_vreg.gather [hbm4b:s1+s3], $0x80, v24, vm0, $0xb8;
	[tilespmem:$0x17000] =	vst v63  }
0x937: {  	s25 =	simm.s32 $0x13400  }
0x938: {  	[tilespmem:s25], [sflag:$0x2] =	stream.indirect_vreg.gather [hbm4b:s6+s3], $0x80, v24, vm1, $0xb8;
	[tilespmem:$0x17000] =	vst v63  }
0x939: {  	v24 =	vld [tilespmem:$0x156E0];
	_ =	sdelay $0x4  }
0x93a: {  	v63 =	vshrl.u32 v24, $0x3  }
0x93b: {  	v25 =	vmul.u32 $0x18, v63  }
0x93c: {  	v24 =	vand.u32 $0x7, v24  }
0x93d: {  	v24 =	vor.u32 v24, v25  }
0x93e: {  	v25 =	vperm.xlane v24, v21;
	_ =	sdelay $0x1  }
0x93f: {  	v25 =	vadd.s32 v22, v25;
	_ =	sdelay $0x1  }
0x940: {  	v24 =	vperm.xlane v24, v23;
	_ =	sdelay $0x1  }
0x941: {  	s26 =	simm.s32 $0x13800;
	v24 =	vadd.s32 v22, v24  }
0x942: {  	[tilespmem:s26], [sflag:$0x2] =	stream.indirect_vreg.gather [hbm4b:s1+s3], $0x80, v25, vm0, $0xb8;
	[tilespmem:$0x17000] =	vst v63  }
0x943: {  	s28 =	simm.s32 $0x14000  }
0x944: {  	[tilespmem:s28], [sflag:$0x2] =	stream.indirect_vreg.gather [hbm4b:s6+s3], $0x80, v25, vm1, $0xb8;
	[tilespmem:$0x17000] =	vst v63  }
0x945: {  	s29 =	simm.s32 $0x14400  }
0x946: {  	[tilespmem:s29], [sflag:$0x2] =	stream.indirect_vreg.gather [hbm4b:s1+s3], $0x80, v24, vm0, $0xb8;
	[tilespmem:$0x17000] =	vst v63  }
0x947: {  	s30 =	simm.s32 $0x14C00  }
0x948: {  	[tilespmem:s30], [sflag:$0x2] =	stream.indirect_vreg.gather [hbm4b:s6+s3], $0x80, v24, vm1, $0xb8;
	[tilespmem:$0x17000] =	vst v63  }
0x949: {  	_ =	swait.ge [sflag:s16], $0xA800  }
0x94a: {  	p0 =	sne.s32 s7, $0x1;
	[sflag:s16] =	ssyncset.done $0x0  }
.Ltmp0:
0x94b: {  	s31 =	rddreg [dreg:$0x13];
	[sflag:s16] =	ssyncadd.s32 $0xFFFF5800;
	(pc) =	sbr.rel @p0 .LBB2_1-.Ltmp0, $4  }
0x94c: {  	[hbm4b:s31+s3] =	stream.linear.scatter [tilespmem:s18], [sflag:$0x4], $0xA800, $0x38;
	[tilespmem:$0x17000] =	vst v63  }
0x94d: {  	_ =	swait.ge [sflag:s0], $0xA800  }
0x94e: {  	[sflag:s0] =	ssyncset.done $0x0  }
0x94f: {  	s7 =	sadd.s32 $0xFFFFFFFF, s7;
	[sflag:s0] =	ssyncadd.s32 $0xFFFF5800  }
0x950: {  	_ =	sfence.sel $0x180000  }
0x951: {  	[bflag:$0x0] =	sbarrier.arrive $0xFFFF  }
0x952: {  	_ =	strace $0x90000047  }
0x953: {  	s0 =	stileid.u32;
	[bflag:$0x2] =	sbarrier.arrive $0xFFFF  }
0x954: {  	p0 =	sne.s32 s0, $0x0;
	s0 =	rddreg [dreg:$0x4]  }
0x955: {  	s0 =	sadd.s32 @!p0 $0x100000, s0  }
0x956: {  	[sflag:s0] =	ssyncadd.tile.s32 @!p0 $0x1;
	_ =	shalt  }
.Lfunc_end2:
_tile_overlayer_lowered:
.L_overlay_start_2:
0x957: {  	(tag) =	ssettag $0x2  }
0x958: {  	s0 =	rddreg [dreg:$0x0];
	s2 =	stileid.u32  }
0x959: {  	s1 =	rddreg [dreg:$0x1];
	p0 =	sne.s32 s2, $0x0  }
0x95a: {  	s3 =	rddreg [dreg:$0x2];
	[bflag:$0x3] =	sbarrier.arrive $0xFFFF;
	s2 =	simm.s32 @!p0 $0x1C05  }
0x95b: {  	[timem:s3], [sflag:s2] =	dma.local @!p0 [hbm:s0], s1  }
0x95c: {  	s0 =	simm.s32 @!p0 $0x5  }
0x95d: {  	_ =	swait.ge @!p0 [sflag:s0], s1  }
0x95e: {  	s1 =	ssub.s32 @!p0 $0x0, s1;
	[sflag:s0] =	ssyncset.done @!p0 $0x0  }
0x95f: {  	[sflag:s0] =	ssyncadd.s32 @!p0 s1  }
0x960: {  	[bflag:$0x3] =	sbarrier.arrive $0xFFFF  }
0x961: {  	_ =	shalt  }

</sc_bundles>
